<compile_context>
chip_gen: v7x
topology: tpu7x:2x2x1
jax: 0.10.2.dev20260603
libtpu: 0.0.44.dev20260713+nightly
codegen_flags: <defaults>
</compile_context>

<pallas_src>
import functools

import jax
import jax.numpy as jnp
from jax import lax
from jax.experimental import pallas as pl
from jax.experimental.pallas import tpu as pltpu
from jax.experimental.pallas import tpu_sc as plsc

HIDDEN = 4096
NUM_EXPERTS = 64
TOP_K = 8
BLK = 1024
TOKENS = 16384

NC = 2
NS = 16
NW = NC * NS
CHUNK = TOKENS // NW
GRP = 16


def _softmax_kernel(x_ref, w_ref, scores_ref):
    x = x_ref[...]
    w = w_ref[...]
    logits = jax.lax.dot_general(
        w, x, (((1,), (1,)), ((), ())), preferred_element_type=jnp.float32
    )
    m = jnp.max(logits, axis=0, keepdims=True)
    e = jnp.exp(logits - m)
    scores_t = e / jnp.sum(e, axis=0, keepdims=True)
    scores_ref[...] = scores_t.T


def _tc_scores(x, W):
    tokens = x.shape[0]
    return pl.pallas_call(
        _softmax_kernel,
        grid=(tokens // BLK,),
        in_specs=[
            pl.BlockSpec((BLK, HIDDEN), lambda i: (i, 0)),
            pl.BlockSpec((NUM_EXPERTS, HIDDEN), lambda i: (0, 0)),
        ],
        out_specs=pl.BlockSpec((BLK, NUM_EXPERTS), lambda i: (i, 0)),
        out_shape=jax.ShapeDtypeStruct((tokens, NUM_EXPERTS), jnp.float32),
    )(x, W)


@functools.partial(
    pl.kernel,
    mesh=plsc.VectorSubcoreMesh(core_axis_name="c", subcore_axis_name="s"),
    out_type=[
        jax.ShapeDtypeStruct((TOKENS * TOP_K,), jnp.float32),
        jax.ShapeDtypeStruct((TOKENS * TOP_K,), jnp.int32),
    ],
    scratch_types=[
        pltpu.VMEM((GRP * NUM_EXPERTS,), jnp.float32),
        pltpu.VMEM((GRP * TOP_K,), jnp.float32),
        pltpu.VMEM((GRP * TOP_K,), jnp.int32),
    ],
    compiler_params=pltpu.CompilerParams(needs_layout_passes=False),
)
def _sc_topk(scores_hbm, wts_hbm, idx_hbm, blk_v, wv, iv):
    wid = lax.axis_index("s") * NC + lax.axis_index("c")
    base = wid * CHUNK
    lanes = lax.broadcasted_iota(jnp.int32, (16,), 0)

    def group(g, _):
        off = base + g * GRP
        pltpu.sync_copy(
            scores_hbm.at[pl.ds(off * NUM_EXPERTS, GRP * NUM_EXPERTS)], blk_v
        )
        bv = [jnp.full((16,), -1.0, jnp.float32) for _ in range(TOP_K)]
        bi = [jnp.zeros((16,), jnp.int32) for _ in range(TOP_K)]
        for e in range(NUM_EXPERTS):
            c = plsc.load_gather(blk_v, [lanes * NUM_EXPERTS + e])
            ci = jnp.full((16,), e, jnp.int32)
            for j in range(TOP_K):
                take = c > bv[j]
                bv[j], c = jnp.where(take, c, bv[j]), jnp.where(take, bv[j], c)
                bi[j], ci = jnp.where(take, ci, bi[j]), jnp.where(take, bi[j], ci)
        for j in range(TOP_K):
            pos = lanes * TOP_K + j
            plsc.store_scatter(wv, [pos], bv[j])
            plsc.store_scatter(iv, [pos], bi[j])
        pltpu.sync_copy(wv, wts_hbm.at[pl.ds(off * TOP_K, GRP * TOP_K)])
        pltpu.sync_copy(iv, idx_hbm.at[pl.ds(off * TOP_K, GRP * TOP_K)])
        return 0

    lax.fori_loop(0, CHUNK // GRP, group, 0)


@jax.jit
def kernel(x, W):
    tokens = x.shape[0]
    scores = _tc_scores(x, W)
    wts_flat, idx_flat = _sc_topk(scores.reshape(-1))
    return (
        scores,
        wts_flat.reshape(tokens, TOP_K),
        idx_flat.reshape(tokens, TOP_K),
    )

# --- scband reference (transcript-rebuilt; emitter-appended) ---
"""Pipeline reference for scband-router-12120397709533 (READ-ONLY COPY).

The authoritative reference and input builder live on the scoring server;
editing this copy changes nothing except your own understanding.
"""

import jax, jax.numpy as jnp
import numpy as np

HIDDEN = 4096
NUM_EXPERTS = 64
TOP_K = 8
TOKENS = 16384


def setup_inputs(seed: int = 0) -> dict:
    key = jax.random.key(seed)
    kx, kw = jax.random.split(key)
    x = jax.random.normal(kx, (TOKENS, HIDDEN), dtype=jnp.float32)
    # router linear weight, torch nn.Linear layout: [out_features, in_features]
    W = jax.random.normal(kw, (NUM_EXPERTS, HIDDEN), dtype=jnp.float32) * (1.0 / np.sqrt(HIDDEN))
    return {"x": x, "W": W}


def reference(x, W):
    # Router.forward (inference: jitter disabled since moe_jitter_eps is None):
    #   scores = softmax(Linear(x.view(-1, H)), dim=-1)
    #   expert_weights, expert_indices = topk(scores, k)
    tokens = x.reshape(-1, x.shape[-1])
    logits = tokens @ W.T
    scores = jax.nn.softmax(logits, axis=-1)
    expert_weights, expert_indices = jax.lax.top_k(scores, TOP_K)
    return scores, expert_weights, expert_indices

if __name__ == "__main__":
    import jax
    _d = setup_inputs()
    print(jax.jit(kernel)(*tuple(_d.values())))

</pallas_src>

<mosaic_0001>
#map = affine_map<(d0, d1) -> (0)>
module attributes {stable_mosaic.version = 14 : i64} {
  func.func @_sc_topk(%arg0: i32, %arg1: i32, %arg2: memref<1048576xf32, #tpu.memory_space<hbm>>, %arg3: memref<131072xf32, #tpu.memory_space<hbm>>, %arg4: memref<131072xi32, #tpu.memory_space<hbm>>, %arg5: memref<1024xf32, #tpu.memory_space<vmem>>, %arg6: memref<128xf32, #tpu.memory_space<vmem>>, %arg7: memref<128xi32, #tpu.memory_space<vmem>>) attributes {dimension_semantics = [#tpu.dimension_semantics<core_parallel>, #tpu.dimension_semantics<subcore_parallel>], iteration_bounds = array<i64: 2, 16>, scalar_prefetch = 0 : i64, scratch_operands = 3 : i64, tpu.core_type = #tpu.core_type<sc_vector_subcore>, window_params = [{transform_indices = #map}, {transform_indices = #map}, {transform_indices = #map}]} {
    %mul3A = arith.constant 2 : i32
    %mul3A_0 = arith.muli %arg1, %mul3A : i32
    %add3A = arith.addi %mul3A_0, %arg0 : i32
    %mul3A_1 = arith.constant 512 : i32
    %mul3A_2 = arith.muli %add3A, %mul3A_1 : i32
    %iota3A = tpu.iota {dimensions = array<i32: 0>} : vector<16xi32>
    %scan3A = arith.constant 0 : i32
    %scan3A_3 = arith.constant 0 : i32
    %scan3A_4 = arith.constant 32 : i32
    %scan3A_5 = arith.addi %scan3A_3, %scan3A_4 : i32
    %scan3A_6 = arith.constant 1 : i32
    %scan3A_7 = scf.for %scan3A_9 = %scan3A_3 to %scan3A_5 step %scan3A_6 iter_args(%scan3A_10 = %scan3A) -> (i32)  : i32 {
      %mul3A_11 = arith.constant 16 : i32
      %mul3A_12 = arith.muli %scan3A_9, %mul3A_11 : i32
      %add3A_13 = arith.addi %mul3A_2, %mul3A_12 : i32
      %mul3A_14 = arith.constant 64 : i32
      %mul3A_15 = arith.muli %add3A_13, %mul3A_14 : i32
      "tpu.region"() ({
        %run_scoped3A = tpu.sem_alloc : memref<!tpu.dma_semaphore, #tpu.memory_space<semaphore_mem>>
        %dma_start3A = tpu.memref_slice %arg2[%mul3A_15] : memref<1048576xf32, #tpu.memory_space<hbm>> -> memref<1024xf32, #tpu.memory_space<hbm>>
        %dma_start3A_3233 = tpu.memref_slice %arg2[%mul3A_15] : memref<1048576xf32, #tpu.memory_space<hbm>> -> memref<1024xf32, #tpu.memory_space<hbm>>
        tpu.enqueue_dma source(%dma_start3A_3233 : memref<1024xf32, #tpu.memory_space<hbm>>) target(%arg5 : memref<1024xf32, #tpu.memory_space<vmem>>) target_semaphore(%run_scoped3A : memref<!tpu.dma_semaphore, #tpu.memory_space<semaphore_mem>>)
        %dma_wait3A = tpu.memref_slice %arg2[%mul3A_15] : memref<1048576xf32, #tpu.memory_space<hbm>> -> memref<1024xf32, #tpu.memory_space<hbm>>
        %dma_wait3A_3234 = tpu.memref_slice %arg2[%mul3A_15] : memref<1048576xf32, #tpu.memory_space<hbm>> -> memref<1024xf32, #tpu.memory_space<hbm>>
        tpu.wait_dma2 semaphore(%run_scoped3A : memref<!tpu.dma_semaphore, #tpu.memory_space<semaphore_mem>>) src(%dma_wait3A_3234 : memref<1024xf32, #tpu.memory_space<hbm>>) dst(%arg5 : memref<1024xf32, #tpu.memory_space<vmem>>)
        tpu.yield
      }) : () -> ()
      %broadcast_in_dim3A = arith.constant -1.000000e+00 : f32
      %broadcast_in_dim3A_16 = vector.broadcast %broadcast_in_dim3A : f32 to vector<16xf32>
      %broadcast_in_dim3A_17 = arith.constant -1.000000e+00 : f32
      %broadcast_in_dim3A_18 = vector.broadcast %broadcast_in_dim3A_17 : f32 to vector<16xf32>
      %broadcast_in_dim3A_19 = arith.constant -1.000000e+00 : f32
      %broadcast_in_dim3A_20 = vector.broadcast %broadcast_in_dim3A_19 : f32 to vector<16xf32>
      %broadcast_in_dim3A_21 = arith.constant -1.000000e+00 : f32
      %broadcast_in_dim3A_22 = vector.broadcast %broadcast_in_dim3A_21 : f32 to vector<16xf32>
      %broadcast_in_dim3A_23 = arith.constant -1.000000e+00 : f32
      %broadcast_in_dim3A_24 = vector.broadcast %broadcast_in_dim3A_23 : f32 to vector<16xf32>
      %broadcast_in_dim3A_25 = arith.constant -1.000000e+00 : f32
      %broadcast_in_dim3A_26 = vector.broadcast %broadcast_in_dim3A_25 : f32 to vector<16xf32>
      %broadcast_in_dim3A_27 = arith.constant -1.000000e+00 : f32
      %broadcast_in_dim3A_28 = vector.broadcast %broadcast_in_dim3A_27 : f32 to vector<16xf32>
      %broadcast_in_dim3A_29 = arith.constant -1.000000e+00 : f32
      %broadcast_in_dim3A_30 = vector.broadcast %broadcast_in_dim3A_29 : f32 to vector<16xf32>
      %broadcast_in_dim3A_31 = arith.constant 0 : i32
      %broadcast_in_dim3A_32 = vector.broadcast %broadcast_in_dim3A_31 : i32 to vector<16xi32>
      %broadcast_in_dim3A_33 = arith.constant 0 : i32
      %broadcast_in_dim3A_34 = vector.broadcast %broadcast_in_dim3A_33 : i32 to vector<16xi32>
      %broadcast_in_dim3A_35 = arith.constant 0 : i32
      %broadcast_in_dim3A_36 = vector.broadcast %broadcast_in_dim3A_35 : i32 to vector<16xi32>
      %broadcast_in_dim3A_37 = arith.constant 0 : i32
      %broadcast_in_dim3A_38 = vector.broadcast %broadcast_in_dim3A_37 : i32 to vector<16xi32>
      %broadcast_in_dim3A_39 = arith.constant 0 : i32
      %broadcast_in_dim3A_40 = vector.broadcast %broadcast_in_dim3A_39 : i32 to vector<16xi32>
      %broadcast_in_dim3A_41 = arith.constant 0 : i32
      %broadcast_in_dim3A_42 = vector.broadcast %broadcast_in_dim3A_41 : i32 to vector<16xi32>
      %broadcast_in_dim3A_43 = arith.constant 0 : i32
      %broadcast_in_dim3A_44 = vector.broadcast %broadcast_in_dim3A_43 : i32 to vector<16xi32>
      %broadcast_in_dim3A_45 = arith.constant 0 : i32
      %broadcast_in_dim3A_46 = vector.broadcast %broadcast_in_dim3A_45 : i32 to vector<16xi32>
      %mul3A_47 = arith.constant 64 : i32
      %mul3A_48 = vector.broadcast %mul3A_47 : i32 to vector<16xi32>
      %mul3A_49 = arith.muli %iota3A, %mul3A_48 : vector<16xi32>
      %add3A_50 = arith.constant 0 : i32
      %add3A_51 = vector.broadcast %add3A_50 : i32 to vector<16xi32>
      %add3A_52 = arith.addi %mul3A_49, %add3A_51 : vector<16xi32>
      %gather3A = tpu.vector_load_idx %arg5[%add3A_52] : memref<1024xf32, #tpu.memory_space<vmem>>[vector<16xi32>], vector<16xf32>,
      %broadcast_in_dim3A_53 = arith.constant 0 : i32
      %broadcast_in_dim3A_54 = vector.broadcast %broadcast_in_dim3A_53 : i32 to vector<16xi32>
      %gt3A = arith.cmpf ogt, %gather3A, %broadcast_in_dim3A_16 : vector<16xf32>
      %select_n3A = arith.select %gt3A, %gather3A, %broadcast_in_dim3A_16 : vector<16xi1>, vector<16xf32>
      %select_n3A_55 = arith.select %gt3A, %broadcast_in_dim3A_16, %gather3A : vector<16xi1>, vector<16xf32>
      %select_n3A_56 = arith.select %gt3A, %broadcast_in_dim3A_54, %broadcast_in_dim3A_32 : vector<16xi1>, vector<16xi32>
      %select_n3A_57 = arith.select %gt3A, %broadcast_in_dim3A_32, %broadcast_in_dim3A_54 : vector<16xi1>, vector<16xi32>
      %gt3A_58 = arith.cmpf ogt, %select_n3A_55, %broadcast_in_dim3A_18 : vector<16xf32>
      %select_n3A_59 = arith.select %gt3A_58, %select_n3A_55, %broadcast_in_dim3A_18 : vector<16xi1>, vector<16xf32>
      %select_n3A_60 = arith.select %gt3A_58, %broadcast_in_dim3A_18, %select_n3A_55 : vector<16xi1>, vector<16xf32>
      %select_n3A_61 = arith.select %gt3A_58, %select_n3A_57, %broadcast_in_dim3A_34 : vector<16xi1>, vector<16xi32>
      %select_n3A_62 = arith.select %gt3A_58, %broadcast_in_dim3A_34, %select_n3A_57 : vector<16xi1>, vector<16xi32>
      %gt3A_63 = arith.cmpf ogt, %select_n3A_60, %broadcast_in_dim3A_20 : vector<16xf32>
      %select_n3A_64 = arith.select %gt3A_63, %select_n3A_60, %broadcast_in_dim3A_20 : vector<16xi1>, vector<16xf32>
      %select_n3A_65 = arith.select %gt3A_63, %broadcast_in_dim3A_20, %select_n3A_60 : vector<16xi1>, vector<16xf32>
      %select_n3A_66 = arith.select %gt3A_63, %select_n3A_62, %broadcast_in_dim3A_36 : vector<16xi1>, vector<16xi32>
      %select_n3A_67 = arith.select %gt3A_63, %broadcast_in_dim3A_36, %select_n3A_62 : vector<16xi1>, vector<16xi32>
      %gt3A_68 = arith.cmpf ogt, %select_n3A_65, %broadcast_in_dim3A_22 : vector<16xf32>
      %select_n3A_69 = arith.select %gt3A_68, %select_n3A_65, %broadcast_in_dim3A_22 : vector<16xi1>, vector<16xf32>
      %select_n3A_70 = arith.select %gt3A_68, %broadcast_in_dim3A_22, %select_n3A_65 : vector<16xi1>, vector<16xf32>
      %select_n3A_71 = arith.select %gt3A_68, %select_n3A_67, %broadcast_in_dim3A_38 : vector<16xi1>, vector<16xi32>
      %select_n3A_72 = arith.select %gt3A_68, %broadcast_in_dim3A_38, %select_n3A_67 : vector<16xi1>, vector<16xi32>
      %gt3A_73 = arith.cmpf ogt, %select_n3A_70, %broadcast_in_dim3A_24 : vector<16xf32>
      %select_n3A_74 = arith.select %gt3A_73, %select_n3A_70, %broadcast_in_dim3A_24 : vector<16xi1>, vector<16xf32>
      %select_n3A_75 = arith.select %gt3A_73, %broadcast_in_dim3A_24, %select_n3A_70 : vector<16xi1>, vector<16xf32>
      %select_n3A_76 = arith.select %gt3A_73, %select_n3A_72, %broadcast_in_dim3A_40 : vector<16xi1>, vector<16xi32>
      %select_n3A_77 = arith.select %gt3A_73, %broadcast_in_dim3A_40, %select_n3A_72 : vector<16xi1>, vector<16xi32>
      %gt3A_78 = arith.cmpf ogt, %select_n3A_75, %broadcast_in_dim3A_26 : vector<16xf32>
      %select_n3A_79 = arith.select %gt3A_78, %select_n3A_75, %broadcast_in_dim3A_26 : vector<16xi1>, vector<16xf32>
      %select_n3A_80 = arith.select %gt3A_78, %broadcast_in_dim3A_26, %select_n3A_75 : vector<16xi1>, vector<16xf32>
      %select_n3A_81 = arith.select %gt3A_78, %select_n3A_77, %broadcast_in_dim3A_42 : vector<16xi1>, vector<16xi32>
      %select_n3A_82 = arith.select %gt3A_78, %broadcast_in_dim3A_42, %select_n3A_77 : vector<16xi1>, vector<16xi32>
      %gt3A_83 = arith.cmpf ogt, %select_n3A_80, %broadcast_in_dim3A_28 : vector<16xf32>
      %select_n3A_84 = arith.select %gt3A_83, %select_n3A_80, %broadcast_in_dim3A_28 : vector<16xi1>, vector<16xf32>
      %select_n3A_85 = arith.select %gt3A_83, %broadcast_in_dim3A_28, %select_n3A_80 : vector<16xi1>, vector<16xf32>
      %select_n3A_86 = arith.select %gt3A_83, %select_n3A_82, %broadcast_in_dim3A_44 : vector<16xi1>, vector<16xi32>
      %select_n3A_87 = arith.select %gt3A_83, %broadcast_in_dim3A_44, %select_n3A_82 : vector<16xi1>, vector<16xi32>
      %gt3A_88 = arith.cmpf ogt, %select_n3A_85, %broadcast_in_dim3A_30 : vector<16xf32>
      %select_n3A_89 = arith.select %gt3A_88, %select_n3A_85, %broadcast_in_dim3A_30 : vector<16xi1>, vector<16xf32>
      %select_n3A_90 = arith.select %gt3A_88, %broadcast_in_dim3A_30, %select_n3A_85 : vector<16xi1>, vector<16xf32>
      %select_n3A_91 = arith.select %gt3A_88, %select_n3A_87, %broadcast_in_dim3A_46 : vector<16xi1>, vector<16xi32>
      %select_n3A_92 = arith.select %gt3A_88, %broadcast_in_dim3A_46, %select_n3A_87 : vector<16xi1>, vector<16xi32>
      %mul3A_93 = arith.constant 64 : i32
      %mul3A_94 = vector.broadcast %mul3A_93 : i32 to vector<16xi32>
      %mul3A_95 = arith.muli %iota3A, %mul3A_94 : vector<16xi32>
      %add3A_96 = arith.constant 1 : i32
      %add3A_97 = vector.broadcast %add3A_96 : i32 to vector<16xi32>
      %add3A_98 = arith.addi %mul3A_95, %add3A_97 : vector<16xi32>
      %gather3A_99 = tpu.vector_load_idx %arg5[%add3A_98] : memref<1024xf32, #tpu.memory_space<vmem>>[vector<16xi32>], vector<16xf32>,
      %broadcast_in_dim3A_100 = arith.constant 1 : i32
      %broadcast_in_dim3A_101 = vector.broadcast %broadcast_in_dim3A_100 : i32 to vector<16xi32>
      %gt3A_102 = arith.cmpf ogt, %gather3A_99, %select_n3A : vector<16xf32>
      %select_n3A_103 = arith.select %gt3A_102, %gather3A_99, %select_n3A : vector<16xi1>, vector<16xf32>
      %select_n3A_104 = arith.select %gt3A_102, %select_n3A, %gather3A_99 : vector<16xi1>, vector<16xf32>
      %select_n3A_105 = arith.select %gt3A_102, %broadcast_in_dim3A_101, %select_n3A_56 : vector<16xi1>, vector<16xi32>
      %select_n3A_106 = arith.select %gt3A_102, %select_n3A_56, %broadcast_in_dim3A_101 : vector<16xi1>, vector<16xi32>
      %gt3A_107 = arith.cmpf ogt, %select_n3A_104, %select_n3A_59 : vector<16xf32>
      %select_n3A_108 = arith.select %gt3A_107, %select_n3A_104, %select_n3A_59 : vector<16xi1>, vector<16xf32>
      %select_n3A_109 = arith.select %gt3A_107, %select_n3A_59, %select_n3A_104 : vector<16xi1>, vector<16xf32>
      %select_n3A_110 = arith.select %gt3A_107, %select_n3A_106, %select_n3A_61 : vector<16xi1>, vector<16xi32>
      %select_n3A_111 = arith.select %gt3A_107, %select_n3A_61, %select_n3A_106 : vector<16xi1>, vector<16xi32>
      %gt3A_112 = arith.cmpf ogt, %select_n3A_109, %select_n3A_64 : vector<16xf32>
      %select_n3A_113 = arith.select %gt3A_112, %select_n3A_109, %select_n3A_64 : vector<16xi1>, vector<16xf32>
      %select_n3A_114 = arith.select %gt3A_112, %select_n3A_64, %select_n3A_109 : vector<16xi1>, vector<16xf32>
      %select_n3A_115 = arith.select %gt3A_112, %select_n3A_111, %select_n3A_66 : vector<16xi1>, vector<16xi32>
      %select_n3A_116 = arith.select %gt3A_112, %select_n3A_66, %select_n3A_111 : vector<16xi1>, vector<16xi32>
      %gt3A_117 = arith.cmpf ogt, %select_n3A_114, %select_n3A_69 : vector<16xf32>
      %select_n3A_118 = arith.select %gt3A_117, %select_n3A_114, %select_n3A_69 : vector<16xi1>, vector<16xf32>
      %select_n3A_119 = arith.select %gt3A_117, %select_n3A_69, %select_n3A_114 : vector<16xi1>, vector<16xf32>
      %select_n3A_120 = arith.select %gt3A_117, %select_n3A_116, %select_n3A_71 : vector<16xi1>, vector<16xi32>
      %select_n3A_121 = arith.select %gt3A_117, %select_n3A_71, %select_n3A_116 : vector<16xi1>, vector<16xi32>
      %gt3A_122 = arith.cmpf ogt, %select_n3A_119, %select_n3A_74 : vector<16xf32>
      %select_n3A_123 = arith.select %gt3A_122, %select_n3A_119, %select_n3A_74 : vector<16xi1>, vector<16xf32>
      %select_n3A_124 = arith.select %gt3A_122, %select_n3A_74, %select_n3A_119 : vector<16xi1>, vector<16xf32>
      %select_n3A_125 = arith.select %gt3A_122, %select_n3A_121, %select_n3A_76 : vector<16xi1>, vector<16xi32>
      %select_n3A_126 = arith.select %gt3A_122, %select_n3A_76, %select_n3A_121 : vector<16xi1>, vector<16xi32>
      %gt3A_127 = arith.cmpf ogt, %select_n3A_124, %select_n3A_79 : vector<16xf32>
      %select_n3A_128 = arith.select %gt3A_127, %select_n3A_124, %select_n3A_79 : vector<16xi1>, vector<16xf32>
      %select_n3A_129 = arith.select %gt3A_127, %select_n3A_79, %select_n3A_124 : vector<16xi1>, vector<16xf32>
      %select_n3A_130 = arith.select %gt3A_127, %select_n3A_126, %select_n3A_81 : vector<16xi1>, vector<16xi32>
      %select_n3A_131 = arith.select %gt3A_127, %select_n3A_81, %select_n3A_126 : vector<16xi1>, vector<16xi32>
      %gt3A_132 = arith.cmpf ogt, %select_n3A_129, %select_n3A_84 : vector<16xf32>
      %select_n3A_133 = arith.select %gt3A_132, %select_n3A_129, %select_n3A_84 : vector<16xi1>, vector<16xf32>
      %select_n3A_134 = arith.select %gt3A_132, %select_n3A_84, %select_n3A_129 : vector<16xi1>, vector<16xf32>
      %select_n3A_135 = arith.select %gt3A_132, %select_n3A_131, %select_n3A_86 : vector<16xi1>, vector<16xi32>
      %select_n3A_136 = arith.select %gt3A_132, %select_n3A_86, %select_n3A_131 : vector<16xi1>, vector<16xi32>
      %gt3A_137 = arith.cmpf ogt, %select_n3A_134, %select_n3A_89 : vector<16xf32>
      %select_n3A_138 = arith.select %gt3A_137, %select_n3A_134, %select_n3A_89 : vector<16xi1>, vector<16xf32>
      %select_n3A_139 = arith.select %gt3A_137, %select_n3A_89, %select_n3A_134 : vector<16xi1>, vector<16xf32>
      %select_n3A_140 = arith.select %gt3A_137, %select_n3A_136, %select_n3A_91 : vector<16xi1>, vector<16xi32>
      %select_n3A_141 = arith.select %gt3A_137, %select_n3A_91, %select_n3A_136 : vector<16xi1>, vector<16xi32>
      %mul3A_142 = arith.constant 64 : i32
      %mul3A_143 = vector.broadcast %mul3A_142 : i32 to vector<16xi32>
      %mul3A_144 = arith.muli %iota3A, %mul3A_143 : vector<16xi32>
      %add3A_145 = arith.constant 2 : i32
      %add3A_146 = vector.broadcast %add3A_145 : i32 to vector<16xi32>
      %add3A_147 = arith.addi %mul3A_144, %add3A_146 : vector<16xi32>
      %gather3A_148 = tpu.vector_load_idx %arg5[%add3A_147] : memref<1024xf32, #tpu.memory_space<vmem>>[vector<16xi32>], vector<16xf32>,
      %broadcast_in_dim3A_149 = arith.constant 2 : i32
      %broadcast_in_dim3A_150 = vector.broadcast %broadcast_in_dim3A_149 : i32 to vector<16xi32>
      %gt3A_151 = arith.cmpf ogt, %gather3A_148, %select_n3A_103 : vector<16xf32>
      %select_n3A_152 = arith.select %gt3A_151, %gather3A_148, %select_n3A_103 : vector<16xi1>, vector<16xf32>
      %select_n3A_153 = arith.select %gt3A_151, %select_n3A_103, %gather3A_148 : vector<16xi1>, vector<16xf32>
      %select_n3A_154 = arith.select %gt3A_151, %broadcast_in_dim3A_150, %select_n3A_105 : vector<16xi1>, vector<16xi32>
      %select_n3A_155 = arith.select %gt3A_151, %select_n3A_105, %broadcast_in_dim3A_150 : vector<16xi1>, vector<16xi32>
      %gt3A_156 = arith.cmpf ogt, %select_n3A_153, %select_n3A_108 : vector<16xf32>
      %select_n3A_157 = arith.select %gt3A_156, %select_n3A_153, %select_n3A_108 : vector<16xi1>, vector<16xf32>
      %select_n3A_158 = arith.select %gt3A_156, %select_n3A_108, %select_n3A_153 : vector<16xi1>, vector<16xf32>
      %select_n3A_159 = arith.select %gt3A_156, %select_n3A_155, %select_n3A_110 : vector<16xi1>, vector<16xi32>
      %select_n3A_160 = arith.select %gt3A_156, %select_n3A_110, %select_n3A_155 : vector<16xi1>, vector<16xi32>
      %gt3A_161 = arith.cmpf ogt, %select_n3A_158, %select_n3A_113 : vector<16xf32>
      %select_n3A_162 = arith.select %gt3A_161, %select_n3A_158, %select_n3A_113 : vector<16xi1>, vector<16xf32>
      %select_n3A_163 = arith.select %gt3A_161, %select_n3A_113, %select_n3A_158 : vector<16xi1>, vector<16xf32>
      %select_n3A_164 = arith.select %gt3A_161, %select_n3A_160, %select_n3A_115 : vector<16xi1>, vector<16xi32>
      %select_n3A_165 = arith.select %gt3A_161, %select_n3A_115, %select_n3A_160 : vector<16xi1>, vector<16xi32>
      %gt3A_166 = arith.cmpf ogt, %select_n3A_163, %select_n3A_118 : vector<16xf32>
      %select_n3A_167 = arith.select %gt3A_166, %select_n3A_163, %select_n3A_118 : vector<16xi1>, vector<16xf32>
      %select_n3A_168 = arith.select %gt3A_166, %select_n3A_118, %select_n3A_163 : vector<16xi1>, vector<16xf32>
      %select_n3A_169 = arith.select %gt3A_166, %select_n3A_165, %select_n3A_120 : vector<16xi1>, vector<16xi32>
      %select_n3A_170 = arith.select %gt3A_166, %select_n3A_120, %select_n3A_165 : vector<16xi1>, vector<16xi32>
      %gt3A_171 = arith.cmpf ogt, %select_n3A_168, %select_n3A_123 : vector<16xf32>
      %select_n3A_172 = arith.select %gt3A_171, %select_n3A_168, %select_n3A_123 : vector<16xi1>, vector<16xf32>
      %select_n3A_173 = arith.select %gt3A_171, %select_n3A_123, %select_n3A_168 : vector<16xi1>, vector<16xf32>
      %select_n3A_174 = arith.select %gt3A_171, %select_n3A_170, %select_n3A_125 : vector<16xi1>, vector<16xi32>
      %select_n3A_175 = arith.select %gt3A_171, %select_n3A_125, %select_n3A_170 : vector<16xi1>, vector<16xi32>
      %gt3A_176 = arith.cmpf ogt, %select_n3A_173, %select_n3A_128 : vector<16xf32>
      %select_n3A_177 = arith.select %gt3A_176, %select_n3A_173, %select_n3A_128 : vector<16xi1>, vector<16xf32>
      %select_n3A_178 = arith.select %gt3A_176, %select_n3A_128, %select_n3A_173 : vector<16xi1>, vector<16xf32>
      %select_n3A_179 = arith.select %gt3A_176, %select_n3A_175, %select_n3A_130 : vector<16xi1>, vector<16xi32>
      %select_n3A_180 = arith.select %gt3A_176, %select_n3A_130, %select_n3A_175 : vector<16xi1>, vector<16xi32>
      %gt3A_181 = arith.cmpf ogt, %select_n3A_178, %select_n3A_133 : vector<16xf32>
      %select_n3A_182 = arith.select %gt3A_181, %select_n3A_178, %select_n3A_133 : vector<16xi1>, vector<16xf32>
      %select_n3A_183 = arith.select %gt3A_181, %select_n3A_133, %select_n3A_178 : vector<16xi1>, vector<16xf32>
      %select_n3A_184 = arith.select %gt3A_181, %select_n3A_180, %select_n3A_135 : vector<16xi1>, vector<16xi32>
      %select_n3A_185 = arith.select %gt3A_181, %select_n3A_135, %select_n3A_180 : vector<16xi1>, vector<16xi32>
      %gt3A_186 = arith.cmpf ogt, %select_n3A_183, %select_n3A_138 : vector<16xf32>
      %select_n3A_187 = arith.select %gt3A_186, %select_n3A_183, %select_n3A_138 : vector<16xi1>, vector<16xf32>
      %select_n3A_188 = arith.select %gt3A_186, %select_n3A_138, %select_n3A_183 : vector<16xi1>, vector<16xf32>
      %select_n3A_189 = arith.select %gt3A_186, %select_n3A_185, %select_n3A_140 : vector<16xi1>, vector<16xi32>
      %select_n3A_190 = arith.select %gt3A_186, %select_n3A_140, %select_n3A_185 : vector<16xi1>, vector<16xi32>
      %mul3A_191 = arith.constant 64 : i32
      %mul3A_192 = vector.broadcast %mul3A_191 : i32 to vector<16xi32>
      %mul3A_193 = arith.muli %iota3A, %mul3A_192 : vector<16xi32>
      %add3A_194 = arith.constant 3 : i32
      %add3A_195 = vector.broadcast %add3A_194 : i32 to vector<16xi32>
      %add3A_196 = arith.addi %mul3A_193, %add3A_195 : vector<16xi32>
      %gather3A_197 = tpu.vector_load_idx %arg5[%add3A_196] : memref<1024xf32, #tpu.memory_space<vmem>>[vector<16xi32>], vector<16xf32>,
      %broadcast_in_dim3A_198 = arith.constant 3 : i32
      %broadcast_in_dim3A_199 = vector.broadcast %broadcast_in_dim3A_198 : i32 to vector<16xi32>
      %gt3A_200 = arith.cmpf ogt, %gather3A_197, %select_n3A_152 : vector<16xf32>
      %select_n3A_201 = arith.select %gt3A_200, %gather3A_197, %select_n3A_152 : vector<16xi1>, vector<16xf32>
      %select_n3A_202 = arith.select %gt3A_200, %select_n3A_152, %gather3A_197 : vector<16xi1>, vector<16xf32>
      %select_n3A_203 = arith.select %gt3A_200, %broadcast_in_dim3A_199, %select_n3A_154 : vector<16xi1>, vector<16xi32>
      %select_n3A_204 = arith.select %gt3A_200, %select_n3A_154, %broadcast_in_dim3A_199 : vector<16xi1>, vector<16xi32>
      %gt3A_205 = arith.cmpf ogt, %select_n3A_202, %select_n3A_157 : vector<16xf32>
      %select_n3A_206 = arith.select %gt3A_205, %select_n3A_202, %select_n3A_157 : vector<16xi1>, vector<16xf32>
      %select_n3A_207 = arith.select %gt3A_205, %select_n3A_157, %select_n3A_202 : vector<16xi1>, vector<16xf32>
      %select_n3A_208 = arith.select %gt3A_205, %select_n3A_204, %select_n3A_159 : vector<16xi1>, vector<16xi32>
      %select_n3A_209 = arith.select %gt3A_205, %select_n3A_159, %select_n3A_204 : vector<16xi1>, vector<16xi32>
      %gt3A_210 = arith.cmpf ogt, %select_n3A_207, %select_n3A_162 : vector<16xf32>
      %select_n3A_211 = arith.select %gt3A_210, %select_n3A_207, %select_n3A_162 : vector<16xi1>, vector<16xf32>
      %select_n3A_212 = arith.select %gt3A_210, %select_n3A_162, %select_n3A_207 : vector<16xi1>, vector<16xf32>
      %select_n3A_213 = arith.select %gt3A_210, %select_n3A_209, %select_n3A_164 : vector<16xi1>, vector<16xi32>
      %select_n3A_214 = arith.select %gt3A_210, %select_n3A_164, %select_n3A_209 : vector<16xi1>, vector<16xi32>
      %gt3A_215 = arith.cmpf ogt, %select_n3A_212, %select_n3A_167 : vector<16xf32>
      %select_n3A_216 = arith.select %gt3A_215, %select_n3A_212, %select_n3A_167 : vector<16xi1>, vector<16xf32>
      %select_n3A_217 = arith.select %gt3A_215, %select_n3A_167, %select_n3A_212 : vector<16xi1>, vector<16xf32>
      %select_n3A_218 = arith.select %gt3A_215, %select_n3A_214, %select_n3A_169 : vector<16xi1>, vector<16xi32>
      %select_n3A_219 = arith.select %gt3A_215, %select_n3A_169, %select_n3A_214 : vector<16xi1>, vector<16xi32>
      %gt3A_220 = arith.cmpf ogt, %select_n3A_217, %select_n3A_172 : vector<16xf32>
      %select_n3A_221 = arith.select %gt3A_220, %select_n3A_217, %select_n3A_172 : vector<16xi1>, vector<16xf32>
      %select_n3A_222 = arith.select %gt3A_220, %select_n3A_172, %select_n3A_217 : vector<16xi1>, vector<16xf32>
      %select_n3A_223 = arith.select %gt3A_220, %select_n3A_219, %select_n3A_174 : vector<16xi1>, vector<16xi32>
      %select_n3A_224 = arith.select %gt3A_220, %select_n3A_174, %select_n3A_219 : vector<16xi1>, vector<16xi32>
      %gt3A_225 = arith.cmpf ogt, %select_n3A_222, %select_n3A_177 : vector<16xf32>
      %select_n3A_226 = arith.select %gt3A_225, %select_n3A_222, %select_n3A_177 : vector<16xi1>, vector<16xf32>
      %select_n3A_227 = arith.select %gt3A_225, %select_n3A_177, %select_n3A_222 : vector<16xi1>, vector<16xf32>
      %select_n3A_228 = arith.select %gt3A_225, %select_n3A_224, %select_n3A_179 : vector<16xi1>, vector<16xi32>
      %select_n3A_229 = arith.select %gt3A_225, %select_n3A_179, %select_n3A_224 : vector<16xi1>, vector<16xi32>
      %gt3A_230 = arith.cmpf ogt, %select_n3A_227, %select_n3A_182 : vector<16xf32>
      %select_n3A_231 = arith.select %gt3A_230, %select_n3A_227, %select_n3A_182 : vector<16xi1>, vector<16xf32>
      %select_n3A_232 = arith.select %gt3A_230, %select_n3A_182, %select_n3A_227 : vector<16xi1>, vector<16xf32>
      %select_n3A_233 = arith.select %gt3A_230, %select_n3A_229, %select_n3A_184 : vector<16xi1>, vector<16xi32>
      %select_n3A_234 = arith.select %gt3A_230, %select_n3A_184, %select_n3A_229 : vector<16xi1>, vector<16xi32>
      %gt3A_235 = arith.cmpf ogt, %select_n3A_232, %select_n3A_187 : vector<16xf32>
      %select_n3A_236 = arith.select %gt3A_235, %select_n3A_232, %select_n3A_187 : vector<16xi1>, vector<16xf32>
      %select_n3A_237 = arith.select %gt3A_235, %select_n3A_187, %select_n3A_232 : vector<16xi1>, vector<16xf32>
      %select_n3A_238 = arith.select %gt3A_235, %select_n3A_234, %select_n3A_189 : vector<16xi1>, vector<16xi32>
      %select_n3A_239 = arith.select %gt3A_235, %select_n3A_189, %select_n3A_234 : vector<16xi1>, vector<16xi32>
      %mul3A_240 = arith.constant 64 : i32
      %mul3A_241 = vector.broadcast %mul3A_240 : i32 to vector<16xi32>
      %mul3A_242 = arith.muli %iota3A, %mul3A_241 : vector<16xi32>
      %add3A_243 = arith.constant 4 : i32
      %add3A_244 = vector.broadcast %add3A_243 : i32 to vector<16xi32>
      %add3A_245 = arith.addi %mul3A_242, %add3A_244 : vector<16xi32>
      %gather3A_246 = tpu.vector_load_idx %arg5[%add3A_245] : memref<1024xf32, #tpu.memory_space<vmem>>[vector<16xi32>], vector<16xf32>,
      %broadcast_in_dim3A_247 = arith.constant 4 : i32
      %broadcast_in_dim3A_248 = vector.broadcast %broadcast_in_dim3A_247 : i32 to vector<16xi32>
      %gt3A_249 = arith.cmpf ogt, %gather3A_246, %select_n3A_201 : vector<16xf32>
      %select_n3A_250 = arith.select %gt3A_249, %gather3A_246, %select_n3A_201 : vector<16xi1>, vector<16xf32>
      %select_n3A_251 = arith.select %gt3A_249, %select_n3A_201, %gather3A_246 : vector<16xi1>, vector<16xf32>
      %select_n3A_252 = arith.select %gt3A_249, %broadcast_in_dim3A_248, %select_n3A_203 : vector<16xi1>, vector<16xi32>
      %select_n3A_253 = arith.select %gt3A_249, %select_n3A_203, %broadcast_in_dim3A_248 : vector<16xi1>, vector<16xi32>
      %gt3A_254 = arith.cmpf ogt, %select_n3A_251, %select_n3A_206 : vector<16xf32>
      %select_n3A_255 = arith.select %gt3A_254, %select_n3A_251, %select_n3A_206 : vector<16xi1>, vector<16xf32>
      %select_n3A_256 = arith.select %gt3A_254, %select_n3A_206, %select_n3A_251 : vector<16xi1>, vector<16xf32>
      %select_n3A_257 = arith.select %gt3A_254, %select_n3A_253, %select_n3A_208 : vector<16xi1>, vector<16xi32>
      %select_n3A_258 = arith.select %gt3A_254, %select_n3A_208, %select_n3A_253 : vector<16xi1>, vector<16xi32>
      %gt3A_259 = arith.cmpf ogt, %select_n3A_256, %select_n3A_211 : vector<16xf32>
      %select_n3A_260 = arith.select %gt3A_259, %select_n3A_256, %select_n3A_211 : vector<16xi1>, vector<16xf32>
      %select_n3A_261 = arith.select %gt3A_259, %select_n3A_211, %select_n3A_256 : vector<16xi1>, vector<16xf32>
      %select_n3A_262 = arith.select %gt3A_259, %select_n3A_258, %select_n3A_213 : vector<16xi1>, vector<16xi32>
      %select_n3A_263 = arith.select %gt3A_259, %select_n3A_213, %select_n3A_258 : vector<16xi1>, vector<16xi32>
      %gt3A_264 = arith.cmpf ogt, %select_n3A_261, %select_n3A_216 : vector<16xf32>
      %select_n3A_265 = arith.select %gt3A_264, %select_n3A_261, %select_n3A_216 : vector<16xi1>, vector<16xf32>
      %select_n3A_266 = arith.select %gt3A_264, %select_n3A_216, %select_n3A_261 : vector<16xi1>, vector<16xf32>
      %select_n3A_267 = arith.select %gt3A_264, %select_n3A_263, %select_n3A_218 : vector<16xi1>, vector<16xi32>
      %select_n3A_268 = arith.select %gt3A_264, %select_n3A_218, %select_n3A_263 : vector<16xi1>, vector<16xi32>
      %gt3A_269 = arith.cmpf ogt, %select_n3A_266, %select_n3A_221 : vector<16xf32>
      %select_n3A_270 = arith.select %gt3A_269, %select_n3A_266, %select_n3A_221 : vector<16xi1>, vector<16xf32>
      %select_n3A_271 = arith.select %gt3A_269, %select_n3A_221, %select_n3A_266 : vector<16xi1>, vector<16xf32>
      %select_n3A_272 = arith.select %gt3A_269, %select_n3A_268, %select_n3A_223 : vector<16xi1>, vector<16xi32>
      %select_n3A_273 = arith.select %gt3A_269, %select_n3A_223, %select_n3A_268 : vector<16xi1>, vector<16xi32>
      %gt3A_274 = arith.cmpf ogt, %select_n3A_271, %select_n3A_226 : vector<16xf32>
      %select_n3A_275 = arith.select %gt3A_274, %select_n3A_271, %select_n3A_226 : vector<16xi1>, vector<16xf32>
      %select_n3A_276 = arith.select %gt3A_274, %select_n3A_226, %select_n3A_271 : vector<16xi1>, vector<16xf32>
      %select_n3A_277 = arith.select %gt3A_274, %select_n3A_273, %select_n3A_228 : vector<16xi1>, vector<16xi32>
      %select_n3A_278 = arith.select %gt3A_274, %select_n3A_228, %select_n3A_273 : vector<16xi1>, vector<16xi32>
      %gt3A_279 = arith.cmpf ogt, %select_n3A_276, %select_n3A_231 : vector<16xf32>
      %select_n3A_280 = arith.select %gt3A_279, %select_n3A_276, %select_n3A_231 : vector<16xi1>, vector<16xf32>
      %select_n3A_281 = arith.select %gt3A_279, %select_n3A_231, %select_n3A_276 : vector<16xi1>, vector<16xf32>
      %select_n3A_282 = arith.select %gt3A_279, %select_n3A_278, %select_n3A_233 : vector<16xi1>, vector<16xi32>
      %select_n3A_283 = arith.select %gt3A_279, %select_n3A_233, %select_n3A_278 : vector<16xi1>, vector<16xi32>
      %gt3A_284 = arith.cmpf ogt, %select_n3A_281, %select_n3A_236 : vector<16xf32>
      %select_n3A_285 = arith.select %gt3A_284, %select_n3A_281, %select_n3A_236 : vector<16xi1>, vector<16xf32>
      %select_n3A_286 = arith.select %gt3A_284, %select_n3A_236, %select_n3A_281 : vector<16xi1>, vector<16xf32>
      %select_n3A_287 = arith.select %gt3A_284, %select_n3A_283, %select_n3A_238 : vector<16xi1>, vector<16xi32>
      %select_n3A_288 = arith.select %gt3A_284, %select_n3A_238, %select_n3A_283 : vector<16xi1>, vector<16xi32>
      %mul3A_289 = arith.constant 64 : i32
      %mul3A_290 = vector.broadcast %mul3A_289 : i32 to vector<16xi32>
      %mul3A_291 = arith.muli %iota3A, %mul3A_290 : vector<16xi32>
      %add3A_292 = arith.constant 5 : i32
      %add3A_293 = vector.broadcast %add3A_292 : i32 to vector<16xi32>
      %add3A_294 = arith.addi %mul3A_291, %add3A_293 : vector<16xi32>
      %gather3A_295 = tpu.vector_load_idx %arg5[%add3A_294] : memref<1024xf32, #tpu.memory_space<vmem>>[vector<16xi32>], vector<16xf32>,
      %broadcast_in_dim3A_296 = arith.constant 5 : i32
      %broadcast_in_dim3A_297 = vector.broadcast %broadcast_in_dim3A_296 : i32 to vector<16xi32>
      %gt3A_298 = arith.cmpf ogt, %gather3A_295, %select_n3A_250 : vector<16xf32>
      %select_n3A_299 = arith.select %gt3A_298, %gather3A_295, %select_n3A_250 : vector<16xi1>, vector<16xf32>
      %select_n3A_300 = arith.select %gt3A_298, %select_n3A_250, %gather3A_295 : vector<16xi1>, vector<16xf32>
      %select_n3A_301 = arith.select %gt3A_298, %broadcast_in_dim3A_297, %select_n3A_252 : vector<16xi1>, vector<16xi32>
      %select_n3A_302 = arith.select %gt3A_298, %select_n3A_252, %broadcast_in_dim3A_297 : vector<16xi1>, vector<16xi32>
      %gt3A_303 = arith.cmpf ogt, %select_n3A_300, %select_n3A_255 : vector<16xf32>
      %select_n3A_304 = arith.select %gt3A_303, %select_n3A_300, %select_n3A_255 : vector<16xi1>, vector<16xf32>
      %select_n3A_305 = arith.select %gt3A_303, %select_n3A_255, %select_n3A_300 : vector<16xi1>, vector<16xf32>
      %select_n3A_306 = arith.select %gt3A_303, %select_n3A_302, %select_n3A_257 : vector<16xi1>, vector<16xi32>
      %select_n3A_307 = arith.select %gt3A_303, %select_n3A_257, %select_n3A_302 : vector<16xi1>, vector<16xi32>
      %gt3A_308 = arith.cmpf ogt, %select_n3A_305, %select_n3A_260 : vector<16xf32>
      %select_n3A_309 = arith.select %gt3A_308, %select_n3A_305, %select_n3A_260 : vector<16xi1>, vector<16xf32>
      %select_n3A_310 = arith.select %gt3A_308, %select_n3A_260, %select_n3A_305 : vector<16xi1>, vector<16xf32>
      %select_n3A_311 = arith.select %gt3A_308, %select_n3A_307, %select_n3A_262 : vector<16xi1>, vector<16xi32>
      %select_n3A_312 = arith.select %gt3A_308, %select_n3A_262, %select_n3A_307 : vector<16xi1>, vector<16xi32>
      %gt3A_313 = arith.cmpf ogt, %select_n3A_310, %select_n3A_265 : vector<16xf32>
      %select_n3A_314 = arith.select %gt3A_313, %select_n3A_310, %select_n3A_265 : vector<16xi1>, vector<16xf32>
      %select_n3A_315 = arith.select %gt3A_313, %select_n3A_265, %select_n3A_310 : vector<16xi1>, vector<16xf32>
      %select_n3A_316 = arith.select %gt3A_313, %select_n3A_312, %select_n3A_267 : vector<16xi1>, vector<16xi32>
      %select_n3A_317 = arith.select %gt3A_313, %select_n3A_267, %select_n3A_312 : vector<16xi1>, vector<16xi32>
      %gt3A_318 = arith.cmpf ogt, %select_n3A_315, %select_n3A_270 : vector<16xf32>
      %select_n3A_319 = arith.select %gt3A_318, %select_n3A_315, %select_n3A_270 : vector<16xi1>, vector<16xf32>
      %select_n3A_320 = arith.select %gt3A_318, %select_n3A_270, %select_n3A_315 : vector<16xi1>, vector<16xf32>
      %select_n3A_321 = arith.select %gt3A_318, %select_n3A_317, %select_n3A_272 : vector<16xi1>, vector<16xi32>
      %select_n3A_322 = arith.select %gt3A_318, %select_n3A_272, %select_n3A_317 : vector<16xi1>, vector<16xi32>
      %gt3A_323 = arith.cmpf ogt, %select_n3A_320, %select_n3A_275 : vector<16xf32>
      %select_n3A_324 = arith.select %gt3A_323, %select_n3A_320, %select_n3A_275 : vector<16xi1>, vector<16xf32>
      %select_n3A_325 = arith.select %gt3A_323, %select_n3A_275, %select_n3A_320 : vector<16xi1>, vector<16xf32>
      %select_n3A_326 = arith.select %gt3A_323, %select_n3A_322, %select_n3A_277 : vector<16xi1>, vector<16xi32>
      %select_n3A_327 = arith.select %gt3A_323, %select_n3A_277, %select_n3A_322 : vector<16xi1>, vector<16xi32>
      %gt3A_328 = arith.cmpf ogt, %select_n3A_325, %select_n3A_280 : vector<16xf32>
      %select_n3A_329 = arith.select %gt3A_328, %select_n3A_325, %select_n3A_280 : vector<16xi1>, vector<16xf32>
      %select_n3A_330 = arith.select %gt3A_328, %select_n3A_280, %select_n3A_325 : vector<16xi1>, vector<16xf32>
      %select_n3A_331 = arith.select %gt3A_328, %select_n3A_327, %select_n3A_282 : vector<16xi1>, vector<16xi32>
      %select_n3A_332 = arith.select %gt3A_328, %select_n3A_282, %select_n3A_327 : vector<16xi1>, vector<16xi32>
      %gt3A_333 = arith.cmpf ogt, %select_n3A_330, %select_n3A_285 : vector<16xf32>
      %select_n3A_334 = arith.select %gt3A_333, %select_n3A_330, %select_n3A_285 : vector<16xi1>, vector<16xf32>
      %select_n3A_335 = arith.select %gt3A_333, %select_n3A_285, %select_n3A_330 : vector<16xi1>, vector<16xf32>
      %select_n3A_336 = arith.select %gt3A_333, %select_n3A_332, %select_n3A_287 : vector<16xi1>, vector<16xi32>
      %select_n3A_337 = arith.select %gt3A_333, %select_n3A_287, %select_n3A_332 : vector<16xi1>, vector<16xi32>
      %mul3A_338 = arith.constant 64 : i32
      %mul3A_339 = vector.broadcast %mul3A_338 : i32 to vector<16xi32>
      %mul3A_340 = arith.muli %iota3A, %mul3A_339 : vector<16xi32>
      %add3A_341 = arith.constant 6 : i32
      %add3A_342 = vector.broadcast %add3A_341 : i32 to vector<16xi32>
      %add3A_343 = arith.addi %mul3A_340, %add3A_342 : vector<16xi32>
      %gather3A_344 = tpu.vector_load_idx %arg5[%add3A_343] : memref<1024xf32, #tpu.memory_space<vmem>>[vector<16xi32>], vector<16xf32>,
      %broadcast_in_dim3A_345 = arith.constant 6 : i32
      %broadcast_in_dim3A_346 = vector.broadcast %broadcast_in_dim3A_345 : i32 to vector<16xi32>
      %gt3A_347 = arith.cmpf ogt, %gather3A_344, %select_n3A_299 : vector<16xf32>
      %select_n3A_348 = arith.select %gt3A_347, %gather3A_344, %select_n3A_299 : vector<16xi1>, vector<16xf32>
      %select_n3A_349 = arith.select %gt3A_347, %select_n3A_299, %gather3A_344 : vector<16xi1>, vector<16xf32>
      %select_n3A_350 = arith.select %gt3A_347, %broadcast_in_dim3A_346, %select_n3A_301 : vector<16xi1>, vector<16xi32>
      %select_n3A_351 = arith.select %gt3A_347, %select_n3A_301, %broadcast_in_dim3A_346 : vector<16xi1>, vector<16xi32>
      %gt3A_352 = arith.cmpf ogt, %select_n3A_349, %select_n3A_304 : vector<16xf32>
      %select_n3A_353 = arith.select %gt3A_352, %select_n3A_349, %select_n3A_304 : vector<16xi1>, vector<16xf32>
      %select_n3A_354 = arith.select %gt3A_352, %select_n3A_304, %select_n3A_349 : vector<16xi1>, vector<16xf32>
      %select_n3A_355 = arith.select %gt3A_352, %select_n3A_351, %select_n3A_306 : vector<16xi1>, vector<16xi32>
      %select_n3A_356 = arith.select %gt3A_352, %select_n3A_306, %select_n3A_351 : vector<16xi1>, vector<16xi32>
      %gt3A_357 = arith.cmpf ogt, %select_n3A_354, %select_n3A_309 : vector<16xf32>
      %select_n3A_358 = arith.select %gt3A_357, %select_n3A_354, %select_n3A_309 : vector<16xi1>, vector<16xf32>
      %select_n3A_359 = arith.select %gt3A_357, %select_n3A_309, %select_n3A_354 : vector<16xi1>, vector<16xf32>
      %select_n3A_360 = arith.select %gt3A_357, %select_n3A_356, %select_n3A_311 : vector<16xi1>, vector<16xi32>
      %select_n3A_361 = arith.select %gt3A_357, %select_n3A_311, %select_n3A_356 : vector<16xi1>, vector<16xi32>
      %gt3A_362 = arith.cmpf ogt, %select_n3A_359, %select_n3A_314 : vector<16xf32>
      %select_n3A_363 = arith.select %gt3A_362, %select_n3A_359, %select_n3A_314 : vector<16xi1>, vector<16xf32>
      %select_n3A_364 = arith.select %gt3A_362, %select_n3A_314, %select_n3A_359 : vector<16xi1>, vector<16xf32>
      %select_n3A_365 = arith.select %gt3A_362, %select_n3A_361, %select_n3A_316 : vector<16xi1>, vector<16xi32>
      %select_n3A_366 = arith.select %gt3A_362, %select_n3A_316, %select_n3A_361 : vector<16xi1>, vector<16xi32>
      %gt3A_367 = arith.cmpf ogt, %select_n3A_364, %select_n3A_319 : vector<16xf32>
      %select_n3A_368 = arith.select %gt3A_367, %select_n3A_364, %select_n3A_319 : vector<16xi1>, vector<16xf32>
      %select_n3A_369 = arith.select %gt3A_367, %select_n3A_319, %select_n3A_364 : vector<16xi1>, vector<16xf32>
      %select_n3A_370 = arith.select %gt3A_367, %select_n3A_366, %select_n3A_321 : vector<16xi1>, vector<16xi32>
      %select_n3A_371 = arith.select %gt3A_367, %select_n3A_321, %select_n3A_366 : vector<16xi1>, vector<16xi32>
      %gt3A_372 = arith.cmpf ogt, %select_n3A_369, %select_n3A_324 : vector<16xf32>
      %select_n3A_373 = arith.select %gt3A_372, %select_n3A_369, %select_n3A_324 : vector<16xi1>, vector<16xf32>
      %select_n3A_374 = arith.select %gt3A_372, %select_n3A_324, %select_n3A_369 : vector<16xi1>, vector<16xf32>
      %select_n3A_375 = arith.select %gt3A_372, %select_n3A_371, %select_n3A_326 : vector<16xi1>, vector<16xi32>
      %select_n3A_376 = arith.select %gt3A_372, %select_n3A_326, %select_n3A_371 : vector<16xi1>, vector<16xi32>
      %gt3A_377 = arith.cmpf ogt, %select_n3A_374, %select_n3A_329 : vector<16xf32>
      %select_n3A_378 = arith.select %gt3A_377, %select_n3A_374, %select_n3A_329 : vector<16xi1>, vector<16xf32>
      %select_n3A_379 = arith.select %gt3A_377, %select_n3A_329, %select_n3A_374 : vector<16xi1>, vector<16xf32>
      %select_n3A_380 = arith.select %gt3A_377, %select_n3A_376, %select_n3A_331 : vector<16xi1>, vector<16xi32>
      %select_n3A_381 = arith.select %gt3A_377, %select_n3A_331, %select_n3A_376 : vector<16xi1>, vector<16xi32>
      %gt3A_382 = arith.cmpf ogt, %select_n3A_379, %select_n3A_334 : vector<16xf32>
      %select_n3A_383 = arith.select %gt3A_382, %select_n3A_379, %select_n3A_334 : vector<16xi1>, vector<16xf32>
      %select_n3A_384 = arith.select %gt3A_382, %select_n3A_334, %select_n3A_379 : vector<16xi1>, vector<16xf32>
      %select_n3A_385 = arith.select %gt3A_382, %select_n3A_381, %select_n3A_336 : vector<16xi1>, vector<16xi32>
      %select_n3A_386 = arith.select %gt3A_382, %select_n3A_336, %select_n3A_381 : vector<16xi1>, vector<16xi32>
      %mul3A_387 = arith.constant 64 : i32
      %mul3A_388 = vector.broadcast %mul3A_387 : i32 to vector<16xi32>
      %mul3A_389 = arith.muli %iota3A, %mul3A_388 : vector<16xi32>
      %add3A_390 = arith.constant 7 : i32
      %add3A_391 = vector.broadcast %add3A_390 : i32 to vector<16xi32>
      %add3A_392 = arith.addi %mul3A_389, %add3A_391 : vector<16xi32>
      %gather3A_393 = tpu.vector_load_idx %arg5[%add3A_392] : memref<1024xf32, #tpu.memory_space<vmem>>[vector<16xi32>], vector<16xf32>,
      %broadcast_in_dim3A_394 = arith.constant 7 : i32
      %broadcast_in_dim3A_395 = vector.broadcast %broadcast_in_dim3A_394 : i32 to vector<16xi32>
      %gt3A_396 = arith.cmpf ogt, %gather3A_393, %select_n3A_348 : vector<16xf32>
      %select_n3A_397 = arith.select %gt3A_396, %gather3A_393, %select_n3A_348 : vector<16xi1>, vector<16xf32>
      %select_n3A_398 = arith.select %gt3A_396, %select_n3A_348, %gather3A_393 : vector<16xi1>, vector<16xf32>
      %select_n3A_399 = arith.select %gt3A_396, %broadcast_in_dim3A_395, %select_n3A_350 : vector<16xi1>, vector<16xi32>
      %select_n3A_400 = arith.select %gt3A_396, %select_n3A_350, %broadcast_in_dim3A_395 : vector<16xi1>, vector<16xi32>
      %gt3A_401 = arith.cmpf ogt, %select_n3A_398, %select_n3A_353 : vector<16xf32>
      %select_n3A_402 = arith.select %gt3A_401, %select_n3A_398, %select_n3A_353 : vector<16xi1>, vector<16xf32>
      %select_n3A_403 = arith.select %gt3A_401, %select_n3A_353, %select_n3A_398 : vector<16xi1>, vector<16xf32>
      %select_n3A_404 = arith.select %gt3A_401, %select_n3A_400, %select_n3A_355 : vector<16xi1>, vector<16xi32>
      %select_n3A_405 = arith.select %gt3A_401, %select_n3A_355, %select_n3A_400 : vector<16xi1>, vector<16xi32>
      %gt3A_406 = arith.cmpf ogt, %select_n3A_403, %select_n3A_358 : vector<16xf32>
      %select_n3A_407 = arith.select %gt3A_406, %select_n3A_403, %select_n3A_358 : vector<16xi1>, vector<16xf32>
      %select_n3A_408 = arith.select %gt3A_406, %select_n3A_358, %select_n3A_403 : vector<16xi1>, vector<16xf32>
      %select_n3A_409 = arith.select %gt3A_406, %select_n3A_405, %select_n3A_360 : vector<16xi1>, vector<16xi32>
      %select_n3A_410 = arith.select %gt3A_406, %select_n3A_360, %select_n3A_405 : vector<16xi1>, vector<16xi32>
      %gt3A_411 = arith.cmpf ogt, %select_n3A_408, %select_n3A_363 : vector<16xf32>
      %select_n3A_412 = arith.select %gt3A_411, %select_n3A_408, %select_n3A_363 : vector<16xi1>, vector<16xf32>
      %select_n3A_413 = arith.select %gt3A_411, %select_n3A_363, %select_n3A_408 : vector<16xi1>, vector<16xf32>
      %select_n3A_414 = arith.select %gt3A_411, %select_n3A_410, %select_n3A_365 : vector<16xi1>, vector<16xi32>
      %select_n3A_415 = arith.select %gt3A_411, %select_n3A_365, %select_n3A_410 : vector<16xi1>, vector<16xi32>
      %gt3A_416 = arith.cmpf ogt, %select_n3A_413, %select_n3A_368 : vector<16xf32>
      %select_n3A_417 = arith.select %gt3A_416, %select_n3A_413, %select_n3A_368 : vector<16xi1>, vector<16xf32>
      %select_n3A_418 = arith.select %gt3A_416, %select_n3A_368, %select_n3A_413 : vector<16xi1>, vector<16xf32>
      %select_n3A_419 = arith.select %gt3A_416, %select_n3A_415, %select_n3A_370 : vector<16xi1>, vector<16xi32>
      %select_n3A_420 = arith.select %gt3A_416, %select_n3A_370, %select_n3A_415 : vector<16xi1>, vector<16xi32>
      %gt3A_421 = arith.cmpf ogt, %select_n3A_418, %select_n3A_373 : vector<16xf32>
      %select_n3A_422 = arith.select %gt3A_421, %select_n3A_418, %select_n3A_373 : vector<16xi1>, vector<16xf32>
      %select_n3A_423 = arith.select %gt3A_421, %select_n3A_373, %select_n3A_418 : vector<16xi1>, vector<16xf32>
      %select_n3A_424 = arith.select %gt3A_421, %select_n3A_420, %select_n3A_375 : vector<16xi1>, vector<16xi32>
      %select_n3A_425 = arith.select %gt3A_421, %select_n3A_375, %select_n3A_420 : vector<16xi1>, vector<16xi32>
      %gt3A_426 = arith.cmpf ogt, %select_n3A_423, %select_n3A_378 : vector<16xf32>
      %select_n3A_427 = arith.select %gt3A_426, %select_n3A_423, %select_n3A_378 : vector<16xi1>, vector<16xf32>
      %select_n3A_428 = arith.select %gt3A_426, %select_n3A_378, %select_n3A_423 : vector<16xi1>, vector<16xf32>
      %select_n3A_429 = arith.select %gt3A_426, %select_n3A_425, %select_n3A_380 : vector<16xi1>, vector<16xi32>
      %select_n3A_430 = arith.select %gt3A_426, %select_n3A_380, %select_n3A_425 : vector<16xi1>, vector<16xi32>
      %gt3A_431 = arith.cmpf ogt, %select_n3A_428, %select_n3A_383 : vector<16xf32>
      %select_n3A_432 = arith.select %gt3A_431, %select_n3A_428, %select_n3A_383 : vector<16xi1>, vector<16xf32>
      %select_n3A_433 = arith.select %gt3A_431, %select_n3A_383, %select_n3A_428 : vector<16xi1>, vector<16xf32>
      %select_n3A_434 = arith.select %gt3A_431, %select_n3A_430, %select_n3A_385 : vector<16xi1>, vector<16xi32>
      %select_n3A_435 = arith.select %gt3A_431, %select_n3A_385, %select_n3A_430 : vector<16xi1>, vector<16xi32>
      %mul3A_436 = arith.constant 64 : i32
      %mul3A_437 = vector.broadcast %mul3A_436 : i32 to vector<16xi32>
      %mul3A_438 = arith.muli %iota3A, %mul3A_437 : vector<16xi32>
      %add3A_439 = arith.constant 8 : i32
      %add3A_440 = vector.broadcast %add3A_439 : i32 to vector<16xi32>
      %add3A_441 = arith.addi %mul3A_438, %add3A_440 : vector<16xi32>
      %gather3A_442 = tpu.vector_load_idx %arg5[%add3A_441] : memref<1024xf32, #tpu.memory_space<vmem>>[vector<16xi32>], vector<16xf32>,
      %broadcast_in_dim3A_443 = arith.constant 8 : i32
      %broadcast_in_dim3A_444 = vector.broadcast %broadcast_in_dim3A_443 : i32 to vector<16xi32>
      %gt3A_445 = arith.cmpf ogt, %gather3A_442, %select_n3A_397 : vector<16xf32>
      %select_n3A_446 = arith.select %gt3A_445, %gather3A_442, %select_n3A_397 : vector<16xi1>, vector<16xf32>
      %select_n3A_447 = arith.select %gt3A_445, %select_n3A_397, %gather3A_442 : vector<16xi1>, vector<16xf32>
      %select_n3A_448 = arith.select %gt3A_445, %broadcast_in_dim3A_444, %select_n3A_399 : vector<16xi1>, vector<16xi32>
      %select_n3A_449 = arith.select %gt3A_445, %select_n3A_399, %broadcast_in_dim3A_444 : vector<16xi1>, vector<16xi32>
      %gt3A_450 = arith.cmpf ogt, %select_n3A_447, %select_n3A_402 : vector<16xf32>
      %select_n3A_451 = arith.select %gt3A_450, %select_n3A_447, %select_n3A_402 : vector<16xi1>, vector<16xf32>
      %select_n3A_452 = arith.select %gt3A_450, %select_n3A_402, %select_n3A_447 : vector<16xi1>, vector<16xf32>
      %select_n3A_453 = arith.select %gt3A_450, %select_n3A_449, %select_n3A_404 : vector<16xi1>, vector<16xi32>
      %select_n3A_454 = arith.select %gt3A_450, %select_n3A_404, %select_n3A_449 : vector<16xi1>, vector<16xi32>
      %gt3A_455 = arith.cmpf ogt, %select_n3A_452, %select_n3A_407 : vector<16xf32>
      %select_n3A_456 = arith.select %gt3A_455, %select_n3A_452, %select_n3A_407 : vector<16xi1>, vector<16xf32>
      %select_n3A_457 = arith.select %gt3A_455, %select_n3A_407, %select_n3A_452 : vector<16xi1>, vector<16xf32>
      %select_n3A_458 = arith.select %gt3A_455, %select_n3A_454, %select_n3A_409 : vector<16xi1>, vector<16xi32>
      %select_n3A_459 = arith.select %gt3A_455, %select_n3A_409, %select_n3A_454 : vector<16xi1>, vector<16xi32>
      %gt3A_460 = arith.cmpf ogt, %select_n3A_457, %select_n3A_412 : vector<16xf32>
      %select_n3A_461 = arith.select %gt3A_460, %select_n3A_457, %select_n3A_412 : vector<16xi1>, vector<16xf32>
      %select_n3A_462 = arith.select %gt3A_460, %select_n3A_412, %select_n3A_457 : vector<16xi1>, vector<16xf32>
      %select_n3A_463 = arith.select %gt3A_460, %select_n3A_459, %select_n3A_414 : vector<16xi1>, vector<16xi32>
      %select_n3A_464 = arith.select %gt3A_460, %select_n3A_414, %select_n3A_459 : vector<16xi1>, vector<16xi32>
      %gt3A_465 = arith.cmpf ogt, %select_n3A_462, %select_n3A_417 : vector<16xf32>
      %select_n3A_466 = arith.select %gt3A_465, %select_n3A_462, %select_n3A_417 : vector<16xi1>, vector<16xf32>
      %select_n3A_467 = arith.select %gt3A_465, %select_n3A_417, %select_n3A_462 : vector<16xi1>, vector<16xf32>
      %select_n3A_468 = arith.select %gt3A_465, %select_n3A_464, %select_n3A_419 : vector<16xi1>, vector<16xi32>
      %select_n3A_469 = arith.select %gt3A_465, %select_n3A_419, %select_n3A_464 : vector<16xi1>, vector<16xi32>
      %gt3A_470 = arith.cmpf ogt, %select_n3A_467, %select_n3A_422 : vector<16xf32>
      %select_n3A_471 = arith.select %gt3A_470, %select_n3A_467, %select_n3A_422 : vector<16xi1>, vector<16xf32>
      %select_n3A_472 = arith.select %gt3A_470, %select_n3A_422, %select_n3A_467 : vector<16xi1>, vector<16xf32>
      %select_n3A_473 = arith.select %gt3A_470, %select_n3A_469, %select_n3A_424 : vector<16xi1>, vector<16xi32>
      %select_n3A_474 = arith.select %gt3A_470, %select_n3A_424, %select_n3A_469 : vector<16xi1>, vector<16xi32>
      %gt3A_475 = arith.cmpf ogt, %select_n3A_472, %select_n3A_427 : vector<16xf32>
      %select_n3A_476 = arith.select %gt3A_475, %select_n3A_472, %select_n3A_427 : vector<16xi1>, vector<16xf32>
      %select_n3A_477 = arith.select %gt3A_475, %select_n3A_427, %select_n3A_472 : vector<16xi1>, vector<16xf32>
      %select_n3A_478 = arith.select %gt3A_475, %select_n3A_474, %select_n3A_429 : vector<16xi1>, vector<16xi32>
      %select_n3A_479 = arith.select %gt3A_475, %select_n3A_429, %select_n3A_474 : vector<16xi1>, vector<16xi32>
      %gt3A_480 = arith.cmpf ogt, %select_n3A_477, %select_n3A_432 : vector<16xf32>
      %select_n3A_481 = arith.select %gt3A_480, %select_n3A_477, %select_n3A_432 : vector<16xi1>, vector<16xf32>
      %select_n3A_482 = arith.select %gt3A_480, %select_n3A_432, %select_n3A_477 : vector<16xi1>, vector<16xf32>
      %select_n3A_483 = arith.select %gt3A_480, %select_n3A_479, %select_n3A_434 : vector<16xi1>, vector<16xi32>
      %select_n3A_484 = arith.select %gt3A_480, %select_n3A_434, %select_n3A_479 : vector<16xi1>, vector<16xi32>
      %mul3A_485 = arith.constant 64 : i32
      %mul3A_486 = vector.broadcast %mul3A_485 : i32 to vector<16xi32>
      %mul3A_487 = arith.muli %iota3A, %mul3A_486 : vector<16xi32>
      %add3A_488 = arith.constant 9 : i32
      %add3A_489 = vector.broadcast %add3A_488 : i32 to vector<16xi32>
      %add3A_490 = arith.addi %mul3A_487, %add3A_489 : vector<16xi32>
      %gather3A_491 = tpu.vector_load_idx %arg5[%add3A_490] : memref<1024xf32, #tpu.memory_space<vmem>>[vector<16xi32>], vector<16xf32>,
      %broadcast_in_dim3A_492 = arith.constant 9 : i32
      %broadcast_in_dim3A_493 = vector.broadcast %broadcast_in_dim3A_492 : i32 to vector<16xi32>
      %gt3A_494 = arith.cmpf ogt, %gather3A_491, %select_n3A_446 : vector<16xf32>
      %select_n3A_495 = arith.select %gt3A_494, %gather3A_491, %select_n3A_446 : vector<16xi1>, vector<16xf32>
      %select_n3A_496 = arith.select %gt3A_494, %select_n3A_446, %gather3A_491 : vector<16xi1>, vector<16xf32>
      %select_n3A_497 = arith.select %gt3A_494, %broadcast_in_dim3A_493, %select_n3A_448 : vector<16xi1>, vector<16xi32>
      %select_n3A_498 = arith.select %gt3A_494, %select_n3A_448, %broadcast_in_dim3A_493 : vector<16xi1>, vector<16xi32>
      %gt3A_499 = arith.cmpf ogt, %select_n3A_496, %select_n3A_451 : vector<16xf32>
      %select_n3A_500 = arith.select %gt3A_499, %select_n3A_496, %select_n3A_451 : vector<16xi1>, vector<16xf32>
      %select_n3A_501 = arith.select %gt3A_499, %select_n3A_451, %select_n3A_496 : vector<16xi1>, vector<16xf32>
      %select_n3A_502 = arith.select %gt3A_499, %select_n3A_498, %select_n3A_453 : vector<16xi1>, vector<16xi32>
      %select_n3A_503 = arith.select %gt3A_499, %select_n3A_453, %select_n3A_498 : vector<16xi1>, vector<16xi32>
      %gt3A_504 = arith.cmpf ogt, %select_n3A_501, %select_n3A_456 : vector<16xf32>
      %select_n3A_505 = arith.select %gt3A_504, %select_n3A_501, %select_n3A_456 : vector<16xi1>, vector<16xf32>
      %select_n3A_506 = arith.select %gt3A_504, %select_n3A_456, %select_n3A_501 : vector<16xi1>, vector<16xf32>
      %select_n3A_507 = arith.select %gt3A_504, %select_n3A_503, %select_n3A_458 : vector<16xi1>, vector<16xi32>
      %select_n3A_508 = arith.select %gt3A_504, %select_n3A_458, %select_n3A_503 : vector<16xi1>, vector<16xi32>
      %gt3A_509 = arith.cmpf ogt, %select_n3A_506, %select_n3A_461 : vector<16xf32>
      %select_n3A_510 = arith.select %gt3A_509, %select_n3A_506, %select_n3A_461 : vector<16xi1>, vector<16xf32>
      %select_n3A_511 = arith.select %gt3A_509, %select_n3A_461, %select_n3A_506 : vector<16xi1>, vector<16xf32>
      %select_n3A_512 = arith.select %gt3A_509, %select_n3A_508, %select_n3A_463 : vector<16xi1>, vector<16xi32>
      %select_n3A_513 = arith.select %gt3A_509, %select_n3A_463, %select_n3A_508 : vector<16xi1>, vector<16xi32>
      %gt3A_514 = arith.cmpf ogt, %select_n3A_511, %select_n3A_466 : vector<16xf32>
      %select_n3A_515 = arith.select %gt3A_514, %select_n3A_511, %select_n3A_466 : vector<16xi1>, vector<16xf32>
      %select_n3A_516 = arith.select %gt3A_514, %select_n3A_466, %select_n3A_511 : vector<16xi1>, vector<16xf32>
      %select_n3A_517 = arith.select %gt3A_514, %select_n3A_513, %select_n3A_468 : vector<16xi1>, vector<16xi32>
      %select_n3A_518 = arith.select %gt3A_514, %select_n3A_468, %select_n3A_513 : vector<16xi1>, vector<16xi32>
      %gt3A_519 = arith.cmpf ogt, %select_n3A_516, %select_n3A_471 : vector<16xf32>
      %select_n3A_520 = arith.select %gt3A_519, %select_n3A_516, %select_n3A_471 : vector<16xi1>, vector<16xf32>
      %select_n3A_521 = arith.select %gt3A_519, %select_n3A_471, %select_n3A_516 : vector<16xi1>, vector<16xf32>
      %select_n3A_522 = arith.select %gt3A_519, %select_n3A_518, %select_n3A_473 : vector<16xi1>, vector<16xi32>
      %select_n3A_523 = arith.select %gt3A_519, %select_n3A_473, %select_n3A_518 : vector<16xi1>, vector<16xi32>
      %gt3A_524 = arith.cmpf ogt, %select_n3A_521, %select_n3A_476 : vector<16xf32>
      %select_n3A_525 = arith.select %gt3A_524, %select_n3A_521, %select_n3A_476 : vector<16xi1>, vector<16xf32>
      %select_n3A_526 = arith.select %gt3A_524, %select_n3A_476, %select_n3A_521 : vector<16xi1>, vector<16xf32>
      %select_n3A_527 = arith.select %gt3A_524, %select_n3A_523, %select_n3A_478 : vector<16xi1>, vector<16xi32>
      %select_n3A_528 = arith.select %gt3A_524, %select_n3A_478, %select_n3A_523 : vector<16xi1>, vector<16xi32>
      %gt3A_529 = arith.cmpf ogt, %select_n3A_526, %select_n3A_481 : vector<16xf32>
      %select_n3A_530 = arith.select %gt3A_529, %select_n3A_526, %select_n3A_481 : vector<16xi1>, vector<16xf32>
      %select_n3A_531 = arith.select %gt3A_529, %select_n3A_481, %select_n3A_526 : vector<16xi1>, vector<16xf32>
      %select_n3A_532 = arith.select %gt3A_529, %select_n3A_528, %select_n3A_483 : vector<16xi1>, vector<16xi32>
      %select_n3A_533 = arith.select %gt3A_529, %select_n3A_483, %select_n3A_528 : vector<16xi1>, vector<16xi32>
      %mul3A_534 = arith.constant 64 : i32
      %mul3A_535 = vector.broadcast %mul3A_534 : i32 to vector<16xi32>
      %mul3A_536 = arith.muli %iota3A, %mul3A_535 : vector<16xi32>
      %add3A_537 = arith.constant 10 : i32
      %add3A_538 = vector.broadcast %add3A_537 : i32 to vector<16xi32>
      %add3A_539 = arith.addi %mul3A_536, %add3A_538 : vector<16xi32>
      %gather3A_540 = tpu.vector_load_idx %arg5[%add3A_539] : memref<1024xf32, #tpu.memory_space<vmem>>[vector<16xi32>], vector<16xf32>,
      %broadcast_in_dim3A_541 = arith.constant 10 : i32
      %broadcast_in_dim3A_542 = vector.broadcast %broadcast_in_dim3A_541 : i32 to vector<16xi32>
      %gt3A_543 = arith.cmpf ogt, %gather3A_540, %select_n3A_495 : vector<16xf32>
      %select_n3A_544 = arith.select %gt3A_543, %gather3A_540, %select_n3A_495 : vector<16xi1>, vector<16xf32>
      %select_n3A_545 = arith.select %gt3A_543, %select_n3A_495, %gather3A_540 : vector<16xi1>, vector<16xf32>
      %select_n3A_546 = arith.select %gt3A_543, %broadcast_in_dim3A_542, %select_n3A_497 : vector<16xi1>, vector<16xi32>
      %select_n3A_547 = arith.select %gt3A_543, %select_n3A_497, %broadcast_in_dim3A_542 : vector<16xi1>, vector<16xi32>
      %gt3A_548 = arith.cmpf ogt, %select_n3A_545, %select_n3A_500 : vector<16xf32>
      %select_n3A_549 = arith.select %gt3A_548, %select_n3A_545, %select_n3A_500 : vector<16xi1>, vector<16xf32>
      %select_n3A_550 = arith.select %gt3A_548, %select_n3A_500, %select_n3A_545 : vector<16xi1>, vector<16xf32>
      %select_n3A_551 = arith.select %gt3A_548, %select_n3A_547, %select_n3A_502 : vector<16xi1>, vector<16xi32>
      %select_n3A_552 = arith.select %gt3A_548, %select_n3A_502, %select_n3A_547 : vector<16xi1>, vector<16xi32>
      %gt3A_553 = arith.cmpf ogt, %select_n3A_550, %select_n3A_505 : vector<16xf32>
      %select_n3A_554 = arith.select %gt3A_553, %select_n3A_550, %select_n3A_505 : vector<16xi1>, vector<16xf32>
      %select_n3A_555 = arith.select %gt3A_553, %select_n3A_505, %select_n3A_550 : vector<16xi1>, vector<16xf32>
      %select_n3A_556 = arith.select %gt3A_553, %select_n3A_552, %select_n3A_507 : vector<16xi1>, vector<16xi32>
      %select_n3A_557 = arith.select %gt3A_553, %select_n3A_507, %select_n3A_552 : vector<16xi1>, vector<16xi32>
      %gt3A_558 = arith.cmpf ogt, %select_n3A_555, %select_n3A_510 : vector<16xf32>
      %select_n3A_559 = arith.select %gt3A_558, %select_n3A_555, %select_n3A_510 : vector<16xi1>, vector<16xf32>
      %select_n3A_560 = arith.select %gt3A_558, %select_n3A_510, %select_n3A_555 : vector<16xi1>, vector<16xf32>
      %select_n3A_561 = arith.select %gt3A_558, %select_n3A_557, %select_n3A_512 : vector<16xi1>, vector<16xi32>
      %select_n3A_562 = arith.select %gt3A_558, %select_n3A_512, %select_n3A_557 : vector<16xi1>, vector<16xi32>
      %gt3A_563 = arith.cmpf ogt, %select_n3A_560, %select_n3A_515 : vector<16xf32>
      %select_n3A_564 = arith.select %gt3A_563, %select_n3A_560, %select_n3A_515 : vector<16xi1>, vector<16xf32>
      %select_n3A_565 = arith.select %gt3A_563, %select_n3A_515, %select_n3A_560 : vector<16xi1>, vector<16xf32>
      %select_n3A_566 = arith.select %gt3A_563, %select_n3A_562, %select_n3A_517 : vector<16xi1>, vector<16xi32>
      %select_n3A_567 = arith.select %gt3A_563, %select_n3A_517, %select_n3A_562 : vector<16xi1>, vector<16xi32>
      %gt3A_568 = arith.cmpf ogt, %select_n3A_565, %select_n3A_520 : vector<16xf32>
      %select_n3A_569 = arith.select %gt3A_568, %select_n3A_565, %select_n3A_520 : vector<16xi1>, vector<16xf32>
      %select_n3A_570 = arith.select %gt3A_568, %select_n3A_520, %select_n3A_565 : vector<16xi1>, vector<16xf32>
      %select_n3A_571 = arith.select %gt3A_568, %select_n3A_567, %select_n3A_522 : vector<16xi1>, vector<16xi32>
      %select_n3A_572 = arith.select %gt3A_568, %select_n3A_522, %select_n3A_567 : vector<16xi1>, vector<16xi32>
      %gt3A_573 = arith.cmpf ogt, %select_n3A_570, %select_n3A_525 : vector<16xf32>
      %select_n3A_574 = arith.select %gt3A_573, %select_n3A_570, %select_n3A_525 : vector<16xi1>, vector<16xf32>
      %select_n3A_575 = arith.select %gt3A_573, %select_n3A_525, %select_n3A_570 : vector<16xi1>, vector<16xf32>
      %select_n3A_576 = arith.select %gt3A_573, %select_n3A_572, %select_n3A_527 : vector<16xi1>, vector<16xi32>
      %select_n3A_577 = arith.select %gt3A_573, %select_n3A_527, %select_n3A_572 : vector<16xi1>, vector<16xi32>
      %gt3A_578 = arith.cmpf ogt, %select_n3A_575, %select_n3A_530 : vector<16xf32>
      %select_n3A_579 = arith.select %gt3A_578, %select_n3A_575, %select_n3A_530 : vector<16xi1>, vector<16xf32>
      %select_n3A_580 = arith.select %gt3A_578, %select_n3A_530, %select_n3A_575 : vector<16xi1>, vector<16xf32>
      %select_n3A_581 = arith.select %gt3A_578, %select_n3A_577, %select_n3A_532 : vector<16xi1>, vector<16xi32>
      %select_n3A_582 = arith.select %gt3A_578, %select_n3A_532, %select_n3A_577 : vector<16xi1>, vector<16xi32>
      %mul3A_583 = arith.constant 64 : i32
      %mul3A_584 = vector.broadcast %mul3A_583 : i32 to vector<16xi32>
      %mul3A_585 = arith.muli %iota3A, %mul3A_584 : vector<16xi32>
      %add3A_586 = arith.constant 11 : i32
      %add3A_587 = vector.broadcast %add3A_586 : i32 to vector<16xi32>
      %add3A_588 = arith.addi %mul3A_585, %add3A_587 : vector<16xi32>
      %gather3A_589 = tpu.vector_load_idx %arg5[%add3A_588] : memref<1024xf32, #tpu.memory_space<vmem>>[vector<16xi32>], vector<16xf32>,
      %broadcast_in_dim3A_590 = arith.constant 11 : i32
      %broadcast_in_dim3A_591 = vector.broadcast %broadcast_in_dim3A_590 : i32 to vector<16xi32>
      %gt3A_592 = arith.cmpf ogt, %gather3A_589, %select_n3A_544 : vector<16xf32>
      %select_n3A_593 = arith.select %gt3A_592, %gather3A_589, %select_n3A_544 : vector<16xi1>, vector<16xf32>
      %select_n3A_594 = arith.select %gt3A_592, %select_n3A_544, %gather3A_589 : vector<16xi1>, vector<16xf32>
      %select_n3A_595 = arith.select %gt3A_592, %broadcast_in_dim3A_591, %select_n3A_546 : vector<16xi1>, vector<16xi32>
      %select_n3A_596 = arith.select %gt3A_592, %select_n3A_546, %broadcast_in_dim3A_591 : vector<16xi1>, vector<16xi32>
      %gt3A_597 = arith.cmpf ogt, %select_n3A_594, %select_n3A_549 : vector<16xf32>
      %select_n3A_598 = arith.select %gt3A_597, %select_n3A_594, %select_n3A_549 : vector<16xi1>, vector<16xf32>
      %select_n3A_599 = arith.select %gt3A_597, %select_n3A_549, %select_n3A_594 : vector<16xi1>, vector<16xf32>
      %select_n3A_600 = arith.select %gt3A_597, %select_n3A_596, %select_n3A_551 : vector<16xi1>, vector<16xi32>
      %select_n3A_601 = arith.select %gt3A_597, %select_n3A_551, %select_n3A_596 : vector<16xi1>, vector<16xi32>
      %gt3A_602 = arith.cmpf ogt, %select_n3A_599, %select_n3A_554 : vector<16xf32>
      %select_n3A_603 = arith.select %gt3A_602, %select_n3A_599, %select_n3A_554 : vector<16xi1>, vector<16xf32>
      %select_n3A_604 = arith.select %gt3A_602, %select_n3A_554, %select_n3A_599 : vector<16xi1>, vector<16xf32>
      %select_n3A_605 = arith.select %gt3A_602, %select_n3A_601, %select_n3A_556 : vector<16xi1>, vector<16xi32>
      %select_n3A_606 = arith.select %gt3A_602, %select_n3A_556, %select_n3A_601 : vector<16xi1>, vector<16xi32>
      %gt3A_607 = arith.cmpf ogt, %select_n3A_604, %select_n3A_559 : vector<16xf32>
      %select_n3A_608 = arith.select %gt3A_607, %select_n3A_604, %select_n3A_559 : vector<16xi1>, vector<16xf32>
      %select_n3A_609 = arith.select %gt3A_607, %select_n3A_559, %select_n3A_604 : vector<16xi1>, vector<16xf32>
      %select_n3A_610 = arith.select %gt3A_607, %select_n3A_606, %select_n3A_561 : vector<16xi1>, vector<16xi32>
      %select_n3A_611 = arith.select %gt3A_607, %select_n3A_561, %select_n3A_606 : vector<16xi1>, vector<16xi32>
      %gt3A_612 = arith.cmpf ogt, %select_n3A_609, %select_n3A_564 : vector<16xf32>
      %select_n3A_613 = arith.select %gt3A_612, %select_n3A_609, %select_n3A_564 : vector<16xi1>, vector<16xf32>
      %select_n3A_614 = arith.select %gt3A_612, %select_n3A_564, %select_n3A_609 : vector<16xi1>, vector<16xf32>
      %select_n3A_615 = arith.select %gt3A_612, %select_n3A_611, %select_n3A_566 : vector<16xi1>, vector<16xi32>
      %select_n3A_616 = arith.select %gt3A_612, %select_n3A_566, %select_n3A_611 : vector<16xi1>, vector<16xi32>
      %gt3A_617 = arith.cmpf ogt, %select_n3A_614, %select_n3A_569 : vector<16xf32>
      %select_n3A_618 = arith.select %gt3A_617, %select_n3A_614, %select_n3A_569 : vector<16xi1>, vector<16xf32>
      %select_n3A_619 = arith.select %gt3A_617, %select_n3A_569, %select_n3A_614 : vector<16xi1>, vector<16xf32>
      %select_n3A_620 = arith.select %gt3A_617, %select_n3A_616, %select_n3A_571 : vector<16xi1>, vector<16xi32>
      %select_n3A_621 = arith.select %gt3A_617, %select_n3A_571, %select_n3A_616 : vector<16xi1>, vector<16xi32>
      %gt3A_622 = arith.cmpf ogt, %select_n3A_619, %select_n3A_574 : vector<16xf32>
      %select_n3A_623 = arith.select %gt3A_622, %select_n3A_619, %select_n3A_574 : vector<16xi1>, vector<16xf32>
      %select_n3A_624 = arith.select %gt3A_622, %select_n3A_574, %select_n3A_619 : vector<16xi1>, vector<16xf32>
      %select_n3A_625 = arith.select %gt3A_622, %select_n3A_621, %select_n3A_576 : vector<16xi1>, vector<16xi32>
      %select_n3A_626 = arith.select %gt3A_622, %select_n3A_576, %select_n3A_621 : vector<16xi1>, vector<16xi32>
      %gt3A_627 = arith.cmpf ogt, %select_n3A_624, %select_n3A_579 : vector<16xf32>
      %select_n3A_628 = arith.select %gt3A_627, %select_n3A_624, %select_n3A_579 : vector<16xi1>, vector<16xf32>
      %select_n3A_629 = arith.select %gt3A_627, %select_n3A_579, %select_n3A_624 : vector<16xi1>, vector<16xf32>
      %select_n3A_630 = arith.select %gt3A_627, %select_n3A_626, %select_n3A_581 : vector<16xi1>, vector<16xi32>
      %select_n3A_631 = arith.select %gt3A_627, %select_n3A_581, %select_n3A_626 : vector<16xi1>, vector<16xi32>
      %mul3A_632 = arith.constant 64 : i32
      %mul3A_633 = vector.broadcast %mul3A_632 : i32 to vector<16xi32>
      %mul3A_634 = arith.muli %iota3A, %mul3A_633 : vector<16xi32>
      %add3A_635 = arith.constant 12 : i32
      %add3A_636 = vector.broadcast %add3A_635 : i32 to vector<16xi32>
      %add3A_637 = arith.addi %mul3A_634, %add3A_636 : vector<16xi32>
      %gather3A_638 = tpu.vector_load_idx %arg5[%add3A_637] : memref<1024xf32, #tpu.memory_space<vmem>>[vector<16xi32>], vector<16xf32>,
      %broadcast_in_dim3A_639 = arith.constant 12 : i32
      %broadcast_in_dim3A_640 = vector.broadcast %broadcast_in_dim3A_639 : i32 to vector<16xi32>
      %gt3A_641 = arith.cmpf ogt, %gather3A_638, %select_n3A_593 : vector<16xf32>
      %select_n3A_642 = arith.select %gt3A_641, %gather3A_638, %select_n3A_593 : vector<16xi1>, vector<16xf32>
      %select_n3A_643 = arith.select %gt3A_641, %select_n3A_593, %gather3A_638 : vector<16xi1>, vector<16xf32>
      %select_n3A_644 = arith.select %gt3A_641, %broadcast_in_dim3A_640, %select_n3A_595 : vector<16xi1>, vector<16xi32>
      %select_n3A_645 = arith.select %gt3A_641, %select_n3A_595, %broadcast_in_dim3A_640 : vector<16xi1>, vector<16xi32>
      %gt3A_646 = arith.cmpf ogt, %select_n3A_643, %select_n3A_598 : vector<16xf32>
      %select_n3A_647 = arith.select %gt3A_646, %select_n3A_643, %select_n3A_598 : vector<16xi1>, vector<16xf32>
      %select_n3A_648 = arith.select %gt3A_646, %select_n3A_598, %select_n3A_643 : vector<16xi1>, vector<16xf32>
      %select_n3A_649 = arith.select %gt3A_646, %select_n3A_645, %select_n3A_600 : vector<16xi1>, vector<16xi32>
      %select_n3A_650 = arith.select %gt3A_646, %select_n3A_600, %select_n3A_645 : vector<16xi1>, vector<16xi32>
      %gt3A_651 = arith.cmpf ogt, %select_n3A_648, %select_n3A_603 : vector<16xf32>
      %select_n3A_652 = arith.select %gt3A_651, %select_n3A_648, %select_n3A_603 : vector<16xi1>, vector<16xf32>
      %select_n3A_653 = arith.select %gt3A_651, %select_n3A_603, %select_n3A_648 : vector<16xi1>, vector<16xf32>
      %select_n3A_654 = arith.select %gt3A_651, %select_n3A_650, %select_n3A_605 : vector<16xi1>, vector<16xi32>
      %select_n3A_655 = arith.select %gt3A_651, %select_n3A_605, %select_n3A_650 : vector<16xi1>, vector<16xi32>
      %gt3A_656 = arith.cmpf ogt, %select_n3A_653, %select_n3A_608 : vector<16xf32>
      %select_n3A_657 = arith.select %gt3A_656, %select_n3A_653, %select_n3A_608 : vector<16xi1>, vector<16xf32>
      %select_n3A_658 = arith.select %gt3A_656, %select_n3A_608, %select_n3A_653 : vector<16xi1>, vector<16xf32>
      %select_n3A_659 = arith.select %gt3A_656, %select_n3A_655, %select_n3A_610 : vector<16xi1>, vector<16xi32>
      %select_n3A_660 = arith.select %gt3A_656, %select_n3A_610, %select_n3A_655 : vector<16xi1>, vector<16xi32>
      %gt3A_661 = arith.cmpf ogt, %select_n3A_658, %select_n3A_613 : vector<16xf32>
      %select_n3A_662 = arith.select %gt3A_661, %select_n3A_658, %select_n3A_613 : vector<16xi1>, vector<16xf32>
      %select_n3A_663 = arith.select %gt3A_661, %select_n3A_613, %select_n3A_658 : vector<16xi1>, vector<16xf32>
      %select_n3A_664 = arith.select %gt3A_661, %select_n3A_660, %select_n3A_615 : vector<16xi1>, vector<16xi32>
      %select_n3A_665 = arith.select %gt3A_661, %select_n3A_615, %select_n3A_660 : vector<16xi1>, vector<16xi32>
      %gt3A_666 = arith.cmpf ogt, %select_n3A_663, %select_n3A_618 : vector<16xf32>
      %select_n3A_667 = arith.select %gt3A_666, %select_n3A_663, %select_n3A_618 : vector<16xi1>, vector<16xf32>
      %select_n3A_668 = arith.select %gt3A_666, %select_n3A_618, %select_n3A_663 : vector<16xi1>, vector<16xf32>
      %select_n3A_669 = arith.select %gt3A_666, %select_n3A_665, %select_n3A_620 : vector<16xi1>, vector<16xi32>
      %select_n3A_670 = arith.select %gt3A_666, %select_n3A_620, %select_n3A_665 : vector<16xi1>, vector<16xi32>
      %gt3A_671 = arith.cmpf ogt, %select_n3A_668, %select_n3A_623 : vector<16xf32>
      %select_n3A_672 = arith.select %gt3A_671, %select_n3A_668, %select_n3A_623 : vector<16xi1>, vector<16xf32>
      %select_n3A_673 = arith.select %gt3A_671, %select_n3A_623, %select_n3A_668 : vector<16xi1>, vector<16xf32>
      %select_n3A_674 = arith.select %gt3A_671, %select_n3A_670, %select_n3A_625 : vector<16xi1>, vector<16xi32>
      %select_n3A_675 = arith.select %gt3A_671, %select_n3A_625, %select_n3A_670 : vector<16xi1>, vector<16xi32>
      %gt3A_676 = arith.cmpf ogt, %select_n3A_673, %select_n3A_628 : vector<16xf32>
      %select_n3A_677 = arith.select %gt3A_676, %select_n3A_673, %select_n3A_628 : vector<16xi1>, vector<16xf32>
      %select_n3A_678 = arith.select %gt3A_676, %select_n3A_628, %select_n3A_673 : vector<16xi1>, vector<16xf32>
      %select_n3A_679 = arith.select %gt3A_676, %select_n3A_675, %select_n3A_630 : vector<16xi1>, vector<16xi32>
      %select_n3A_680 = arith.select %gt3A_676, %select_n3A_630, %select_n3A_675 : vector<16xi1>, vector<16xi32>
      %mul3A_681 = arith.constant 64 : i32
      %mul3A_682 = vector.broadcast %mul3A_681 : i32 to vector<16xi32>
      %mul3A_683 = arith.muli %iota3A, %mul3A_682 : vector<16xi32>
      %add3A_684 = arith.constant 13 : i32
      %add3A_685 = vector.broadcast %add3A_684 : i32 to vector<16xi32>
      %add3A_686 = arith.addi %mul3A_683, %add3A_685 : vector<16xi32>
      %gather3A_687 = tpu.vector_load_idx %arg5[%add3A_686] : memref<1024xf32, #tpu.memory_space<vmem>>[vector<16xi32>], vector<16xf32>,
      %broadcast_in_dim3A_688 = arith.constant 13 : i32
      %broadcast_in_dim3A_689 = vector.broadcast %broadcast_in_dim3A_688 : i32 to vector<16xi32>
      %gt3A_690 = arith.cmpf ogt, %gather3A_687, %select_n3A_642 : vector<16xf32>
      %select_n3A_691 = arith.select %gt3A_690, %gather3A_687, %select_n3A_642 : vector<16xi1>, vector<16xf32>
      %select_n3A_692 = arith.select %gt3A_690, %select_n3A_642, %gather3A_687 : vector<16xi1>, vector<16xf32>
      %select_n3A_693 = arith.select %gt3A_690, %broadcast_in_dim3A_689, %select_n3A_644 : vector<16xi1>, vector<16xi32>
      %select_n3A_694 = arith.select %gt3A_690, %select_n3A_644, %broadcast_in_dim3A_689 : vector<16xi1>, vector<16xi32>
      %gt3A_695 = arith.cmpf ogt, %select_n3A_692, %select_n3A_647 : vector<16xf32>
      %select_n3A_696 = arith.select %gt3A_695, %select_n3A_692, %select_n3A_647 : vector<16xi1>, vector<16xf32>
      %select_n3A_697 = arith.select %gt3A_695, %select_n3A_647, %select_n3A_692 : vector<16xi1>, vector<16xf32>
      %select_n3A_698 = arith.select %gt3A_695, %select_n3A_694, %select_n3A_649 : vector<16xi1>, vector<16xi32>
      %select_n3A_699 = arith.select %gt3A_695, %select_n3A_649, %select_n3A_694 : vector<16xi1>, vector<16xi32>
      %gt3A_700 = arith.cmpf ogt, %select_n3A_697, %select_n3A_652 : vector<16xf32>
      %select_n3A_701 = arith.select %gt3A_700, %select_n3A_697, %select_n3A_652 : vector<16xi1>, vector<16xf32>
      %select_n3A_702 = arith.select %gt3A_700, %select_n3A_652, %select_n3A_697 : vector<16xi1>, vector<16xf32>
      %select_n3A_703 = arith.select %gt3A_700, %select_n3A_699, %select_n3A_654 : vector<16xi1>, vector<16xi32>
      %select_n3A_704 = arith.select %gt3A_700, %select_n3A_654, %select_n3A_699 : vector<16xi1>, vector<16xi32>
      %gt3A_705 = arith.cmpf ogt, %select_n3A_702, %select_n3A_657 : vector<16xf32>
      %select_n3A_706 = arith.select %gt3A_705, %select_n3A_702, %select_n3A_657 : vector<16xi1>, vector<16xf32>
      %select_n3A_707 = arith.select %gt3A_705, %select_n3A_657, %select_n3A_702 : vector<16xi1>, vector<16xf32>
      %select_n3A_708 = arith.select %gt3A_705, %select_n3A_704, %select_n3A_659 : vector<16xi1>, vector<16xi32>
      %select_n3A_709 = arith.select %gt3A_705, %select_n3A_659, %select_n3A_704 : vector<16xi1>, vector<16xi32>
      %gt3A_710 = arith.cmpf ogt, %select_n3A_707, %select_n3A_662 : vector<16xf32>
      %select_n3A_711 = arith.select %gt3A_710, %select_n3A_707, %select_n3A_662 : vector<16xi1>, vector<16xf32>
      %select_n3A_712 = arith.select %gt3A_710, %select_n3A_662, %select_n3A_707 : vector<16xi1>, vector<16xf32>
      %select_n3A_713 = arith.select %gt3A_710, %select_n3A_709, %select_n3A_664 : vector<16xi1>, vector<16xi32>
      %select_n3A_714 = arith.select %gt3A_710, %select_n3A_664, %select_n3A_709 : vector<16xi1>, vector<16xi32>
      %gt3A_715 = arith.cmpf ogt, %select_n3A_712, %select_n3A_667 : vector<16xf32>
      %select_n3A_716 = arith.select %gt3A_715, %select_n3A_712, %select_n3A_667 : vector<16xi1>, vector<16xf32>
      %select_n3A_717 = arith.select %gt3A_715, %select_n3A_667, %select_n3A_712 : vector<16xi1>, vector<16xf32>
      %select_n3A_718 = arith.select %gt3A_715, %select_n3A_714, %select_n3A_669 : vector<16xi1>, vector<16xi32>
      %select_n3A_719 = arith.select %gt3A_715, %select_n3A_669, %select_n3A_714 : vector<16xi1>, vector<16xi32>
      %gt3A_720 = arith.cmpf ogt, %select_n3A_717, %select_n3A_672 : vector<16xf32>
      %select_n3A_721 = arith.select %gt3A_720, %select_n3A_717, %select_n3A_672 : vector<16xi1>, vector<16xf32>
      %select_n3A_722 = arith.select %gt3A_720, %select_n3A_672, %select_n3A_717 : vector<16xi1>, vector<16xf32>
      %select_n3A_723 = arith.select %gt3A_720, %select_n3A_719, %select_n3A_674 : vector<16xi1>, vector<16xi32>
      %select_n3A_724 = arith.select %gt3A_720, %select_n3A_674, %select_n3A_719 : vector<16xi1>, vector<16xi32>
      %gt3A_725 = arith.cmpf ogt, %select_n3A_722, %select_n3A_677 : vector<16xf32>
      %select_n3A_726 = arith.select %gt3A_725, %select_n3A_722, %select_n3A_677 : vector<16xi1>, vector<16xf32>
      %select_n3A_727 = arith.select %gt3A_725, %select_n3A_677, %select_n3A_722 : vector<16xi1>, vector<16xf32>
      %select_n3A_728 = arith.select %gt3A_725, %select_n3A_724, %select_n3A_679 : vector<16xi1>, vector<16xi32>
      %select_n3A_729 = arith.select %gt3A_725, %select_n3A_679, %select_n3A_724 : vector<16xi1>, vector<16xi32>
      %mul3A_730 = arith.constant 64 : i32
      %mul3A_731 = vector.broadcast %mul3A_730 : i32 to vector<16xi32>
      %mul3A_732 = arith.muli %iota3A, %mul3A_731 : vector<16xi32>
      %add3A_733 = arith.constant 14 : i32
      %add3A_734 = vector.broadcast %add3A_733 : i32 to vector<16xi32>
      %add3A_735 = arith.addi %mul3A_732, %add3A_734 : vector<16xi32>
      %gather3A_736 = tpu.vector_load_idx %arg5[%add3A_735] : memref<1024xf32, #tpu.memory_space<vmem>>[vector<16xi32>], vector<16xf32>,
      %broadcast_in_dim3A_737 = arith.constant 14 : i32
      %broadcast_in_dim3A_738 = vector.broadcast %broadcast_in_dim3A_737 : i32 to vector<16xi32>
      %gt3A_739 = arith.cmpf ogt, %gather3A_736, %select_n3A_691 : vector<16xf32>
      %select_n3A_740 = arith.select %gt3A_739, %gather3A_736, %select_n3A_691 : vector<16xi1>, vector<16xf32>
      %select_n3A_741 = arith.select %gt3A_739, %select_n3A_691, %gather3A_736 : vector<16xi1>, vector<16xf32>
      %select_n3A_742 = arith.select %gt3A_739, %broadcast_in_dim3A_738, %select_n3A_693 : vector<16xi1>, vector<16xi32>
      %select_n3A_743 = arith.select %gt3A_739, %select_n3A_693, %broadcast_in_dim3A_738 : vector<16xi1>, vector<16xi32>
      %gt3A_744 = arith.cmpf ogt, %select_n3A_741, %select_n3A_696 : vector<16xf32>
      %select_n3A_745 = arith.select %gt3A_744, %select_n3A_741, %select_n3A_696 : vector<16xi1>, vector<16xf32>
      %select_n3A_746 = arith.select %gt3A_744, %select_n3A_696, %select_n3A_741 : vector<16xi1>, vector<16xf32>
      %select_n3A_747 = arith.select %gt3A_744, %select_n3A_743, %select_n3A_698 : vector<16xi1>, vector<16xi32>
      %select_n3A_748 = arith.select %gt3A_744, %select_n3A_698, %select_n3A_743 : vector<16xi1>, vector<16xi32>
      %gt3A_749 = arith.cmpf ogt, %select_n3A_746, %select_n3A_701 : vector<16xf32>
      %select_n3A_750 = arith.select %gt3A_749, %select_n3A_746, %select_n3A_701 : vector<16xi1>, vector<16xf32>
      %select_n3A_751 = arith.select %gt3A_749, %select_n3A_701, %select_n3A_746 : vector<16xi1>, vector<16xf32>
      %select_n3A_752 = arith.select %gt3A_749, %select_n3A_748, %select_n3A_703 : vector<16xi1>, vector<16xi32>
      %select_n3A_753 = arith.select %gt3A_749, %select_n3A_703, %select_n3A_748 : vector<16xi1>, vector<16xi32>
      %gt3A_754 = arith.cmpf ogt, %select_n3A_751, %select_n3A_706 : vector<16xf32>
      %select_n3A_755 = arith.select %gt3A_754, %select_n3A_751, %select_n3A_706 : vector<16xi1>, vector<16xf32>
      %select_n3A_756 = arith.select %gt3A_754, %select_n3A_706, %select_n3A_751 : vector<16xi1>, vector<16xf32>
      %select_n3A_757 = arith.select %gt3A_754, %select_n3A_753, %select_n3A_708 : vector<16xi1>, vector<16xi32>
      %select_n3A_758 = arith.select %gt3A_754, %select_n3A_708, %select_n3A_753 : vector<16xi1>, vector<16xi32>
      %gt3A_759 = arith.cmpf ogt, %select_n3A_756, %select_n3A_711 : vector<16xf32>
      %select_n3A_760 = arith.select %gt3A_759, %select_n3A_756, %select_n3A_711 : vector<16xi1>, vector<16xf32>
      %select_n3A_761 = arith.select %gt3A_759, %select_n3A_711, %select_n3A_756 : vector<16xi1>, vector<16xf32>
      %select_n3A_762 = arith.select %gt3A_759, %select_n3A_758, %select_n3A_713 : vector<16xi1>, vector<16xi32>
      %select_n3A_763 = arith.select %gt3A_759, %select_n3A_713, %select_n3A_758 : vector<16xi1>, vector<16xi32>
      %gt3A_764 = arith.cmpf ogt, %select_n3A_761, %select_n3A_716 : vector<16xf32>
      %select_n3A_765 = arith.select %gt3A_764, %select_n3A_761, %select_n3A_716 : vector<16xi1>, vector<16xf32>
      %select_n3A_766 = arith.select %gt3A_764, %select_n3A_716, %select_n3A_761 : vector<16xi1>, vector<16xf32>
      %select_n3A_767 = arith.select %gt3A_764, %select_n3A_763, %select_n3A_718 : vector<16xi1>, vector<16xi32>
      %select_n3A_768 = arith.select %gt3A_764, %select_n3A_718, %select_n3A_763 : vector<16xi1>, vector<16xi32>
      %gt3A_769 = arith.cmpf ogt, %select_n3A_766, %select_n3A_721 : vector<16xf32>
      %select_n3A_770 = arith.select %gt3A_769, %select_n3A_766, %select_n3A_721 : vector<16xi1>, vector<16xf32>
      %select_n3A_771 = arith.select %gt3A_769, %select_n3A_721, %select_n3A_766 : vector<16xi1>, vector<16xf32>
      %select_n3A_772 = arith.select %gt3A_769, %select_n3A_768, %select_n3A_723 : vector<16xi1>, vector<16xi32>
      %select_n3A_773 = arith.select %gt3A_769, %select_n3A_723, %select_n3A_768 : vector<16xi1>, vector<16xi32>
      %gt3A_774 = arith.cmpf ogt, %select_n3A_771, %select_n3A_726 : vector<16xf32>
      %select_n3A_775 = arith.select %gt3A_774, %select_n3A_771, %select_n3A_726 : vector<16xi1>, vector<16xf32>
      %select_n3A_776 = arith.select %gt3A_774, %select_n3A_726, %select_n3A_771 : vector<16xi1>, vector<16xf32>
      %select_n3A_777 = arith.select %gt3A_774, %select_n3A_773, %select_n3A_728 : vector<16xi1>, vector<16xi32>
      %select_n3A_778 = arith.select %gt3A_774, %select_n3A_728, %select_n3A_773 : vector<16xi1>, vector<16xi32>
      %mul3A_779 = arith.constant 64 : i32
      %mul3A_780 = vector.broadcast %mul3A_779 : i32 to vector<16xi32>
      %mul3A_781 = arith.muli %iota3A, %mul3A_780 : vector<16xi32>
      %add3A_782 = arith.constant 15 : i32
      %add3A_783 = vector.broadcast %add3A_782 : i32 to vector<16xi32>
      %add3A_784 = arith.addi %mul3A_781, %add3A_783 : vector<16xi32>
      %gather3A_785 = tpu.vector_load_idx %arg5[%add3A_784] : memref<1024xf32, #tpu.memory_space<vmem>>[vector<16xi32>], vector<16xf32>,
      %broadcast_in_dim3A_786 = arith.constant 15 : i32
      %broadcast_in_dim3A_787 = vector.broadcast %broadcast_in_dim3A_786 : i32 to vector<16xi32>
      %gt3A_788 = arith.cmpf ogt, %gather3A_785, %select_n3A_740 : vector<16xf32>
      %select_n3A_789 = arith.select %gt3A_788, %gather3A_785, %select_n3A_740 : vector<16xi1>, vector<16xf32>
      %select_n3A_790 = arith.select %gt3A_788, %select_n3A_740, %gather3A_785 : vector<16xi1>, vector<16xf32>
      %select_n3A_791 = arith.select %gt3A_788, %broadcast_in_dim3A_787, %select_n3A_742 : vector<16xi1>, vector<16xi32>
      %select_n3A_792 = arith.select %gt3A_788, %select_n3A_742, %broadcast_in_dim3A_787 : vector<16xi1>, vector<16xi32>
      %gt3A_793 = arith.cmpf ogt, %select_n3A_790, %select_n3A_745 : vector<16xf32>
      %select_n3A_794 = arith.select %gt3A_793, %select_n3A_790, %select_n3A_745 : vector<16xi1>, vector<16xf32>
      %select_n3A_795 = arith.select %gt3A_793, %select_n3A_745, %select_n3A_790 : vector<16xi1>, vector<16xf32>
      %select_n3A_796 = arith.select %gt3A_793, %select_n3A_792, %select_n3A_747 : vector<16xi1>, vector<16xi32>
      %select_n3A_797 = arith.select %gt3A_793, %select_n3A_747, %select_n3A_792 : vector<16xi1>, vector<16xi32>
      %gt3A_798 = arith.cmpf ogt, %select_n3A_795, %select_n3A_750 : vector<16xf32>
      %select_n3A_799 = arith.select %gt3A_798, %select_n3A_795, %select_n3A_750 : vector<16xi1>, vector<16xf32>
      %select_n3A_800 = arith.select %gt3A_798, %select_n3A_750, %select_n3A_795 : vector<16xi1>, vector<16xf32>
      %select_n3A_801 = arith.select %gt3A_798, %select_n3A_797, %select_n3A_752 : vector<16xi1>, vector<16xi32>
      %select_n3A_802 = arith.select %gt3A_798, %select_n3A_752, %select_n3A_797 : vector<16xi1>, vector<16xi32>
      %gt3A_803 = arith.cmpf ogt, %select_n3A_800, %select_n3A_755 : vector<16xf32>
      %select_n3A_804 = arith.select %gt3A_803, %select_n3A_800, %select_n3A_755 : vector<16xi1>, vector<16xf32>
      %select_n3A_805 = arith.select %gt3A_803, %select_n3A_755, %select_n3A_800 : vector<16xi1>, vector<16xf32>
      %select_n3A_806 = arith.select %gt3A_803, %select_n3A_802, %select_n3A_757 : vector<16xi1>, vector<16xi32>
      %select_n3A_807 = arith.select %gt3A_803, %select_n3A_757, %select_n3A_802 : vector<16xi1>, vector<16xi32>
      %gt3A_808 = arith.cmpf ogt, %select_n3A_805, %select_n3A_760 : vector<16xf32>
      %select_n3A_809 = arith.select %gt3A_808, %select_n3A_805, %select_n3A_760 : vector<16xi1>, vector<16xf32>
      %select_n3A_810 = arith.select %gt3A_808, %select_n3A_760, %select_n3A_805 : vector<16xi1>, vector<16xf32>
      %select_n3A_811 = arith.select %gt3A_808, %select_n3A_807, %select_n3A_762 : vector<16xi1>, vector<16xi32>
      %select_n3A_812 = arith.select %gt3A_808, %select_n3A_762, %select_n3A_807 : vector<16xi1>, vector<16xi32>
      %gt3A_813 = arith.cmpf ogt, %select_n3A_810, %select_n3A_765 : vector<16xf32>
      %select_n3A_814 = arith.select %gt3A_813, %select_n3A_810, %select_n3A_765 : vector<16xi1>, vector<16xf32>
      %select_n3A_815 = arith.select %gt3A_813, %select_n3A_765, %select_n3A_810 : vector<16xi1>, vector<16xf32>
      %select_n3A_816 = arith.select %gt3A_813, %select_n3A_812, %select_n3A_767 : vector<16xi1>, vector<16xi32>
      %select_n3A_817 = arith.select %gt3A_813, %select_n3A_767, %select_n3A_812 : vector<16xi1>, vector<16xi32>
      %gt3A_818 = arith.cmpf ogt, %select_n3A_815, %select_n3A_770 : vector<16xf32>
      %select_n3A_819 = arith.select %gt3A_818, %select_n3A_815, %select_n3A_770 : vector<16xi1>, vector<16xf32>
      %select_n3A_820 = arith.select %gt3A_818, %select_n3A_770, %select_n3A_815 : vector<16xi1>, vector<16xf32>
      %select_n3A_821 = arith.select %gt3A_818, %select_n3A_817, %select_n3A_772 : vector<16xi1>, vector<16xi32>
      %select_n3A_822 = arith.select %gt3A_818, %select_n3A_772, %select_n3A_817 : vector<16xi1>, vector<16xi32>
      %gt3A_823 = arith.cmpf ogt, %select_n3A_820, %select_n3A_775 : vector<16xf32>
      %select_n3A_824 = arith.select %gt3A_823, %select_n3A_820, %select_n3A_775 : vector<16xi1>, vector<16xf32>
      %select_n3A_825 = arith.select %gt3A_823, %select_n3A_775, %select_n3A_820 : vector<16xi1>, vector<16xf32>
      %select_n3A_826 = arith.select %gt3A_823, %select_n3A_822, %select_n3A_777 : vector<16xi1>, vector<16xi32>
      %select_n3A_827 = arith.select %gt3A_823, %select_n3A_777, %select_n3A_822 : vector<16xi1>, vector<16xi32>
      %mul3A_828 = arith.constant 64 : i32
      %mul3A_829 = vector.broadcast %mul3A_828 : i32 to vector<16xi32>
      %mul3A_830 = arith.muli %iota3A, %mul3A_829 : vector<16xi32>
      %add3A_831 = arith.constant 16 : i32
      %add3A_832 = vector.broadcast %add3A_831 : i32 to vector<16xi32>
      %add3A_833 = arith.addi %mul3A_830, %add3A_832 : vector<16xi32>
      %gather3A_834 = tpu.vector_load_idx %arg5[%add3A_833] : memref<1024xf32, #tpu.memory_space<vmem>>[vector<16xi32>], vector<16xf32>,
      %broadcast_in_dim3A_835 = arith.constant 16 : i32
      %broadcast_in_dim3A_836 = vector.broadcast %broadcast_in_dim3A_835 : i32 to vector<16xi32>
      %gt3A_837 = arith.cmpf ogt, %gather3A_834, %select_n3A_789 : vector<16xf32>
      %select_n3A_838 = arith.select %gt3A_837, %gather3A_834, %select_n3A_789 : vector<16xi1>, vector<16xf32>
      %select_n3A_839 = arith.select %gt3A_837, %select_n3A_789, %gather3A_834 : vector<16xi1>, vector<16xf32>
      %select_n3A_840 = arith.select %gt3A_837, %broadcast_in_dim3A_836, %select_n3A_791 : vector<16xi1>, vector<16xi32>
      %select_n3A_841 = arith.select %gt3A_837, %select_n3A_791, %broadcast_in_dim3A_836 : vector<16xi1>, vector<16xi32>
      %gt3A_842 = arith.cmpf ogt, %select_n3A_839, %select_n3A_794 : vector<16xf32>
      %select_n3A_843 = arith.select %gt3A_842, %select_n3A_839, %select_n3A_794 : vector<16xi1>, vector<16xf32>
      %select_n3A_844 = arith.select %gt3A_842, %select_n3A_794, %select_n3A_839 : vector<16xi1>, vector<16xf32>
      %select_n3A_845 = arith.select %gt3A_842, %select_n3A_841, %select_n3A_796 : vector<16xi1>, vector<16xi32>
      %select_n3A_846 = arith.select %gt3A_842, %select_n3A_796, %select_n3A_841 : vector<16xi1>, vector<16xi32>
      %gt3A_847 = arith.cmpf ogt, %select_n3A_844, %select_n3A_799 : vector<16xf32>
      %select_n3A_848 = arith.select %gt3A_847, %select_n3A_844, %select_n3A_799 : vector<16xi1>, vector<16xf32>
      %select_n3A_849 = arith.select %gt3A_847, %select_n3A_799, %select_n3A_844 : vector<16xi1>, vector<16xf32>
      %select_n3A_850 = arith.select %gt3A_847, %select_n3A_846, %select_n3A_801 : vector<16xi1>, vector<16xi32>
      %select_n3A_851 = arith.select %gt3A_847, %select_n3A_801, %select_n3A_846 : vector<16xi1>, vector<16xi32>
      %gt3A_852 = arith.cmpf ogt, %select_n3A_849, %select_n3A_804 : vector<16xf32>
      %select_n3A_853 = arith.select %gt3A_852, %select_n3A_849, %select_n3A_804 : vector<16xi1>, vector<16xf32>
      %select_n3A_854 = arith.select %gt3A_852, %select_n3A_804, %select_n3A_849 : vector<16xi1>, vector<16xf32>
      %select_n3A_855 = arith.select %gt3A_852, %select_n3A_851, %select_n3A_806 : vector<16xi1>, vector<16xi32>
      %select_n3A_856 = arith.select %gt3A_852, %select_n3A_806, %select_n3A_851 : vector<16xi1>, vector<16xi32>
      %gt3A_857 = arith.cmpf ogt, %select_n3A_854, %select_n3A_809 : vector<16xf32>
      %select_n3A_858 = arith.select %gt3A_857, %select_n3A_854, %select_n3A_809 : vector<16xi1>, vector<16xf32>
      %select_n3A_859 = arith.select %gt3A_857, %select_n3A_809, %select_n3A_854 : vector<16xi1>, vector<16xf32>
      %select_n3A_860 = arith.select %gt3A_857, %select_n3A_856, %select_n3A_811 : vector<16xi1>, vector<16xi32>
      %select_n3A_861 = arith.select %gt3A_857, %select_n3A_811, %select_n3A_856 : vector<16xi1>, vector<16xi32>
      %gt3A_862 = arith.cmpf ogt, %select_n3A_859, %select_n3A_814 : vector<16xf32>
      %select_n3A_863 = arith.select %gt3A_862, %select_n3A_859, %select_n3A_814 : vector<16xi1>, vector<16xf32>
      %select_n3A_864 = arith.select %gt3A_862, %select_n3A_814, %select_n3A_859 : vector<16xi1>, vector<16xf32>
      %select_n3A_865 = arith.select %gt3A_862, %select_n3A_861, %select_n3A_816 : vector<16xi1>, vector<16xi32>
      %select_n3A_866 = arith.select %gt3A_862, %select_n3A_816, %select_n3A_861 : vector<16xi1>, vector<16xi32>
      %gt3A_867 = arith.cmpf ogt, %select_n3A_864, %select_n3A_819 : vector<16xf32>
      %select_n3A_868 = arith.select %gt3A_867, %select_n3A_864, %select_n3A_819 : vector<16xi1>, vector<16xf32>
      %select_n3A_869 = arith.select %gt3A_867, %select_n3A_819, %select_n3A_864 : vector<16xi1>, vector<16xf32>
      %select_n3A_870 = arith.select %gt3A_867, %select_n3A_866, %select_n3A_821 : vector<16xi1>, vector<16xi32>
      %select_n3A_871 = arith.select %gt3A_867, %select_n3A_821, %select_n3A_866 : vector<16xi1>, vector<16xi32>
      %gt3A_872 = arith.cmpf ogt, %select_n3A_869, %select_n3A_824 : vector<16xf32>
      %select_n3A_873 = arith.select %gt3A_872, %select_n3A_869, %select_n3A_824 : vector<16xi1>, vector<16xf32>
      %select_n3A_874 = arith.select %gt3A_872, %select_n3A_824, %select_n3A_869 : vector<16xi1>, vector<16xf32>
      %select_n3A_875 = arith.select %gt3A_872, %select_n3A_871, %select_n3A_826 : vector<16xi1>, vector<16xi32>
      %select_n3A_876 = arith.select %gt3A_872, %select_n3A_826, %select_n3A_871 : vector<16xi1>, vector<16xi32>
      %mul3A_877 = arith.constant 64 : i32
      %mul3A_878 = vector.broadcast %mul3A_877 : i32 to vector<16xi32>
      %mul3A_879 = arith.muli %iota3A, %mul3A_878 : vector<16xi32>
      %add3A_880 = arith.constant 17 : i32
      %add3A_881 = vector.broadcast %add3A_880 : i32 to vector<16xi32>
      %add3A_882 = arith.addi %mul3A_879, %add3A_881 : vector<16xi32>
      %gather3A_883 = tpu.vector_load_idx %arg5[%add3A_882] : memref<1024xf32, #tpu.memory_space<vmem>>[vector<16xi32>], vector<16xf32>,
      %broadcast_in_dim3A_884 = arith.constant 17 : i32
      %broadcast_in_dim3A_885 = vector.broadcast %broadcast_in_dim3A_884 : i32 to vector<16xi32>
      %gt3A_886 = arith.cmpf ogt, %gather3A_883, %select_n3A_838 : vector<16xf32>
      %select_n3A_887 = arith.select %gt3A_886, %gather3A_883, %select_n3A_838 : vector<16xi1>, vector<16xf32>
      %select_n3A_888 = arith.select %gt3A_886, %select_n3A_838, %gather3A_883 : vector<16xi1>, vector<16xf32>
      %select_n3A_889 = arith.select %gt3A_886, %broadcast_in_dim3A_885, %select_n3A_840 : vector<16xi1>, vector<16xi32>
      %select_n3A_890 = arith.select %gt3A_886, %select_n3A_840, %broadcast_in_dim3A_885 : vector<16xi1>, vector<16xi32>
      %gt3A_891 = arith.cmpf ogt, %select_n3A_888, %select_n3A_843 : vector<16xf32>
      %select_n3A_892 = arith.select %gt3A_891, %select_n3A_888, %select_n3A_843 : vector<16xi1>, vector<16xf32>
      %select_n3A_893 = arith.select %gt3A_891, %select_n3A_843, %select_n3A_888 : vector<16xi1>, vector<16xf32>
      %select_n3A_894 = arith.select %gt3A_891, %select_n3A_890, %select_n3A_845 : vector<16xi1>, vector<16xi32>
      %select_n3A_895 = arith.select %gt3A_891, %select_n3A_845, %select_n3A_890 : vector<16xi1>, vector<16xi32>
      %gt3A_896 = arith.cmpf ogt, %select_n3A_893, %select_n3A_848 : vector<16xf32>
      %select_n3A_897 = arith.select %gt3A_896, %select_n3A_893, %select_n3A_848 : vector<16xi1>, vector<16xf32>
      %select_n3A_898 = arith.select %gt3A_896, %select_n3A_848, %select_n3A_893 : vector<16xi1>, vector<16xf32>
      %select_n3A_899 = arith.select %gt3A_896, %select_n3A_895, %select_n3A_850 : vector<16xi1>, vector<16xi32>
      %select_n3A_900 = arith.select %gt3A_896, %select_n3A_850, %select_n3A_895 : vector<16xi1>, vector<16xi32>
      %gt3A_901 = arith.cmpf ogt, %select_n3A_898, %select_n3A_853 : vector<16xf32>
      %select_n3A_902 = arith.select %gt3A_901, %select_n3A_898, %select_n3A_853 : vector<16xi1>, vector<16xf32>
      %select_n3A_903 = arith.select %gt3A_901, %select_n3A_853, %select_n3A_898 : vector<16xi1>, vector<16xf32>
      %select_n3A_904 = arith.select %gt3A_901, %select_n3A_900, %select_n3A_855 : vector<16xi1>, vector<16xi32>
      %select_n3A_905 = arith.select %gt3A_901, %select_n3A_855, %select_n3A_900 : vector<16xi1>, vector<16xi32>
      %gt3A_906 = arith.cmpf ogt, %select_n3A_903, %select_n3A_858 : vector<16xf32>
      %select_n3A_907 = arith.select %gt3A_906, %select_n3A_903, %select_n3A_858 : vector<16xi1>, vector<16xf32>
      %select_n3A_908 = arith.select %gt3A_906, %select_n3A_858, %select_n3A_903 : vector<16xi1>, vector<16xf32>
      %select_n3A_909 = arith.select %gt3A_906, %select_n3A_905, %select_n3A_860 : vector<16xi1>, vector<16xi32>
      %select_n3A_910 = arith.select %gt3A_906, %select_n3A_860, %select_n3A_905 : vector<16xi1>, vector<16xi32>
      %gt3A_911 = arith.cmpf ogt, %select_n3A_908, %select_n3A_863 : vector<16xf32>
      %select_n3A_912 = arith.select %gt3A_911, %select_n3A_908, %select_n3A_863 : vector<16xi1>, vector<16xf32>
      %select_n3A_913 = arith.select %gt3A_911, %select_n3A_863, %select_n3A_908 : vector<16xi1>, vector<16xf32>
      %select_n3A_914 = arith.select %gt3A_911, %select_n3A_910, %select_n3A_865 : vector<16xi1>, vector<16xi32>
      %select_n3A_915 = arith.select %gt3A_911, %select_n3A_865, %select_n3A_910 : vector<16xi1>, vector<16xi32>
      %gt3A_916 = arith.cmpf ogt, %select_n3A_913, %select_n3A_868 : vector<16xf32>
      %select_n3A_917 = arith.select %gt3A_916, %select_n3A_913, %select_n3A_868 : vector<16xi1>, vector<16xf32>
      %select_n3A_918 = arith.select %gt3A_916, %select_n3A_868, %select_n3A_913 : vector<16xi1>, vector<16xf32>
      %select_n3A_919 = arith.select %gt3A_916, %select_n3A_915, %select_n3A_870 : vector<16xi1>, vector<16xi32>
      %select_n3A_920 = arith.select %gt3A_916, %select_n3A_870, %select_n3A_915 : vector<16xi1>, vector<16xi32>
      %gt3A_921 = arith.cmpf ogt, %select_n3A_918, %select_n3A_873 : vector<16xf32>
      %select_n3A_922 = arith.select %gt3A_921, %select_n3A_918, %select_n3A_873 : vector<16xi1>, vector<16xf32>
      %select_n3A_923 = arith.select %gt3A_921, %select_n3A_873, %select_n3A_918 : vector<16xi1>, vector<16xf32>
      %select_n3A_924 = arith.select %gt3A_921, %select_n3A_920, %select_n3A_875 : vector<16xi1>, vector<16xi32>
      %select_n3A_925 = arith.select %gt3A_921, %select_n3A_875, %select_n3A_920 : vector<16xi1>, vector<16xi32>
      %mul3A_926 = arith.constant 64 : i32
      %mul3A_927 = vector.broadcast %mul3A_926 : i32 to vector<16xi32>
      %mul3A_928 = arith.muli %iota3A, %mul3A_927 : vector<16xi32>
      %add3A_929 = arith.constant 18 : i32
      %add3A_930 = vector.broadcast %add3A_929 : i32 to vector<16xi32>
      %add3A_931 = arith.addi %mul3A_928, %add3A_930 : vector<16xi32>
      %gather3A_932 = tpu.vector_load_idx %arg5[%add3A_931] : memref<1024xf32, #tpu.memory_space<vmem>>[vector<16xi32>], vector<16xf32>,
      %broadcast_in_dim3A_933 = arith.constant 18 : i32
      %broadcast_in_dim3A_934 = vector.broadcast %broadcast_in_dim3A_933 : i32 to vector<16xi32>
      %gt3A_935 = arith.cmpf ogt, %gather3A_932, %select_n3A_887 : vector<16xf32>
      %select_n3A_936 = arith.select %gt3A_935, %gather3A_932, %select_n3A_887 : vector<16xi1>, vector<16xf32>
      %select_n3A_937 = arith.select %gt3A_935, %select_n3A_887, %gather3A_932 : vector<16xi1>, vector<16xf32>
      %select_n3A_938 = arith.select %gt3A_935, %broadcast_in_dim3A_934, %select_n3A_889 : vector<16xi1>, vector<16xi32>
      %select_n3A_939 = arith.select %gt3A_935, %select_n3A_889, %broadcast_in_dim3A_934 : vector<16xi1>, vector<16xi32>
      %gt3A_940 = arith.cmpf ogt, %select_n3A_937, %select_n3A_892 : vector<16xf32>
      %select_n3A_941 = arith.select %gt3A_940, %select_n3A_937, %select_n3A_892 : vector<16xi1>, vector<16xf32>
      %select_n3A_942 = arith.select %gt3A_940, %select_n3A_892, %select_n3A_937 : vector<16xi1>, vector<16xf32>
      %select_n3A_943 = arith.select %gt3A_940, %select_n3A_939, %select_n3A_894 : vector<16xi1>, vector<16xi32>
      %select_n3A_944 = arith.select %gt3A_940, %select_n3A_894, %select_n3A_939 : vector<16xi1>, vector<16xi32>
      %gt3A_945 = arith.cmpf ogt, %select_n3A_942, %select_n3A_897 : vector<16xf32>
      %select_n3A_946 = arith.select %gt3A_945, %select_n3A_942, %select_n3A_897 : vector<16xi1>, vector<16xf32>
      %select_n3A_947 = arith.select %gt3A_945, %select_n3A_897, %select_n3A_942 : vector<16xi1>, vector<16xf32>
      %select_n3A_948 = arith.select %gt3A_945, %select_n3A_944, %select_n3A_899 : vector<16xi1>, vector<16xi32>
      %select_n3A_949 = arith.select %gt3A_945, %select_n3A_899, %select_n3A_944 : vector<16xi1>, vector<16xi32>
      %gt3A_950 = arith.cmpf ogt, %select_n3A_947, %select_n3A_902 : vector<16xf32>
      %select_n3A_951 = arith.select %gt3A_950, %select_n3A_947, %select_n3A_902 : vector<16xi1>, vector<16xf32>
      %select_n3A_952 = arith.select %gt3A_950, %select_n3A_902, %select_n3A_947 : vector<16xi1>, vector<16xf32>
      %select_n3A_953 = arith.select %gt3A_950, %select_n3A_949, %select_n3A_904 : vector<16xi1>, vector<16xi32>
      %select_n3A_954 = arith.select %gt3A_950, %select_n3A_904, %select_n3A_949 : vector<16xi1>, vector<16xi32>
      %gt3A_955 = arith.cmpf ogt, %select_n3A_952, %select_n3A_907 : vector<16xf32>
      %select_n3A_956 = arith.select %gt3A_955, %select_n3A_952, %select_n3A_907 : vector<16xi1>, vector<16xf32>
      %select_n3A_957 = arith.select %gt3A_955, %select_n3A_907, %select_n3A_952 : vector<16xi1>, vector<16xf32>
      %select_n3A_958 = arith.select %gt3A_955, %select_n3A_954, %select_n3A_909 : vector<16xi1>, vector<16xi32>
      %select_n3A_959 = arith.select %gt3A_955, %select_n3A_909, %select_n3A_954 : vector<16xi1>, vector<16xi32>
      %gt3A_960 = arith.cmpf ogt, %select_n3A_957, %select_n3A_912 : vector<16xf32>
      %select_n3A_961 = arith.select %gt3A_960, %select_n3A_957, %select_n3A_912 : vector<16xi1>, vector<16xf32>
      %select_n3A_962 = arith.select %gt3A_960, %select_n3A_912, %select_n3A_957 : vector<16xi1>, vector<16xf32>
      %select_n3A_963 = arith.select %gt3A_960, %select_n3A_959, %select_n3A_914 : vector<16xi1>, vector<16xi32>
      %select_n3A_964 = arith.select %gt3A_960, %select_n3A_914, %select_n3A_959 : vector<16xi1>, vector<16xi32>
      %gt3A_965 = arith.cmpf ogt, %select_n3A_962, %select_n3A_917 : vector<16xf32>
      %select_n3A_966 = arith.select %gt3A_965, %select_n3A_962, %select_n3A_917 : vector<16xi1>, vector<16xf32>
      %select_n3A_967 = arith.select %gt3A_965, %select_n3A_917, %select_n3A_962 : vector<16xi1>, vector<16xf32>
      %select_n3A_968 = arith.select %gt3A_965, %select_n3A_964, %select_n3A_919 : vector<16xi1>, vector<16xi32>
      %select_n3A_969 = arith.select %gt3A_965, %select_n3A_919, %select_n3A_964 : vector<16xi1>, vector<16xi32>
      %gt3A_970 = arith.cmpf ogt, %select_n3A_967, %select_n3A_922 : vector<16xf32>
      %select_n3A_971 = arith.select %gt3A_970, %select_n3A_967, %select_n3A_922 : vector<16xi1>, vector<16xf32>
      %select_n3A_972 = arith.select %gt3A_970, %select_n3A_922, %select_n3A_967 : vector<16xi1>, vector<16xf32>
      %select_n3A_973 = arith.select %gt3A_970, %select_n3A_969, %select_n3A_924 : vector<16xi1>, vector<16xi32>
      %select_n3A_974 = arith.select %gt3A_970, %select_n3A_924, %select_n3A_969 : vector<16xi1>, vector<16xi32>
      %mul3A_975 = arith.constant 64 : i32
      %mul3A_976 = vector.broadcast %mul3A_975 : i32 to vector<16xi32>
      %mul3A_977 = arith.muli %iota3A, %mul3A_976 : vector<16xi32>
      %add3A_978 = arith.constant 19 : i32
      %add3A_979 = vector.broadcast %add3A_978 : i32 to vector<16xi32>
      %add3A_980 = arith.addi %mul3A_977, %add3A_979 : vector<16xi32>
      %gather3A_981 = tpu.vector_load_idx %arg5[%add3A_980] : memref<1024xf32, #tpu.memory_space<vmem>>[vector<16xi32>], vector<16xf32>,
      %broadcast_in_dim3A_982 = arith.constant 19 : i32
      %broadcast_in_dim3A_983 = vector.broadcast %broadcast_in_dim3A_982 : i32 to vector<16xi32>
      %gt3A_984 = arith.cmpf ogt, %gather3A_981, %select_n3A_936 : vector<16xf32>
      %select_n3A_985 = arith.select %gt3A_984, %gather3A_981, %select_n3A_936 : vector<16xi1>, vector<16xf32>
      %select_n3A_986 = arith.select %gt3A_984, %select_n3A_936, %gather3A_981 : vector<16xi1>, vector<16xf32>
      %select_n3A_987 = arith.select %gt3A_984, %broadcast_in_dim3A_983, %select_n3A_938 : vector<16xi1>, vector<16xi32>
      %select_n3A_988 = arith.select %gt3A_984, %select_n3A_938, %broadcast_in_dim3A_983 : vector<16xi1>, vector<16xi32>
      %gt3A_989 = arith.cmpf ogt, %select_n3A_986, %select_n3A_941 : vector<16xf32>
      %select_n3A_990 = arith.select %gt3A_989, %select_n3A_986, %select_n3A_941 : vector<16xi1>, vector<16xf32>
      %select_n3A_991 = arith.select %gt3A_989, %select_n3A_941, %select_n3A_986 : vector<16xi1>, vector<16xf32>
      %select_n3A_992 = arith.select %gt3A_989, %select_n3A_988, %select_n3A_943 : vector<16xi1>, vector<16xi32>
      %select_n3A_993 = arith.select %gt3A_989, %select_n3A_943, %select_n3A_988 : vector<16xi1>, vector<16xi32>
      %gt3A_994 = arith.cmpf ogt, %select_n3A_991, %select_n3A_946 : vector<16xf32>
      %select_n3A_995 = arith.select %gt3A_994, %select_n3A_991, %select_n3A_946 : vector<16xi1>, vector<16xf32>
      %select_n3A_996 = arith.select %gt3A_994, %select_n3A_946, %select_n3A_991 : vector<16xi1>, vector<16xf32>
      %select_n3A_997 = arith.select %gt3A_994, %select_n3A_993, %select_n3A_948 : vector<16xi1>, vector<16xi32>
      %select_n3A_998 = arith.select %gt3A_994, %select_n3A_948, %select_n3A_993 : vector<16xi1>, vector<16xi32>
      %gt3A_999 = arith.cmpf ogt, %select_n3A_996, %select_n3A_951 : vector<16xf32>
      %select_n3A_1000 = arith.select %gt3A_999, %select_n3A_996, %select_n3A_951 : vector<16xi1>, vector<16xf32>
      %select_n3A_1001 = arith.select %gt3A_999, %select_n3A_951, %select_n3A_996 : vector<16xi1>, vector<16xf32>
      %select_n3A_1002 = arith.select %gt3A_999, %select_n3A_998, %select_n3A_953 : vector<16xi1>, vector<16xi32>
      %select_n3A_1003 = arith.select %gt3A_999, %select_n3A_953, %select_n3A_998 : vector<16xi1>, vector<16xi32>
      %gt3A_1004 = arith.cmpf ogt, %select_n3A_1001, %select_n3A_956 : vector<16xf32>
      %select_n3A_1005 = arith.select %gt3A_1004, %select_n3A_1001, %select_n3A_956 : vector<16xi1>, vector<16xf32>
      %select_n3A_1006 = arith.select %gt3A_1004, %select_n3A_956, %select_n3A_1001 : vector<16xi1>, vector<16xf32>
      %select_n3A_1007 = arith.select %gt3A_1004, %select_n3A_1003, %select_n3A_958 : vector<16xi1>, vector<16xi32>
      %select_n3A_1008 = arith.select %gt3A_1004, %select_n3A_958, %select_n3A_1003 : vector<16xi1>, vector<16xi32>
      %gt3A_1009 = arith.cmpf ogt, %select_n3A_1006, %select_n3A_961 : vector<16xf32>
      %select_n3A_1010 = arith.select %gt3A_1009, %select_n3A_1006, %select_n3A_961 : vector<16xi1>, vector<16xf32>
      %select_n3A_1011 = arith.select %gt3A_1009, %select_n3A_961, %select_n3A_1006 : vector<16xi1>, vector<16xf32>
      %select_n3A_1012 = arith.select %gt3A_1009, %select_n3A_1008, %select_n3A_963 : vector<16xi1>, vector<16xi32>
      %select_n3A_1013 = arith.select %gt3A_1009, %select_n3A_963, %select_n3A_1008 : vector<16xi1>, vector<16xi32>
      %gt3A_1014 = arith.cmpf ogt, %select_n3A_1011, %select_n3A_966 : vector<16xf32>
      %select_n3A_1015 = arith.select %gt3A_1014, %select_n3A_1011, %select_n3A_966 : vector<16xi1>, vector<16xf32>
      %select_n3A_1016 = arith.select %gt3A_1014, %select_n3A_966, %select_n3A_1011 : vector<16xi1>, vector<16xf32>
      %select_n3A_1017 = arith.select %gt3A_1014, %select_n3A_1013, %select_n3A_968 : vector<16xi1>, vector<16xi32>
      %select_n3A_1018 = arith.select %gt3A_1014, %select_n3A_968, %select_n3A_1013 : vector<16xi1>, vector<16xi32>
      %gt3A_1019 = arith.cmpf ogt, %select_n3A_1016, %select_n3A_971 : vector<16xf32>
      %select_n3A_1020 = arith.select %gt3A_1019, %select_n3A_1016, %select_n3A_971 : vector<16xi1>, vector<16xf32>
      %select_n3A_1021 = arith.select %gt3A_1019, %select_n3A_971, %select_n3A_1016 : vector<16xi1>, vector<16xf32>
      %select_n3A_1022 = arith.select %gt3A_1019, %select_n3A_1018, %select_n3A_973 : vector<16xi1>, vector<16xi32>
      %select_n3A_1023 = arith.select %gt3A_1019, %select_n3A_973, %select_n3A_1018 : vector<16xi1>, vector<16xi32>
      %mul3A_1024 = arith.constant 64 : i32
      %mul3A_1025 = vector.broadcast %mul3A_1024 : i32 to vector<16xi32>
      %mul3A_1026 = arith.muli %iota3A, %mul3A_1025 : vector<16xi32>
      %add3A_1027 = arith.constant 20 : i32
      %add3A_1028 = vector.broadcast %add3A_1027 : i32 to vector<16xi32>
      %add3A_1029 = arith.addi %mul3A_1026, %add3A_1028 : vector<16xi32>
      %gather3A_1030 = tpu.vector_load_idx %arg5[%add3A_1029] : memref<1024xf32, #tpu.memory_space<vmem>>[vector<16xi32>], vector<16xf32>,
      %broadcast_in_dim3A_1031 = arith.constant 20 : i32
      %broadcast_in_dim3A_1032 = vector.broadcast %broadcast_in_dim3A_1031 : i32 to vector<16xi32>
      %gt3A_1033 = arith.cmpf ogt, %gather3A_1030, %select_n3A_985 : vector<16xf32>
      %select_n3A_1034 = arith.select %gt3A_1033, %gather3A_1030, %select_n3A_985 : vector<16xi1>, vector<16xf32>
      %select_n3A_1035 = arith.select %gt3A_1033, %select_n3A_985, %gather3A_1030 : vector<16xi1>, vector<16xf32>
      %select_n3A_1036 = arith.select %gt3A_1033, %broadcast_in_dim3A_1032, %select_n3A_987 : vector<16xi1>, vector<16xi32>
      %select_n3A_1037 = arith.select %gt3A_1033, %select_n3A_987, %broadcast_in_dim3A_1032 : vector<16xi1>, vector<16xi32>
      %gt3A_1038 = arith.cmpf ogt, %select_n3A_1035, %select_n3A_990 : vector<16xf32>
      %select_n3A_1039 = arith.select %gt3A_1038, %select_n3A_1035, %select_n3A_990 : vector<16xi1>, vector<16xf32>
      %select_n3A_1040 = arith.select %gt3A_1038, %select_n3A_990, %select_n3A_1035 : vector<16xi1>, vector<16xf32>
      %select_n3A_1041 = arith.select %gt3A_1038, %select_n3A_1037, %select_n3A_992 : vector<16xi1>, vector<16xi32>
      %select_n3A_1042 = arith.select %gt3A_1038, %select_n3A_992, %select_n3A_1037 : vector<16xi1>, vector<16xi32>
      %gt3A_1043 = arith.cmpf ogt, %select_n3A_1040, %select_n3A_995 : vector<16xf32>
      %select_n3A_1044 = arith.select %gt3A_1043, %select_n3A_1040, %select_n3A_995 : vector<16xi1>, vector<16xf32>
      %select_n3A_1045 = arith.select %gt3A_1043, %select_n3A_995, %select_n3A_1040 : vector<16xi1>, vector<16xf32>
      %select_n3A_1046 = arith.select %gt3A_1043, %select_n3A_1042, %select_n3A_997 : vector<16xi1>, vector<16xi32>
      %select_n3A_1047 = arith.select %gt3A_1043, %select_n3A_997, %select_n3A_1042 : vector<16xi1>, vector<16xi32>
      %gt3A_1048 = arith.cmpf ogt, %select_n3A_1045, %select_n3A_1000 : vector<16xf32>
      %select_n3A_1049 = arith.select %gt3A_1048, %select_n3A_1045, %select_n3A_1000 : vector<16xi1>, vector<16xf32>
      %select_n3A_1050 = arith.select %gt3A_1048, %select_n3A_1000, %select_n3A_1045 : vector<16xi1>, vector<16xf32>
      %select_n3A_1051 = arith.select %gt3A_1048, %select_n3A_1047, %select_n3A_1002 : vector<16xi1>, vector<16xi32>
      %select_n3A_1052 = arith.select %gt3A_1048, %select_n3A_1002, %select_n3A_1047 : vector<16xi1>, vector<16xi32>
      %gt3A_1053 = arith.cmpf ogt, %select_n3A_1050, %select_n3A_1005 : vector<16xf32>
      %select_n3A_1054 = arith.select %gt3A_1053, %select_n3A_1050, %select_n3A_1005 : vector<16xi1>, vector<16xf32>
      %select_n3A_1055 = arith.select %gt3A_1053, %select_n3A_1005, %select_n3A_1050 : vector<16xi1>, vector<16xf32>
      %select_n3A_1056 = arith.select %gt3A_1053, %select_n3A_1052, %select_n3A_1007 : vector<16xi1>, vector<16xi32>
      %select_n3A_1057 = arith.select %gt3A_1053, %select_n3A_1007, %select_n3A_1052 : vector<16xi1>, vector<16xi32>
      %gt3A_1058 = arith.cmpf ogt, %select_n3A_1055, %select_n3A_1010 : vector<16xf32>
      %select_n3A_1059 = arith.select %gt3A_1058, %select_n3A_1055, %select_n3A_1010 : vector<16xi1>, vector<16xf32>
      %select_n3A_1060 = arith.select %gt3A_1058, %select_n3A_1010, %select_n3A_1055 : vector<16xi1>, vector<16xf32>
      %select_n3A_1061 = arith.select %gt3A_1058, %select_n3A_1057, %select_n3A_1012 : vector<16xi1>, vector<16xi32>
      %select_n3A_1062 = arith.select %gt3A_1058, %select_n3A_1012, %select_n3A_1057 : vector<16xi1>, vector<16xi32>
      %gt3A_1063 = arith.cmpf ogt, %select_n3A_1060, %select_n3A_1015 : vector<16xf32>
      %select_n3A_1064 = arith.select %gt3A_1063, %select_n3A_1060, %select_n3A_1015 : vector<16xi1>, vector<16xf32>
      %select_n3A_1065 = arith.select %gt3A_1063, %select_n3A_1015, %select_n3A_1060 : vector<16xi1>, vector<16xf32>
      %select_n3A_1066 = arith.select %gt3A_1063, %select_n3A_1062, %select_n3A_1017 : vector<16xi1>, vector<16xi32>
      %select_n3A_1067 = arith.select %gt3A_1063, %select_n3A_1017, %select_n3A_1062 : vector<16xi1>, vector<16xi32>
      %gt3A_1068 = arith.cmpf ogt, %select_n3A_1065, %select_n3A_1020 : vector<16xf32>
      %select_n3A_1069 = arith.select %gt3A_1068, %select_n3A_1065, %select_n3A_1020 : vector<16xi1>, vector<16xf32>
      %select_n3A_1070 = arith.select %gt3A_1068, %select_n3A_1020, %select_n3A_1065 : vector<16xi1>, vector<16xf32>
      %select_n3A_1071 = arith.select %gt3A_1068, %select_n3A_1067, %select_n3A_1022 : vector<16xi1>, vector<16xi32>
      %select_n3A_1072 = arith.select %gt3A_1068, %select_n3A_1022, %select_n3A_1067 : vector<16xi1>, vector<16xi32>
      %mul3A_1073 = arith.constant 64 : i32
      %mul3A_1074 = vector.broadcast %mul3A_1073 : i32 to vector<16xi32>
      %mul3A_1075 = arith.muli %iota3A, %mul3A_1074 : vector<16xi32>
      %add3A_1076 = arith.constant 21 : i32
      %add3A_1077 = vector.broadcast %add3A_1076 : i32 to vector<16xi32>
      %add3A_1078 = arith.addi %mul3A_1075, %add3A_1077 : vector<16xi32>
      %gather3A_1079 = tpu.vector_load_idx %arg5[%add3A_1078] : memref<1024xf32, #tpu.memory_space<vmem>>[vector<16xi32>], vector<16xf32>,
      %broadcast_in_dim3A_1080 = arith.constant 21 : i32
      %broadcast_in_dim3A_1081 = vector.broadcast %broadcast_in_dim3A_1080 : i32 to vector<16xi32>
      %gt3A_1082 = arith.cmpf ogt, %gather3A_1079, %select_n3A_1034 : vector<16xf32>
      %select_n3A_1083 = arith.select %gt3A_1082, %gather3A_1079, %select_n3A_1034 : vector<16xi1>, vector<16xf32>
      %select_n3A_1084 = arith.select %gt3A_1082, %select_n3A_1034, %gather3A_1079 : vector<16xi1>, vector<16xf32>
      %select_n3A_1085 = arith.select %gt3A_1082, %broadcast_in_dim3A_1081, %select_n3A_1036 : vector<16xi1>, vector<16xi32>
      %select_n3A_1086 = arith.select %gt3A_1082, %select_n3A_1036, %broadcast_in_dim3A_1081 : vector<16xi1>, vector<16xi32>
      %gt3A_1087 = arith.cmpf ogt, %select_n3A_1084, %select_n3A_1039 : vector<16xf32>
      %select_n3A_1088 = arith.select %gt3A_1087, %select_n3A_1084, %select_n3A_1039 : vector<16xi1>, vector<16xf32>
      %select_n3A_1089 = arith.select %gt3A_1087, %select_n3A_1039, %select_n3A_1084 : vector<16xi1>, vector<16xf32>
      %select_n3A_1090 = arith.select %gt3A_1087, %select_n3A_1086, %select_n3A_1041 : vector<16xi1>, vector<16xi32>
      %select_n3A_1091 = arith.select %gt3A_1087, %select_n3A_1041, %select_n3A_1086 : vector<16xi1>, vector<16xi32>
      %gt3A_1092 = arith.cmpf ogt, %select_n3A_1089, %select_n3A_1044 : vector<16xf32>
      %select_n3A_1093 = arith.select %gt3A_1092, %select_n3A_1089, %select_n3A_1044 : vector<16xi1>, vector<16xf32>
      %select_n3A_1094 = arith.select %gt3A_1092, %select_n3A_1044, %select_n3A_1089 : vector<16xi1>, vector<16xf32>
      %select_n3A_1095 = arith.select %gt3A_1092, %select_n3A_1091, %select_n3A_1046 : vector<16xi1>, vector<16xi32>
      %select_n3A_1096 = arith.select %gt3A_1092, %select_n3A_1046, %select_n3A_1091 : vector<16xi1>, vector<16xi32>
      %gt3A_1097 = arith.cmpf ogt, %select_n3A_1094, %select_n3A_1049 : vector<16xf32>
      %select_n3A_1098 = arith.select %gt3A_1097, %select_n3A_1094, %select_n3A_1049 : vector<16xi1>, vector<16xf32>
      %select_n3A_1099 = arith.select %gt3A_1097, %select_n3A_1049, %select_n3A_1094 : vector<16xi1>, vector<16xf32>
      %select_n3A_1100 = arith.select %gt3A_1097, %select_n3A_1096, %select_n3A_1051 : vector<16xi1>, vector<16xi32>
      %select_n3A_1101 = arith.select %gt3A_1097, %select_n3A_1051, %select_n3A_1096 : vector<16xi1>, vector<16xi32>
      %gt3A_1102 = arith.cmpf ogt, %select_n3A_1099, %select_n3A_1054 : vector<16xf32>
      %select_n3A_1103 = arith.select %gt3A_1102, %select_n3A_1099, %select_n3A_1054 : vector<16xi1>, vector<16xf32>
      %select_n3A_1104 = arith.select %gt3A_1102, %select_n3A_1054, %select_n3A_1099 : vector<16xi1>, vector<16xf32>
      %select_n3A_1105 = arith.select %gt3A_1102, %select_n3A_1101, %select_n3A_1056 : vector<16xi1>, vector<16xi32>
      %select_n3A_1106 = arith.select %gt3A_1102, %select_n3A_1056, %select_n3A_1101 : vector<16xi1>, vector<16xi32>
      %gt3A_1107 = arith.cmpf ogt, %select_n3A_1104, %select_n3A_1059 : vector<16xf32>
      %select_n3A_1108 = arith.select %gt3A_1107, %select_n3A_1104, %select_n3A_1059 : vector<16xi1>, vector<16xf32>
      %select_n3A_1109 = arith.select %gt3A_1107, %select_n3A_1059, %select_n3A_1104 : vector<16xi1>, vector<16xf32>
      %select_n3A_1110 = arith.select %gt3A_1107, %select_n3A_1106, %select_n3A_1061 : vector<16xi1>, vector<16xi32>
      %select_n3A_1111 = arith.select %gt3A_1107, %select_n3A_1061, %select_n3A_1106 : vector<16xi1>, vector<16xi32>
      %gt3A_1112 = arith.cmpf ogt, %select_n3A_1109, %select_n3A_1064 : vector<16xf32>
      %select_n3A_1113 = arith.select %gt3A_1112, %select_n3A_1109, %select_n3A_1064 : vector<16xi1>, vector<16xf32>
      %select_n3A_1114 = arith.select %gt3A_1112, %select_n3A_1064, %select_n3A_1109 : vector<16xi1>, vector<16xf32>
      %select_n3A_1115 = arith.select %gt3A_1112, %select_n3A_1111, %select_n3A_1066 : vector<16xi1>, vector<16xi32>
      %select_n3A_1116 = arith.select %gt3A_1112, %select_n3A_1066, %select_n3A_1111 : vector<16xi1>, vector<16xi32>
      %gt3A_1117 = arith.cmpf ogt, %select_n3A_1114, %select_n3A_1069 : vector<16xf32>
      %select_n3A_1118 = arith.select %gt3A_1117, %select_n3A_1114, %select_n3A_1069 : vector<16xi1>, vector<16xf32>
      %select_n3A_1119 = arith.select %gt3A_1117, %select_n3A_1069, %select_n3A_1114 : vector<16xi1>, vector<16xf32>
      %select_n3A_1120 = arith.select %gt3A_1117, %select_n3A_1116, %select_n3A_1071 : vector<16xi1>, vector<16xi32>
      %select_n3A_1121 = arith.select %gt3A_1117, %select_n3A_1071, %select_n3A_1116 : vector<16xi1>, vector<16xi32>
      %mul3A_1122 = arith.constant 64 : i32
      %mul3A_1123 = vector.broadcast %mul3A_1122 : i32 to vector<16xi32>
      %mul3A_1124 = arith.muli %iota3A, %mul3A_1123 : vector<16xi32>
      %add3A_1125 = arith.constant 22 : i32
      %add3A_1126 = vector.broadcast %add3A_1125 : i32 to vector<16xi32>
      %add3A_1127 = arith.addi %mul3A_1124, %add3A_1126 : vector<16xi32>
      %gather3A_1128 = tpu.vector_load_idx %arg5[%add3A_1127] : memref<1024xf32, #tpu.memory_space<vmem>>[vector<16xi32>], vector<16xf32>,
      %broadcast_in_dim3A_1129 = arith.constant 22 : i32
      %broadcast_in_dim3A_1130 = vector.broadcast %broadcast_in_dim3A_1129 : i32 to vector<16xi32>
      %gt3A_1131 = arith.cmpf ogt, %gather3A_1128, %select_n3A_1083 : vector<16xf32>
      %select_n3A_1132 = arith.select %gt3A_1131, %gather3A_1128, %select_n3A_1083 : vector<16xi1>, vector<16xf32>
      %select_n3A_1133 = arith.select %gt3A_1131, %select_n3A_1083, %gather3A_1128 : vector<16xi1>, vector<16xf32>
      %select_n3A_1134 = arith.select %gt3A_1131, %broadcast_in_dim3A_1130, %select_n3A_1085 : vector<16xi1>, vector<16xi32>
      %select_n3A_1135 = arith.select %gt3A_1131, %select_n3A_1085, %broadcast_in_dim3A_1130 : vector<16xi1>, vector<16xi32>
      %gt3A_1136 = arith.cmpf ogt, %select_n3A_1133, %select_n3A_1088 : vector<16xf32>
      %select_n3A_1137 = arith.select %gt3A_1136, %select_n3A_1133, %select_n3A_1088 : vector<16xi1>, vector<16xf32>
      %select_n3A_1138 = arith.select %gt3A_1136, %select_n3A_1088, %select_n3A_1133 : vector<16xi1>, vector<16xf32>
      %select_n3A_1139 = arith.select %gt3A_1136, %select_n3A_1135, %select_n3A_1090 : vector<16xi1>, vector<16xi32>
      %select_n3A_1140 = arith.select %gt3A_1136, %select_n3A_1090, %select_n3A_1135 : vector<16xi1>, vector<16xi32>
      %gt3A_1141 = arith.cmpf ogt, %select_n3A_1138, %select_n3A_1093 : vector<16xf32>
      %select_n3A_1142 = arith.select %gt3A_1141, %select_n3A_1138, %select_n3A_1093 : vector<16xi1>, vector<16xf32>
      %select_n3A_1143 = arith.select %gt3A_1141, %select_n3A_1093, %select_n3A_1138 : vector<16xi1>, vector<16xf32>
      %select_n3A_1144 = arith.select %gt3A_1141, %select_n3A_1140, %select_n3A_1095 : vector<16xi1>, vector<16xi32>
      %select_n3A_1145 = arith.select %gt3A_1141, %select_n3A_1095, %select_n3A_1140 : vector<16xi1>, vector<16xi32>
      %gt3A_1146 = arith.cmpf ogt, %select_n3A_1143, %select_n3A_1098 : vector<16xf32>
      %select_n3A_1147 = arith.select %gt3A_1146, %select_n3A_1143, %select_n3A_1098 : vector<16xi1>, vector<16xf32>
      %select_n3A_1148 = arith.select %gt3A_1146, %select_n3A_1098, %select_n3A_1143 : vector<16xi1>, vector<16xf32>
      %select_n3A_1149 = arith.select %gt3A_1146, %select_n3A_1145, %select_n3A_1100 : vector<16xi1>, vector<16xi32>
      %select_n3A_1150 = arith.select %gt3A_1146, %select_n3A_1100, %select_n3A_1145 : vector<16xi1>, vector<16xi32>
      %gt3A_1151 = arith.cmpf ogt, %select_n3A_1148, %select_n3A_1103 : vector<16xf32>
      %select_n3A_1152 = arith.select %gt3A_1151, %select_n3A_1148, %select_n3A_1103 : vector<16xi1>, vector<16xf32>
      %select_n3A_1153 = arith.select %gt3A_1151, %select_n3A_1103, %select_n3A_1148 : vector<16xi1>, vector<16xf32>
      %select_n3A_1154 = arith.select %gt3A_1151, %select_n3A_1150, %select_n3A_1105 : vector<16xi1>, vector<16xi32>
      %select_n3A_1155 = arith.select %gt3A_1151, %select_n3A_1105, %select_n3A_1150 : vector<16xi1>, vector<16xi32>
      %gt3A_1156 = arith.cmpf ogt, %select_n3A_1153, %select_n3A_1108 : vector<16xf32>
      %select_n3A_1157 = arith.select %gt3A_1156, %select_n3A_1153, %select_n3A_1108 : vector<16xi1>, vector<16xf32>
      %select_n3A_1158 = arith.select %gt3A_1156, %select_n3A_1108, %select_n3A_1153 : vector<16xi1>, vector<16xf32>
      %select_n3A_1159 = arith.select %gt3A_1156, %select_n3A_1155, %select_n3A_1110 : vector<16xi1>, vector<16xi32>
      %select_n3A_1160 = arith.select %gt3A_1156, %select_n3A_1110, %select_n3A_1155 : vector<16xi1>, vector<16xi32>
      %gt3A_1161 = arith.cmpf ogt, %select_n3A_1158, %select_n3A_1113 : vector<16xf32>
      %select_n3A_1162 = arith.select %gt3A_1161, %select_n3A_1158, %select_n3A_1113 : vector<16xi1>, vector<16xf32>
      %select_n3A_1163 = arith.select %gt3A_1161, %select_n3A_1113, %select_n3A_1158 : vector<16xi1>, vector<16xf32>
      %select_n3A_1164 = arith.select %gt3A_1161, %select_n3A_1160, %select_n3A_1115 : vector<16xi1>, vector<16xi32>
      %select_n3A_1165 = arith.select %gt3A_1161, %select_n3A_1115, %select_n3A_1160 : vector<16xi1>, vector<16xi32>
      %gt3A_1166 = arith.cmpf ogt, %select_n3A_1163, %select_n3A_1118 : vector<16xf32>
      %select_n3A_1167 = arith.select %gt3A_1166, %select_n3A_1163, %select_n3A_1118 : vector<16xi1>, vector<16xf32>
      %select_n3A_1168 = arith.select %gt3A_1166, %select_n3A_1118, %select_n3A_1163 : vector<16xi1>, vector<16xf32>
      %select_n3A_1169 = arith.select %gt3A_1166, %select_n3A_1165, %select_n3A_1120 : vector<16xi1>, vector<16xi32>
      %select_n3A_1170 = arith.select %gt3A_1166, %select_n3A_1120, %select_n3A_1165 : vector<16xi1>, vector<16xi32>
      %mul3A_1171 = arith.constant 64 : i32
      %mul3A_1172 = vector.broadcast %mul3A_1171 : i32 to vector<16xi32>
      %mul3A_1173 = arith.muli %iota3A, %mul3A_1172 : vector<16xi32>
      %add3A_1174 = arith.constant 23 : i32
      %add3A_1175 = vector.broadcast %add3A_1174 : i32 to vector<16xi32>
      %add3A_1176 = arith.addi %mul3A_1173, %add3A_1175 : vector<16xi32>
      %gather3A_1177 = tpu.vector_load_idx %arg5[%add3A_1176] : memref<1024xf32, #tpu.memory_space<vmem>>[vector<16xi32>], vector<16xf32>,
      %broadcast_in_dim3A_1178 = arith.constant 23 : i32
      %broadcast_in_dim3A_1179 = vector.broadcast %broadcast_in_dim3A_1178 : i32 to vector<16xi32>
      %gt3A_1180 = arith.cmpf ogt, %gather3A_1177, %select_n3A_1132 : vector<16xf32>
      %select_n3A_1181 = arith.select %gt3A_1180, %gather3A_1177, %select_n3A_1132 : vector<16xi1>, vector<16xf32>
      %select_n3A_1182 = arith.select %gt3A_1180, %select_n3A_1132, %gather3A_1177 : vector<16xi1>, vector<16xf32>
      %select_n3A_1183 = arith.select %gt3A_1180, %broadcast_in_dim3A_1179, %select_n3A_1134 : vector<16xi1>, vector<16xi32>
      %select_n3A_1184 = arith.select %gt3A_1180, %select_n3A_1134, %broadcast_in_dim3A_1179 : vector<16xi1>, vector<16xi32>
      %gt3A_1185 = arith.cmpf ogt, %select_n3A_1182, %select_n3A_1137 : vector<16xf32>
      %select_n3A_1186 = arith.select %gt3A_1185, %select_n3A_1182, %select_n3A_1137 : vector<16xi1>, vector<16xf32>
      %select_n3A_1187 = arith.select %gt3A_1185, %select_n3A_1137, %select_n3A_1182 : vector<16xi1>, vector<16xf32>
      %select_n3A_1188 = arith.select %gt3A_1185, %select_n3A_1184, %select_n3A_1139 : vector<16xi1>, vector<16xi32>
      %select_n3A_1189 = arith.select %gt3A_1185, %select_n3A_1139, %select_n3A_1184 : vector<16xi1>, vector<16xi32>
      %gt3A_1190 = arith.cmpf ogt, %select_n3A_1187, %select_n3A_1142 : vector<16xf32>
      %select_n3A_1191 = arith.select %gt3A_1190, %select_n3A_1187, %select_n3A_1142 : vector<16xi1>, vector<16xf32>
      %select_n3A_1192 = arith.select %gt3A_1190, %select_n3A_1142, %select_n3A_1187 : vector<16xi1>, vector<16xf32>
      %select_n3A_1193 = arith.select %gt3A_1190, %select_n3A_1189, %select_n3A_1144 : vector<16xi1>, vector<16xi32>
      %select_n3A_1194 = arith.select %gt3A_1190, %select_n3A_1144, %select_n3A_1189 : vector<16xi1>, vector<16xi32>
      %gt3A_1195 = arith.cmpf ogt, %select_n3A_1192, %select_n3A_1147 : vector<16xf32>
      %select_n3A_1196 = arith.select %gt3A_1195, %select_n3A_1192, %select_n3A_1147 : vector<16xi1>, vector<16xf32>
      %select_n3A_1197 = arith.select %gt3A_1195, %select_n3A_1147, %select_n3A_1192 : vector<16xi1>, vector<16xf32>
      %select_n3A_1198 = arith.select %gt3A_1195, %select_n3A_1194, %select_n3A_1149 : vector<16xi1>, vector<16xi32>
      %select_n3A_1199 = arith.select %gt3A_1195, %select_n3A_1149, %select_n3A_1194 : vector<16xi1>, vector<16xi32>
      %gt3A_1200 = arith.cmpf ogt, %select_n3A_1197, %select_n3A_1152 : vector<16xf32>
      %select_n3A_1201 = arith.select %gt3A_1200, %select_n3A_1197, %select_n3A_1152 : vector<16xi1>, vector<16xf32>
      %select_n3A_1202 = arith.select %gt3A_1200, %select_n3A_1152, %select_n3A_1197 : vector<16xi1>, vector<16xf32>
      %select_n3A_1203 = arith.select %gt3A_1200, %select_n3A_1199, %select_n3A_1154 : vector<16xi1>, vector<16xi32>
      %select_n3A_1204 = arith.select %gt3A_1200, %select_n3A_1154, %select_n3A_1199 : vector<16xi1>, vector<16xi32>
      %gt3A_1205 = arith.cmpf ogt, %select_n3A_1202, %select_n3A_1157 : vector<16xf32>
      %select_n3A_1206 = arith.select %gt3A_1205, %select_n3A_1202, %select_n3A_1157 : vector<16xi1>, vector<16xf32>
      %select_n3A_1207 = arith.select %gt3A_1205, %select_n3A_1157, %select_n3A_1202 : vector<16xi1>, vector<16xf32>
      %select_n3A_1208 = arith.select %gt3A_1205, %select_n3A_1204, %select_n3A_1159 : vector<16xi1>, vector<16xi32>
      %select_n3A_1209 = arith.select %gt3A_1205, %select_n3A_1159, %select_n3A_1204 : vector<16xi1>, vector<16xi32>
      %gt3A_1210 = arith.cmpf ogt, %select_n3A_1207, %select_n3A_1162 : vector<16xf32>
      %select_n3A_1211 = arith.select %gt3A_1210, %select_n3A_1207, %select_n3A_1162 : vector<16xi1>, vector<16xf32>
      %select_n3A_1212 = arith.select %gt3A_1210, %select_n3A_1162, %select_n3A_1207 : vector<16xi1>, vector<16xf32>
      %select_n3A_1213 = arith.select %gt3A_1210, %select_n3A_1209, %select_n3A_1164 : vector<16xi1>, vector<16xi32>
      %select_n3A_1214 = arith.select %gt3A_1210, %select_n3A_1164, %select_n3A_1209 : vector<16xi1>, vector<16xi32>
      %gt3A_1215 = arith.cmpf ogt, %select_n3A_1212, %select_n3A_1167 : vector<16xf32>
      %select_n3A_1216 = arith.select %gt3A_1215, %select_n3A_1212, %select_n3A_1167 : vector<16xi1>, vector<16xf32>
      %select_n3A_1217 = arith.select %gt3A_1215, %select_n3A_1167, %select_n3A_1212 : vector<16xi1>, vector<16xf32>
      %select_n3A_1218 = arith.select %gt3A_1215, %select_n3A_1214, %select_n3A_1169 : vector<16xi1>, vector<16xi32>
      %select_n3A_1219 = arith.select %gt3A_1215, %select_n3A_1169, %select_n3A_1214 : vector<16xi1>, vector<16xi32>
      %mul3A_1220 = arith.constant 64 : i32
      %mul3A_1221 = vector.broadcast %mul3A_1220 : i32 to vector<16xi32>
      %mul3A_1222 = arith.muli %iota3A, %mul3A_1221 : vector<16xi32>
      %add3A_1223 = arith.constant 24 : i32
      %add3A_1224 = vector.broadcast %add3A_1223 : i32 to vector<16xi32>
      %add3A_1225 = arith.addi %mul3A_1222, %add3A_1224 : vector<16xi32>
      %gather3A_1226 = tpu.vector_load_idx %arg5[%add3A_1225] : memref<1024xf32, #tpu.memory_space<vmem>>[vector<16xi32>], vector<16xf32>,
      %broadcast_in_dim3A_1227 = arith.constant 24 : i32
      %broadcast_in_dim3A_1228 = vector.broadcast %broadcast_in_dim3A_1227 : i32 to vector<16xi32>
      %gt3A_1229 = arith.cmpf ogt, %gather3A_1226, %select_n3A_1181 : vector<16xf32>
      %select_n3A_1230 = arith.select %gt3A_1229, %gather3A_1226, %select_n3A_1181 : vector<16xi1>, vector<16xf32>
      %select_n3A_1231 = arith.select %gt3A_1229, %select_n3A_1181, %gather3A_1226 : vector<16xi1>, vector<16xf32>
      %select_n3A_1232 = arith.select %gt3A_1229, %broadcast_in_dim3A_1228, %select_n3A_1183 : vector<16xi1>, vector<16xi32>
      %select_n3A_1233 = arith.select %gt3A_1229, %select_n3A_1183, %broadcast_in_dim3A_1228 : vector<16xi1>, vector<16xi32>
      %gt3A_1234 = arith.cmpf ogt, %select_n3A_1231, %select_n3A_1186 : vector<16xf32>
      %select_n3A_1235 = arith.select %gt3A_1234, %select_n3A_1231, %select_n3A_1186 : vector<16xi1>, vector<16xf32>
      %select_n3A_1236 = arith.select %gt3A_1234, %select_n3A_1186, %select_n3A_1231 : vector<16xi1>, vector<16xf32>
      %select_n3A_1237 = arith.select %gt3A_1234, %select_n3A_1233, %select_n3A_1188 : vector<16xi1>, vector<16xi32>
      %select_n3A_1238 = arith.select %gt3A_1234, %select_n3A_1188, %select_n3A_1233 : vector<16xi1>, vector<16xi32>
      %gt3A_1239 = arith.cmpf ogt, %select_n3A_1236, %select_n3A_1191 : vector<16xf32>
      %select_n3A_1240 = arith.select %gt3A_1239, %select_n3A_1236, %select_n3A_1191 : vector<16xi1>, vector<16xf32>
      %select_n3A_1241 = arith.select %gt3A_1239, %select_n3A_1191, %select_n3A_1236 : vector<16xi1>, vector<16xf32>
      %select_n3A_1242 = arith.select %gt3A_1239, %select_n3A_1238, %select_n3A_1193 : vector<16xi1>, vector<16xi32>
      %select_n3A_1243 = arith.select %gt3A_1239, %select_n3A_1193, %select_n3A_1238 : vector<16xi1>, vector<16xi32>
      %gt3A_1244 = arith.cmpf ogt, %select_n3A_1241, %select_n3A_1196 : vector<16xf32>
      %select_n3A_1245 = arith.select %gt3A_1244, %select_n3A_1241, %select_n3A_1196 : vector<16xi1>, vector<16xf32>
      %select_n3A_1246 = arith.select %gt3A_1244, %select_n3A_1196, %select_n3A_1241 : vector<16xi1>, vector<16xf32>
      %select_n3A_1247 = arith.select %gt3A_1244, %select_n3A_1243, %select_n3A_1198 : vector<16xi1>, vector<16xi32>
      %select_n3A_1248 = arith.select %gt3A_1244, %select_n3A_1198, %select_n3A_1243 : vector<16xi1>, vector<16xi32>
      %gt3A_1249 = arith.cmpf ogt, %select_n3A_1246, %select_n3A_1201 : vector<16xf32>
      %select_n3A_1250 = arith.select %gt3A_1249, %select_n3A_1246, %select_n3A_1201 : vector<16xi1>, vector<16xf32>
      %select_n3A_1251 = arith.select %gt3A_1249, %select_n3A_1201, %select_n3A_1246 : vector<16xi1>, vector<16xf32>
      %select_n3A_1252 = arith.select %gt3A_1249, %select_n3A_1248, %select_n3A_1203 : vector<16xi1>, vector<16xi32>
      %select_n3A_1253 = arith.select %gt3A_1249, %select_n3A_1203, %select_n3A_1248 : vector<16xi1>, vector<16xi32>
      %gt3A_1254 = arith.cmpf ogt, %select_n3A_1251, %select_n3A_1206 : vector<16xf32>
      %select_n3A_1255 = arith.select %gt3A_1254, %select_n3A_1251, %select_n3A_1206 : vector<16xi1>, vector<16xf32>
      %select_n3A_1256 = arith.select %gt3A_1254, %select_n3A_1206, %select_n3A_1251 : vector<16xi1>, vector<16xf32>
      %select_n3A_1257 = arith.select %gt3A_1254, %select_n3A_1253, %select_n3A_1208 : vector<16xi1>, vector<16xi32>
      %select_n3A_1258 = arith.select %gt3A_1254, %select_n3A_1208, %select_n3A_1253 : vector<16xi1>, vector<16xi32>
      %gt3A_1259 = arith.cmpf ogt, %select_n3A_1256, %select_n3A_1211 : vector<16xf32>
      %select_n3A_1260 = arith.select %gt3A_1259, %select_n3A_1256, %select_n3A_1211 : vector<16xi1>, vector<16xf32>
      %select_n3A_1261 = arith.select %gt3A_1259, %select_n3A_1211, %select_n3A_1256 : vector<16xi1>, vector<16xf32>
      %select_n3A_1262 = arith.select %gt3A_1259, %select_n3A_1258, %select_n3A_1213 : vector<16xi1>, vector<16xi32>
      %select_n3A_1263 = arith.select %gt3A_1259, %select_n3A_1213, %select_n3A_1258 : vector<16xi1>, vector<16xi32>
      %gt3A_1264 = arith.cmpf ogt, %select_n3A_1261, %select_n3A_1216 : vector<16xf32>
      %select_n3A_1265 = arith.select %gt3A_1264, %select_n3A_1261, %select_n3A_1216 : vector<16xi1>, vector<16xf32>
      %select_n3A_1266 = arith.select %gt3A_1264, %select_n3A_1216, %select_n3A_1261 : vector<16xi1>, vector<16xf32>
      %select_n3A_1267 = arith.select %gt3A_1264, %select_n3A_1263, %select_n3A_1218 : vector<16xi1>, vector<16xi32>
      %select_n3A_1268 = arith.select %gt3A_1264, %select_n3A_1218, %select_n3A_1263 : vector<16xi1>, vector<16xi32>
      %mul3A_1269 = arith.constant 64 : i32
      %mul3A_1270 = vector.broadcast %mul3A_1269 : i32 to vector<16xi32>
      %mul3A_1271 = arith.muli %iota3A, %mul3A_1270 : vector<16xi32>
      %add3A_1272 = arith.constant 25 : i32
      %add3A_1273 = vector.broadcast %add3A_1272 : i32 to vector<16xi32>
      %add3A_1274 = arith.addi %mul3A_1271, %add3A_1273 : vector<16xi32>
      %gather3A_1275 = tpu.vector_load_idx %arg5[%add3A_1274] : memref<1024xf32, #tpu.memory_space<vmem>>[vector<16xi32>], vector<16xf32>,
      %broadcast_in_dim3A_1276 = arith.constant 25 : i32
      %broadcast_in_dim3A_1277 = vector.broadcast %broadcast_in_dim3A_1276 : i32 to vector<16xi32>
      %gt3A_1278 = arith.cmpf ogt, %gather3A_1275, %select_n3A_1230 : vector<16xf32>
      %select_n3A_1279 = arith.select %gt3A_1278, %gather3A_1275, %select_n3A_1230 : vector<16xi1>, vector<16xf32>
      %select_n3A_1280 = arith.select %gt3A_1278, %select_n3A_1230, %gather3A_1275 : vector<16xi1>, vector<16xf32>
      %select_n3A_1281 = arith.select %gt3A_1278, %broadcast_in_dim3A_1277, %select_n3A_1232 : vector<16xi1>, vector<16xi32>
      %select_n3A_1282 = arith.select %gt3A_1278, %select_n3A_1232, %broadcast_in_dim3A_1277 : vector<16xi1>, vector<16xi32>
      %gt3A_1283 = arith.cmpf ogt, %select_n3A_1280, %select_n3A_1235 : vector<16xf32>
      %select_n3A_1284 = arith.select %gt3A_1283, %select_n3A_1280, %select_n3A_1235 : vector<16xi1>, vector<16xf32>
      %select_n3A_1285 = arith.select %gt3A_1283, %select_n3A_1235, %select_n3A_1280 : vector<16xi1>, vector<16xf32>
      %select_n3A_1286 = arith.select %gt3A_1283, %select_n3A_1282, %select_n3A_1237 : vector<16xi1>, vector<16xi32>
      %select_n3A_1287 = arith.select %gt3A_1283, %select_n3A_1237, %select_n3A_1282 : vector<16xi1>, vector<16xi32>
      %gt3A_1288 = arith.cmpf ogt, %select_n3A_1285, %select_n3A_1240 : vector<16xf32>
      %select_n3A_1289 = arith.select %gt3A_1288, %select_n3A_1285, %select_n3A_1240 : vector<16xi1>, vector<16xf32>
      %select_n3A_1290 = arith.select %gt3A_1288, %select_n3A_1240, %select_n3A_1285 : vector<16xi1>, vector<16xf32>
      %select_n3A_1291 = arith.select %gt3A_1288, %select_n3A_1287, %select_n3A_1242 : vector<16xi1>, vector<16xi32>
      %select_n3A_1292 = arith.select %gt3A_1288, %select_n3A_1242, %select_n3A_1287 : vector<16xi1>, vector<16xi32>
      %gt3A_1293 = arith.cmpf ogt, %select_n3A_1290, %select_n3A_1245 : vector<16xf32>
      %select_n3A_1294 = arith.select %gt3A_1293, %select_n3A_1290, %select_n3A_1245 : vector<16xi1>, vector<16xf32>
      %select_n3A_1295 = arith.select %gt3A_1293, %select_n3A_1245, %select_n3A_1290 : vector<16xi1>, vector<16xf32>
      %select_n3A_1296 = arith.select %gt3A_1293, %select_n3A_1292, %select_n3A_1247 : vector<16xi1>, vector<16xi32>
      %select_n3A_1297 = arith.select %gt3A_1293, %select_n3A_1247, %select_n3A_1292 : vector<16xi1>, vector<16xi32>
      %gt3A_1298 = arith.cmpf ogt, %select_n3A_1295, %select_n3A_1250 : vector<16xf32>
      %select_n3A_1299 = arith.select %gt3A_1298, %select_n3A_1295, %select_n3A_1250 : vector<16xi1>, vector<16xf32>
      %select_n3A_1300 = arith.select %gt3A_1298, %select_n3A_1250, %select_n3A_1295 : vector<16xi1>, vector<16xf32>
      %select_n3A_1301 = arith.select %gt3A_1298, %select_n3A_1297, %select_n3A_1252 : vector<16xi1>, vector<16xi32>
      %select_n3A_1302 = arith.select %gt3A_1298, %select_n3A_1252, %select_n3A_1297 : vector<16xi1>, vector<16xi32>
      %gt3A_1303 = arith.cmpf ogt, %select_n3A_1300, %select_n3A_1255 : vector<16xf32>
      %select_n3A_1304 = arith.select %gt3A_1303, %select_n3A_1300, %select_n3A_1255 : vector<16xi1>, vector<16xf32>
      %select_n3A_1305 = arith.select %gt3A_1303, %select_n3A_1255, %select_n3A_1300 : vector<16xi1>, vector<16xf32>
      %select_n3A_1306 = arith.select %gt3A_1303, %select_n3A_1302, %select_n3A_1257 : vector<16xi1>, vector<16xi32>
      %select_n3A_1307 = arith.select %gt3A_1303, %select_n3A_1257, %select_n3A_1302 : vector<16xi1>, vector<16xi32>
      %gt3A_1308 = arith.cmpf ogt, %select_n3A_1305, %select_n3A_1260 : vector<16xf32>
      %select_n3A_1309 = arith.select %gt3A_1308, %select_n3A_1305, %select_n3A_1260 : vector<16xi1>, vector<16xf32>
      %select_n3A_1310 = arith.select %gt3A_1308, %select_n3A_1260, %select_n3A_1305 : vector<16xi1>, vector<16xf32>
      %select_n3A_1311 = arith.select %gt3A_1308, %select_n3A_1307, %select_n3A_1262 : vector<16xi1>, vector<16xi32>
      %select_n3A_1312 = arith.select %gt3A_1308, %select_n3A_1262, %select_n3A_1307 : vector<16xi1>, vector<16xi32>
      %gt3A_1313 = arith.cmpf ogt, %select_n3A_1310, %select_n3A_1265 : vector<16xf32>
      %select_n3A_1314 = arith.select %gt3A_1313, %select_n3A_1310, %select_n3A_1265 : vector<16xi1>, vector<16xf32>
      %select_n3A_1315 = arith.select %gt3A_1313, %select_n3A_1265, %select_n3A_1310 : vector<16xi1>, vector<16xf32>
      %select_n3A_1316 = arith.select %gt3A_1313, %select_n3A_1312, %select_n3A_1267 : vector<16xi1>, vector<16xi32>
      %select_n3A_1317 = arith.select %gt3A_1313, %select_n3A_1267, %select_n3A_1312 : vector<16xi1>, vector<16xi32>
      %mul3A_1318 = arith.constant 64 : i32
      %mul3A_1319 = vector.broadcast %mul3A_1318 : i32 to vector<16xi32>
      %mul3A_1320 = arith.muli %iota3A, %mul3A_1319 : vector<16xi32>
      %add3A_1321 = arith.constant 26 : i32
      %add3A_1322 = vector.broadcast %add3A_1321 : i32 to vector<16xi32>
      %add3A_1323 = arith.addi %mul3A_1320, %add3A_1322 : vector<16xi32>
      %gather3A_1324 = tpu.vector_load_idx %arg5[%add3A_1323] : memref<1024xf32, #tpu.memory_space<vmem>>[vector<16xi32>], vector<16xf32>,
      %broadcast_in_dim3A_1325 = arith.constant 26 : i32
      %broadcast_in_dim3A_1326 = vector.broadcast %broadcast_in_dim3A_1325 : i32 to vector<16xi32>
      %gt3A_1327 = arith.cmpf ogt, %gather3A_1324, %select_n3A_1279 : vector<16xf32>
      %select_n3A_1328 = arith.select %gt3A_1327, %gather3A_1324, %select_n3A_1279 : vector<16xi1>, vector<16xf32>
      %select_n3A_1329 = arith.select %gt3A_1327, %select_n3A_1279, %gather3A_1324 : vector<16xi1>, vector<16xf32>
      %select_n3A_1330 = arith.select %gt3A_1327, %broadcast_in_dim3A_1326, %select_n3A_1281 : vector<16xi1>, vector<16xi32>
      %select_n3A_1331 = arith.select %gt3A_1327, %select_n3A_1281, %broadcast_in_dim3A_1326 : vector<16xi1>, vector<16xi32>
      %gt3A_1332 = arith.cmpf ogt, %select_n3A_1329, %select_n3A_1284 : vector<16xf32>
      %select_n3A_1333 = arith.select %gt3A_1332, %select_n3A_1329, %select_n3A_1284 : vector<16xi1>, vector<16xf32>
      %select_n3A_1334 = arith.select %gt3A_1332, %select_n3A_1284, %select_n3A_1329 : vector<16xi1>, vector<16xf32>
      %select_n3A_1335 = arith.select %gt3A_1332, %select_n3A_1331, %select_n3A_1286 : vector<16xi1>, vector<16xi32>
      %select_n3A_1336 = arith.select %gt3A_1332, %select_n3A_1286, %select_n3A_1331 : vector<16xi1>, vector<16xi32>
      %gt3A_1337 = arith.cmpf ogt, %select_n3A_1334, %select_n3A_1289 : vector<16xf32>
      %select_n3A_1338 = arith.select %gt3A_1337, %select_n3A_1334, %select_n3A_1289 : vector<16xi1>, vector<16xf32>
      %select_n3A_1339 = arith.select %gt3A_1337, %select_n3A_1289, %select_n3A_1334 : vector<16xi1>, vector<16xf32>
      %select_n3A_1340 = arith.select %gt3A_1337, %select_n3A_1336, %select_n3A_1291 : vector<16xi1>, vector<16xi32>
      %select_n3A_1341 = arith.select %gt3A_1337, %select_n3A_1291, %select_n3A_1336 : vector<16xi1>, vector<16xi32>
      %gt3A_1342 = arith.cmpf ogt, %select_n3A_1339, %select_n3A_1294 : vector<16xf32>
      %select_n3A_1343 = arith.select %gt3A_1342, %select_n3A_1339, %select_n3A_1294 : vector<16xi1>, vector<16xf32>
      %select_n3A_1344 = arith.select %gt3A_1342, %select_n3A_1294, %select_n3A_1339 : vector<16xi1>, vector<16xf32>
      %select_n3A_1345 = arith.select %gt3A_1342, %select_n3A_1341, %select_n3A_1296 : vector<16xi1>, vector<16xi32>
      %select_n3A_1346 = arith.select %gt3A_1342, %select_n3A_1296, %select_n3A_1341 : vector<16xi1>, vector<16xi32>
      %gt3A_1347 = arith.cmpf ogt, %select_n3A_1344, %select_n3A_1299 : vector<16xf32>
      %select_n3A_1348 = arith.select %gt3A_1347, %select_n3A_1344, %select_n3A_1299 : vector<16xi1>, vector<16xf32>
      %select_n3A_1349 = arith.select %gt3A_1347, %select_n3A_1299, %select_n3A_1344 : vector<16xi1>, vector<16xf32>
      %select_n3A_1350 = arith.select %gt3A_1347, %select_n3A_1346, %select_n3A_1301 : vector<16xi1>, vector<16xi32>
      %select_n3A_1351 = arith.select %gt3A_1347, %select_n3A_1301, %select_n3A_1346 : vector<16xi1>, vector<16xi32>
      %gt3A_1352 = arith.cmpf ogt, %select_n3A_1349, %select_n3A_1304 : vector<16xf32>
      %select_n3A_1353 = arith.select %gt3A_1352, %select_n3A_1349, %select_n3A_1304 : vector<16xi1>, vector<16xf32>
      %select_n3A_1354 = arith.select %gt3A_1352, %select_n3A_1304, %select_n3A_1349 : vector<16xi1>, vector<16xf32>
      %select_n3A_1355 = arith.select %gt3A_1352, %select_n3A_1351, %select_n3A_1306 : vector<16xi1>, vector<16xi32>
      %select_n3A_1356 = arith.select %gt3A_1352, %select_n3A_1306, %select_n3A_1351 : vector<16xi1>, vector<16xi32>
      %gt3A_1357 = arith.cmpf ogt, %select_n3A_1354, %select_n3A_1309 : vector<16xf32>
      %select_n3A_1358 = arith.select %gt3A_1357, %select_n3A_1354, %select_n3A_1309 : vector<16xi1>, vector<16xf32>
      %select_n3A_1359 = arith.select %gt3A_1357, %select_n3A_1309, %select_n3A_1354 : vector<16xi1>, vector<16xf32>
      %select_n3A_1360 = arith.select %gt3A_1357, %select_n3A_1356, %select_n3A_1311 : vector<16xi1>, vector<16xi32>
      %select_n3A_1361 = arith.select %gt3A_1357, %select_n3A_1311, %select_n3A_1356 : vector<16xi1>, vector<16xi32>
      %gt3A_1362 = arith.cmpf ogt, %select_n3A_1359, %select_n3A_1314 : vector<16xf32>
      %select_n3A_1363 = arith.select %gt3A_1362, %select_n3A_1359, %select_n3A_1314 : vector<16xi1>, vector<16xf32>
      %select_n3A_1364 = arith.select %gt3A_1362, %select_n3A_1314, %select_n3A_1359 : vector<16xi1>, vector<16xf32>
      %select_n3A_1365 = arith.select %gt3A_1362, %select_n3A_1361, %select_n3A_1316 : vector<16xi1>, vector<16xi32>
      %select_n3A_1366 = arith.select %gt3A_1362, %select_n3A_1316, %select_n3A_1361 : vector<16xi1>, vector<16xi32>
      %mul3A_1367 = arith.constant 64 : i32
      %mul3A_1368 = vector.broadcast %mul3A_1367 : i32 to vector<16xi32>
      %mul3A_1369 = arith.muli %iota3A, %mul3A_1368 : vector<16xi32>
      %add3A_1370 = arith.constant 27 : i32
      %add3A_1371 = vector.broadcast %add3A_1370 : i32 to vector<16xi32>
      %add3A_1372 = arith.addi %mul3A_1369, %add3A_1371 : vector<16xi32>
      %gather3A_1373 = tpu.vector_load_idx %arg5[%add3A_1372] : memref<1024xf32, #tpu.memory_space<vmem>>[vector<16xi32>], vector<16xf32>,
      %broadcast_in_dim3A_1374 = arith.constant 27 : i32
      %broadcast_in_dim3A_1375 = vector.broadcast %broadcast_in_dim3A_1374 : i32 to vector<16xi32>
      %gt3A_1376 = arith.cmpf ogt, %gather3A_1373, %select_n3A_1328 : vector<16xf32>
      %select_n3A_1377 = arith.select %gt3A_1376, %gather3A_1373, %select_n3A_1328 : vector<16xi1>, vector<16xf32>
      %select_n3A_1378 = arith.select %gt3A_1376, %select_n3A_1328, %gather3A_1373 : vector<16xi1>, vector<16xf32>
      %select_n3A_1379 = arith.select %gt3A_1376, %broadcast_in_dim3A_1375, %select_n3A_1330 : vector<16xi1>, vector<16xi32>
      %select_n3A_1380 = arith.select %gt3A_1376, %select_n3A_1330, %broadcast_in_dim3A_1375 : vector<16xi1>, vector<16xi32>
      %gt3A_1381 = arith.cmpf ogt, %select_n3A_1378, %select_n3A_1333 : vector<16xf32>
      %select_n3A_1382 = arith.select %gt3A_1381, %select_n3A_1378, %select_n3A_1333 : vector<16xi1>, vector<16xf32>
      %select_n3A_1383 = arith.select %gt3A_1381, %select_n3A_1333, %select_n3A_1378 : vector<16xi1>, vector<16xf32>
      %select_n3A_1384 = arith.select %gt3A_1381, %select_n3A_1380, %select_n3A_1335 : vector<16xi1>, vector<16xi32>
      %select_n3A_1385 = arith.select %gt3A_1381, %select_n3A_1335, %select_n3A_1380 : vector<16xi1>, vector<16xi32>
      %gt3A_1386 = arith.cmpf ogt, %select_n3A_1383, %select_n3A_1338 : vector<16xf32>
      %select_n3A_1387 = arith.select %gt3A_1386, %select_n3A_1383, %select_n3A_1338 : vector<16xi1>, vector<16xf32>
      %select_n3A_1388 = arith.select %gt3A_1386, %select_n3A_1338, %select_n3A_1383 : vector<16xi1>, vector<16xf32>
      %select_n3A_1389 = arith.select %gt3A_1386, %select_n3A_1385, %select_n3A_1340 : vector<16xi1>, vector<16xi32>
      %select_n3A_1390 = arith.select %gt3A_1386, %select_n3A_1340, %select_n3A_1385 : vector<16xi1>, vector<16xi32>
      %gt3A_1391 = arith.cmpf ogt, %select_n3A_1388, %select_n3A_1343 : vector<16xf32>
      %select_n3A_1392 = arith.select %gt3A_1391, %select_n3A_1388, %select_n3A_1343 : vector<16xi1>, vector<16xf32>
      %select_n3A_1393 = arith.select %gt3A_1391, %select_n3A_1343, %select_n3A_1388 : vector<16xi1>, vector<16xf32>
      %select_n3A_1394 = arith.select %gt3A_1391, %select_n3A_1390, %select_n3A_1345 : vector<16xi1>, vector<16xi32>
      %select_n3A_1395 = arith.select %gt3A_1391, %select_n3A_1345, %select_n3A_1390 : vector<16xi1>, vector<16xi32>
      %gt3A_1396 = arith.cmpf ogt, %select_n3A_1393, %select_n3A_1348 : vector<16xf32>
      %select_n3A_1397 = arith.select %gt3A_1396, %select_n3A_1393, %select_n3A_1348 : vector<16xi1>, vector<16xf32>
      %select_n3A_1398 = arith.select %gt3A_1396, %select_n3A_1348, %select_n3A_1393 : vector<16xi1>, vector<16xf32>
      %select_n3A_1399 = arith.select %gt3A_1396, %select_n3A_1395, %select_n3A_1350 : vector<16xi1>, vector<16xi32>
      %select_n3A_1400 = arith.select %gt3A_1396, %select_n3A_1350, %select_n3A_1395 : vector<16xi1>, vector<16xi32>
      %gt3A_1401 = arith.cmpf ogt, %select_n3A_1398, %select_n3A_1353 : vector<16xf32>
      %select_n3A_1402 = arith.select %gt3A_1401, %select_n3A_1398, %select_n3A_1353 : vector<16xi1>, vector<16xf32>
      %select_n3A_1403 = arith.select %gt3A_1401, %select_n3A_1353, %select_n3A_1398 : vector<16xi1>, vector<16xf32>
      %select_n3A_1404 = arith.select %gt3A_1401, %select_n3A_1400, %select_n3A_1355 : vector<16xi1>, vector<16xi32>
      %select_n3A_1405 = arith.select %gt3A_1401, %select_n3A_1355, %select_n3A_1400 : vector<16xi1>, vector<16xi32>
      %gt3A_1406 = arith.cmpf ogt, %select_n3A_1403, %select_n3A_1358 : vector<16xf32>
      %select_n3A_1407 = arith.select %gt3A_1406, %select_n3A_1403, %select_n3A_1358 : vector<16xi1>, vector<16xf32>
      %select_n3A_1408 = arith.select %gt3A_1406, %select_n3A_1358, %select_n3A_1403 : vector<16xi1>, vector<16xf32>
      %select_n3A_1409 = arith.select %gt3A_1406, %select_n3A_1405, %select_n3A_1360 : vector<16xi1>, vector<16xi32>
      %select_n3A_1410 = arith.select %gt3A_1406, %select_n3A_1360, %select_n3A_1405 : vector<16xi1>, vector<16xi32>
      %gt3A_1411 = arith.cmpf ogt, %select_n3A_1408, %select_n3A_1363 : vector<16xf32>
      %select_n3A_1412 = arith.select %gt3A_1411, %select_n3A_1408, %select_n3A_1363 : vector<16xi1>, vector<16xf32>
      %select_n3A_1413 = arith.select %gt3A_1411, %select_n3A_1363, %select_n3A_1408 : vector<16xi1>, vector<16xf32>
      %select_n3A_1414 = arith.select %gt3A_1411, %select_n3A_1410, %select_n3A_1365 : vector<16xi1>, vector<16xi32>
      %select_n3A_1415 = arith.select %gt3A_1411, %select_n3A_1365, %select_n3A_1410 : vector<16xi1>, vector<16xi32>
      %mul3A_1416 = arith.constant 64 : i32
      %mul3A_1417 = vector.broadcast %mul3A_1416 : i32 to vector<16xi32>
      %mul3A_1418 = arith.muli %iota3A, %mul3A_1417 : vector<16xi32>
      %add3A_1419 = arith.constant 28 : i32
      %add3A_1420 = vector.broadcast %add3A_1419 : i32 to vector<16xi32>
      %add3A_1421 = arith.addi %mul3A_1418, %add3A_1420 : vector<16xi32>
      %gather3A_1422 = tpu.vector_load_idx %arg5[%add3A_1421] : memref<1024xf32, #tpu.memory_space<vmem>>[vector<16xi32>], vector<16xf32>,
      %broadcast_in_dim3A_1423 = arith.constant 28 : i32
      %broadcast_in_dim3A_1424 = vector.broadcast %broadcast_in_dim3A_1423 : i32 to vector<16xi32>
      %gt3A_1425 = arith.cmpf ogt, %gather3A_1422, %select_n3A_1377 : vector<16xf32>
      %select_n3A_1426 = arith.select %gt3A_1425, %gather3A_1422, %select_n3A_1377 : vector<16xi1>, vector<16xf32>
      %select_n3A_1427 = arith.select %gt3A_1425, %select_n3A_1377, %gather3A_1422 : vector<16xi1>, vector<16xf32>
      %select_n3A_1428 = arith.select %gt3A_1425, %broadcast_in_dim3A_1424, %select_n3A_1379 : vector<16xi1>, vector<16xi32>
      %select_n3A_1429 = arith.select %gt3A_1425, %select_n3A_1379, %broadcast_in_dim3A_1424 : vector<16xi1>, vector<16xi32>
      %gt3A_1430 = arith.cmpf ogt, %select_n3A_1427, %select_n3A_1382 : vector<16xf32>
      %select_n3A_1431 = arith.select %gt3A_1430, %select_n3A_1427, %select_n3A_1382 : vector<16xi1>, vector<16xf32>
      %select_n3A_1432 = arith.select %gt3A_1430, %select_n3A_1382, %select_n3A_1427 : vector<16xi1>, vector<16xf32>
      %select_n3A_1433 = arith.select %gt3A_1430, %select_n3A_1429, %select_n3A_1384 : vector<16xi1>, vector<16xi32>
      %select_n3A_1434 = arith.select %gt3A_1430, %select_n3A_1384, %select_n3A_1429 : vector<16xi1>, vector<16xi32>
      %gt3A_1435 = arith.cmpf ogt, %select_n3A_1432, %select_n3A_1387 : vector<16xf32>
      %select_n3A_1436 = arith.select %gt3A_1435, %select_n3A_1432, %select_n3A_1387 : vector<16xi1>, vector<16xf32>
      %select_n3A_1437 = arith.select %gt3A_1435, %select_n3A_1387, %select_n3A_1432 : vector<16xi1>, vector<16xf32>
      %select_n3A_1438 = arith.select %gt3A_1435, %select_n3A_1434, %select_n3A_1389 : vector<16xi1>, vector<16xi32>
      %select_n3A_1439 = arith.select %gt3A_1435, %select_n3A_1389, %select_n3A_1434 : vector<16xi1>, vector<16xi32>
      %gt3A_1440 = arith.cmpf ogt, %select_n3A_1437, %select_n3A_1392 : vector<16xf32>
      %select_n3A_1441 = arith.select %gt3A_1440, %select_n3A_1437, %select_n3A_1392 : vector<16xi1>, vector<16xf32>
      %select_n3A_1442 = arith.select %gt3A_1440, %select_n3A_1392, %select_n3A_1437 : vector<16xi1>, vector<16xf32>
      %select_n3A_1443 = arith.select %gt3A_1440, %select_n3A_1439, %select_n3A_1394 : vector<16xi1>, vector<16xi32>
      %select_n3A_1444 = arith.select %gt3A_1440, %select_n3A_1394, %select_n3A_1439 : vector<16xi1>, vector<16xi32>
      %gt3A_1445 = arith.cmpf ogt, %select_n3A_1442, %select_n3A_1397 : vector<16xf32>
      %select_n3A_1446 = arith.select %gt3A_1445, %select_n3A_1442, %select_n3A_1397 : vector<16xi1>, vector<16xf32>
      %select_n3A_1447 = arith.select %gt3A_1445, %select_n3A_1397, %select_n3A_1442 : vector<16xi1>, vector<16xf32>
      %select_n3A_1448 = arith.select %gt3A_1445, %select_n3A_1444, %select_n3A_1399 : vector<16xi1>, vector<16xi32>
      %select_n3A_1449 = arith.select %gt3A_1445, %select_n3A_1399, %select_n3A_1444 : vector<16xi1>, vector<16xi32>
      %gt3A_1450 = arith.cmpf ogt, %select_n3A_1447, %select_n3A_1402 : vector<16xf32>
      %select_n3A_1451 = arith.select %gt3A_1450, %select_n3A_1447, %select_n3A_1402 : vector<16xi1>, vector<16xf32>
      %select_n3A_1452 = arith.select %gt3A_1450, %select_n3A_1402, %select_n3A_1447 : vector<16xi1>, vector<16xf32>
      %select_n3A_1453 = arith.select %gt3A_1450, %select_n3A_1449, %select_n3A_1404 : vector<16xi1>, vector<16xi32>
      %select_n3A_1454 = arith.select %gt3A_1450, %select_n3A_1404, %select_n3A_1449 : vector<16xi1>, vector<16xi32>
      %gt3A_1455 = arith.cmpf ogt, %select_n3A_1452, %select_n3A_1407 : vector<16xf32>
      %select_n3A_1456 = arith.select %gt3A_1455, %select_n3A_1452, %select_n3A_1407 : vector<16xi1>, vector<16xf32>
      %select_n3A_1457 = arith.select %gt3A_1455, %select_n3A_1407, %select_n3A_1452 : vector<16xi1>, vector<16xf32>
      %select_n3A_1458 = arith.select %gt3A_1455, %select_n3A_1454, %select_n3A_1409 : vector<16xi1>, vector<16xi32>
      %select_n3A_1459 = arith.select %gt3A_1455, %select_n3A_1409, %select_n3A_1454 : vector<16xi1>, vector<16xi32>
      %gt3A_1460 = arith.cmpf ogt, %select_n3A_1457, %select_n3A_1412 : vector<16xf32>
      %select_n3A_1461 = arith.select %gt3A_1460, %select_n3A_1457, %select_n3A_1412 : vector<16xi1>, vector<16xf32>
      %select_n3A_1462 = arith.select %gt3A_1460, %select_n3A_1412, %select_n3A_1457 : vector<16xi1>, vector<16xf32>
      %select_n3A_1463 = arith.select %gt3A_1460, %select_n3A_1459, %select_n3A_1414 : vector<16xi1>, vector<16xi32>
      %select_n3A_1464 = arith.select %gt3A_1460, %select_n3A_1414, %select_n3A_1459 : vector<16xi1>, vector<16xi32>
      %mul3A_1465 = arith.constant 64 : i32
      %mul3A_1466 = vector.broadcast %mul3A_1465 : i32 to vector<16xi32>
      %mul3A_1467 = arith.muli %iota3A, %mul3A_1466 : vector<16xi32>
      %add3A_1468 = arith.constant 29 : i32
      %add3A_1469 = vector.broadcast %add3A_1468 : i32 to vector<16xi32>
      %add3A_1470 = arith.addi %mul3A_1467, %add3A_1469 : vector<16xi32>
      %gather3A_1471 = tpu.vector_load_idx %arg5[%add3A_1470] : memref<1024xf32, #tpu.memory_space<vmem>>[vector<16xi32>], vector<16xf32>,
      %broadcast_in_dim3A_1472 = arith.constant 29 : i32
      %broadcast_in_dim3A_1473 = vector.broadcast %broadcast_in_dim3A_1472 : i32 to vector<16xi32>
      %gt3A_1474 = arith.cmpf ogt, %gather3A_1471, %select_n3A_1426 : vector<16xf32>
      %select_n3A_1475 = arith.select %gt3A_1474, %gather3A_1471, %select_n3A_1426 : vector<16xi1>, vector<16xf32>
      %select_n3A_1476 = arith.select %gt3A_1474, %select_n3A_1426, %gather3A_1471 : vector<16xi1>, vector<16xf32>
      %select_n3A_1477 = arith.select %gt3A_1474, %broadcast_in_dim3A_1473, %select_n3A_1428 : vector<16xi1>, vector<16xi32>
      %select_n3A_1478 = arith.select %gt3A_1474, %select_n3A_1428, %broadcast_in_dim3A_1473 : vector<16xi1>, vector<16xi32>
      %gt3A_1479 = arith.cmpf ogt, %select_n3A_1476, %select_n3A_1431 : vector<16xf32>
      %select_n3A_1480 = arith.select %gt3A_1479, %select_n3A_1476, %select_n3A_1431 : vector<16xi1>, vector<16xf32>
      %select_n3A_1481 = arith.select %gt3A_1479, %select_n3A_1431, %select_n3A_1476 : vector<16xi1>, vector<16xf32>
      %select_n3A_1482 = arith.select %gt3A_1479, %select_n3A_1478, %select_n3A_1433 : vector<16xi1>, vector<16xi32>
      %select_n3A_1483 = arith.select %gt3A_1479, %select_n3A_1433, %select_n3A_1478 : vector<16xi1>, vector<16xi32>
      %gt3A_1484 = arith.cmpf ogt, %select_n3A_1481, %select_n3A_1436 : vector<16xf32>
      %select_n3A_1485 = arith.select %gt3A_1484, %select_n3A_1481, %select_n3A_1436 : vector<16xi1>, vector<16xf32>
      %select_n3A_1486 = arith.select %gt3A_1484, %select_n3A_1436, %select_n3A_1481 : vector<16xi1>, vector<16xf32>
      %select_n3A_1487 = arith.select %gt3A_1484, %select_n3A_1483, %select_n3A_1438 : vector<16xi1>, vector<16xi32>
      %select_n3A_1488 = arith.select %gt3A_1484, %select_n3A_1438, %select_n3A_1483 : vector<16xi1>, vector<16xi32>
      %gt3A_1489 = arith.cmpf ogt, %select_n3A_1486, %select_n3A_1441 : vector<16xf32>
      %select_n3A_1490 = arith.select %gt3A_1489, %select_n3A_1486, %select_n3A_1441 : vector<16xi1>, vector<16xf32>
      %select_n3A_1491 = arith.select %gt3A_1489, %select_n3A_1441, %select_n3A_1486 : vector<16xi1>, vector<16xf32>
      %select_n3A_1492 = arith.select %gt3A_1489, %select_n3A_1488, %select_n3A_1443 : vector<16xi1>, vector<16xi32>
      %select_n3A_1493 = arith.select %gt3A_1489, %select_n3A_1443, %select_n3A_1488 : vector<16xi1>, vector<16xi32>
      %gt3A_1494 = arith.cmpf ogt, %select_n3A_1491, %select_n3A_1446 : vector<16xf32>
      %select_n3A_1495 = arith.select %gt3A_1494, %select_n3A_1491, %select_n3A_1446 : vector<16xi1>, vector<16xf32>
      %select_n3A_1496 = arith.select %gt3A_1494, %select_n3A_1446, %select_n3A_1491 : vector<16xi1>, vector<16xf32>
      %select_n3A_1497 = arith.select %gt3A_1494, %select_n3A_1493, %select_n3A_1448 : vector<16xi1>, vector<16xi32>
      %select_n3A_1498 = arith.select %gt3A_1494, %select_n3A_1448, %select_n3A_1493 : vector<16xi1>, vector<16xi32>
      %gt3A_1499 = arith.cmpf ogt, %select_n3A_1496, %select_n3A_1451 : vector<16xf32>
      %select_n3A_1500 = arith.select %gt3A_1499, %select_n3A_1496, %select_n3A_1451 : vector<16xi1>, vector<16xf32>
      %select_n3A_1501 = arith.select %gt3A_1499, %select_n3A_1451, %select_n3A_1496 : vector<16xi1>, vector<16xf32>
      %select_n3A_1502 = arith.select %gt3A_1499, %select_n3A_1498, %select_n3A_1453 : vector<16xi1>, vector<16xi32>
      %select_n3A_1503 = arith.select %gt3A_1499, %select_n3A_1453, %select_n3A_1498 : vector<16xi1>, vector<16xi32>
      %gt3A_1504 = arith.cmpf ogt, %select_n3A_1501, %select_n3A_1456 : vector<16xf32>
      %select_n3A_1505 = arith.select %gt3A_1504, %select_n3A_1501, %select_n3A_1456 : vector<16xi1>, vector<16xf32>
      %select_n3A_1506 = arith.select %gt3A_1504, %select_n3A_1456, %select_n3A_1501 : vector<16xi1>, vector<16xf32>
      %select_n3A_1507 = arith.select %gt3A_1504, %select_n3A_1503, %select_n3A_1458 : vector<16xi1>, vector<16xi32>
      %select_n3A_1508 = arith.select %gt3A_1504, %select_n3A_1458, %select_n3A_1503 : vector<16xi1>, vector<16xi32>
      %gt3A_1509 = arith.cmpf ogt, %select_n3A_1506, %select_n3A_1461 : vector<16xf32>
      %select_n3A_1510 = arith.select %gt3A_1509, %select_n3A_1506, %select_n3A_1461 : vector<16xi1>, vector<16xf32>
      %select_n3A_1511 = arith.select %gt3A_1509, %select_n3A_1461, %select_n3A_1506 : vector<16xi1>, vector<16xf32>
      %select_n3A_1512 = arith.select %gt3A_1509, %select_n3A_1508, %select_n3A_1463 : vector<16xi1>, vector<16xi32>
      %select_n3A_1513 = arith.select %gt3A_1509, %select_n3A_1463, %select_n3A_1508 : vector<16xi1>, vector<16xi32>
      %mul3A_1514 = arith.constant 64 : i32
      %mul3A_1515 = vector.broadcast %mul3A_1514 : i32 to vector<16xi32>
      %mul3A_1516 = arith.muli %iota3A, %mul3A_1515 : vector<16xi32>
      %add3A_1517 = arith.constant 30 : i32
      %add3A_1518 = vector.broadcast %add3A_1517 : i32 to vector<16xi32>
      %add3A_1519 = arith.addi %mul3A_1516, %add3A_1518 : vector<16xi32>
      %gather3A_1520 = tpu.vector_load_idx %arg5[%add3A_1519] : memref<1024xf32, #tpu.memory_space<vmem>>[vector<16xi32>], vector<16xf32>,
      %broadcast_in_dim3A_1521 = arith.constant 30 : i32
      %broadcast_in_dim3A_1522 = vector.broadcast %broadcast_in_dim3A_1521 : i32 to vector<16xi32>
      %gt3A_1523 = arith.cmpf ogt, %gather3A_1520, %select_n3A_1475 : vector<16xf32>
      %select_n3A_1524 = arith.select %gt3A_1523, %gather3A_1520, %select_n3A_1475 : vector<16xi1>, vector<16xf32>
      %select_n3A_1525 = arith.select %gt3A_1523, %select_n3A_1475, %gather3A_1520 : vector<16xi1>, vector<16xf32>
      %select_n3A_1526 = arith.select %gt3A_1523, %broadcast_in_dim3A_1522, %select_n3A_1477 : vector<16xi1>, vector<16xi32>
      %select_n3A_1527 = arith.select %gt3A_1523, %select_n3A_1477, %broadcast_in_dim3A_1522 : vector<16xi1>, vector<16xi32>
      %gt3A_1528 = arith.cmpf ogt, %select_n3A_1525, %select_n3A_1480 : vector<16xf32>
      %select_n3A_1529 = arith.select %gt3A_1528, %select_n3A_1525, %select_n3A_1480 : vector<16xi1>, vector<16xf32>
      %select_n3A_1530 = arith.select %gt3A_1528, %select_n3A_1480, %select_n3A_1525 : vector<16xi1>, vector<16xf32>
      %select_n3A_1531 = arith.select %gt3A_1528, %select_n3A_1527, %select_n3A_1482 : vector<16xi1>, vector<16xi32>
      %select_n3A_1532 = arith.select %gt3A_1528, %select_n3A_1482, %select_n3A_1527 : vector<16xi1>, vector<16xi32>
      %gt3A_1533 = arith.cmpf ogt, %select_n3A_1530, %select_n3A_1485 : vector<16xf32>
      %select_n3A_1534 = arith.select %gt3A_1533, %select_n3A_1530, %select_n3A_1485 : vector<16xi1>, vector<16xf32>
      %select_n3A_1535 = arith.select %gt3A_1533, %select_n3A_1485, %select_n3A_1530 : vector<16xi1>, vector<16xf32>
      %select_n3A_1536 = arith.select %gt3A_1533, %select_n3A_1532, %select_n3A_1487 : vector<16xi1>, vector<16xi32>
      %select_n3A_1537 = arith.select %gt3A_1533, %select_n3A_1487, %select_n3A_1532 : vector<16xi1>, vector<16xi32>
      %gt3A_1538 = arith.cmpf ogt, %select_n3A_1535, %select_n3A_1490 : vector<16xf32>
      %select_n3A_1539 = arith.select %gt3A_1538, %select_n3A_1535, %select_n3A_1490 : vector<16xi1>, vector<16xf32>
      %select_n3A_1540 = arith.select %gt3A_1538, %select_n3A_1490, %select_n3A_1535 : vector<16xi1>, vector<16xf32>
      %select_n3A_1541 = arith.select %gt3A_1538, %select_n3A_1537, %select_n3A_1492 : vector<16xi1>, vector<16xi32>
      %select_n3A_1542 = arith.select %gt3A_1538, %select_n3A_1492, %select_n3A_1537 : vector<16xi1>, vector<16xi32>
      %gt3A_1543 = arith.cmpf ogt, %select_n3A_1540, %select_n3A_1495 : vector<16xf32>
      %select_n3A_1544 = arith.select %gt3A_1543, %select_n3A_1540, %select_n3A_1495 : vector<16xi1>, vector<16xf32>
      %select_n3A_1545 = arith.select %gt3A_1543, %select_n3A_1495, %select_n3A_1540 : vector<16xi1>, vector<16xf32>
      %select_n3A_1546 = arith.select %gt3A_1543, %select_n3A_1542, %select_n3A_1497 : vector<16xi1>, vector<16xi32>
      %select_n3A_1547 = arith.select %gt3A_1543, %select_n3A_1497, %select_n3A_1542 : vector<16xi1>, vector<16xi32>
      %gt3A_1548 = arith.cmpf ogt, %select_n3A_1545, %select_n3A_1500 : vector<16xf32>
      %select_n3A_1549 = arith.select %gt3A_1548, %select_n3A_1545, %select_n3A_1500 : vector<16xi1>, vector<16xf32>
      %select_n3A_1550 = arith.select %gt3A_1548, %select_n3A_1500, %select_n3A_1545 : vector<16xi1>, vector<16xf32>
      %select_n3A_1551 = arith.select %gt3A_1548, %select_n3A_1547, %select_n3A_1502 : vector<16xi1>, vector<16xi32>
      %select_n3A_1552 = arith.select %gt3A_1548, %select_n3A_1502, %select_n3A_1547 : vector<16xi1>, vector<16xi32>
      %gt3A_1553 = arith.cmpf ogt, %select_n3A_1550, %select_n3A_1505 : vector<16xf32>
      %select_n3A_1554 = arith.select %gt3A_1553, %select_n3A_1550, %select_n3A_1505 : vector<16xi1>, vector<16xf32>
      %select_n3A_1555 = arith.select %gt3A_1553, %select_n3A_1505, %select_n3A_1550 : vector<16xi1>, vector<16xf32>
      %select_n3A_1556 = arith.select %gt3A_1553, %select_n3A_1552, %select_n3A_1507 : vector<16xi1>, vector<16xi32>
      %select_n3A_1557 = arith.select %gt3A_1553, %select_n3A_1507, %select_n3A_1552 : vector<16xi1>, vector<16xi32>
      %gt3A_1558 = arith.cmpf ogt, %select_n3A_1555, %select_n3A_1510 : vector<16xf32>
      %select_n3A_1559 = arith.select %gt3A_1558, %select_n3A_1555, %select_n3A_1510 : vector<16xi1>, vector<16xf32>
      %select_n3A_1560 = arith.select %gt3A_1558, %select_n3A_1510, %select_n3A_1555 : vector<16xi1>, vector<16xf32>
      %select_n3A_1561 = arith.select %gt3A_1558, %select_n3A_1557, %select_n3A_1512 : vector<16xi1>, vector<16xi32>
      %select_n3A_1562 = arith.select %gt3A_1558, %select_n3A_1512, %select_n3A_1557 : vector<16xi1>, vector<16xi32>
      %mul3A_1563 = arith.constant 64 : i32
      %mul3A_1564 = vector.broadcast %mul3A_1563 : i32 to vector<16xi32>
      %mul3A_1565 = arith.muli %iota3A, %mul3A_1564 : vector<16xi32>
      %add3A_1566 = arith.constant 31 : i32
      %add3A_1567 = vector.broadcast %add3A_1566 : i32 to vector<16xi32>
      %add3A_1568 = arith.addi %mul3A_1565, %add3A_1567 : vector<16xi32>
      %gather3A_1569 = tpu.vector_load_idx %arg5[%add3A_1568] : memref<1024xf32, #tpu.memory_space<vmem>>[vector<16xi32>], vector<16xf32>,
      %broadcast_in_dim3A_1570 = arith.constant 31 : i32
      %broadcast_in_dim3A_1571 = vector.broadcast %broadcast_in_dim3A_1570 : i32 to vector<16xi32>
      %gt3A_1572 = arith.cmpf ogt, %gather3A_1569, %select_n3A_1524 : vector<16xf32>
      %select_n3A_1573 = arith.select %gt3A_1572, %gather3A_1569, %select_n3A_1524 : vector<16xi1>, vector<16xf32>
      %select_n3A_1574 = arith.select %gt3A_1572, %select_n3A_1524, %gather3A_1569 : vector<16xi1>, vector<16xf32>
      %select_n3A_1575 = arith.select %gt3A_1572, %broadcast_in_dim3A_1571, %select_n3A_1526 : vector<16xi1>, vector<16xi32>
      %select_n3A_1576 = arith.select %gt3A_1572, %select_n3A_1526, %broadcast_in_dim3A_1571 : vector<16xi1>, vector<16xi32>
      %gt3A_1577 = arith.cmpf ogt, %select_n3A_1574, %select_n3A_1529 : vector<16xf32>
      %select_n3A_1578 = arith.select %gt3A_1577, %select_n3A_1574, %select_n3A_1529 : vector<16xi1>, vector<16xf32>
      %select_n3A_1579 = arith.select %gt3A_1577, %select_n3A_1529, %select_n3A_1574 : vector<16xi1>, vector<16xf32>
      %select_n3A_1580 = arith.select %gt3A_1577, %select_n3A_1576, %select_n3A_1531 : vector<16xi1>, vector<16xi32>
      %select_n3A_1581 = arith.select %gt3A_1577, %select_n3A_1531, %select_n3A_1576 : vector<16xi1>, vector<16xi32>
      %gt3A_1582 = arith.cmpf ogt, %select_n3A_1579, %select_n3A_1534 : vector<16xf32>
      %select_n3A_1583 = arith.select %gt3A_1582, %select_n3A_1579, %select_n3A_1534 : vector<16xi1>, vector<16xf32>
      %select_n3A_1584 = arith.select %gt3A_1582, %select_n3A_1534, %select_n3A_1579 : vector<16xi1>, vector<16xf32>
      %select_n3A_1585 = arith.select %gt3A_1582, %select_n3A_1581, %select_n3A_1536 : vector<16xi1>, vector<16xi32>
      %select_n3A_1586 = arith.select %gt3A_1582, %select_n3A_1536, %select_n3A_1581 : vector<16xi1>, vector<16xi32>
      %gt3A_1587 = arith.cmpf ogt, %select_n3A_1584, %select_n3A_1539 : vector<16xf32>
      %select_n3A_1588 = arith.select %gt3A_1587, %select_n3A_1584, %select_n3A_1539 : vector<16xi1>, vector<16xf32>
      %select_n3A_1589 = arith.select %gt3A_1587, %select_n3A_1539, %select_n3A_1584 : vector<16xi1>, vector<16xf32>
      %select_n3A_1590 = arith.select %gt3A_1587, %select_n3A_1586, %select_n3A_1541 : vector<16xi1>, vector<16xi32>
      %select_n3A_1591 = arith.select %gt3A_1587, %select_n3A_1541, %select_n3A_1586 : vector<16xi1>, vector<16xi32>
      %gt3A_1592 = arith.cmpf ogt, %select_n3A_1589, %select_n3A_1544 : vector<16xf32>
      %select_n3A_1593 = arith.select %gt3A_1592, %select_n3A_1589, %select_n3A_1544 : vector<16xi1>, vector<16xf32>
      %select_n3A_1594 = arith.select %gt3A_1592, %select_n3A_1544, %select_n3A_1589 : vector<16xi1>, vector<16xf32>
      %select_n3A_1595 = arith.select %gt3A_1592, %select_n3A_1591, %select_n3A_1546 : vector<16xi1>, vector<16xi32>
      %select_n3A_1596 = arith.select %gt3A_1592, %select_n3A_1546, %select_n3A_1591 : vector<16xi1>, vector<16xi32>
      %gt3A_1597 = arith.cmpf ogt, %select_n3A_1594, %select_n3A_1549 : vector<16xf32>
      %select_n3A_1598 = arith.select %gt3A_1597, %select_n3A_1594, %select_n3A_1549 : vector<16xi1>, vector<16xf32>
      %select_n3A_1599 = arith.select %gt3A_1597, %select_n3A_1549, %select_n3A_1594 : vector<16xi1>, vector<16xf32>
      %select_n3A_1600 = arith.select %gt3A_1597, %select_n3A_1596, %select_n3A_1551 : vector<16xi1>, vector<16xi32>
      %select_n3A_1601 = arith.select %gt3A_1597, %select_n3A_1551, %select_n3A_1596 : vector<16xi1>, vector<16xi32>
      %gt3A_1602 = arith.cmpf ogt, %select_n3A_1599, %select_n3A_1554 : vector<16xf32>
      %select_n3A_1603 = arith.select %gt3A_1602, %select_n3A_1599, %select_n3A_1554 : vector<16xi1>, vector<16xf32>
      %select_n3A_1604 = arith.select %gt3A_1602, %select_n3A_1554, %select_n3A_1599 : vector<16xi1>, vector<16xf32>
      %select_n3A_1605 = arith.select %gt3A_1602, %select_n3A_1601, %select_n3A_1556 : vector<16xi1>, vector<16xi32>
      %select_n3A_1606 = arith.select %gt3A_1602, %select_n3A_1556, %select_n3A_1601 : vector<16xi1>, vector<16xi32>
      %gt3A_1607 = arith.cmpf ogt, %select_n3A_1604, %select_n3A_1559 : vector<16xf32>
      %select_n3A_1608 = arith.select %gt3A_1607, %select_n3A_1604, %select_n3A_1559 : vector<16xi1>, vector<16xf32>
      %select_n3A_1609 = arith.select %gt3A_1607, %select_n3A_1559, %select_n3A_1604 : vector<16xi1>, vector<16xf32>
      %select_n3A_1610 = arith.select %gt3A_1607, %select_n3A_1606, %select_n3A_1561 : vector<16xi1>, vector<16xi32>
      %select_n3A_1611 = arith.select %gt3A_1607, %select_n3A_1561, %select_n3A_1606 : vector<16xi1>, vector<16xi32>
      %mul3A_1612 = arith.constant 64 : i32
      %mul3A_1613 = vector.broadcast %mul3A_1612 : i32 to vector<16xi32>
      %mul3A_1614 = arith.muli %iota3A, %mul3A_1613 : vector<16xi32>
      %add3A_1615 = arith.constant 32 : i32
      %add3A_1616 = vector.broadcast %add3A_1615 : i32 to vector<16xi32>
      %add3A_1617 = arith.addi %mul3A_1614, %add3A_1616 : vector<16xi32>
      %gather3A_1618 = tpu.vector_load_idx %arg5[%add3A_1617] : memref<1024xf32, #tpu.memory_space<vmem>>[vector<16xi32>], vector<16xf32>,
      %broadcast_in_dim3A_1619 = arith.constant 32 : i32
      %broadcast_in_dim3A_1620 = vector.broadcast %broadcast_in_dim3A_1619 : i32 to vector<16xi32>
      %gt3A_1621 = arith.cmpf ogt, %gather3A_1618, %select_n3A_1573 : vector<16xf32>
      %select_n3A_1622 = arith.select %gt3A_1621, %gather3A_1618, %select_n3A_1573 : vector<16xi1>, vector<16xf32>
      %select_n3A_1623 = arith.select %gt3A_1621, %select_n3A_1573, %gather3A_1618 : vector<16xi1>, vector<16xf32>
      %select_n3A_1624 = arith.select %gt3A_1621, %broadcast_in_dim3A_1620, %select_n3A_1575 : vector<16xi1>, vector<16xi32>
      %select_n3A_1625 = arith.select %gt3A_1621, %select_n3A_1575, %broadcast_in_dim3A_1620 : vector<16xi1>, vector<16xi32>
      %gt3A_1626 = arith.cmpf ogt, %select_n3A_1623, %select_n3A_1578 : vector<16xf32>
      %select_n3A_1627 = arith.select %gt3A_1626, %select_n3A_1623, %select_n3A_1578 : vector<16xi1>, vector<16xf32>
      %select_n3A_1628 = arith.select %gt3A_1626, %select_n3A_1578, %select_n3A_1623 : vector<16xi1>, vector<16xf32>
      %select_n3A_1629 = arith.select %gt3A_1626, %select_n3A_1625, %select_n3A_1580 : vector<16xi1>, vector<16xi32>
      %select_n3A_1630 = arith.select %gt3A_1626, %select_n3A_1580, %select_n3A_1625 : vector<16xi1>, vector<16xi32>
      %gt3A_1631 = arith.cmpf ogt, %select_n3A_1628, %select_n3A_1583 : vector<16xf32>
      %select_n3A_1632 = arith.select %gt3A_1631, %select_n3A_1628, %select_n3A_1583 : vector<16xi1>, vector<16xf32>
      %select_n3A_1633 = arith.select %gt3A_1631, %select_n3A_1583, %select_n3A_1628 : vector<16xi1>, vector<16xf32>
      %select_n3A_1634 = arith.select %gt3A_1631, %select_n3A_1630, %select_n3A_1585 : vector<16xi1>, vector<16xi32>
      %select_n3A_1635 = arith.select %gt3A_1631, %select_n3A_1585, %select_n3A_1630 : vector<16xi1>, vector<16xi32>
      %gt3A_1636 = arith.cmpf ogt, %select_n3A_1633, %select_n3A_1588 : vector<16xf32>
      %select_n3A_1637 = arith.select %gt3A_1636, %select_n3A_1633, %select_n3A_1588 : vector<16xi1>, vector<16xf32>
      %select_n3A_1638 = arith.select %gt3A_1636, %select_n3A_1588, %select_n3A_1633 : vector<16xi1>, vector<16xf32>
      %select_n3A_1639 = arith.select %gt3A_1636, %select_n3A_1635, %select_n3A_1590 : vector<16xi1>, vector<16xi32>
      %select_n3A_1640 = arith.select %gt3A_1636, %select_n3A_1590, %select_n3A_1635 : vector<16xi1>, vector<16xi32>
      %gt3A_1641 = arith.cmpf ogt, %select_n3A_1638, %select_n3A_1593 : vector<16xf32>
      %select_n3A_1642 = arith.select %gt3A_1641, %select_n3A_1638, %select_n3A_1593 : vector<16xi1>, vector<16xf32>
      %select_n3A_1643 = arith.select %gt3A_1641, %select_n3A_1593, %select_n3A_1638 : vector<16xi1>, vector<16xf32>
      %select_n3A_1644 = arith.select %gt3A_1641, %select_n3A_1640, %select_n3A_1595 : vector<16xi1>, vector<16xi32>
      %select_n3A_1645 = arith.select %gt3A_1641, %select_n3A_1595, %select_n3A_1640 : vector<16xi1>, vector<16xi32>
      %gt3A_1646 = arith.cmpf ogt, %select_n3A_1643, %select_n3A_1598 : vector<16xf32>
      %select_n3A_1647 = arith.select %gt3A_1646, %select_n3A_1643, %select_n3A_1598 : vector<16xi1>, vector<16xf32>
      %select_n3A_1648 = arith.select %gt3A_1646, %select_n3A_1598, %select_n3A_1643 : vector<16xi1>, vector<16xf32>
      %select_n3A_1649 = arith.select %gt3A_1646, %select_n3A_1645, %select_n3A_1600 : vector<16xi1>, vector<16xi32>
      %select_n3A_1650 = arith.select %gt3A_1646, %select_n3A_1600, %select_n3A_1645 : vector<16xi1>, vector<16xi32>
      %gt3A_1651 = arith.cmpf ogt, %select_n3A_1648, %select_n3A_1603 : vector<16xf32>
      %select_n3A_1652 = arith.select %gt3A_1651, %select_n3A_1648, %select_n3A_1603 : vector<16xi1>, vector<16xf32>
      %select_n3A_1653 = arith.select %gt3A_1651, %select_n3A_1603, %select_n3A_1648 : vector<16xi1>, vector<16xf32>
      %select_n3A_1654 = arith.select %gt3A_1651, %select_n3A_1650, %select_n3A_1605 : vector<16xi1>, vector<16xi32>
      %select_n3A_1655 = arith.select %gt3A_1651, %select_n3A_1605, %select_n3A_1650 : vector<16xi1>, vector<16xi32>
      %gt3A_1656 = arith.cmpf ogt, %select_n3A_1653, %select_n3A_1608 : vector<16xf32>
      %select_n3A_1657 = arith.select %gt3A_1656, %select_n3A_1653, %select_n3A_1608 : vector<16xi1>, vector<16xf32>
      %select_n3A_1658 = arith.select %gt3A_1656, %select_n3A_1608, %select_n3A_1653 : vector<16xi1>, vector<16xf32>
      %select_n3A_1659 = arith.select %gt3A_1656, %select_n3A_1655, %select_n3A_1610 : vector<16xi1>, vector<16xi32>
      %select_n3A_1660 = arith.select %gt3A_1656, %select_n3A_1610, %select_n3A_1655 : vector<16xi1>, vector<16xi32>
      %mul3A_1661 = arith.constant 64 : i32
      %mul3A_1662 = vector.broadcast %mul3A_1661 : i32 to vector<16xi32>
      %mul3A_1663 = arith.muli %iota3A, %mul3A_1662 : vector<16xi32>
      %add3A_1664 = arith.constant 33 : i32
      %add3A_1665 = vector.broadcast %add3A_1664 : i32 to vector<16xi32>
      %add3A_1666 = arith.addi %mul3A_1663, %add3A_1665 : vector<16xi32>
      %gather3A_1667 = tpu.vector_load_idx %arg5[%add3A_1666] : memref<1024xf32, #tpu.memory_space<vmem>>[vector<16xi32>], vector<16xf32>,
      %broadcast_in_dim3A_1668 = arith.constant 33 : i32
      %broadcast_in_dim3A_1669 = vector.broadcast %broadcast_in_dim3A_1668 : i32 to vector<16xi32>
      %gt3A_1670 = arith.cmpf ogt, %gather3A_1667, %select_n3A_1622 : vector<16xf32>
      %select_n3A_1671 = arith.select %gt3A_1670, %gather3A_1667, %select_n3A_1622 : vector<16xi1>, vector<16xf32>
      %select_n3A_1672 = arith.select %gt3A_1670, %select_n3A_1622, %gather3A_1667 : vector<16xi1>, vector<16xf32>
      %select_n3A_1673 = arith.select %gt3A_1670, %broadcast_in_dim3A_1669, %select_n3A_1624 : vector<16xi1>, vector<16xi32>
      %select_n3A_1674 = arith.select %gt3A_1670, %select_n3A_1624, %broadcast_in_dim3A_1669 : vector<16xi1>, vector<16xi32>
      %gt3A_1675 = arith.cmpf ogt, %select_n3A_1672, %select_n3A_1627 : vector<16xf32>
      %select_n3A_1676 = arith.select %gt3A_1675, %select_n3A_1672, %select_n3A_1627 : vector<16xi1>, vector<16xf32>
      %select_n3A_1677 = arith.select %gt3A_1675, %select_n3A_1627, %select_n3A_1672 : vector<16xi1>, vector<16xf32>
      %select_n3A_1678 = arith.select %gt3A_1675, %select_n3A_1674, %select_n3A_1629 : vector<16xi1>, vector<16xi32>
      %select_n3A_1679 = arith.select %gt3A_1675, %select_n3A_1629, %select_n3A_1674 : vector<16xi1>, vector<16xi32>
      %gt3A_1680 = arith.cmpf ogt, %select_n3A_1677, %select_n3A_1632 : vector<16xf32>
      %select_n3A_1681 = arith.select %gt3A_1680, %select_n3A_1677, %select_n3A_1632 : vector<16xi1>, vector<16xf32>
      %select_n3A_1682 = arith.select %gt3A_1680, %select_n3A_1632, %select_n3A_1677 : vector<16xi1>, vector<16xf32>
      %select_n3A_1683 = arith.select %gt3A_1680, %select_n3A_1679, %select_n3A_1634 : vector<16xi1>, vector<16xi32>
      %select_n3A_1684 = arith.select %gt3A_1680, %select_n3A_1634, %select_n3A_1679 : vector<16xi1>, vector<16xi32>
      %gt3A_1685 = arith.cmpf ogt, %select_n3A_1682, %select_n3A_1637 : vector<16xf32>
      %select_n3A_1686 = arith.select %gt3A_1685, %select_n3A_1682, %select_n3A_1637 : vector<16xi1>, vector<16xf32>
      %select_n3A_1687 = arith.select %gt3A_1685, %select_n3A_1637, %select_n3A_1682 : vector<16xi1>, vector<16xf32>
      %select_n3A_1688 = arith.select %gt3A_1685, %select_n3A_1684, %select_n3A_1639 : vector<16xi1>, vector<16xi32>
      %select_n3A_1689 = arith.select %gt3A_1685, %select_n3A_1639, %select_n3A_1684 : vector<16xi1>, vector<16xi32>
      %gt3A_1690 = arith.cmpf ogt, %select_n3A_1687, %select_n3A_1642 : vector<16xf32>
      %select_n3A_1691 = arith.select %gt3A_1690, %select_n3A_1687, %select_n3A_1642 : vector<16xi1>, vector<16xf32>
      %select_n3A_1692 = arith.select %gt3A_1690, %select_n3A_1642, %select_n3A_1687 : vector<16xi1>, vector<16xf32>
      %select_n3A_1693 = arith.select %gt3A_1690, %select_n3A_1689, %select_n3A_1644 : vector<16xi1>, vector<16xi32>
      %select_n3A_1694 = arith.select %gt3A_1690, %select_n3A_1644, %select_n3A_1689 : vector<16xi1>, vector<16xi32>
      %gt3A_1695 = arith.cmpf ogt, %select_n3A_1692, %select_n3A_1647 : vector<16xf32>
      %select_n3A_1696 = arith.select %gt3A_1695, %select_n3A_1692, %select_n3A_1647 : vector<16xi1>, vector<16xf32>
      %select_n3A_1697 = arith.select %gt3A_1695, %select_n3A_1647, %select_n3A_1692 : vector<16xi1>, vector<16xf32>
      %select_n3A_1698 = arith.select %gt3A_1695, %select_n3A_1694, %select_n3A_1649 : vector<16xi1>, vector<16xi32>
      %select_n3A_1699 = arith.select %gt3A_1695, %select_n3A_1649, %select_n3A_1694 : vector<16xi1>, vector<16xi32>
      %gt3A_1700 = arith.cmpf ogt, %select_n3A_1697, %select_n3A_1652 : vector<16xf32>
      %select_n3A_1701 = arith.select %gt3A_1700, %select_n3A_1697, %select_n3A_1652 : vector<16xi1>, vector<16xf32>
      %select_n3A_1702 = arith.select %gt3A_1700, %select_n3A_1652, %select_n3A_1697 : vector<16xi1>, vector<16xf32>
      %select_n3A_1703 = arith.select %gt3A_1700, %select_n3A_1699, %select_n3A_1654 : vector<16xi1>, vector<16xi32>
      %select_n3A_1704 = arith.select %gt3A_1700, %select_n3A_1654, %select_n3A_1699 : vector<16xi1>, vector<16xi32>
      %gt3A_1705 = arith.cmpf ogt, %select_n3A_1702, %select_n3A_1657 : vector<16xf32>
      %select_n3A_1706 = arith.select %gt3A_1705, %select_n3A_1702, %select_n3A_1657 : vector<16xi1>, vector<16xf32>
      %select_n3A_1707 = arith.select %gt3A_1705, %select_n3A_1657, %select_n3A_1702 : vector<16xi1>, vector<16xf32>
      %select_n3A_1708 = arith.select %gt3A_1705, %select_n3A_1704, %select_n3A_1659 : vector<16xi1>, vector<16xi32>
      %select_n3A_1709 = arith.select %gt3A_1705, %select_n3A_1659, %select_n3A_1704 : vector<16xi1>, vector<16xi32>
      %mul3A_1710 = arith.constant 64 : i32
      %mul3A_1711 = vector.broadcast %mul3A_1710 : i32 to vector<16xi32>
      %mul3A_1712 = arith.muli %iota3A, %mul3A_1711 : vector<16xi32>
      %add3A_1713 = arith.constant 34 : i32
      %add3A_1714 = vector.broadcast %add3A_1713 : i32 to vector<16xi32>
      %add3A_1715 = arith.addi %mul3A_1712, %add3A_1714 : vector<16xi32>
      %gather3A_1716 = tpu.vector_load_idx %arg5[%add3A_1715] : memref<1024xf32, #tpu.memory_space<vmem>>[vector<16xi32>], vector<16xf32>,
      %broadcast_in_dim3A_1717 = arith.constant 34 : i32
      %broadcast_in_dim3A_1718 = vector.broadcast %broadcast_in_dim3A_1717 : i32 to vector<16xi32>
      %gt3A_1719 = arith.cmpf ogt, %gather3A_1716, %select_n3A_1671 : vector<16xf32>
      %select_n3A_1720 = arith.select %gt3A_1719, %gather3A_1716, %select_n3A_1671 : vector<16xi1>, vector<16xf32>
      %select_n3A_1721 = arith.select %gt3A_1719, %select_n3A_1671, %gather3A_1716 : vector<16xi1>, vector<16xf32>
      %select_n3A_1722 = arith.select %gt3A_1719, %broadcast_in_dim3A_1718, %select_n3A_1673 : vector<16xi1>, vector<16xi32>
      %select_n3A_1723 = arith.select %gt3A_1719, %select_n3A_1673, %broadcast_in_dim3A_1718 : vector<16xi1>, vector<16xi32>
      %gt3A_1724 = arith.cmpf ogt, %select_n3A_1721, %select_n3A_1676 : vector<16xf32>
      %select_n3A_1725 = arith.select %gt3A_1724, %select_n3A_1721, %select_n3A_1676 : vector<16xi1>, vector<16xf32>
      %select_n3A_1726 = arith.select %gt3A_1724, %select_n3A_1676, %select_n3A_1721 : vector<16xi1>, vector<16xf32>
      %select_n3A_1727 = arith.select %gt3A_1724, %select_n3A_1723, %select_n3A_1678 : vector<16xi1>, vector<16xi32>
      %select_n3A_1728 = arith.select %gt3A_1724, %select_n3A_1678, %select_n3A_1723 : vector<16xi1>, vector<16xi32>
      %gt3A_1729 = arith.cmpf ogt, %select_n3A_1726, %select_n3A_1681 : vector<16xf32>
      %select_n3A_1730 = arith.select %gt3A_1729, %select_n3A_1726, %select_n3A_1681 : vector<16xi1>, vector<16xf32>
      %select_n3A_1731 = arith.select %gt3A_1729, %select_n3A_1681, %select_n3A_1726 : vector<16xi1>, vector<16xf32>
      %select_n3A_1732 = arith.select %gt3A_1729, %select_n3A_1728, %select_n3A_1683 : vector<16xi1>, vector<16xi32>
      %select_n3A_1733 = arith.select %gt3A_1729, %select_n3A_1683, %select_n3A_1728 : vector<16xi1>, vector<16xi32>
      %gt3A_1734 = arith.cmpf ogt, %select_n3A_1731, %select_n3A_1686 : vector<16xf32>
      %select_n3A_1735 = arith.select %gt3A_1734, %select_n3A_1731, %select_n3A_1686 : vector<16xi1>, vector<16xf32>
      %select_n3A_1736 = arith.select %gt3A_1734, %select_n3A_1686, %select_n3A_1731 : vector<16xi1>, vector<16xf32>
      %select_n3A_1737 = arith.select %gt3A_1734, %select_n3A_1733, %select_n3A_1688 : vector<16xi1>, vector<16xi32>
      %select_n3A_1738 = arith.select %gt3A_1734, %select_n3A_1688, %select_n3A_1733 : vector<16xi1>, vector<16xi32>
      %gt3A_1739 = arith.cmpf ogt, %select_n3A_1736, %select_n3A_1691 : vector<16xf32>
      %select_n3A_1740 = arith.select %gt3A_1739, %select_n3A_1736, %select_n3A_1691 : vector<16xi1>, vector<16xf32>
      %select_n3A_1741 = arith.select %gt3A_1739, %select_n3A_1691, %select_n3A_1736 : vector<16xi1>, vector<16xf32>
      %select_n3A_1742 = arith.select %gt3A_1739, %select_n3A_1738, %select_n3A_1693 : vector<16xi1>, vector<16xi32>
      %select_n3A_1743 = arith.select %gt3A_1739, %select_n3A_1693, %select_n3A_1738 : vector<16xi1>, vector<16xi32>
      %gt3A_1744 = arith.cmpf ogt, %select_n3A_1741, %select_n3A_1696 : vector<16xf32>
      %select_n3A_1745 = arith.select %gt3A_1744, %select_n3A_1741, %select_n3A_1696 : vector<16xi1>, vector<16xf32>
      %select_n3A_1746 = arith.select %gt3A_1744, %select_n3A_1696, %select_n3A_1741 : vector<16xi1>, vector<16xf32>
      %select_n3A_1747 = arith.select %gt3A_1744, %select_n3A_1743, %select_n3A_1698 : vector<16xi1>, vector<16xi32>
      %select_n3A_1748 = arith.select %gt3A_1744, %select_n3A_1698, %select_n3A_1743 : vector<16xi1>, vector<16xi32>
      %gt3A_1749 = arith.cmpf ogt, %select_n3A_1746, %select_n3A_1701 : vector<16xf32>
      %select_n3A_1750 = arith.select %gt3A_1749, %select_n3A_1746, %select_n3A_1701 : vector<16xi1>, vector<16xf32>
      %select_n3A_1751 = arith.select %gt3A_1749, %select_n3A_1701, %select_n3A_1746 : vector<16xi1>, vector<16xf32>
      %select_n3A_1752 = arith.select %gt3A_1749, %select_n3A_1748, %select_n3A_1703 : vector<16xi1>, vector<16xi32>
      %select_n3A_1753 = arith.select %gt3A_1749, %select_n3A_1703, %select_n3A_1748 : vector<16xi1>, vector<16xi32>
      %gt3A_1754 = arith.cmpf ogt, %select_n3A_1751, %select_n3A_1706 : vector<16xf32>
      %select_n3A_1755 = arith.select %gt3A_1754, %select_n3A_1751, %select_n3A_1706 : vector<16xi1>, vector<16xf32>
      %select_n3A_1756 = arith.select %gt3A_1754, %select_n3A_1706, %select_n3A_1751 : vector<16xi1>, vector<16xf32>
      %select_n3A_1757 = arith.select %gt3A_1754, %select_n3A_1753, %select_n3A_1708 : vector<16xi1>, vector<16xi32>
      %select_n3A_1758 = arith.select %gt3A_1754, %select_n3A_1708, %select_n3A_1753 : vector<16xi1>, vector<16xi32>
      %mul3A_1759 = arith.constant 64 : i32
      %mul3A_1760 = vector.broadcast %mul3A_1759 : i32 to vector<16xi32>
      %mul3A_1761 = arith.muli %iota3A, %mul3A_1760 : vector<16xi32>
      %add3A_1762 = arith.constant 35 : i32
      %add3A_1763 = vector.broadcast %add3A_1762 : i32 to vector<16xi32>
      %add3A_1764 = arith.addi %mul3A_1761, %add3A_1763 : vector<16xi32>
      %gather3A_1765 = tpu.vector_load_idx %arg5[%add3A_1764] : memref<1024xf32, #tpu.memory_space<vmem>>[vector<16xi32>], vector<16xf32>,
      %broadcast_in_dim3A_1766 = arith.constant 35 : i32
      %broadcast_in_dim3A_1767 = vector.broadcast %broadcast_in_dim3A_1766 : i32 to vector<16xi32>
      %gt3A_1768 = arith.cmpf ogt, %gather3A_1765, %select_n3A_1720 : vector<16xf32>
      %select_n3A_1769 = arith.select %gt3A_1768, %gather3A_1765, %select_n3A_1720 : vector<16xi1>, vector<16xf32>
      %select_n3A_1770 = arith.select %gt3A_1768, %select_n3A_1720, %gather3A_1765 : vector<16xi1>, vector<16xf32>
      %select_n3A_1771 = arith.select %gt3A_1768, %broadcast_in_dim3A_1767, %select_n3A_1722 : vector<16xi1>, vector<16xi32>
      %select_n3A_1772 = arith.select %gt3A_1768, %select_n3A_1722, %broadcast_in_dim3A_1767 : vector<16xi1>, vector<16xi32>
      %gt3A_1773 = arith.cmpf ogt, %select_n3A_1770, %select_n3A_1725 : vector<16xf32>
      %select_n3A_1774 = arith.select %gt3A_1773, %select_n3A_1770, %select_n3A_1725 : vector<16xi1>, vector<16xf32>
      %select_n3A_1775 = arith.select %gt3A_1773, %select_n3A_1725, %select_n3A_1770 : vector<16xi1>, vector<16xf32>
      %select_n3A_1776 = arith.select %gt3A_1773, %select_n3A_1772, %select_n3A_1727 : vector<16xi1>, vector<16xi32>
      %select_n3A_1777 = arith.select %gt3A_1773, %select_n3A_1727, %select_n3A_1772 : vector<16xi1>, vector<16xi32>
      %gt3A_1778 = arith.cmpf ogt, %select_n3A_1775, %select_n3A_1730 : vector<16xf32>
      %select_n3A_1779 = arith.select %gt3A_1778, %select_n3A_1775, %select_n3A_1730 : vector<16xi1>, vector<16xf32>
      %select_n3A_1780 = arith.select %gt3A_1778, %select_n3A_1730, %select_n3A_1775 : vector<16xi1>, vector<16xf32>
      %select_n3A_1781 = arith.select %gt3A_1778, %select_n3A_1777, %select_n3A_1732 : vector<16xi1>, vector<16xi32>
      %select_n3A_1782 = arith.select %gt3A_1778, %select_n3A_1732, %select_n3A_1777 : vector<16xi1>, vector<16xi32>
      %gt3A_1783 = arith.cmpf ogt, %select_n3A_1780, %select_n3A_1735 : vector<16xf32>
      %select_n3A_1784 = arith.select %gt3A_1783, %select_n3A_1780, %select_n3A_1735 : vector<16xi1>, vector<16xf32>
      %select_n3A_1785 = arith.select %gt3A_1783, %select_n3A_1735, %select_n3A_1780 : vector<16xi1>, vector<16xf32>
      %select_n3A_1786 = arith.select %gt3A_1783, %select_n3A_1782, %select_n3A_1737 : vector<16xi1>, vector<16xi32>
      %select_n3A_1787 = arith.select %gt3A_1783, %select_n3A_1737, %select_n3A_1782 : vector<16xi1>, vector<16xi32>
      %gt3A_1788 = arith.cmpf ogt, %select_n3A_1785, %select_n3A_1740 : vector<16xf32>
      %select_n3A_1789 = arith.select %gt3A_1788, %select_n3A_1785, %select_n3A_1740 : vector<16xi1>, vector<16xf32>
      %select_n3A_1790 = arith.select %gt3A_1788, %select_n3A_1740, %select_n3A_1785 : vector<16xi1>, vector<16xf32>
      %select_n3A_1791 = arith.select %gt3A_1788, %select_n3A_1787, %select_n3A_1742 : vector<16xi1>, vector<16xi32>
      %select_n3A_1792 = arith.select %gt3A_1788, %select_n3A_1742, %select_n3A_1787 : vector<16xi1>, vector<16xi32>
      %gt3A_1793 = arith.cmpf ogt, %select_n3A_1790, %select_n3A_1745 : vector<16xf32>
      %select_n3A_1794 = arith.select %gt3A_1793, %select_n3A_1790, %select_n3A_1745 : vector<16xi1>, vector<16xf32>
      %select_n3A_1795 = arith.select %gt3A_1793, %select_n3A_1745, %select_n3A_1790 : vector<16xi1>, vector<16xf32>
      %select_n3A_1796 = arith.select %gt3A_1793, %select_n3A_1792, %select_n3A_1747 : vector<16xi1>, vector<16xi32>
      %select_n3A_1797 = arith.select %gt3A_1793, %select_n3A_1747, %select_n3A_1792 : vector<16xi1>, vector<16xi32>
      %gt3A_1798 = arith.cmpf ogt, %select_n3A_1795, %select_n3A_1750 : vector<16xf32>
      %select_n3A_1799 = arith.select %gt3A_1798, %select_n3A_1795, %select_n3A_1750 : vector<16xi1>, vector<16xf32>
      %select_n3A_1800 = arith.select %gt3A_1798, %select_n3A_1750, %select_n3A_1795 : vector<16xi1>, vector<16xf32>
      %select_n3A_1801 = arith.select %gt3A_1798, %select_n3A_1797, %select_n3A_1752 : vector<16xi1>, vector<16xi32>
      %select_n3A_1802 = arith.select %gt3A_1798, %select_n3A_1752, %select_n3A_1797 : vector<16xi1>, vector<16xi32>
      %gt3A_1803 = arith.cmpf ogt, %select_n3A_1800, %select_n3A_1755 : vector<16xf32>
      %select_n3A_1804 = arith.select %gt3A_1803, %select_n3A_1800, %select_n3A_1755 : vector<16xi1>, vector<16xf32>
      %select_n3A_1805 = arith.select %gt3A_1803, %select_n3A_1755, %select_n3A_1800 : vector<16xi1>, vector<16xf32>
      %select_n3A_1806 = arith.select %gt3A_1803, %select_n3A_1802, %select_n3A_1757 : vector<16xi1>, vector<16xi32>
      %select_n3A_1807 = arith.select %gt3A_1803, %select_n3A_1757, %select_n3A_1802 : vector<16xi1>, vector<16xi32>
      %mul3A_1808 = arith.constant 64 : i32
      %mul3A_1809 = vector.broadcast %mul3A_1808 : i32 to vector<16xi32>
      %mul3A_1810 = arith.muli %iota3A, %mul3A_1809 : vector<16xi32>
      %add3A_1811 = arith.constant 36 : i32
      %add3A_1812 = vector.broadcast %add3A_1811 : i32 to vector<16xi32>
      %add3A_1813 = arith.addi %mul3A_1810, %add3A_1812 : vector<16xi32>
      %gather3A_1814 = tpu.vector_load_idx %arg5[%add3A_1813] : memref<1024xf32, #tpu.memory_space<vmem>>[vector<16xi32>], vector<16xf32>,
      %broadcast_in_dim3A_1815 = arith.constant 36 : i32
      %broadcast_in_dim3A_1816 = vector.broadcast %broadcast_in_dim3A_1815 : i32 to vector<16xi32>
      %gt3A_1817 = arith.cmpf ogt, %gather3A_1814, %select_n3A_1769 : vector<16xf32>
      %select_n3A_1818 = arith.select %gt3A_1817, %gather3A_1814, %select_n3A_1769 : vector<16xi1>, vector<16xf32>
      %select_n3A_1819 = arith.select %gt3A_1817, %select_n3A_1769, %gather3A_1814 : vector<16xi1>, vector<16xf32>
      %select_n3A_1820 = arith.select %gt3A_1817, %broadcast_in_dim3A_1816, %select_n3A_1771 : vector<16xi1>, vector<16xi32>
      %select_n3A_1821 = arith.select %gt3A_1817, %select_n3A_1771, %broadcast_in_dim3A_1816 : vector<16xi1>, vector<16xi32>
      %gt3A_1822 = arith.cmpf ogt, %select_n3A_1819, %select_n3A_1774 : vector<16xf32>
      %select_n3A_1823 = arith.select %gt3A_1822, %select_n3A_1819, %select_n3A_1774 : vector<16xi1>, vector<16xf32>
      %select_n3A_1824 = arith.select %gt3A_1822, %select_n3A_1774, %select_n3A_1819 : vector<16xi1>, vector<16xf32>
      %select_n3A_1825 = arith.select %gt3A_1822, %select_n3A_1821, %select_n3A_1776 : vector<16xi1>, vector<16xi32>
      %select_n3A_1826 = arith.select %gt3A_1822, %select_n3A_1776, %select_n3A_1821 : vector<16xi1>, vector<16xi32>
      %gt3A_1827 = arith.cmpf ogt, %select_n3A_1824, %select_n3A_1779 : vector<16xf32>
      %select_n3A_1828 = arith.select %gt3A_1827, %select_n3A_1824, %select_n3A_1779 : vector<16xi1>, vector<16xf32>
      %select_n3A_1829 = arith.select %gt3A_1827, %select_n3A_1779, %select_n3A_1824 : vector<16xi1>, vector<16xf32>
      %select_n3A_1830 = arith.select %gt3A_1827, %select_n3A_1826, %select_n3A_1781 : vector<16xi1>, vector<16xi32>
      %select_n3A_1831 = arith.select %gt3A_1827, %select_n3A_1781, %select_n3A_1826 : vector<16xi1>, vector<16xi32>
      %gt3A_1832 = arith.cmpf ogt, %select_n3A_1829, %select_n3A_1784 : vector<16xf32>
      %select_n3A_1833 = arith.select %gt3A_1832, %select_n3A_1829, %select_n3A_1784 : vector<16xi1>, vector<16xf32>
      %select_n3A_1834 = arith.select %gt3A_1832, %select_n3A_1784, %select_n3A_1829 : vector<16xi1>, vector<16xf32>
      %select_n3A_1835 = arith.select %gt3A_1832, %select_n3A_1831, %select_n3A_1786 : vector<16xi1>, vector<16xi32>
      %select_n3A_1836 = arith.select %gt3A_1832, %select_n3A_1786, %select_n3A_1831 : vector<16xi1>, vector<16xi32>
      %gt3A_1837 = arith.cmpf ogt, %select_n3A_1834, %select_n3A_1789 : vector<16xf32>
      %select_n3A_1838 = arith.select %gt3A_1837, %select_n3A_1834, %select_n3A_1789 : vector<16xi1>, vector<16xf32>
      %select_n3A_1839 = arith.select %gt3A_1837, %select_n3A_1789, %select_n3A_1834 : vector<16xi1>, vector<16xf32>
      %select_n3A_1840 = arith.select %gt3A_1837, %select_n3A_1836, %select_n3A_1791 : vector<16xi1>, vector<16xi32>
      %select_n3A_1841 = arith.select %gt3A_1837, %select_n3A_1791, %select_n3A_1836 : vector<16xi1>, vector<16xi32>
      %gt3A_1842 = arith.cmpf ogt, %select_n3A_1839, %select_n3A_1794 : vector<16xf32>
      %select_n3A_1843 = arith.select %gt3A_1842, %select_n3A_1839, %select_n3A_1794 : vector<16xi1>, vector<16xf32>
      %select_n3A_1844 = arith.select %gt3A_1842, %select_n3A_1794, %select_n3A_1839 : vector<16xi1>, vector<16xf32>
      %select_n3A_1845 = arith.select %gt3A_1842, %select_n3A_1841, %select_n3A_1796 : vector<16xi1>, vector<16xi32>
      %select_n3A_1846 = arith.select %gt3A_1842, %select_n3A_1796, %select_n3A_1841 : vector<16xi1>, vector<16xi32>
      %gt3A_1847 = arith.cmpf ogt, %select_n3A_1844, %select_n3A_1799 : vector<16xf32>
      %select_n3A_1848 = arith.select %gt3A_1847, %select_n3A_1844, %select_n3A_1799 : vector<16xi1>, vector<16xf32>
      %select_n3A_1849 = arith.select %gt3A_1847, %select_n3A_1799, %select_n3A_1844 : vector<16xi1>, vector<16xf32>
      %select_n3A_1850 = arith.select %gt3A_1847, %select_n3A_1846, %select_n3A_1801 : vector<16xi1>, vector<16xi32>
      %select_n3A_1851 = arith.select %gt3A_1847, %select_n3A_1801, %select_n3A_1846 : vector<16xi1>, vector<16xi32>
      %gt3A_1852 = arith.cmpf ogt, %select_n3A_1849, %select_n3A_1804 : vector<16xf32>
      %select_n3A_1853 = arith.select %gt3A_1852, %select_n3A_1849, %select_n3A_1804 : vector<16xi1>, vector<16xf32>
      %select_n3A_1854 = arith.select %gt3A_1852, %select_n3A_1804, %select_n3A_1849 : vector<16xi1>, vector<16xf32>
      %select_n3A_1855 = arith.select %gt3A_1852, %select_n3A_1851, %select_n3A_1806 : vector<16xi1>, vector<16xi32>
      %select_n3A_1856 = arith.select %gt3A_1852, %select_n3A_1806, %select_n3A_1851 : vector<16xi1>, vector<16xi32>
      %mul3A_1857 = arith.constant 64 : i32
      %mul3A_1858 = vector.broadcast %mul3A_1857 : i32 to vector<16xi32>
      %mul3A_1859 = arith.muli %iota3A, %mul3A_1858 : vector<16xi32>
      %add3A_1860 = arith.constant 37 : i32
      %add3A_1861 = vector.broadcast %add3A_1860 : i32 to vector<16xi32>
      %add3A_1862 = arith.addi %mul3A_1859, %add3A_1861 : vector<16xi32>
      %gather3A_1863 = tpu.vector_load_idx %arg5[%add3A_1862] : memref<1024xf32, #tpu.memory_space<vmem>>[vector<16xi32>], vector<16xf32>,
      %broadcast_in_dim3A_1864 = arith.constant 37 : i32
      %broadcast_in_dim3A_1865 = vector.broadcast %broadcast_in_dim3A_1864 : i32 to vector<16xi32>
      %gt3A_1866 = arith.cmpf ogt, %gather3A_1863, %select_n3A_1818 : vector<16xf32>
      %select_n3A_1867 = arith.select %gt3A_1866, %gather3A_1863, %select_n3A_1818 : vector<16xi1>, vector<16xf32>
      %select_n3A_1868 = arith.select %gt3A_1866, %select_n3A_1818, %gather3A_1863 : vector<16xi1>, vector<16xf32>
      %select_n3A_1869 = arith.select %gt3A_1866, %broadcast_in_dim3A_1865, %select_n3A_1820 : vector<16xi1>, vector<16xi32>
      %select_n3A_1870 = arith.select %gt3A_1866, %select_n3A_1820, %broadcast_in_dim3A_1865 : vector<16xi1>, vector<16xi32>
      %gt3A_1871 = arith.cmpf ogt, %select_n3A_1868, %select_n3A_1823 : vector<16xf32>
      %select_n3A_1872 = arith.select %gt3A_1871, %select_n3A_1868, %select_n3A_1823 : vector<16xi1>, vector<16xf32>
      %select_n3A_1873 = arith.select %gt3A_1871, %select_n3A_1823, %select_n3A_1868 : vector<16xi1>, vector<16xf32>
      %select_n3A_1874 = arith.select %gt3A_1871, %select_n3A_1870, %select_n3A_1825 : vector<16xi1>, vector<16xi32>
      %select_n3A_1875 = arith.select %gt3A_1871, %select_n3A_1825, %select_n3A_1870 : vector<16xi1>, vector<16xi32>
      %gt3A_1876 = arith.cmpf ogt, %select_n3A_1873, %select_n3A_1828 : vector<16xf32>
      %select_n3A_1877 = arith.select %gt3A_1876, %select_n3A_1873, %select_n3A_1828 : vector<16xi1>, vector<16xf32>
      %select_n3A_1878 = arith.select %gt3A_1876, %select_n3A_1828, %select_n3A_1873 : vector<16xi1>, vector<16xf32>
      %select_n3A_1879 = arith.select %gt3A_1876, %select_n3A_1875, %select_n3A_1830 : vector<16xi1>, vector<16xi32>
      %select_n3A_1880 = arith.select %gt3A_1876, %select_n3A_1830, %select_n3A_1875 : vector<16xi1>, vector<16xi32>
      %gt3A_1881 = arith.cmpf ogt, %select_n3A_1878, %select_n3A_1833 : vector<16xf32>
      %select_n3A_1882 = arith.select %gt3A_1881, %select_n3A_1878, %select_n3A_1833 : vector<16xi1>, vector<16xf32>
      %select_n3A_1883 = arith.select %gt3A_1881, %select_n3A_1833, %select_n3A_1878 : vector<16xi1>, vector<16xf32>
      %select_n3A_1884 = arith.select %gt3A_1881, %select_n3A_1880, %select_n3A_1835 : vector<16xi1>, vector<16xi32>
      %select_n3A_1885 = arith.select %gt3A_1881, %select_n3A_1835, %select_n3A_1880 : vector<16xi1>, vector<16xi32>
      %gt3A_1886 = arith.cmpf ogt, %select_n3A_1883, %select_n3A_1838 : vector<16xf32>
      %select_n3A_1887 = arith.select %gt3A_1886, %select_n3A_1883, %select_n3A_1838 : vector<16xi1>, vector<16xf32>
      %select_n3A_1888 = arith.select %gt3A_1886, %select_n3A_1838, %select_n3A_1883 : vector<16xi1>, vector<16xf32>
      %select_n3A_1889 = arith.select %gt3A_1886, %select_n3A_1885, %select_n3A_1840 : vector<16xi1>, vector<16xi32>
      %select_n3A_1890 = arith.select %gt3A_1886, %select_n3A_1840, %select_n3A_1885 : vector<16xi1>, vector<16xi32>
      %gt3A_1891 = arith.cmpf ogt, %select_n3A_1888, %select_n3A_1843 : vector<16xf32>
      %select_n3A_1892 = arith.select %gt3A_1891, %select_n3A_1888, %select_n3A_1843 : vector<16xi1>, vector<16xf32>
      %select_n3A_1893 = arith.select %gt3A_1891, %select_n3A_1843, %select_n3A_1888 : vector<16xi1>, vector<16xf32>
      %select_n3A_1894 = arith.select %gt3A_1891, %select_n3A_1890, %select_n3A_1845 : vector<16xi1>, vector<16xi32>
      %select_n3A_1895 = arith.select %gt3A_1891, %select_n3A_1845, %select_n3A_1890 : vector<16xi1>, vector<16xi32>
      %gt3A_1896 = arith.cmpf ogt, %select_n3A_1893, %select_n3A_1848 : vector<16xf32>
      %select_n3A_1897 = arith.select %gt3A_1896, %select_n3A_1893, %select_n3A_1848 : vector<16xi1>, vector<16xf32>
      %select_n3A_1898 = arith.select %gt3A_1896, %select_n3A_1848, %select_n3A_1893 : vector<16xi1>, vector<16xf32>
      %select_n3A_1899 = arith.select %gt3A_1896, %select_n3A_1895, %select_n3A_1850 : vector<16xi1>, vector<16xi32>
      %select_n3A_1900 = arith.select %gt3A_1896, %select_n3A_1850, %select_n3A_1895 : vector<16xi1>, vector<16xi32>
      %gt3A_1901 = arith.cmpf ogt, %select_n3A_1898, %select_n3A_1853 : vector<16xf32>
      %select_n3A_1902 = arith.select %gt3A_1901, %select_n3A_1898, %select_n3A_1853 : vector<16xi1>, vector<16xf32>
      %select_n3A_1903 = arith.select %gt3A_1901, %select_n3A_1853, %select_n3A_1898 : vector<16xi1>, vector<16xf32>
      %select_n3A_1904 = arith.select %gt3A_1901, %select_n3A_1900, %select_n3A_1855 : vector<16xi1>, vector<16xi32>
      %select_n3A_1905 = arith.select %gt3A_1901, %select_n3A_1855, %select_n3A_1900 : vector<16xi1>, vector<16xi32>
      %mul3A_1906 = arith.constant 64 : i32
      %mul3A_1907 = vector.broadcast %mul3A_1906 : i32 to vector<16xi32>
      %mul3A_1908 = arith.muli %iota3A, %mul3A_1907 : vector<16xi32>
      %add3A_1909 = arith.constant 38 : i32
      %add3A_1910 = vector.broadcast %add3A_1909 : i32 to vector<16xi32>
      %add3A_1911 = arith.addi %mul3A_1908, %add3A_1910 : vector<16xi32>
      %gather3A_1912 = tpu.vector_load_idx %arg5[%add3A_1911] : memref<1024xf32, #tpu.memory_space<vmem>>[vector<16xi32>], vector<16xf32>,
      %broadcast_in_dim3A_1913 = arith.constant 38 : i32
      %broadcast_in_dim3A_1914 = vector.broadcast %broadcast_in_dim3A_1913 : i32 to vector<16xi32>
      %gt3A_1915 = arith.cmpf ogt, %gather3A_1912, %select_n3A_1867 : vector<16xf32>
      %select_n3A_1916 = arith.select %gt3A_1915, %gather3A_1912, %select_n3A_1867 : vector<16xi1>, vector<16xf32>
      %select_n3A_1917 = arith.select %gt3A_1915, %select_n3A_1867, %gather3A_1912 : vector<16xi1>, vector<16xf32>
      %select_n3A_1918 = arith.select %gt3A_1915, %broadcast_in_dim3A_1914, %select_n3A_1869 : vector<16xi1>, vector<16xi32>
      %select_n3A_1919 = arith.select %gt3A_1915, %select_n3A_1869, %broadcast_in_dim3A_1914 : vector<16xi1>, vector<16xi32>
      %gt3A_1920 = arith.cmpf ogt, %select_n3A_1917, %select_n3A_1872 : vector<16xf32>
      %select_n3A_1921 = arith.select %gt3A_1920, %select_n3A_1917, %select_n3A_1872 : vector<16xi1>, vector<16xf32>
      %select_n3A_1922 = arith.select %gt3A_1920, %select_n3A_1872, %select_n3A_1917 : vector<16xi1>, vector<16xf32>
      %select_n3A_1923 = arith.select %gt3A_1920, %select_n3A_1919, %select_n3A_1874 : vector<16xi1>, vector<16xi32>
      %select_n3A_1924 = arith.select %gt3A_1920, %select_n3A_1874, %select_n3A_1919 : vector<16xi1>, vector<16xi32>
      %gt3A_1925 = arith.cmpf ogt, %select_n3A_1922, %select_n3A_1877 : vector<16xf32>
      %select_n3A_1926 = arith.select %gt3A_1925, %select_n3A_1922, %select_n3A_1877 : vector<16xi1>, vector<16xf32>
      %select_n3A_1927 = arith.select %gt3A_1925, %select_n3A_1877, %select_n3A_1922 : vector<16xi1>, vector<16xf32>
      %select_n3A_1928 = arith.select %gt3A_1925, %select_n3A_1924, %select_n3A_1879 : vector<16xi1>, vector<16xi32>
      %select_n3A_1929 = arith.select %gt3A_1925, %select_n3A_1879, %select_n3A_1924 : vector<16xi1>, vector<16xi32>
      %gt3A_1930 = arith.cmpf ogt, %select_n3A_1927, %select_n3A_1882 : vector<16xf32>
      %select_n3A_1931 = arith.select %gt3A_1930, %select_n3A_1927, %select_n3A_1882 : vector<16xi1>, vector<16xf32>
      %select_n3A_1932 = arith.select %gt3A_1930, %select_n3A_1882, %select_n3A_1927 : vector<16xi1>, vector<16xf32>
      %select_n3A_1933 = arith.select %gt3A_1930, %select_n3A_1929, %select_n3A_1884 : vector<16xi1>, vector<16xi32>
      %select_n3A_1934 = arith.select %gt3A_1930, %select_n3A_1884, %select_n3A_1929 : vector<16xi1>, vector<16xi32>
      %gt3A_1935 = arith.cmpf ogt, %select_n3A_1932, %select_n3A_1887 : vector<16xf32>
      %select_n3A_1936 = arith.select %gt3A_1935, %select_n3A_1932, %select_n3A_1887 : vector<16xi1>, vector<16xf32>
      %select_n3A_1937 = arith.select %gt3A_1935, %select_n3A_1887, %select_n3A_1932 : vector<16xi1>, vector<16xf32>
      %select_n3A_1938 = arith.select %gt3A_1935, %select_n3A_1934, %select_n3A_1889 : vector<16xi1>, vector<16xi32>
      %select_n3A_1939 = arith.select %gt3A_1935, %select_n3A_1889, %select_n3A_1934 : vector<16xi1>, vector<16xi32>
      %gt3A_1940 = arith.cmpf ogt, %select_n3A_1937, %select_n3A_1892 : vector<16xf32>
      %select_n3A_1941 = arith.select %gt3A_1940, %select_n3A_1937, %select_n3A_1892 : vector<16xi1>, vector<16xf32>
      %select_n3A_1942 = arith.select %gt3A_1940, %select_n3A_1892, %select_n3A_1937 : vector<16xi1>, vector<16xf32>
      %select_n3A_1943 = arith.select %gt3A_1940, %select_n3A_1939, %select_n3A_1894 : vector<16xi1>, vector<16xi32>
      %select_n3A_1944 = arith.select %gt3A_1940, %select_n3A_1894, %select_n3A_1939 : vector<16xi1>, vector<16xi32>
      %gt3A_1945 = arith.cmpf ogt, %select_n3A_1942, %select_n3A_1897 : vector<16xf32>
      %select_n3A_1946 = arith.select %gt3A_1945, %select_n3A_1942, %select_n3A_1897 : vector<16xi1>, vector<16xf32>
      %select_n3A_1947 = arith.select %gt3A_1945, %select_n3A_1897, %select_n3A_1942 : vector<16xi1>, vector<16xf32>
      %select_n3A_1948 = arith.select %gt3A_1945, %select_n3A_1944, %select_n3A_1899 : vector<16xi1>, vector<16xi32>
      %select_n3A_1949 = arith.select %gt3A_1945, %select_n3A_1899, %select_n3A_1944 : vector<16xi1>, vector<16xi32>
      %gt3A_1950 = arith.cmpf ogt, %select_n3A_1947, %select_n3A_1902 : vector<16xf32>
      %select_n3A_1951 = arith.select %gt3A_1950, %select_n3A_1947, %select_n3A_1902 : vector<16xi1>, vector<16xf32>
      %select_n3A_1952 = arith.select %gt3A_1950, %select_n3A_1902, %select_n3A_1947 : vector<16xi1>, vector<16xf32>
      %select_n3A_1953 = arith.select %gt3A_1950, %select_n3A_1949, %select_n3A_1904 : vector<16xi1>, vector<16xi32>
      %select_n3A_1954 = arith.select %gt3A_1950, %select_n3A_1904, %select_n3A_1949 : vector<16xi1>, vector<16xi32>
      %mul3A_1955 = arith.constant 64 : i32
      %mul3A_1956 = vector.broadcast %mul3A_1955 : i32 to vector<16xi32>
      %mul3A_1957 = arith.muli %iota3A, %mul3A_1956 : vector<16xi32>
      %add3A_1958 = arith.constant 39 : i32
      %add3A_1959 = vector.broadcast %add3A_1958 : i32 to vector<16xi32>
      %add3A_1960 = arith.addi %mul3A_1957, %add3A_1959 : vector<16xi32>
      %gather3A_1961 = tpu.vector_load_idx %arg5[%add3A_1960] : memref<1024xf32, #tpu.memory_space<vmem>>[vector<16xi32>], vector<16xf32>,
      %broadcast_in_dim3A_1962 = arith.constant 39 : i32
      %broadcast_in_dim3A_1963 = vector.broadcast %broadcast_in_dim3A_1962 : i32 to vector<16xi32>
      %gt3A_1964 = arith.cmpf ogt, %gather3A_1961, %select_n3A_1916 : vector<16xf32>
      %select_n3A_1965 = arith.select %gt3A_1964, %gather3A_1961, %select_n3A_1916 : vector<16xi1>, vector<16xf32>
      %select_n3A_1966 = arith.select %gt3A_1964, %select_n3A_1916, %gather3A_1961 : vector<16xi1>, vector<16xf32>
      %select_n3A_1967 = arith.select %gt3A_1964, %broadcast_in_dim3A_1963, %select_n3A_1918 : vector<16xi1>, vector<16xi32>
      %select_n3A_1968 = arith.select %gt3A_1964, %select_n3A_1918, %broadcast_in_dim3A_1963 : vector<16xi1>, vector<16xi32>
      %gt3A_1969 = arith.cmpf ogt, %select_n3A_1966, %select_n3A_1921 : vector<16xf32>
      %select_n3A_1970 = arith.select %gt3A_1969, %select_n3A_1966, %select_n3A_1921 : vector<16xi1>, vector<16xf32>
      %select_n3A_1971 = arith.select %gt3A_1969, %select_n3A_1921, %select_n3A_1966 : vector<16xi1>, vector<16xf32>
      %select_n3A_1972 = arith.select %gt3A_1969, %select_n3A_1968, %select_n3A_1923 : vector<16xi1>, vector<16xi32>
      %select_n3A_1973 = arith.select %gt3A_1969, %select_n3A_1923, %select_n3A_1968 : vector<16xi1>, vector<16xi32>
      %gt3A_1974 = arith.cmpf ogt, %select_n3A_1971, %select_n3A_1926 : vector<16xf32>
      %select_n3A_1975 = arith.select %gt3A_1974, %select_n3A_1971, %select_n3A_1926 : vector<16xi1>, vector<16xf32>
      %select_n3A_1976 = arith.select %gt3A_1974, %select_n3A_1926, %select_n3A_1971 : vector<16xi1>, vector<16xf32>
      %select_n3A_1977 = arith.select %gt3A_1974, %select_n3A_1973, %select_n3A_1928 : vector<16xi1>, vector<16xi32>
      %select_n3A_1978 = arith.select %gt3A_1974, %select_n3A_1928, %select_n3A_1973 : vector<16xi1>, vector<16xi32>
      %gt3A_1979 = arith.cmpf ogt, %select_n3A_1976, %select_n3A_1931 : vector<16xf32>
      %select_n3A_1980 = arith.select %gt3A_1979, %select_n3A_1976, %select_n3A_1931 : vector<16xi1>, vector<16xf32>
      %select_n3A_1981 = arith.select %gt3A_1979, %select_n3A_1931, %select_n3A_1976 : vector<16xi1>, vector<16xf32>
      %select_n3A_1982 = arith.select %gt3A_1979, %select_n3A_1978, %select_n3A_1933 : vector<16xi1>, vector<16xi32>
      %select_n3A_1983 = arith.select %gt3A_1979, %select_n3A_1933, %select_n3A_1978 : vector<16xi1>, vector<16xi32>
      %gt3A_1984 = arith.cmpf ogt, %select_n3A_1981, %select_n3A_1936 : vector<16xf32>
      %select_n3A_1985 = arith.select %gt3A_1984, %select_n3A_1981, %select_n3A_1936 : vector<16xi1>, vector<16xf32>
      %select_n3A_1986 = arith.select %gt3A_1984, %select_n3A_1936, %select_n3A_1981 : vector<16xi1>, vector<16xf32>
      %select_n3A_1987 = arith.select %gt3A_1984, %select_n3A_1983, %select_n3A_1938 : vector<16xi1>, vector<16xi32>
      %select_n3A_1988 = arith.select %gt3A_1984, %select_n3A_1938, %select_n3A_1983 : vector<16xi1>, vector<16xi32>
      %gt3A_1989 = arith.cmpf ogt, %select_n3A_1986, %select_n3A_1941 : vector<16xf32>
      %select_n3A_1990 = arith.select %gt3A_1989, %select_n3A_1986, %select_n3A_1941 : vector<16xi1>, vector<16xf32>
      %select_n3A_1991 = arith.select %gt3A_1989, %select_n3A_1941, %select_n3A_1986 : vector<16xi1>, vector<16xf32>
      %select_n3A_1992 = arith.select %gt3A_1989, %select_n3A_1988, %select_n3A_1943 : vector<16xi1>, vector<16xi32>
      %select_n3A_1993 = arith.select %gt3A_1989, %select_n3A_1943, %select_n3A_1988 : vector<16xi1>, vector<16xi32>
      %gt3A_1994 = arith.cmpf ogt, %select_n3A_1991, %select_n3A_1946 : vector<16xf32>
      %select_n3A_1995 = arith.select %gt3A_1994, %select_n3A_1991, %select_n3A_1946 : vector<16xi1>, vector<16xf32>
      %select_n3A_1996 = arith.select %gt3A_1994, %select_n3A_1946, %select_n3A_1991 : vector<16xi1>, vector<16xf32>
      %select_n3A_1997 = arith.select %gt3A_1994, %select_n3A_1993, %select_n3A_1948 : vector<16xi1>, vector<16xi32>
      %select_n3A_1998 = arith.select %gt3A_1994, %select_n3A_1948, %select_n3A_1993 : vector<16xi1>, vector<16xi32>
      %gt3A_1999 = arith.cmpf ogt, %select_n3A_1996, %select_n3A_1951 : vector<16xf32>
      %select_n3A_2000 = arith.select %gt3A_1999, %select_n3A_1996, %select_n3A_1951 : vector<16xi1>, vector<16xf32>
      %select_n3A_2001 = arith.select %gt3A_1999, %select_n3A_1951, %select_n3A_1996 : vector<16xi1>, vector<16xf32>
      %select_n3A_2002 = arith.select %gt3A_1999, %select_n3A_1998, %select_n3A_1953 : vector<16xi1>, vector<16xi32>
      %select_n3A_2003 = arith.select %gt3A_1999, %select_n3A_1953, %select_n3A_1998 : vector<16xi1>, vector<16xi32>
      %mul3A_2004 = arith.constant 64 : i32
      %mul3A_2005 = vector.broadcast %mul3A_2004 : i32 to vector<16xi32>
      %mul3A_2006 = arith.muli %iota3A, %mul3A_2005 : vector<16xi32>
      %add3A_2007 = arith.constant 40 : i32
      %add3A_2008 = vector.broadcast %add3A_2007 : i32 to vector<16xi32>
      %add3A_2009 = arith.addi %mul3A_2006, %add3A_2008 : vector<16xi32>
      %gather3A_2010 = tpu.vector_load_idx %arg5[%add3A_2009] : memref<1024xf32, #tpu.memory_space<vmem>>[vector<16xi32>], vector<16xf32>,
      %broadcast_in_dim3A_2011 = arith.constant 40 : i32
      %broadcast_in_dim3A_2012 = vector.broadcast %broadcast_in_dim3A_2011 : i32 to vector<16xi32>
      %gt3A_2013 = arith.cmpf ogt, %gather3A_2010, %select_n3A_1965 : vector<16xf32>
      %select_n3A_2014 = arith.select %gt3A_2013, %gather3A_2010, %select_n3A_1965 : vector<16xi1>, vector<16xf32>
      %select_n3A_2015 = arith.select %gt3A_2013, %select_n3A_1965, %gather3A_2010 : vector<16xi1>, vector<16xf32>
      %select_n3A_2016 = arith.select %gt3A_2013, %broadcast_in_dim3A_2012, %select_n3A_1967 : vector<16xi1>, vector<16xi32>
      %select_n3A_2017 = arith.select %gt3A_2013, %select_n3A_1967, %broadcast_in_dim3A_2012 : vector<16xi1>, vector<16xi32>
      %gt3A_2018 = arith.cmpf ogt, %select_n3A_2015, %select_n3A_1970 : vector<16xf32>
      %select_n3A_2019 = arith.select %gt3A_2018, %select_n3A_2015, %select_n3A_1970 : vector<16xi1>, vector<16xf32>
      %select_n3A_2020 = arith.select %gt3A_2018, %select_n3A_1970, %select_n3A_2015 : vector<16xi1>, vector<16xf32>
      %select_n3A_2021 = arith.select %gt3A_2018, %select_n3A_2017, %select_n3A_1972 : vector<16xi1>, vector<16xi32>
      %select_n3A_2022 = arith.select %gt3A_2018, %select_n3A_1972, %select_n3A_2017 : vector<16xi1>, vector<16xi32>
      %gt3A_2023 = arith.cmpf ogt, %select_n3A_2020, %select_n3A_1975 : vector<16xf32>
      %select_n3A_2024 = arith.select %gt3A_2023, %select_n3A_2020, %select_n3A_1975 : vector<16xi1>, vector<16xf32>
      %select_n3A_2025 = arith.select %gt3A_2023, %select_n3A_1975, %select_n3A_2020 : vector<16xi1>, vector<16xf32>
      %select_n3A_2026 = arith.select %gt3A_2023, %select_n3A_2022, %select_n3A_1977 : vector<16xi1>, vector<16xi32>
      %select_n3A_2027 = arith.select %gt3A_2023, %select_n3A_1977, %select_n3A_2022 : vector<16xi1>, vector<16xi32>
      %gt3A_2028 = arith.cmpf ogt, %select_n3A_2025, %select_n3A_1980 : vector<16xf32>
      %select_n3A_2029 = arith.select %gt3A_2028, %select_n3A_2025, %select_n3A_1980 : vector<16xi1>, vector<16xf32>
      %select_n3A_2030 = arith.select %gt3A_2028, %select_n3A_1980, %select_n3A_2025 : vector<16xi1>, vector<16xf32>
      %select_n3A_2031 = arith.select %gt3A_2028, %select_n3A_2027, %select_n3A_1982 : vector<16xi1>, vector<16xi32>
      %select_n3A_2032 = arith.select %gt3A_2028, %select_n3A_1982, %select_n3A_2027 : vector<16xi1>, vector<16xi32>
      %gt3A_2033 = arith.cmpf ogt, %select_n3A_2030, %select_n3A_1985 : vector<16xf32>
      %select_n3A_2034 = arith.select %gt3A_2033, %select_n3A_2030, %select_n3A_1985 : vector<16xi1>, vector<16xf32>
      %select_n3A_2035 = arith.select %gt3A_2033, %select_n3A_1985, %select_n3A_2030 : vector<16xi1>, vector<16xf32>
      %select_n3A_2036 = arith.select %gt3A_2033, %select_n3A_2032, %select_n3A_1987 : vector<16xi1>, vector<16xi32>
      %select_n3A_2037 = arith.select %gt3A_2033, %select_n3A_1987, %select_n3A_2032 : vector<16xi1>, vector<16xi32>
      %gt3A_2038 = arith.cmpf ogt, %select_n3A_2035, %select_n3A_1990 : vector<16xf32>
      %select_n3A_2039 = arith.select %gt3A_2038, %select_n3A_2035, %select_n3A_1990 : vector<16xi1>, vector<16xf32>
      %select_n3A_2040 = arith.select %gt3A_2038, %select_n3A_1990, %select_n3A_2035 : vector<16xi1>, vector<16xf32>
      %select_n3A_2041 = arith.select %gt3A_2038, %select_n3A_2037, %select_n3A_1992 : vector<16xi1>, vector<16xi32>
      %select_n3A_2042 = arith.select %gt3A_2038, %select_n3A_1992, %select_n3A_2037 : vector<16xi1>, vector<16xi32>
      %gt3A_2043 = arith.cmpf ogt, %select_n3A_2040, %select_n3A_1995 : vector<16xf32>
      %select_n3A_2044 = arith.select %gt3A_2043, %select_n3A_2040, %select_n3A_1995 : vector<16xi1>, vector<16xf32>
      %select_n3A_2045 = arith.select %gt3A_2043, %select_n3A_1995, %select_n3A_2040 : vector<16xi1>, vector<16xf32>
      %select_n3A_2046 = arith.select %gt3A_2043, %select_n3A_2042, %select_n3A_1997 : vector<16xi1>, vector<16xi32>
      %select_n3A_2047 = arith.select %gt3A_2043, %select_n3A_1997, %select_n3A_2042 : vector<16xi1>, vector<16xi32>
      %gt3A_2048 = arith.cmpf ogt, %select_n3A_2045, %select_n3A_2000 : vector<16xf32>
      %select_n3A_2049 = arith.select %gt3A_2048, %select_n3A_2045, %select_n3A_2000 : vector<16xi1>, vector<16xf32>
      %select_n3A_2050 = arith.select %gt3A_2048, %select_n3A_2000, %select_n3A_2045 : vector<16xi1>, vector<16xf32>
      %select_n3A_2051 = arith.select %gt3A_2048, %select_n3A_2047, %select_n3A_2002 : vector<16xi1>, vector<16xi32>
      %select_n3A_2052 = arith.select %gt3A_2048, %select_n3A_2002, %select_n3A_2047 : vector<16xi1>, vector<16xi32>
      %mul3A_2053 = arith.constant 64 : i32
      %mul3A_2054 = vector.broadcast %mul3A_2053 : i32 to vector<16xi32>
      %mul3A_2055 = arith.muli %iota3A, %mul3A_2054 : vector<16xi32>
      %add3A_2056 = arith.constant 41 : i32
      %add3A_2057 = vector.broadcast %add3A_2056 : i32 to vector<16xi32>
      %add3A_2058 = arith.addi %mul3A_2055, %add3A_2057 : vector<16xi32>
      %gather3A_2059 = tpu.vector_load_idx %arg5[%add3A_2058] : memref<1024xf32, #tpu.memory_space<vmem>>[vector<16xi32>], vector<16xf32>,
      %broadcast_in_dim3A_2060 = arith.constant 41 : i32
      %broadcast_in_dim3A_2061 = vector.broadcast %broadcast_in_dim3A_2060 : i32 to vector<16xi32>
      %gt3A_2062 = arith.cmpf ogt, %gather3A_2059, %select_n3A_2014 : vector<16xf32>
      %select_n3A_2063 = arith.select %gt3A_2062, %gather3A_2059, %select_n3A_2014 : vector<16xi1>, vector<16xf32>
      %select_n3A_2064 = arith.select %gt3A_2062, %select_n3A_2014, %gather3A_2059 : vector<16xi1>, vector<16xf32>
      %select_n3A_2065 = arith.select %gt3A_2062, %broadcast_in_dim3A_2061, %select_n3A_2016 : vector<16xi1>, vector<16xi32>
      %select_n3A_2066 = arith.select %gt3A_2062, %select_n3A_2016, %broadcast_in_dim3A_2061 : vector<16xi1>, vector<16xi32>
      %gt3A_2067 = arith.cmpf ogt, %select_n3A_2064, %select_n3A_2019 : vector<16xf32>
      %select_n3A_2068 = arith.select %gt3A_2067, %select_n3A_2064, %select_n3A_2019 : vector<16xi1>, vector<16xf32>
      %select_n3A_2069 = arith.select %gt3A_2067, %select_n3A_2019, %select_n3A_2064 : vector<16xi1>, vector<16xf32>
      %select_n3A_2070 = arith.select %gt3A_2067, %select_n3A_2066, %select_n3A_2021 : vector<16xi1>, vector<16xi32>
      %select_n3A_2071 = arith.select %gt3A_2067, %select_n3A_2021, %select_n3A_2066 : vector<16xi1>, vector<16xi32>
      %gt3A_2072 = arith.cmpf ogt, %select_n3A_2069, %select_n3A_2024 : vector<16xf32>
      %select_n3A_2073 = arith.select %gt3A_2072, %select_n3A_2069, %select_n3A_2024 : vector<16xi1>, vector<16xf32>
      %select_n3A_2074 = arith.select %gt3A_2072, %select_n3A_2024, %select_n3A_2069 : vector<16xi1>, vector<16xf32>
      %select_n3A_2075 = arith.select %gt3A_2072, %select_n3A_2071, %select_n3A_2026 : vector<16xi1>, vector<16xi32>
      %select_n3A_2076 = arith.select %gt3A_2072, %select_n3A_2026, %select_n3A_2071 : vector<16xi1>, vector<16xi32>
      %gt3A_2077 = arith.cmpf ogt, %select_n3A_2074, %select_n3A_2029 : vector<16xf32>
      %select_n3A_2078 = arith.select %gt3A_2077, %select_n3A_2074, %select_n3A_2029 : vector<16xi1>, vector<16xf32>
      %select_n3A_2079 = arith.select %gt3A_2077, %select_n3A_2029, %select_n3A_2074 : vector<16xi1>, vector<16xf32>
      %select_n3A_2080 = arith.select %gt3A_2077, %select_n3A_2076, %select_n3A_2031 : vector<16xi1>, vector<16xi32>
      %select_n3A_2081 = arith.select %gt3A_2077, %select_n3A_2031, %select_n3A_2076 : vector<16xi1>, vector<16xi32>
      %gt3A_2082 = arith.cmpf ogt, %select_n3A_2079, %select_n3A_2034 : vector<16xf32>
      %select_n3A_2083 = arith.select %gt3A_2082, %select_n3A_2079, %select_n3A_2034 : vector<16xi1>, vector<16xf32>
      %select_n3A_2084 = arith.select %gt3A_2082, %select_n3A_2034, %select_n3A_2079 : vector<16xi1>, vector<16xf32>
      %select_n3A_2085 = arith.select %gt3A_2082, %select_n3A_2081, %select_n3A_2036 : vector<16xi1>, vector<16xi32>
      %select_n3A_2086 = arith.select %gt3A_2082, %select_n3A_2036, %select_n3A_2081 : vector<16xi1>, vector<16xi32>
      %gt3A_2087 = arith.cmpf ogt, %select_n3A_2084, %select_n3A_2039 : vector<16xf32>
      %select_n3A_2088 = arith.select %gt3A_2087, %select_n3A_2084, %select_n3A_2039 : vector<16xi1>, vector<16xf32>
      %select_n3A_2089 = arith.select %gt3A_2087, %select_n3A_2039, %select_n3A_2084 : vector<16xi1>, vector<16xf32>
      %select_n3A_2090 = arith.select %gt3A_2087, %select_n3A_2086, %select_n3A_2041 : vector<16xi1>, vector<16xi32>
      %select_n3A_2091 = arith.select %gt3A_2087, %select_n3A_2041, %select_n3A_2086 : vector<16xi1>, vector<16xi32>
      %gt3A_2092 = arith.cmpf ogt, %select_n3A_2089, %select_n3A_2044 : vector<16xf32>
      %select_n3A_2093 = arith.select %gt3A_2092, %select_n3A_2089, %select_n3A_2044 : vector<16xi1>, vector<16xf32>
      %select_n3A_2094 = arith.select %gt3A_2092, %select_n3A_2044, %select_n3A_2089 : vector<16xi1>, vector<16xf32>
      %select_n3A_2095 = arith.select %gt3A_2092, %select_n3A_2091, %select_n3A_2046 : vector<16xi1>, vector<16xi32>
      %select_n3A_2096 = arith.select %gt3A_2092, %select_n3A_2046, %select_n3A_2091 : vector<16xi1>, vector<16xi32>
      %gt3A_2097 = arith.cmpf ogt, %select_n3A_2094, %select_n3A_2049 : vector<16xf32>
      %select_n3A_2098 = arith.select %gt3A_2097, %select_n3A_2094, %select_n3A_2049 : vector<16xi1>, vector<16xf32>
      %select_n3A_2099 = arith.select %gt3A_2097, %select_n3A_2049, %select_n3A_2094 : vector<16xi1>, vector<16xf32>
      %select_n3A_2100 = arith.select %gt3A_2097, %select_n3A_2096, %select_n3A_2051 : vector<16xi1>, vector<16xi32>
      %select_n3A_2101 = arith.select %gt3A_2097, %select_n3A_2051, %select_n3A_2096 : vector<16xi1>, vector<16xi32>
      %mul3A_2102 = arith.constant 64 : i32
      %mul3A_2103 = vector.broadcast %mul3A_2102 : i32 to vector<16xi32>
      %mul3A_2104 = arith.muli %iota3A, %mul3A_2103 : vector<16xi32>
      %add3A_2105 = arith.constant 42 : i32
      %add3A_2106 = vector.broadcast %add3A_2105 : i32 to vector<16xi32>
      %add3A_2107 = arith.addi %mul3A_2104, %add3A_2106 : vector<16xi32>
      %gather3A_2108 = tpu.vector_load_idx %arg5[%add3A_2107] : memref<1024xf32, #tpu.memory_space<vmem>>[vector<16xi32>], vector<16xf32>,
      %broadcast_in_dim3A_2109 = arith.constant 42 : i32
      %broadcast_in_dim3A_2110 = vector.broadcast %broadcast_in_dim3A_2109 : i32 to vector<16xi32>
      %gt3A_2111 = arith.cmpf ogt, %gather3A_2108, %select_n3A_2063 : vector<16xf32>
      %select_n3A_2112 = arith.select %gt3A_2111, %gather3A_2108, %select_n3A_2063 : vector<16xi1>, vector<16xf32>
      %select_n3A_2113 = arith.select %gt3A_2111, %select_n3A_2063, %gather3A_2108 : vector<16xi1>, vector<16xf32>
      %select_n3A_2114 = arith.select %gt3A_2111, %broadcast_in_dim3A_2110, %select_n3A_2065 : vector<16xi1>, vector<16xi32>
      %select_n3A_2115 = arith.select %gt3A_2111, %select_n3A_2065, %broadcast_in_dim3A_2110 : vector<16xi1>, vector<16xi32>
      %gt3A_2116 = arith.cmpf ogt, %select_n3A_2113, %select_n3A_2068 : vector<16xf32>
      %select_n3A_2117 = arith.select %gt3A_2116, %select_n3A_2113, %select_n3A_2068 : vector<16xi1>, vector<16xf32>
      %select_n3A_2118 = arith.select %gt3A_2116, %select_n3A_2068, %select_n3A_2113 : vector<16xi1>, vector<16xf32>
      %select_n3A_2119 = arith.select %gt3A_2116, %select_n3A_2115, %select_n3A_2070 : vector<16xi1>, vector<16xi32>
      %select_n3A_2120 = arith.select %gt3A_2116, %select_n3A_2070, %select_n3A_2115 : vector<16xi1>, vector<16xi32>
      %gt3A_2121 = arith.cmpf ogt, %select_n3A_2118, %select_n3A_2073 : vector<16xf32>
      %select_n3A_2122 = arith.select %gt3A_2121, %select_n3A_2118, %select_n3A_2073 : vector<16xi1>, vector<16xf32>
      %select_n3A_2123 = arith.select %gt3A_2121, %select_n3A_2073, %select_n3A_2118 : vector<16xi1>, vector<16xf32>
      %select_n3A_2124 = arith.select %gt3A_2121, %select_n3A_2120, %select_n3A_2075 : vector<16xi1>, vector<16xi32>
      %select_n3A_2125 = arith.select %gt3A_2121, %select_n3A_2075, %select_n3A_2120 : vector<16xi1>, vector<16xi32>
      %gt3A_2126 = arith.cmpf ogt, %select_n3A_2123, %select_n3A_2078 : vector<16xf32>
      %select_n3A_2127 = arith.select %gt3A_2126, %select_n3A_2123, %select_n3A_2078 : vector<16xi1>, vector<16xf32>
      %select_n3A_2128 = arith.select %gt3A_2126, %select_n3A_2078, %select_n3A_2123 : vector<16xi1>, vector<16xf32>
      %select_n3A_2129 = arith.select %gt3A_2126, %select_n3A_2125, %select_n3A_2080 : vector<16xi1>, vector<16xi32>
      %select_n3A_2130 = arith.select %gt3A_2126, %select_n3A_2080, %select_n3A_2125 : vector<16xi1>, vector<16xi32>
      %gt3A_2131 = arith.cmpf ogt, %select_n3A_2128, %select_n3A_2083 : vector<16xf32>
      %select_n3A_2132 = arith.select %gt3A_2131, %select_n3A_2128, %select_n3A_2083 : vector<16xi1>, vector<16xf32>
      %select_n3A_2133 = arith.select %gt3A_2131, %select_n3A_2083, %select_n3A_2128 : vector<16xi1>, vector<16xf32>
      %select_n3A_2134 = arith.select %gt3A_2131, %select_n3A_2130, %select_n3A_2085 : vector<16xi1>, vector<16xi32>
      %select_n3A_2135 = arith.select %gt3A_2131, %select_n3A_2085, %select_n3A_2130 : vector<16xi1>, vector<16xi32>
      %gt3A_2136 = arith.cmpf ogt, %select_n3A_2133, %select_n3A_2088 : vector<16xf32>
      %select_n3A_2137 = arith.select %gt3A_2136, %select_n3A_2133, %select_n3A_2088 : vector<16xi1>, vector<16xf32>
      %select_n3A_2138 = arith.select %gt3A_2136, %select_n3A_2088, %select_n3A_2133 : vector<16xi1>, vector<16xf32>
      %select_n3A_2139 = arith.select %gt3A_2136, %select_n3A_2135, %select_n3A_2090 : vector<16xi1>, vector<16xi32>
      %select_n3A_2140 = arith.select %gt3A_2136, %select_n3A_2090, %select_n3A_2135 : vector<16xi1>, vector<16xi32>
      %gt3A_2141 = arith.cmpf ogt, %select_n3A_2138, %select_n3A_2093 : vector<16xf32>
      %select_n3A_2142 = arith.select %gt3A_2141, %select_n3A_2138, %select_n3A_2093 : vector<16xi1>, vector<16xf32>
      %select_n3A_2143 = arith.select %gt3A_2141, %select_n3A_2093, %select_n3A_2138 : vector<16xi1>, vector<16xf32>
      %select_n3A_2144 = arith.select %gt3A_2141, %select_n3A_2140, %select_n3A_2095 : vector<16xi1>, vector<16xi32>
      %select_n3A_2145 = arith.select %gt3A_2141, %select_n3A_2095, %select_n3A_2140 : vector<16xi1>, vector<16xi32>
      %gt3A_2146 = arith.cmpf ogt, %select_n3A_2143, %select_n3A_2098 : vector<16xf32>
      %select_n3A_2147 = arith.select %gt3A_2146, %select_n3A_2143, %select_n3A_2098 : vector<16xi1>, vector<16xf32>
      %select_n3A_2148 = arith.select %gt3A_2146, %select_n3A_2098, %select_n3A_2143 : vector<16xi1>, vector<16xf32>
      %select_n3A_2149 = arith.select %gt3A_2146, %select_n3A_2145, %select_n3A_2100 : vector<16xi1>, vector<16xi32>
      %select_n3A_2150 = arith.select %gt3A_2146, %select_n3A_2100, %select_n3A_2145 : vector<16xi1>, vector<16xi32>
      %mul3A_2151 = arith.constant 64 : i32
      %mul3A_2152 = vector.broadcast %mul3A_2151 : i32 to vector<16xi32>
      %mul3A_2153 = arith.muli %iota3A, %mul3A_2152 : vector<16xi32>
      %add3A_2154 = arith.constant 43 : i32
      %add3A_2155 = vector.broadcast %add3A_2154 : i32 to vector<16xi32>
      %add3A_2156 = arith.addi %mul3A_2153, %add3A_2155 : vector<16xi32>
      %gather3A_2157 = tpu.vector_load_idx %arg5[%add3A_2156] : memref<1024xf32, #tpu.memory_space<vmem>>[vector<16xi32>], vector<16xf32>,
      %broadcast_in_dim3A_2158 = arith.constant 43 : i32
      %broadcast_in_dim3A_2159 = vector.broadcast %broadcast_in_dim3A_2158 : i32 to vector<16xi32>
      %gt3A_2160 = arith.cmpf ogt, %gather3A_2157, %select_n3A_2112 : vector<16xf32>
      %select_n3A_2161 = arith.select %gt3A_2160, %gather3A_2157, %select_n3A_2112 : vector<16xi1>, vector<16xf32>
      %select_n3A_2162 = arith.select %gt3A_2160, %select_n3A_2112, %gather3A_2157 : vector<16xi1>, vector<16xf32>
      %select_n3A_2163 = arith.select %gt3A_2160, %broadcast_in_dim3A_2159, %select_n3A_2114 : vector<16xi1>, vector<16xi32>
      %select_n3A_2164 = arith.select %gt3A_2160, %select_n3A_2114, %broadcast_in_dim3A_2159 : vector<16xi1>, vector<16xi32>
      %gt3A_2165 = arith.cmpf ogt, %select_n3A_2162, %select_n3A_2117 : vector<16xf32>
      %select_n3A_2166 = arith.select %gt3A_2165, %select_n3A_2162, %select_n3A_2117 : vector<16xi1>, vector<16xf32>
      %select_n3A_2167 = arith.select %gt3A_2165, %select_n3A_2117, %select_n3A_2162 : vector<16xi1>, vector<16xf32>
      %select_n3A_2168 = arith.select %gt3A_2165, %select_n3A_2164, %select_n3A_2119 : vector<16xi1>, vector<16xi32>
      %select_n3A_2169 = arith.select %gt3A_2165, %select_n3A_2119, %select_n3A_2164 : vector<16xi1>, vector<16xi32>
      %gt3A_2170 = arith.cmpf ogt, %select_n3A_2167, %select_n3A_2122 : vector<16xf32>
      %select_n3A_2171 = arith.select %gt3A_2170, %select_n3A_2167, %select_n3A_2122 : vector<16xi1>, vector<16xf32>
      %select_n3A_2172 = arith.select %gt3A_2170, %select_n3A_2122, %select_n3A_2167 : vector<16xi1>, vector<16xf32>
      %select_n3A_2173 = arith.select %gt3A_2170, %select_n3A_2169, %select_n3A_2124 : vector<16xi1>, vector<16xi32>
      %select_n3A_2174 = arith.select %gt3A_2170, %select_n3A_2124, %select_n3A_2169 : vector<16xi1>, vector<16xi32>
      %gt3A_2175 = arith.cmpf ogt, %select_n3A_2172, %select_n3A_2127 : vector<16xf32>
      %select_n3A_2176 = arith.select %gt3A_2175, %select_n3A_2172, %select_n3A_2127 : vector<16xi1>, vector<16xf32>
      %select_n3A_2177 = arith.select %gt3A_2175, %select_n3A_2127, %select_n3A_2172 : vector<16xi1>, vector<16xf32>
      %select_n3A_2178 = arith.select %gt3A_2175, %select_n3A_2174, %select_n3A_2129 : vector<16xi1>, vector<16xi32>
      %select_n3A_2179 = arith.select %gt3A_2175, %select_n3A_2129, %select_n3A_2174 : vector<16xi1>, vector<16xi32>
      %gt3A_2180 = arith.cmpf ogt, %select_n3A_2177, %select_n3A_2132 : vector<16xf32>
      %select_n3A_2181 = arith.select %gt3A_2180, %select_n3A_2177, %select_n3A_2132 : vector<16xi1>, vector<16xf32>
      %select_n3A_2182 = arith.select %gt3A_2180, %select_n3A_2132, %select_n3A_2177 : vector<16xi1>, vector<16xf32>
      %select_n3A_2183 = arith.select %gt3A_2180, %select_n3A_2179, %select_n3A_2134 : vector<16xi1>, vector<16xi32>
      %select_n3A_2184 = arith.select %gt3A_2180, %select_n3A_2134, %select_n3A_2179 : vector<16xi1>, vector<16xi32>
      %gt3A_2185 = arith.cmpf ogt, %select_n3A_2182, %select_n3A_2137 : vector<16xf32>
      %select_n3A_2186 = arith.select %gt3A_2185, %select_n3A_2182, %select_n3A_2137 : vector<16xi1>, vector<16xf32>
      %select_n3A_2187 = arith.select %gt3A_2185, %select_n3A_2137, %select_n3A_2182 : vector<16xi1>, vector<16xf32>
      %select_n3A_2188 = arith.select %gt3A_2185, %select_n3A_2184, %select_n3A_2139 : vector<16xi1>, vector<16xi32>
      %select_n3A_2189 = arith.select %gt3A_2185, %select_n3A_2139, %select_n3A_2184 : vector<16xi1>, vector<16xi32>
      %gt3A_2190 = arith.cmpf ogt, %select_n3A_2187, %select_n3A_2142 : vector<16xf32>
      %select_n3A_2191 = arith.select %gt3A_2190, %select_n3A_2187, %select_n3A_2142 : vector<16xi1>, vector<16xf32>
      %select_n3A_2192 = arith.select %gt3A_2190, %select_n3A_2142, %select_n3A_2187 : vector<16xi1>, vector<16xf32>
      %select_n3A_2193 = arith.select %gt3A_2190, %select_n3A_2189, %select_n3A_2144 : vector<16xi1>, vector<16xi32>
      %select_n3A_2194 = arith.select %gt3A_2190, %select_n3A_2144, %select_n3A_2189 : vector<16xi1>, vector<16xi32>
      %gt3A_2195 = arith.cmpf ogt, %select_n3A_2192, %select_n3A_2147 : vector<16xf32>
      %select_n3A_2196 = arith.select %gt3A_2195, %select_n3A_2192, %select_n3A_2147 : vector<16xi1>, vector<16xf32>
      %select_n3A_2197 = arith.select %gt3A_2195, %select_n3A_2147, %select_n3A_2192 : vector<16xi1>, vector<16xf32>
      %select_n3A_2198 = arith.select %gt3A_2195, %select_n3A_2194, %select_n3A_2149 : vector<16xi1>, vector<16xi32>
      %select_n3A_2199 = arith.select %gt3A_2195, %select_n3A_2149, %select_n3A_2194 : vector<16xi1>, vector<16xi32>
      %mul3A_2200 = arith.constant 64 : i32
      %mul3A_2201 = vector.broadcast %mul3A_2200 : i32 to vector<16xi32>
      %mul3A_2202 = arith.muli %iota3A, %mul3A_2201 : vector<16xi32>
      %add3A_2203 = arith.constant 44 : i32
      %add3A_2204 = vector.broadcast %add3A_2203 : i32 to vector<16xi32>
      %add3A_2205 = arith.addi %mul3A_2202, %add3A_2204 : vector<16xi32>
      %gather3A_2206 = tpu.vector_load_idx %arg5[%add3A_2205] : memref<1024xf32, #tpu.memory_space<vmem>>[vector<16xi32>], vector<16xf32>,
      %broadcast_in_dim3A_2207 = arith.constant 44 : i32
      %broadcast_in_dim3A_2208 = vector.broadcast %broadcast_in_dim3A_2207 : i32 to vector<16xi32>
      %gt3A_2209 = arith.cmpf ogt, %gather3A_2206, %select_n3A_2161 : vector<16xf32>
      %select_n3A_2210 = arith.select %gt3A_2209, %gather3A_2206, %select_n3A_2161 : vector<16xi1>, vector<16xf32>
      %select_n3A_2211 = arith.select %gt3A_2209, %select_n3A_2161, %gather3A_2206 : vector<16xi1>, vector<16xf32>
      %select_n3A_2212 = arith.select %gt3A_2209, %broadcast_in_dim3A_2208, %select_n3A_2163 : vector<16xi1>, vector<16xi32>
      %select_n3A_2213 = arith.select %gt3A_2209, %select_n3A_2163, %broadcast_in_dim3A_2208 : vector<16xi1>, vector<16xi32>
      %gt3A_2214 = arith.cmpf ogt, %select_n3A_2211, %select_n3A_2166 : vector<16xf32>
      %select_n3A_2215 = arith.select %gt3A_2214, %select_n3A_2211, %select_n3A_2166 : vector<16xi1>, vector<16xf32>
      %select_n3A_2216 = arith.select %gt3A_2214, %select_n3A_2166, %select_n3A_2211 : vector<16xi1>, vector<16xf32>
      %select_n3A_2217 = arith.select %gt3A_2214, %select_n3A_2213, %select_n3A_2168 : vector<16xi1>, vector<16xi32>
      %select_n3A_2218 = arith.select %gt3A_2214, %select_n3A_2168, %select_n3A_2213 : vector<16xi1>, vector<16xi32>
      %gt3A_2219 = arith.cmpf ogt, %select_n3A_2216, %select_n3A_2171 : vector<16xf32>
      %select_n3A_2220 = arith.select %gt3A_2219, %select_n3A_2216, %select_n3A_2171 : vector<16xi1>, vector<16xf32>
      %select_n3A_2221 = arith.select %gt3A_2219, %select_n3A_2171, %select_n3A_2216 : vector<16xi1>, vector<16xf32>
      %select_n3A_2222 = arith.select %gt3A_2219, %select_n3A_2218, %select_n3A_2173 : vector<16xi1>, vector<16xi32>
      %select_n3A_2223 = arith.select %gt3A_2219, %select_n3A_2173, %select_n3A_2218 : vector<16xi1>, vector<16xi32>
      %gt3A_2224 = arith.cmpf ogt, %select_n3A_2221, %select_n3A_2176 : vector<16xf32>
      %select_n3A_2225 = arith.select %gt3A_2224, %select_n3A_2221, %select_n3A_2176 : vector<16xi1>, vector<16xf32>
      %select_n3A_2226 = arith.select %gt3A_2224, %select_n3A_2176, %select_n3A_2221 : vector<16xi1>, vector<16xf32>
      %select_n3A_2227 = arith.select %gt3A_2224, %select_n3A_2223, %select_n3A_2178 : vector<16xi1>, vector<16xi32>
      %select_n3A_2228 = arith.select %gt3A_2224, %select_n3A_2178, %select_n3A_2223 : vector<16xi1>, vector<16xi32>
      %gt3A_2229 = arith.cmpf ogt, %select_n3A_2226, %select_n3A_2181 : vector<16xf32>
      %select_n3A_2230 = arith.select %gt3A_2229, %select_n3A_2226, %select_n3A_2181 : vector<16xi1>, vector<16xf32>
      %select_n3A_2231 = arith.select %gt3A_2229, %select_n3A_2181, %select_n3A_2226 : vector<16xi1>, vector<16xf32>
      %select_n3A_2232 = arith.select %gt3A_2229, %select_n3A_2228, %select_n3A_2183 : vector<16xi1>, vector<16xi32>
      %select_n3A_2233 = arith.select %gt3A_2229, %select_n3A_2183, %select_n3A_2228 : vector<16xi1>, vector<16xi32>
      %gt3A_2234 = arith.cmpf ogt, %select_n3A_2231, %select_n3A_2186 : vector<16xf32>
      %select_n3A_2235 = arith.select %gt3A_2234, %select_n3A_2231, %select_n3A_2186 : vector<16xi1>, vector<16xf32>
      %select_n3A_2236 = arith.select %gt3A_2234, %select_n3A_2186, %select_n3A_2231 : vector<16xi1>, vector<16xf32>
      %select_n3A_2237 = arith.select %gt3A_2234, %select_n3A_2233, %select_n3A_2188 : vector<16xi1>, vector<16xi32>
      %select_n3A_2238 = arith.select %gt3A_2234, %select_n3A_2188, %select_n3A_2233 : vector<16xi1>, vector<16xi32>
      %gt3A_2239 = arith.cmpf ogt, %select_n3A_2236, %select_n3A_2191 : vector<16xf32>
      %select_n3A_2240 = arith.select %gt3A_2239, %select_n3A_2236, %select_n3A_2191 : vector<16xi1>, vector<16xf32>
      %select_n3A_2241 = arith.select %gt3A_2239, %select_n3A_2191, %select_n3A_2236 : vector<16xi1>, vector<16xf32>
      %select_n3A_2242 = arith.select %gt3A_2239, %select_n3A_2238, %select_n3A_2193 : vector<16xi1>, vector<16xi32>
      %select_n3A_2243 = arith.select %gt3A_2239, %select_n3A_2193, %select_n3A_2238 : vector<16xi1>, vector<16xi32>
      %gt3A_2244 = arith.cmpf ogt, %select_n3A_2241, %select_n3A_2196 : vector<16xf32>
      %select_n3A_2245 = arith.select %gt3A_2244, %select_n3A_2241, %select_n3A_2196 : vector<16xi1>, vector<16xf32>
      %select_n3A_2246 = arith.select %gt3A_2244, %select_n3A_2196, %select_n3A_2241 : vector<16xi1>, vector<16xf32>
      %select_n3A_2247 = arith.select %gt3A_2244, %select_n3A_2243, %select_n3A_2198 : vector<16xi1>, vector<16xi32>
      %select_n3A_2248 = arith.select %gt3A_2244, %select_n3A_2198, %select_n3A_2243 : vector<16xi1>, vector<16xi32>
      %mul3A_2249 = arith.constant 64 : i32
      %mul3A_2250 = vector.broadcast %mul3A_2249 : i32 to vector<16xi32>
      %mul3A_2251 = arith.muli %iota3A, %mul3A_2250 : vector<16xi32>
      %add3A_2252 = arith.constant 45 : i32
      %add3A_2253 = vector.broadcast %add3A_2252 : i32 to vector<16xi32>
      %add3A_2254 = arith.addi %mul3A_2251, %add3A_2253 : vector<16xi32>
      %gather3A_2255 = tpu.vector_load_idx %arg5[%add3A_2254] : memref<1024xf32, #tpu.memory_space<vmem>>[vector<16xi32>], vector<16xf32>,
      %broadcast_in_dim3A_2256 = arith.constant 45 : i32
      %broadcast_in_dim3A_2257 = vector.broadcast %broadcast_in_dim3A_2256 : i32 to vector<16xi32>
      %gt3A_2258 = arith.cmpf ogt, %gather3A_2255, %select_n3A_2210 : vector<16xf32>
      %select_n3A_2259 = arith.select %gt3A_2258, %gather3A_2255, %select_n3A_2210 : vector<16xi1>, vector<16xf32>
      %select_n3A_2260 = arith.select %gt3A_2258, %select_n3A_2210, %gather3A_2255 : vector<16xi1>, vector<16xf32>
      %select_n3A_2261 = arith.select %gt3A_2258, %broadcast_in_dim3A_2257, %select_n3A_2212 : vector<16xi1>, vector<16xi32>
      %select_n3A_2262 = arith.select %gt3A_2258, %select_n3A_2212, %broadcast_in_dim3A_2257 : vector<16xi1>, vector<16xi32>
      %gt3A_2263 = arith.cmpf ogt, %select_n3A_2260, %select_n3A_2215 : vector<16xf32>
      %select_n3A_2264 = arith.select %gt3A_2263, %select_n3A_2260, %select_n3A_2215 : vector<16xi1>, vector<16xf32>
      %select_n3A_2265 = arith.select %gt3A_2263, %select_n3A_2215, %select_n3A_2260 : vector<16xi1>, vector<16xf32>
      %select_n3A_2266 = arith.select %gt3A_2263, %select_n3A_2262, %select_n3A_2217 : vector<16xi1>, vector<16xi32>
      %select_n3A_2267 = arith.select %gt3A_2263, %select_n3A_2217, %select_n3A_2262 : vector<16xi1>, vector<16xi32>
      %gt3A_2268 = arith.cmpf ogt, %select_n3A_2265, %select_n3A_2220 : vector<16xf32>
      %select_n3A_2269 = arith.select %gt3A_2268, %select_n3A_2265, %select_n3A_2220 : vector<16xi1>, vector<16xf32>
      %select_n3A_2270 = arith.select %gt3A_2268, %select_n3A_2220, %select_n3A_2265 : vector<16xi1>, vector<16xf32>
      %select_n3A_2271 = arith.select %gt3A_2268, %select_n3A_2267, %select_n3A_2222 : vector<16xi1>, vector<16xi32>
      %select_n3A_2272 = arith.select %gt3A_2268, %select_n3A_2222, %select_n3A_2267 : vector<16xi1>, vector<16xi32>
      %gt3A_2273 = arith.cmpf ogt, %select_n3A_2270, %select_n3A_2225 : vector<16xf32>
      %select_n3A_2274 = arith.select %gt3A_2273, %select_n3A_2270, %select_n3A_2225 : vector<16xi1>, vector<16xf32>
      %select_n3A_2275 = arith.select %gt3A_2273, %select_n3A_2225, %select_n3A_2270 : vector<16xi1>, vector<16xf32>
      %select_n3A_2276 = arith.select %gt3A_2273, %select_n3A_2272, %select_n3A_2227 : vector<16xi1>, vector<16xi32>
      %select_n3A_2277 = arith.select %gt3A_2273, %select_n3A_2227, %select_n3A_2272 : vector<16xi1>, vector<16xi32>
      %gt3A_2278 = arith.cmpf ogt, %select_n3A_2275, %select_n3A_2230 : vector<16xf32>
      %select_n3A_2279 = arith.select %gt3A_2278, %select_n3A_2275, %select_n3A_2230 : vector<16xi1>, vector<16xf32>
      %select_n3A_2280 = arith.select %gt3A_2278, %select_n3A_2230, %select_n3A_2275 : vector<16xi1>, vector<16xf32>
      %select_n3A_2281 = arith.select %gt3A_2278, %select_n3A_2277, %select_n3A_2232 : vector<16xi1>, vector<16xi32>
      %select_n3A_2282 = arith.select %gt3A_2278, %select_n3A_2232, %select_n3A_2277 : vector<16xi1>, vector<16xi32>
      %gt3A_2283 = arith.cmpf ogt, %select_n3A_2280, %select_n3A_2235 : vector<16xf32>
      %select_n3A_2284 = arith.select %gt3A_2283, %select_n3A_2280, %select_n3A_2235 : vector<16xi1>, vector<16xf32>
      %select_n3A_2285 = arith.select %gt3A_2283, %select_n3A_2235, %select_n3A_2280 : vector<16xi1>, vector<16xf32>
      %select_n3A_2286 = arith.select %gt3A_2283, %select_n3A_2282, %select_n3A_2237 : vector<16xi1>, vector<16xi32>
      %select_n3A_2287 = arith.select %gt3A_2283, %select_n3A_2237, %select_n3A_2282 : vector<16xi1>, vector<16xi32>
      %gt3A_2288 = arith.cmpf ogt, %select_n3A_2285, %select_n3A_2240 : vector<16xf32>
      %select_n3A_2289 = arith.select %gt3A_2288, %select_n3A_2285, %select_n3A_2240 : vector<16xi1>, vector<16xf32>
      %select_n3A_2290 = arith.select %gt3A_2288, %select_n3A_2240, %select_n3A_2285 : vector<16xi1>, vector<16xf32>
      %select_n3A_2291 = arith.select %gt3A_2288, %select_n3A_2287, %select_n3A_2242 : vector<16xi1>, vector<16xi32>
      %select_n3A_2292 = arith.select %gt3A_2288, %select_n3A_2242, %select_n3A_2287 : vector<16xi1>, vector<16xi32>
      %gt3A_2293 = arith.cmpf ogt, %select_n3A_2290, %select_n3A_2245 : vector<16xf32>
      %select_n3A_2294 = arith.select %gt3A_2293, %select_n3A_2290, %select_n3A_2245 : vector<16xi1>, vector<16xf32>
      %select_n3A_2295 = arith.select %gt3A_2293, %select_n3A_2245, %select_n3A_2290 : vector<16xi1>, vector<16xf32>
      %select_n3A_2296 = arith.select %gt3A_2293, %select_n3A_2292, %select_n3A_2247 : vector<16xi1>, vector<16xi32>
      %select_n3A_2297 = arith.select %gt3A_2293, %select_n3A_2247, %select_n3A_2292 : vector<16xi1>, vector<16xi32>
      %mul3A_2298 = arith.constant 64 : i32
      %mul3A_2299 = vector.broadcast %mul3A_2298 : i32 to vector<16xi32>
      %mul3A_2300 = arith.muli %iota3A, %mul3A_2299 : vector<16xi32>
      %add3A_2301 = arith.constant 46 : i32
      %add3A_2302 = vector.broadcast %add3A_2301 : i32 to vector<16xi32>
      %add3A_2303 = arith.addi %mul3A_2300, %add3A_2302 : vector<16xi32>
      %gather3A_2304 = tpu.vector_load_idx %arg5[%add3A_2303] : memref<1024xf32, #tpu.memory_space<vmem>>[vector<16xi32>], vector<16xf32>,
      %broadcast_in_dim3A_2305 = arith.constant 46 : i32
      %broadcast_in_dim3A_2306 = vector.broadcast %broadcast_in_dim3A_2305 : i32 to vector<16xi32>
      %gt3A_2307 = arith.cmpf ogt, %gather3A_2304, %select_n3A_2259 : vector<16xf32>
      %select_n3A_2308 = arith.select %gt3A_2307, %gather3A_2304, %select_n3A_2259 : vector<16xi1>, vector<16xf32>
      %select_n3A_2309 = arith.select %gt3A_2307, %select_n3A_2259, %gather3A_2304 : vector<16xi1>, vector<16xf32>
      %select_n3A_2310 = arith.select %gt3A_2307, %broadcast_in_dim3A_2306, %select_n3A_2261 : vector<16xi1>, vector<16xi32>
      %select_n3A_2311 = arith.select %gt3A_2307, %select_n3A_2261, %broadcast_in_dim3A_2306 : vector<16xi1>, vector<16xi32>
      %gt3A_2312 = arith.cmpf ogt, %select_n3A_2309, %select_n3A_2264 : vector<16xf32>
      %select_n3A_2313 = arith.select %gt3A_2312, %select_n3A_2309, %select_n3A_2264 : vector<16xi1>, vector<16xf32>
      %select_n3A_2314 = arith.select %gt3A_2312, %select_n3A_2264, %select_n3A_2309 : vector<16xi1>, vector<16xf32>
      %select_n3A_2315 = arith.select %gt3A_2312, %select_n3A_2311, %select_n3A_2266 : vector<16xi1>, vector<16xi32>
      %select_n3A_2316 = arith.select %gt3A_2312, %select_n3A_2266, %select_n3A_2311 : vector<16xi1>, vector<16xi32>
      %gt3A_2317 = arith.cmpf ogt, %select_n3A_2314, %select_n3A_2269 : vector<16xf32>
      %select_n3A_2318 = arith.select %gt3A_2317, %select_n3A_2314, %select_n3A_2269 : vector<16xi1>, vector<16xf32>
      %select_n3A_2319 = arith.select %gt3A_2317, %select_n3A_2269, %select_n3A_2314 : vector<16xi1>, vector<16xf32>
      %select_n3A_2320 = arith.select %gt3A_2317, %select_n3A_2316, %select_n3A_2271 : vector<16xi1>, vector<16xi32>
      %select_n3A_2321 = arith.select %gt3A_2317, %select_n3A_2271, %select_n3A_2316 : vector<16xi1>, vector<16xi32>
      %gt3A_2322 = arith.cmpf ogt, %select_n3A_2319, %select_n3A_2274 : vector<16xf32>
      %select_n3A_2323 = arith.select %gt3A_2322, %select_n3A_2319, %select_n3A_2274 : vector<16xi1>, vector<16xf32>
      %select_n3A_2324 = arith.select %gt3A_2322, %select_n3A_2274, %select_n3A_2319 : vector<16xi1>, vector<16xf32>
      %select_n3A_2325 = arith.select %gt3A_2322, %select_n3A_2321, %select_n3A_2276 : vector<16xi1>, vector<16xi32>
      %select_n3A_2326 = arith.select %gt3A_2322, %select_n3A_2276, %select_n3A_2321 : vector<16xi1>, vector<16xi32>
      %gt3A_2327 = arith.cmpf ogt, %select_n3A_2324, %select_n3A_2279 : vector<16xf32>
      %select_n3A_2328 = arith.select %gt3A_2327, %select_n3A_2324, %select_n3A_2279 : vector<16xi1>, vector<16xf32>
      %select_n3A_2329 = arith.select %gt3A_2327, %select_n3A_2279, %select_n3A_2324 : vector<16xi1>, vector<16xf32>
      %select_n3A_2330 = arith.select %gt3A_2327, %select_n3A_2326, %select_n3A_2281 : vector<16xi1>, vector<16xi32>
      %select_n3A_2331 = arith.select %gt3A_2327, %select_n3A_2281, %select_n3A_2326 : vector<16xi1>, vector<16xi32>
      %gt3A_2332 = arith.cmpf ogt, %select_n3A_2329, %select_n3A_2284 : vector<16xf32>
      %select_n3A_2333 = arith.select %gt3A_2332, %select_n3A_2329, %select_n3A_2284 : vector<16xi1>, vector<16xf32>
      %select_n3A_2334 = arith.select %gt3A_2332, %select_n3A_2284, %select_n3A_2329 : vector<16xi1>, vector<16xf32>
      %select_n3A_2335 = arith.select %gt3A_2332, %select_n3A_2331, %select_n3A_2286 : vector<16xi1>, vector<16xi32>
      %select_n3A_2336 = arith.select %gt3A_2332, %select_n3A_2286, %select_n3A_2331 : vector<16xi1>, vector<16xi32>
      %gt3A_2337 = arith.cmpf ogt, %select_n3A_2334, %select_n3A_2289 : vector<16xf32>
      %select_n3A_2338 = arith.select %gt3A_2337, %select_n3A_2334, %select_n3A_2289 : vector<16xi1>, vector<16xf32>
      %select_n3A_2339 = arith.select %gt3A_2337, %select_n3A_2289, %select_n3A_2334 : vector<16xi1>, vector<16xf32>
      %select_n3A_2340 = arith.select %gt3A_2337, %select_n3A_2336, %select_n3A_2291 : vector<16xi1>, vector<16xi32>
      %select_n3A_2341 = arith.select %gt3A_2337, %select_n3A_2291, %select_n3A_2336 : vector<16xi1>, vector<16xi32>
      %gt3A_2342 = arith.cmpf ogt, %select_n3A_2339, %select_n3A_2294 : vector<16xf32>
      %select_n3A_2343 = arith.select %gt3A_2342, %select_n3A_2339, %select_n3A_2294 : vector<16xi1>, vector<16xf32>
      %select_n3A_2344 = arith.select %gt3A_2342, %select_n3A_2294, %select_n3A_2339 : vector<16xi1>, vector<16xf32>
      %select_n3A_2345 = arith.select %gt3A_2342, %select_n3A_2341, %select_n3A_2296 : vector<16xi1>, vector<16xi32>
      %select_n3A_2346 = arith.select %gt3A_2342, %select_n3A_2296, %select_n3A_2341 : vector<16xi1>, vector<16xi32>
      %mul3A_2347 = arith.constant 64 : i32
      %mul3A_2348 = vector.broadcast %mul3A_2347 : i32 to vector<16xi32>
      %mul3A_2349 = arith.muli %iota3A, %mul3A_2348 : vector<16xi32>
      %add3A_2350 = arith.constant 47 : i32
      %add3A_2351 = vector.broadcast %add3A_2350 : i32 to vector<16xi32>
      %add3A_2352 = arith.addi %mul3A_2349, %add3A_2351 : vector<16xi32>
      %gather3A_2353 = tpu.vector_load_idx %arg5[%add3A_2352] : memref<1024xf32, #tpu.memory_space<vmem>>[vector<16xi32>], vector<16xf32>,
      %broadcast_in_dim3A_2354 = arith.constant 47 : i32
      %broadcast_in_dim3A_2355 = vector.broadcast %broadcast_in_dim3A_2354 : i32 to vector<16xi32>
      %gt3A_2356 = arith.cmpf ogt, %gather3A_2353, %select_n3A_2308 : vector<16xf32>
      %select_n3A_2357 = arith.select %gt3A_2356, %gather3A_2353, %select_n3A_2308 : vector<16xi1>, vector<16xf32>
      %select_n3A_2358 = arith.select %gt3A_2356, %select_n3A_2308, %gather3A_2353 : vector<16xi1>, vector<16xf32>
      %select_n3A_2359 = arith.select %gt3A_2356, %broadcast_in_dim3A_2355, %select_n3A_2310 : vector<16xi1>, vector<16xi32>
      %select_n3A_2360 = arith.select %gt3A_2356, %select_n3A_2310, %broadcast_in_dim3A_2355 : vector<16xi1>, vector<16xi32>
      %gt3A_2361 = arith.cmpf ogt, %select_n3A_2358, %select_n3A_2313 : vector<16xf32>
      %select_n3A_2362 = arith.select %gt3A_2361, %select_n3A_2358, %select_n3A_2313 : vector<16xi1>, vector<16xf32>
      %select_n3A_2363 = arith.select %gt3A_2361, %select_n3A_2313, %select_n3A_2358 : vector<16xi1>, vector<16xf32>
      %select_n3A_2364 = arith.select %gt3A_2361, %select_n3A_2360, %select_n3A_2315 : vector<16xi1>, vector<16xi32>
      %select_n3A_2365 = arith.select %gt3A_2361, %select_n3A_2315, %select_n3A_2360 : vector<16xi1>, vector<16xi32>
      %gt3A_2366 = arith.cmpf ogt, %select_n3A_2363, %select_n3A_2318 : vector<16xf32>
      %select_n3A_2367 = arith.select %gt3A_2366, %select_n3A_2363, %select_n3A_2318 : vector<16xi1>, vector<16xf32>
      %select_n3A_2368 = arith.select %gt3A_2366, %select_n3A_2318, %select_n3A_2363 : vector<16xi1>, vector<16xf32>
      %select_n3A_2369 = arith.select %gt3A_2366, %select_n3A_2365, %select_n3A_2320 : vector<16xi1>, vector<16xi32>
      %select_n3A_2370 = arith.select %gt3A_2366, %select_n3A_2320, %select_n3A_2365 : vector<16xi1>, vector<16xi32>
      %gt3A_2371 = arith.cmpf ogt, %select_n3A_2368, %select_n3A_2323 : vector<16xf32>
      %select_n3A_2372 = arith.select %gt3A_2371, %select_n3A_2368, %select_n3A_2323 : vector<16xi1>, vector<16xf32>
      %select_n3A_2373 = arith.select %gt3A_2371, %select_n3A_2323, %select_n3A_2368 : vector<16xi1>, vector<16xf32>
      %select_n3A_2374 = arith.select %gt3A_2371, %select_n3A_2370, %select_n3A_2325 : vector<16xi1>, vector<16xi32>
      %select_n3A_2375 = arith.select %gt3A_2371, %select_n3A_2325, %select_n3A_2370 : vector<16xi1>, vector<16xi32>
      %gt3A_2376 = arith.cmpf ogt, %select_n3A_2373, %select_n3A_2328 : vector<16xf32>
      %select_n3A_2377 = arith.select %gt3A_2376, %select_n3A_2373, %select_n3A_2328 : vector<16xi1>, vector<16xf32>
      %select_n3A_2378 = arith.select %gt3A_2376, %select_n3A_2328, %select_n3A_2373 : vector<16xi1>, vector<16xf32>
      %select_n3A_2379 = arith.select %gt3A_2376, %select_n3A_2375, %select_n3A_2330 : vector<16xi1>, vector<16xi32>
      %select_n3A_2380 = arith.select %gt3A_2376, %select_n3A_2330, %select_n3A_2375 : vector<16xi1>, vector<16xi32>
      %gt3A_2381 = arith.cmpf ogt, %select_n3A_2378, %select_n3A_2333 : vector<16xf32>
      %select_n3A_2382 = arith.select %gt3A_2381, %select_n3A_2378, %select_n3A_2333 : vector<16xi1>, vector<16xf32>
      %select_n3A_2383 = arith.select %gt3A_2381, %select_n3A_2333, %select_n3A_2378 : vector<16xi1>, vector<16xf32>
      %select_n3A_2384 = arith.select %gt3A_2381, %select_n3A_2380, %select_n3A_2335 : vector<16xi1>, vector<16xi32>
      %select_n3A_2385 = arith.select %gt3A_2381, %select_n3A_2335, %select_n3A_2380 : vector<16xi1>, vector<16xi32>
      %gt3A_2386 = arith.cmpf ogt, %select_n3A_2383, %select_n3A_2338 : vector<16xf32>
      %select_n3A_2387 = arith.select %gt3A_2386, %select_n3A_2383, %select_n3A_2338 : vector<16xi1>, vector<16xf32>
      %select_n3A_2388 = arith.select %gt3A_2386, %select_n3A_2338, %select_n3A_2383 : vector<16xi1>, vector<16xf32>
      %select_n3A_2389 = arith.select %gt3A_2386, %select_n3A_2385, %select_n3A_2340 : vector<16xi1>, vector<16xi32>
      %select_n3A_2390 = arith.select %gt3A_2386, %select_n3A_2340, %select_n3A_2385 : vector<16xi1>, vector<16xi32>
      %gt3A_2391 = arith.cmpf ogt, %select_n3A_2388, %select_n3A_2343 : vector<16xf32>
      %select_n3A_2392 = arith.select %gt3A_2391, %select_n3A_2388, %select_n3A_2343 : vector<16xi1>, vector<16xf32>
      %select_n3A_2393 = arith.select %gt3A_2391, %select_n3A_2343, %select_n3A_2388 : vector<16xi1>, vector<16xf32>
      %select_n3A_2394 = arith.select %gt3A_2391, %select_n3A_2390, %select_n3A_2345 : vector<16xi1>, vector<16xi32>
      %select_n3A_2395 = arith.select %gt3A_2391, %select_n3A_2345, %select_n3A_2390 : vector<16xi1>, vector<16xi32>
      %mul3A_2396 = arith.constant 64 : i32
      %mul3A_2397 = vector.broadcast %mul3A_2396 : i32 to vector<16xi32>
      %mul3A_2398 = arith.muli %iota3A, %mul3A_2397 : vector<16xi32>
      %add3A_2399 = arith.constant 48 : i32
      %add3A_2400 = vector.broadcast %add3A_2399 : i32 to vector<16xi32>
      %add3A_2401 = arith.addi %mul3A_2398, %add3A_2400 : vector<16xi32>
      %gather3A_2402 = tpu.vector_load_idx %arg5[%add3A_2401] : memref<1024xf32, #tpu.memory_space<vmem>>[vector<16xi32>], vector<16xf32>,
      %broadcast_in_dim3A_2403 = arith.constant 48 : i32
      %broadcast_in_dim3A_2404 = vector.broadcast %broadcast_in_dim3A_2403 : i32 to vector<16xi32>
      %gt3A_2405 = arith.cmpf ogt, %gather3A_2402, %select_n3A_2357 : vector<16xf32>
      %select_n3A_2406 = arith.select %gt3A_2405, %gather3A_2402, %select_n3A_2357 : vector<16xi1>, vector<16xf32>
      %select_n3A_2407 = arith.select %gt3A_2405, %select_n3A_2357, %gather3A_2402 : vector<16xi1>, vector<16xf32>
      %select_n3A_2408 = arith.select %gt3A_2405, %broadcast_in_dim3A_2404, %select_n3A_2359 : vector<16xi1>, vector<16xi32>
      %select_n3A_2409 = arith.select %gt3A_2405, %select_n3A_2359, %broadcast_in_dim3A_2404 : vector<16xi1>, vector<16xi32>
      %gt3A_2410 = arith.cmpf ogt, %select_n3A_2407, %select_n3A_2362 : vector<16xf32>
      %select_n3A_2411 = arith.select %gt3A_2410, %select_n3A_2407, %select_n3A_2362 : vector<16xi1>, vector<16xf32>
      %select_n3A_2412 = arith.select %gt3A_2410, %select_n3A_2362, %select_n3A_2407 : vector<16xi1>, vector<16xf32>
      %select_n3A_2413 = arith.select %gt3A_2410, %select_n3A_2409, %select_n3A_2364 : vector<16xi1>, vector<16xi32>
      %select_n3A_2414 = arith.select %gt3A_2410, %select_n3A_2364, %select_n3A_2409 : vector<16xi1>, vector<16xi32>
      %gt3A_2415 = arith.cmpf ogt, %select_n3A_2412, %select_n3A_2367 : vector<16xf32>
      %select_n3A_2416 = arith.select %gt3A_2415, %select_n3A_2412, %select_n3A_2367 : vector<16xi1>, vector<16xf32>
      %select_n3A_2417 = arith.select %gt3A_2415, %select_n3A_2367, %select_n3A_2412 : vector<16xi1>, vector<16xf32>
      %select_n3A_2418 = arith.select %gt3A_2415, %select_n3A_2414, %select_n3A_2369 : vector<16xi1>, vector<16xi32>
      %select_n3A_2419 = arith.select %gt3A_2415, %select_n3A_2369, %select_n3A_2414 : vector<16xi1>, vector<16xi32>
      %gt3A_2420 = arith.cmpf ogt, %select_n3A_2417, %select_n3A_2372 : vector<16xf32>
      %select_n3A_2421 = arith.select %gt3A_2420, %select_n3A_2417, %select_n3A_2372 : vector<16xi1>, vector<16xf32>
      %select_n3A_2422 = arith.select %gt3A_2420, %select_n3A_2372, %select_n3A_2417 : vector<16xi1>, vector<16xf32>
      %select_n3A_2423 = arith.select %gt3A_2420, %select_n3A_2419, %select_n3A_2374 : vector<16xi1>, vector<16xi32>
      %select_n3A_2424 = arith.select %gt3A_2420, %select_n3A_2374, %select_n3A_2419 : vector<16xi1>, vector<16xi32>
      %gt3A_2425 = arith.cmpf ogt, %select_n3A_2422, %select_n3A_2377 : vector<16xf32>
      %select_n3A_2426 = arith.select %gt3A_2425, %select_n3A_2422, %select_n3A_2377 : vector<16xi1>, vector<16xf32>
      %select_n3A_2427 = arith.select %gt3A_2425, %select_n3A_2377, %select_n3A_2422 : vector<16xi1>, vector<16xf32>
      %select_n3A_2428 = arith.select %gt3A_2425, %select_n3A_2424, %select_n3A_2379 : vector<16xi1>, vector<16xi32>
      %select_n3A_2429 = arith.select %gt3A_2425, %select_n3A_2379, %select_n3A_2424 : vector<16xi1>, vector<16xi32>
      %gt3A_2430 = arith.cmpf ogt, %select_n3A_2427, %select_n3A_2382 : vector<16xf32>
      %select_n3A_2431 = arith.select %gt3A_2430, %select_n3A_2427, %select_n3A_2382 : vector<16xi1>, vector<16xf32>
      %select_n3A_2432 = arith.select %gt3A_2430, %select_n3A_2382, %select_n3A_2427 : vector<16xi1>, vector<16xf32>
      %select_n3A_2433 = arith.select %gt3A_2430, %select_n3A_2429, %select_n3A_2384 : vector<16xi1>, vector<16xi32>
      %select_n3A_2434 = arith.select %gt3A_2430, %select_n3A_2384, %select_n3A_2429 : vector<16xi1>, vector<16xi32>
      %gt3A_2435 = arith.cmpf ogt, %select_n3A_2432, %select_n3A_2387 : vector<16xf32>
      %select_n3A_2436 = arith.select %gt3A_2435, %select_n3A_2432, %select_n3A_2387 : vector<16xi1>, vector<16xf32>
      %select_n3A_2437 = arith.select %gt3A_2435, %select_n3A_2387, %select_n3A_2432 : vector<16xi1>, vector<16xf32>
      %select_n3A_2438 = arith.select %gt3A_2435, %select_n3A_2434, %select_n3A_2389 : vector<16xi1>, vector<16xi32>
      %select_n3A_2439 = arith.select %gt3A_2435, %select_n3A_2389, %select_n3A_2434 : vector<16xi1>, vector<16xi32>
      %gt3A_2440 = arith.cmpf ogt, %select_n3A_2437, %select_n3A_2392 : vector<16xf32>
      %select_n3A_2441 = arith.select %gt3A_2440, %select_n3A_2437, %select_n3A_2392 : vector<16xi1>, vector<16xf32>
      %select_n3A_2442 = arith.select %gt3A_2440, %select_n3A_2392, %select_n3A_2437 : vector<16xi1>, vector<16xf32>
      %select_n3A_2443 = arith.select %gt3A_2440, %select_n3A_2439, %select_n3A_2394 : vector<16xi1>, vector<16xi32>
      %select_n3A_2444 = arith.select %gt3A_2440, %select_n3A_2394, %select_n3A_2439 : vector<16xi1>, vector<16xi32>
      %mul3A_2445 = arith.constant 64 : i32
      %mul3A_2446 = vector.broadcast %mul3A_2445 : i32 to vector<16xi32>
      %mul3A_2447 = arith.muli %iota3A, %mul3A_2446 : vector<16xi32>
      %add3A_2448 = arith.constant 49 : i32
      %add3A_2449 = vector.broadcast %add3A_2448 : i32 to vector<16xi32>
      %add3A_2450 = arith.addi %mul3A_2447, %add3A_2449 : vector<16xi32>
      %gather3A_2451 = tpu.vector_load_idx %arg5[%add3A_2450] : memref<1024xf32, #tpu.memory_space<vmem>>[vector<16xi32>], vector<16xf32>,
      %broadcast_in_dim3A_2452 = arith.constant 49 : i32
      %broadcast_in_dim3A_2453 = vector.broadcast %broadcast_in_dim3A_2452 : i32 to vector<16xi32>
      %gt3A_2454 = arith.cmpf ogt, %gather3A_2451, %select_n3A_2406 : vector<16xf32>
      %select_n3A_2455 = arith.select %gt3A_2454, %gather3A_2451, %select_n3A_2406 : vector<16xi1>, vector<16xf32>
      %select_n3A_2456 = arith.select %gt3A_2454, %select_n3A_2406, %gather3A_2451 : vector<16xi1>, vector<16xf32>
      %select_n3A_2457 = arith.select %gt3A_2454, %broadcast_in_dim3A_2453, %select_n3A_2408 : vector<16xi1>, vector<16xi32>
      %select_n3A_2458 = arith.select %gt3A_2454, %select_n3A_2408, %broadcast_in_dim3A_2453 : vector<16xi1>, vector<16xi32>
      %gt3A_2459 = arith.cmpf ogt, %select_n3A_2456, %select_n3A_2411 : vector<16xf32>
      %select_n3A_2460 = arith.select %gt3A_2459, %select_n3A_2456, %select_n3A_2411 : vector<16xi1>, vector<16xf32>
      %select_n3A_2461 = arith.select %gt3A_2459, %select_n3A_2411, %select_n3A_2456 : vector<16xi1>, vector<16xf32>
      %select_n3A_2462 = arith.select %gt3A_2459, %select_n3A_2458, %select_n3A_2413 : vector<16xi1>, vector<16xi32>
      %select_n3A_2463 = arith.select %gt3A_2459, %select_n3A_2413, %select_n3A_2458 : vector<16xi1>, vector<16xi32>
      %gt3A_2464 = arith.cmpf ogt, %select_n3A_2461, %select_n3A_2416 : vector<16xf32>
      %select_n3A_2465 = arith.select %gt3A_2464, %select_n3A_2461, %select_n3A_2416 : vector<16xi1>, vector<16xf32>
      %select_n3A_2466 = arith.select %gt3A_2464, %select_n3A_2416, %select_n3A_2461 : vector<16xi1>, vector<16xf32>
      %select_n3A_2467 = arith.select %gt3A_2464, %select_n3A_2463, %select_n3A_2418 : vector<16xi1>, vector<16xi32>
      %select_n3A_2468 = arith.select %gt3A_2464, %select_n3A_2418, %select_n3A_2463 : vector<16xi1>, vector<16xi32>
      %gt3A_2469 = arith.cmpf ogt, %select_n3A_2466, %select_n3A_2421 : vector<16xf32>
      %select_n3A_2470 = arith.select %gt3A_2469, %select_n3A_2466, %select_n3A_2421 : vector<16xi1>, vector<16xf32>
      %select_n3A_2471 = arith.select %gt3A_2469, %select_n3A_2421, %select_n3A_2466 : vector<16xi1>, vector<16xf32>
      %select_n3A_2472 = arith.select %gt3A_2469, %select_n3A_2468, %select_n3A_2423 : vector<16xi1>, vector<16xi32>
      %select_n3A_2473 = arith.select %gt3A_2469, %select_n3A_2423, %select_n3A_2468 : vector<16xi1>, vector<16xi32>
      %gt3A_2474 = arith.cmpf ogt, %select_n3A_2471, %select_n3A_2426 : vector<16xf32>
      %select_n3A_2475 = arith.select %gt3A_2474, %select_n3A_2471, %select_n3A_2426 : vector<16xi1>, vector<16xf32>
      %select_n3A_2476 = arith.select %gt3A_2474, %select_n3A_2426, %select_n3A_2471 : vector<16xi1>, vector<16xf32>
      %select_n3A_2477 = arith.select %gt3A_2474, %select_n3A_2473, %select_n3A_2428 : vector<16xi1>, vector<16xi32>
      %select_n3A_2478 = arith.select %gt3A_2474, %select_n3A_2428, %select_n3A_2473 : vector<16xi1>, vector<16xi32>
      %gt3A_2479 = arith.cmpf ogt, %select_n3A_2476, %select_n3A_2431 : vector<16xf32>
      %select_n3A_2480 = arith.select %gt3A_2479, %select_n3A_2476, %select_n3A_2431 : vector<16xi1>, vector<16xf32>
      %select_n3A_2481 = arith.select %gt3A_2479, %select_n3A_2431, %select_n3A_2476 : vector<16xi1>, vector<16xf32>
      %select_n3A_2482 = arith.select %gt3A_2479, %select_n3A_2478, %select_n3A_2433 : vector<16xi1>, vector<16xi32>
      %select_n3A_2483 = arith.select %gt3A_2479, %select_n3A_2433, %select_n3A_2478 : vector<16xi1>, vector<16xi32>
      %gt3A_2484 = arith.cmpf ogt, %select_n3A_2481, %select_n3A_2436 : vector<16xf32>
      %select_n3A_2485 = arith.select %gt3A_2484, %select_n3A_2481, %select_n3A_2436 : vector<16xi1>, vector<16xf32>
      %select_n3A_2486 = arith.select %gt3A_2484, %select_n3A_2436, %select_n3A_2481 : vector<16xi1>, vector<16xf32>
      %select_n3A_2487 = arith.select %gt3A_2484, %select_n3A_2483, %select_n3A_2438 : vector<16xi1>, vector<16xi32>
      %select_n3A_2488 = arith.select %gt3A_2484, %select_n3A_2438, %select_n3A_2483 : vector<16xi1>, vector<16xi32>
      %gt3A_2489 = arith.cmpf ogt, %select_n3A_2486, %select_n3A_2441 : vector<16xf32>
      %select_n3A_2490 = arith.select %gt3A_2489, %select_n3A_2486, %select_n3A_2441 : vector<16xi1>, vector<16xf32>
      %select_n3A_2491 = arith.select %gt3A_2489, %select_n3A_2441, %select_n3A_2486 : vector<16xi1>, vector<16xf32>
      %select_n3A_2492 = arith.select %gt3A_2489, %select_n3A_2488, %select_n3A_2443 : vector<16xi1>, vector<16xi32>
      %select_n3A_2493 = arith.select %gt3A_2489, %select_n3A_2443, %select_n3A_2488 : vector<16xi1>, vector<16xi32>
      %mul3A_2494 = arith.constant 64 : i32
      %mul3A_2495 = vector.broadcast %mul3A_2494 : i32 to vector<16xi32>
      %mul3A_2496 = arith.muli %iota3A, %mul3A_2495 : vector<16xi32>
      %add3A_2497 = arith.constant 50 : i32
      %add3A_2498 = vector.broadcast %add3A_2497 : i32 to vector<16xi32>
      %add3A_2499 = arith.addi %mul3A_2496, %add3A_2498 : vector<16xi32>
      %gather3A_2500 = tpu.vector_load_idx %arg5[%add3A_2499] : memref<1024xf32, #tpu.memory_space<vmem>>[vector<16xi32>], vector<16xf32>,
      %broadcast_in_dim3A_2501 = arith.constant 50 : i32
      %broadcast_in_dim3A_2502 = vector.broadcast %broadcast_in_dim3A_2501 : i32 to vector<16xi32>
      %gt3A_2503 = arith.cmpf ogt, %gather3A_2500, %select_n3A_2455 : vector<16xf32>
      %select_n3A_2504 = arith.select %gt3A_2503, %gather3A_2500, %select_n3A_2455 : vector<16xi1>, vector<16xf32>
      %select_n3A_2505 = arith.select %gt3A_2503, %select_n3A_2455, %gather3A_2500 : vector<16xi1>, vector<16xf32>
      %select_n3A_2506 = arith.select %gt3A_2503, %broadcast_in_dim3A_2502, %select_n3A_2457 : vector<16xi1>, vector<16xi32>
      %select_n3A_2507 = arith.select %gt3A_2503, %select_n3A_2457, %broadcast_in_dim3A_2502 : vector<16xi1>, vector<16xi32>
      %gt3A_2508 = arith.cmpf ogt, %select_n3A_2505, %select_n3A_2460 : vector<16xf32>
      %select_n3A_2509 = arith.select %gt3A_2508, %select_n3A_2505, %select_n3A_2460 : vector<16xi1>, vector<16xf32>
      %select_n3A_2510 = arith.select %gt3A_2508, %select_n3A_2460, %select_n3A_2505 : vector<16xi1>, vector<16xf32>
      %select_n3A_2511 = arith.select %gt3A_2508, %select_n3A_2507, %select_n3A_2462 : vector<16xi1>, vector<16xi32>
      %select_n3A_2512 = arith.select %gt3A_2508, %select_n3A_2462, %select_n3A_2507 : vector<16xi1>, vector<16xi32>
      %gt3A_2513 = arith.cmpf ogt, %select_n3A_2510, %select_n3A_2465 : vector<16xf32>
      %select_n3A_2514 = arith.select %gt3A_2513, %select_n3A_2510, %select_n3A_2465 : vector<16xi1>, vector<16xf32>
      %select_n3A_2515 = arith.select %gt3A_2513, %select_n3A_2465, %select_n3A_2510 : vector<16xi1>, vector<16xf32>
      %select_n3A_2516 = arith.select %gt3A_2513, %select_n3A_2512, %select_n3A_2467 : vector<16xi1>, vector<16xi32>
      %select_n3A_2517 = arith.select %gt3A_2513, %select_n3A_2467, %select_n3A_2512 : vector<16xi1>, vector<16xi32>
      %gt3A_2518 = arith.cmpf ogt, %select_n3A_2515, %select_n3A_2470 : vector<16xf32>
      %select_n3A_2519 = arith.select %gt3A_2518, %select_n3A_2515, %select_n3A_2470 : vector<16xi1>, vector<16xf32>
      %select_n3A_2520 = arith.select %gt3A_2518, %select_n3A_2470, %select_n3A_2515 : vector<16xi1>, vector<16xf32>
      %select_n3A_2521 = arith.select %gt3A_2518, %select_n3A_2517, %select_n3A_2472 : vector<16xi1>, vector<16xi32>
      %select_n3A_2522 = arith.select %gt3A_2518, %select_n3A_2472, %select_n3A_2517 : vector<16xi1>, vector<16xi32>
      %gt3A_2523 = arith.cmpf ogt, %select_n3A_2520, %select_n3A_2475 : vector<16xf32>
      %select_n3A_2524 = arith.select %gt3A_2523, %select_n3A_2520, %select_n3A_2475 : vector<16xi1>, vector<16xf32>
      %select_n3A_2525 = arith.select %gt3A_2523, %select_n3A_2475, %select_n3A_2520 : vector<16xi1>, vector<16xf32>
      %select_n3A_2526 = arith.select %gt3A_2523, %select_n3A_2522, %select_n3A_2477 : vector<16xi1>, vector<16xi32>
      %select_n3A_2527 = arith.select %gt3A_2523, %select_n3A_2477, %select_n3A_2522 : vector<16xi1>, vector<16xi32>
      %gt3A_2528 = arith.cmpf ogt, %select_n3A_2525, %select_n3A_2480 : vector<16xf32>
      %select_n3A_2529 = arith.select %gt3A_2528, %select_n3A_2525, %select_n3A_2480 : vector<16xi1>, vector<16xf32>
      %select_n3A_2530 = arith.select %gt3A_2528, %select_n3A_2480, %select_n3A_2525 : vector<16xi1>, vector<16xf32>
      %select_n3A_2531 = arith.select %gt3A_2528, %select_n3A_2527, %select_n3A_2482 : vector<16xi1>, vector<16xi32>
      %select_n3A_2532 = arith.select %gt3A_2528, %select_n3A_2482, %select_n3A_2527 : vector<16xi1>, vector<16xi32>
      %gt3A_2533 = arith.cmpf ogt, %select_n3A_2530, %select_n3A_2485 : vector<16xf32>
      %select_n3A_2534 = arith.select %gt3A_2533, %select_n3A_2530, %select_n3A_2485 : vector<16xi1>, vector<16xf32>
      %select_n3A_2535 = arith.select %gt3A_2533, %select_n3A_2485, %select_n3A_2530 : vector<16xi1>, vector<16xf32>
      %select_n3A_2536 = arith.select %gt3A_2533, %select_n3A_2532, %select_n3A_2487 : vector<16xi1>, vector<16xi32>
      %select_n3A_2537 = arith.select %gt3A_2533, %select_n3A_2487, %select_n3A_2532 : vector<16xi1>, vector<16xi32>
      %gt3A_2538 = arith.cmpf ogt, %select_n3A_2535, %select_n3A_2490 : vector<16xf32>
      %select_n3A_2539 = arith.select %gt3A_2538, %select_n3A_2535, %select_n3A_2490 : vector<16xi1>, vector<16xf32>
      %select_n3A_2540 = arith.select %gt3A_2538, %select_n3A_2490, %select_n3A_2535 : vector<16xi1>, vector<16xf32>
      %select_n3A_2541 = arith.select %gt3A_2538, %select_n3A_2537, %select_n3A_2492 : vector<16xi1>, vector<16xi32>
      %select_n3A_2542 = arith.select %gt3A_2538, %select_n3A_2492, %select_n3A_2537 : vector<16xi1>, vector<16xi32>
      %mul3A_2543 = arith.constant 64 : i32
      %mul3A_2544 = vector.broadcast %mul3A_2543 : i32 to vector<16xi32>
      %mul3A_2545 = arith.muli %iota3A, %mul3A_2544 : vector<16xi32>
      %add3A_2546 = arith.constant 51 : i32
      %add3A_2547 = vector.broadcast %add3A_2546 : i32 to vector<16xi32>
      %add3A_2548 = arith.addi %mul3A_2545, %add3A_2547 : vector<16xi32>
      %gather3A_2549 = tpu.vector_load_idx %arg5[%add3A_2548] : memref<1024xf32, #tpu.memory_space<vmem>>[vector<16xi32>], vector<16xf32>,
      %broadcast_in_dim3A_2550 = arith.constant 51 : i32
      %broadcast_in_dim3A_2551 = vector.broadcast %broadcast_in_dim3A_2550 : i32 to vector<16xi32>
      %gt3A_2552 = arith.cmpf ogt, %gather3A_2549, %select_n3A_2504 : vector<16xf32>
      %select_n3A_2553 = arith.select %gt3A_2552, %gather3A_2549, %select_n3A_2504 : vector<16xi1>, vector<16xf32>
      %select_n3A_2554 = arith.select %gt3A_2552, %select_n3A_2504, %gather3A_2549 : vector<16xi1>, vector<16xf32>
      %select_n3A_2555 = arith.select %gt3A_2552, %broadcast_in_dim3A_2551, %select_n3A_2506 : vector<16xi1>, vector<16xi32>
      %select_n3A_2556 = arith.select %gt3A_2552, %select_n3A_2506, %broadcast_in_dim3A_2551 : vector<16xi1>, vector<16xi32>
      %gt3A_2557 = arith.cmpf ogt, %select_n3A_2554, %select_n3A_2509 : vector<16xf32>
      %select_n3A_2558 = arith.select %gt3A_2557, %select_n3A_2554, %select_n3A_2509 : vector<16xi1>, vector<16xf32>
      %select_n3A_2559 = arith.select %gt3A_2557, %select_n3A_2509, %select_n3A_2554 : vector<16xi1>, vector<16xf32>
      %select_n3A_2560 = arith.select %gt3A_2557, %select_n3A_2556, %select_n3A_2511 : vector<16xi1>, vector<16xi32>
      %select_n3A_2561 = arith.select %gt3A_2557, %select_n3A_2511, %select_n3A_2556 : vector<16xi1>, vector<16xi32>
      %gt3A_2562 = arith.cmpf ogt, %select_n3A_2559, %select_n3A_2514 : vector<16xf32>
      %select_n3A_2563 = arith.select %gt3A_2562, %select_n3A_2559, %select_n3A_2514 : vector<16xi1>, vector<16xf32>
      %select_n3A_2564 = arith.select %gt3A_2562, %select_n3A_2514, %select_n3A_2559 : vector<16xi1>, vector<16xf32>
      %select_n3A_2565 = arith.select %gt3A_2562, %select_n3A_2561, %select_n3A_2516 : vector<16xi1>, vector<16xi32>
      %select_n3A_2566 = arith.select %gt3A_2562, %select_n3A_2516, %select_n3A_2561 : vector<16xi1>, vector<16xi32>
      %gt3A_2567 = arith.cmpf ogt, %select_n3A_2564, %select_n3A_2519 : vector<16xf32>
      %select_n3A_2568 = arith.select %gt3A_2567, %select_n3A_2564, %select_n3A_2519 : vector<16xi1>, vector<16xf32>
      %select_n3A_2569 = arith.select %gt3A_2567, %select_n3A_2519, %select_n3A_2564 : vector<16xi1>, vector<16xf32>
      %select_n3A_2570 = arith.select %gt3A_2567, %select_n3A_2566, %select_n3A_2521 : vector<16xi1>, vector<16xi32>
      %select_n3A_2571 = arith.select %gt3A_2567, %select_n3A_2521, %select_n3A_2566 : vector<16xi1>, vector<16xi32>
      %gt3A_2572 = arith.cmpf ogt, %select_n3A_2569, %select_n3A_2524 : vector<16xf32>
      %select_n3A_2573 = arith.select %gt3A_2572, %select_n3A_2569, %select_n3A_2524 : vector<16xi1>, vector<16xf32>
      %select_n3A_2574 = arith.select %gt3A_2572, %select_n3A_2524, %select_n3A_2569 : vector<16xi1>, vector<16xf32>
      %select_n3A_2575 = arith.select %gt3A_2572, %select_n3A_2571, %select_n3A_2526 : vector<16xi1>, vector<16xi32>
      %select_n3A_2576 = arith.select %gt3A_2572, %select_n3A_2526, %select_n3A_2571 : vector<16xi1>, vector<16xi32>
      %gt3A_2577 = arith.cmpf ogt, %select_n3A_2574, %select_n3A_2529 : vector<16xf32>
      %select_n3A_2578 = arith.select %gt3A_2577, %select_n3A_2574, %select_n3A_2529 : vector<16xi1>, vector<16xf32>
      %select_n3A_2579 = arith.select %gt3A_2577, %select_n3A_2529, %select_n3A_2574 : vector<16xi1>, vector<16xf32>
      %select_n3A_2580 = arith.select %gt3A_2577, %select_n3A_2576, %select_n3A_2531 : vector<16xi1>, vector<16xi32>
      %select_n3A_2581 = arith.select %gt3A_2577, %select_n3A_2531, %select_n3A_2576 : vector<16xi1>, vector<16xi32>
      %gt3A_2582 = arith.cmpf ogt, %select_n3A_2579, %select_n3A_2534 : vector<16xf32>
      %select_n3A_2583 = arith.select %gt3A_2582, %select_n3A_2579, %select_n3A_2534 : vector<16xi1>, vector<16xf32>
      %select_n3A_2584 = arith.select %gt3A_2582, %select_n3A_2534, %select_n3A_2579 : vector<16xi1>, vector<16xf32>
      %select_n3A_2585 = arith.select %gt3A_2582, %select_n3A_2581, %select_n3A_2536 : vector<16xi1>, vector<16xi32>
      %select_n3A_2586 = arith.select %gt3A_2582, %select_n3A_2536, %select_n3A_2581 : vector<16xi1>, vector<16xi32>
      %gt3A_2587 = arith.cmpf ogt, %select_n3A_2584, %select_n3A_2539 : vector<16xf32>
      %select_n3A_2588 = arith.select %gt3A_2587, %select_n3A_2584, %select_n3A_2539 : vector<16xi1>, vector<16xf32>
      %select_n3A_2589 = arith.select %gt3A_2587, %select_n3A_2539, %select_n3A_2584 : vector<16xi1>, vector<16xf32>
      %select_n3A_2590 = arith.select %gt3A_2587, %select_n3A_2586, %select_n3A_2541 : vector<16xi1>, vector<16xi32>
      %select_n3A_2591 = arith.select %gt3A_2587, %select_n3A_2541, %select_n3A_2586 : vector<16xi1>, vector<16xi32>
      %mul3A_2592 = arith.constant 64 : i32
      %mul3A_2593 = vector.broadcast %mul3A_2592 : i32 to vector<16xi32>
      %mul3A_2594 = arith.muli %iota3A, %mul3A_2593 : vector<16xi32>
      %add3A_2595 = arith.constant 52 : i32
      %add3A_2596 = vector.broadcast %add3A_2595 : i32 to vector<16xi32>
      %add3A_2597 = arith.addi %mul3A_2594, %add3A_2596 : vector<16xi32>
      %gather3A_2598 = tpu.vector_load_idx %arg5[%add3A_2597] : memref<1024xf32, #tpu.memory_space<vmem>>[vector<16xi32>], vector<16xf32>,
      %broadcast_in_dim3A_2599 = arith.constant 52 : i32
      %broadcast_in_dim3A_2600 = vector.broadcast %broadcast_in_dim3A_2599 : i32 to vector<16xi32>
      %gt3A_2601 = arith.cmpf ogt, %gather3A_2598, %select_n3A_2553 : vector<16xf32>
      %select_n3A_2602 = arith.select %gt3A_2601, %gather3A_2598, %select_n3A_2553 : vector<16xi1>, vector<16xf32>
      %select_n3A_2603 = arith.select %gt3A_2601, %select_n3A_2553, %gather3A_2598 : vector<16xi1>, vector<16xf32>
      %select_n3A_2604 = arith.select %gt3A_2601, %broadcast_in_dim3A_2600, %select_n3A_2555 : vector<16xi1>, vector<16xi32>
      %select_n3A_2605 = arith.select %gt3A_2601, %select_n3A_2555, %broadcast_in_dim3A_2600 : vector<16xi1>, vector<16xi32>
      %gt3A_2606 = arith.cmpf ogt, %select_n3A_2603, %select_n3A_2558 : vector<16xf32>
      %select_n3A_2607 = arith.select %gt3A_2606, %select_n3A_2603, %select_n3A_2558 : vector<16xi1>, vector<16xf32>
      %select_n3A_2608 = arith.select %gt3A_2606, %select_n3A_2558, %select_n3A_2603 : vector<16xi1>, vector<16xf32>
      %select_n3A_2609 = arith.select %gt3A_2606, %select_n3A_2605, %select_n3A_2560 : vector<16xi1>, vector<16xi32>
      %select_n3A_2610 = arith.select %gt3A_2606, %select_n3A_2560, %select_n3A_2605 : vector<16xi1>, vector<16xi32>
      %gt3A_2611 = arith.cmpf ogt, %select_n3A_2608, %select_n3A_2563 : vector<16xf32>
      %select_n3A_2612 = arith.select %gt3A_2611, %select_n3A_2608, %select_n3A_2563 : vector<16xi1>, vector<16xf32>
      %select_n3A_2613 = arith.select %gt3A_2611, %select_n3A_2563, %select_n3A_2608 : vector<16xi1>, vector<16xf32>
      %select_n3A_2614 = arith.select %gt3A_2611, %select_n3A_2610, %select_n3A_2565 : vector<16xi1>, vector<16xi32>
      %select_n3A_2615 = arith.select %gt3A_2611, %select_n3A_2565, %select_n3A_2610 : vector<16xi1>, vector<16xi32>
      %gt3A_2616 = arith.cmpf ogt, %select_n3A_2613, %select_n3A_2568 : vector<16xf32>
      %select_n3A_2617 = arith.select %gt3A_2616, %select_n3A_2613, %select_n3A_2568 : vector<16xi1>, vector<16xf32>
      %select_n3A_2618 = arith.select %gt3A_2616, %select_n3A_2568, %select_n3A_2613 : vector<16xi1>, vector<16xf32>
      %select_n3A_2619 = arith.select %gt3A_2616, %select_n3A_2615, %select_n3A_2570 : vector<16xi1>, vector<16xi32>
      %select_n3A_2620 = arith.select %gt3A_2616, %select_n3A_2570, %select_n3A_2615 : vector<16xi1>, vector<16xi32>
      %gt3A_2621 = arith.cmpf ogt, %select_n3A_2618, %select_n3A_2573 : vector<16xf32>
      %select_n3A_2622 = arith.select %gt3A_2621, %select_n3A_2618, %select_n3A_2573 : vector<16xi1>, vector<16xf32>
      %select_n3A_2623 = arith.select %gt3A_2621, %select_n3A_2573, %select_n3A_2618 : vector<16xi1>, vector<16xf32>
      %select_n3A_2624 = arith.select %gt3A_2621, %select_n3A_2620, %select_n3A_2575 : vector<16xi1>, vector<16xi32>
      %select_n3A_2625 = arith.select %gt3A_2621, %select_n3A_2575, %select_n3A_2620 : vector<16xi1>, vector<16xi32>
      %gt3A_2626 = arith.cmpf ogt, %select_n3A_2623, %select_n3A_2578 : vector<16xf32>
      %select_n3A_2627 = arith.select %gt3A_2626, %select_n3A_2623, %select_n3A_2578 : vector<16xi1>, vector<16xf32>
      %select_n3A_2628 = arith.select %gt3A_2626, %select_n3A_2578, %select_n3A_2623 : vector<16xi1>, vector<16xf32>
      %select_n3A_2629 = arith.select %gt3A_2626, %select_n3A_2625, %select_n3A_2580 : vector<16xi1>, vector<16xi32>
      %select_n3A_2630 = arith.select %gt3A_2626, %select_n3A_2580, %select_n3A_2625 : vector<16xi1>, vector<16xi32>
      %gt3A_2631 = arith.cmpf ogt, %select_n3A_2628, %select_n3A_2583 : vector<16xf32>
      %select_n3A_2632 = arith.select %gt3A_2631, %select_n3A_2628, %select_n3A_2583 : vector<16xi1>, vector<16xf32>
      %select_n3A_2633 = arith.select %gt3A_2631, %select_n3A_2583, %select_n3A_2628 : vector<16xi1>, vector<16xf32>
      %select_n3A_2634 = arith.select %gt3A_2631, %select_n3A_2630, %select_n3A_2585 : vector<16xi1>, vector<16xi32>
      %select_n3A_2635 = arith.select %gt3A_2631, %select_n3A_2585, %select_n3A_2630 : vector<16xi1>, vector<16xi32>
      %gt3A_2636 = arith.cmpf ogt, %select_n3A_2633, %select_n3A_2588 : vector<16xf32>
      %select_n3A_2637 = arith.select %gt3A_2636, %select_n3A_2633, %select_n3A_2588 : vector<16xi1>, vector<16xf32>
      %select_n3A_2638 = arith.select %gt3A_2636, %select_n3A_2588, %select_n3A_2633 : vector<16xi1>, vector<16xf32>
      %select_n3A_2639 = arith.select %gt3A_2636, %select_n3A_2635, %select_n3A_2590 : vector<16xi1>, vector<16xi32>
      %select_n3A_2640 = arith.select %gt3A_2636, %select_n3A_2590, %select_n3A_2635 : vector<16xi1>, vector<16xi32>
      %mul3A_2641 = arith.constant 64 : i32
      %mul3A_2642 = vector.broadcast %mul3A_2641 : i32 to vector<16xi32>
      %mul3A_2643 = arith.muli %iota3A, %mul3A_2642 : vector<16xi32>
      %add3A_2644 = arith.constant 53 : i32
      %add3A_2645 = vector.broadcast %add3A_2644 : i32 to vector<16xi32>
      %add3A_2646 = arith.addi %mul3A_2643, %add3A_2645 : vector<16xi32>
      %gather3A_2647 = tpu.vector_load_idx %arg5[%add3A_2646] : memref<1024xf32, #tpu.memory_space<vmem>>[vector<16xi32>], vector<16xf32>,
      %broadcast_in_dim3A_2648 = arith.constant 53 : i32
      %broadcast_in_dim3A_2649 = vector.broadcast %broadcast_in_dim3A_2648 : i32 to vector<16xi32>
      %gt3A_2650 = arith.cmpf ogt, %gather3A_2647, %select_n3A_2602 : vector<16xf32>
      %select_n3A_2651 = arith.select %gt3A_2650, %gather3A_2647, %select_n3A_2602 : vector<16xi1>, vector<16xf32>
      %select_n3A_2652 = arith.select %gt3A_2650, %select_n3A_2602, %gather3A_2647 : vector<16xi1>, vector<16xf32>
      %select_n3A_2653 = arith.select %gt3A_2650, %broadcast_in_dim3A_2649, %select_n3A_2604 : vector<16xi1>, vector<16xi32>
      %select_n3A_2654 = arith.select %gt3A_2650, %select_n3A_2604, %broadcast_in_dim3A_2649 : vector<16xi1>, vector<16xi32>
      %gt3A_2655 = arith.cmpf ogt, %select_n3A_2652, %select_n3A_2607 : vector<16xf32>
      %select_n3A_2656 = arith.select %gt3A_2655, %select_n3A_2652, %select_n3A_2607 : vector<16xi1>, vector<16xf32>
      %select_n3A_2657 = arith.select %gt3A_2655, %select_n3A_2607, %select_n3A_2652 : vector<16xi1>, vector<16xf32>
      %select_n3A_2658 = arith.select %gt3A_2655, %select_n3A_2654, %select_n3A_2609 : vector<16xi1>, vector<16xi32>
      %select_n3A_2659 = arith.select %gt3A_2655, %select_n3A_2609, %select_n3A_2654 : vector<16xi1>, vector<16xi32>
      %gt3A_2660 = arith.cmpf ogt, %select_n3A_2657, %select_n3A_2612 : vector<16xf32>
      %select_n3A_2661 = arith.select %gt3A_2660, %select_n3A_2657, %select_n3A_2612 : vector<16xi1>, vector<16xf32>
      %select_n3A_2662 = arith.select %gt3A_2660, %select_n3A_2612, %select_n3A_2657 : vector<16xi1>, vector<16xf32>
      %select_n3A_2663 = arith.select %gt3A_2660, %select_n3A_2659, %select_n3A_2614 : vector<16xi1>, vector<16xi32>
      %select_n3A_2664 = arith.select %gt3A_2660, %select_n3A_2614, %select_n3A_2659 : vector<16xi1>, vector<16xi32>
      %gt3A_2665 = arith.cmpf ogt, %select_n3A_2662, %select_n3A_2617 : vector<16xf32>
      %select_n3A_2666 = arith.select %gt3A_2665, %select_n3A_2662, %select_n3A_2617 : vector<16xi1>, vector<16xf32>
      %select_n3A_2667 = arith.select %gt3A_2665, %select_n3A_2617, %select_n3A_2662 : vector<16xi1>, vector<16xf32>
      %select_n3A_2668 = arith.select %gt3A_2665, %select_n3A_2664, %select_n3A_2619 : vector<16xi1>, vector<16xi32>
      %select_n3A_2669 = arith.select %gt3A_2665, %select_n3A_2619, %select_n3A_2664 : vector<16xi1>, vector<16xi32>
      %gt3A_2670 = arith.cmpf ogt, %select_n3A_2667, %select_n3A_2622 : vector<16xf32>
      %select_n3A_2671 = arith.select %gt3A_2670, %select_n3A_2667, %select_n3A_2622 : vector<16xi1>, vector<16xf32>
      %select_n3A_2672 = arith.select %gt3A_2670, %select_n3A_2622, %select_n3A_2667 : vector<16xi1>, vector<16xf32>
      %select_n3A_2673 = arith.select %gt3A_2670, %select_n3A_2669, %select_n3A_2624 : vector<16xi1>, vector<16xi32>
      %select_n3A_2674 = arith.select %gt3A_2670, %select_n3A_2624, %select_n3A_2669 : vector<16xi1>, vector<16xi32>
      %gt3A_2675 = arith.cmpf ogt, %select_n3A_2672, %select_n3A_2627 : vector<16xf32>
      %select_n3A_2676 = arith.select %gt3A_2675, %select_n3A_2672, %select_n3A_2627 : vector<16xi1>, vector<16xf32>
      %select_n3A_2677 = arith.select %gt3A_2675, %select_n3A_2627, %select_n3A_2672 : vector<16xi1>, vector<16xf32>
      %select_n3A_2678 = arith.select %gt3A_2675, %select_n3A_2674, %select_n3A_2629 : vector<16xi1>, vector<16xi32>
      %select_n3A_2679 = arith.select %gt3A_2675, %select_n3A_2629, %select_n3A_2674 : vector<16xi1>, vector<16xi32>
      %gt3A_2680 = arith.cmpf ogt, %select_n3A_2677, %select_n3A_2632 : vector<16xf32>
      %select_n3A_2681 = arith.select %gt3A_2680, %select_n3A_2677, %select_n3A_2632 : vector<16xi1>, vector<16xf32>
      %select_n3A_2682 = arith.select %gt3A_2680, %select_n3A_2632, %select_n3A_2677 : vector<16xi1>, vector<16xf32>
      %select_n3A_2683 = arith.select %gt3A_2680, %select_n3A_2679, %select_n3A_2634 : vector<16xi1>, vector<16xi32>
      %select_n3A_2684 = arith.select %gt3A_2680, %select_n3A_2634, %select_n3A_2679 : vector<16xi1>, vector<16xi32>
      %gt3A_2685 = arith.cmpf ogt, %select_n3A_2682, %select_n3A_2637 : vector<16xf32>
      %select_n3A_2686 = arith.select %gt3A_2685, %select_n3A_2682, %select_n3A_2637 : vector<16xi1>, vector<16xf32>
      %select_n3A_2687 = arith.select %gt3A_2685, %select_n3A_2637, %select_n3A_2682 : vector<16xi1>, vector<16xf32>
      %select_n3A_2688 = arith.select %gt3A_2685, %select_n3A_2684, %select_n3A_2639 : vector<16xi1>, vector<16xi32>
      %select_n3A_2689 = arith.select %gt3A_2685, %select_n3A_2639, %select_n3A_2684 : vector<16xi1>, vector<16xi32>
      %mul3A_2690 = arith.constant 64 : i32
      %mul3A_2691 = vector.broadcast %mul3A_2690 : i32 to vector<16xi32>
      %mul3A_2692 = arith.muli %iota3A, %mul3A_2691 : vector<16xi32>
      %add3A_2693 = arith.constant 54 : i32
      %add3A_2694 = vector.broadcast %add3A_2693 : i32 to vector<16xi32>
      %add3A_2695 = arith.addi %mul3A_2692, %add3A_2694 : vector<16xi32>
      %gather3A_2696 = tpu.vector_load_idx %arg5[%add3A_2695] : memref<1024xf32, #tpu.memory_space<vmem>>[vector<16xi32>], vector<16xf32>,
      %broadcast_in_dim3A_2697 = arith.constant 54 : i32
      %broadcast_in_dim3A_2698 = vector.broadcast %broadcast_in_dim3A_2697 : i32 to vector<16xi32>
      %gt3A_2699 = arith.cmpf ogt, %gather3A_2696, %select_n3A_2651 : vector<16xf32>
      %select_n3A_2700 = arith.select %gt3A_2699, %gather3A_2696, %select_n3A_2651 : vector<16xi1>, vector<16xf32>
      %select_n3A_2701 = arith.select %gt3A_2699, %select_n3A_2651, %gather3A_2696 : vector<16xi1>, vector<16xf32>
      %select_n3A_2702 = arith.select %gt3A_2699, %broadcast_in_dim3A_2698, %select_n3A_2653 : vector<16xi1>, vector<16xi32>
      %select_n3A_2703 = arith.select %gt3A_2699, %select_n3A_2653, %broadcast_in_dim3A_2698 : vector<16xi1>, vector<16xi32>
      %gt3A_2704 = arith.cmpf ogt, %select_n3A_2701, %select_n3A_2656 : vector<16xf32>
      %select_n3A_2705 = arith.select %gt3A_2704, %select_n3A_2701, %select_n3A_2656 : vector<16xi1>, vector<16xf32>
      %select_n3A_2706 = arith.select %gt3A_2704, %select_n3A_2656, %select_n3A_2701 : vector<16xi1>, vector<16xf32>
      %select_n3A_2707 = arith.select %gt3A_2704, %select_n3A_2703, %select_n3A_2658 : vector<16xi1>, vector<16xi32>
      %select_n3A_2708 = arith.select %gt3A_2704, %select_n3A_2658, %select_n3A_2703 : vector<16xi1>, vector<16xi32>
      %gt3A_2709 = arith.cmpf ogt, %select_n3A_2706, %select_n3A_2661 : vector<16xf32>
      %select_n3A_2710 = arith.select %gt3A_2709, %select_n3A_2706, %select_n3A_2661 : vector<16xi1>, vector<16xf32>
      %select_n3A_2711 = arith.select %gt3A_2709, %select_n3A_2661, %select_n3A_2706 : vector<16xi1>, vector<16xf32>
      %select_n3A_2712 = arith.select %gt3A_2709, %select_n3A_2708, %select_n3A_2663 : vector<16xi1>, vector<16xi32>
      %select_n3A_2713 = arith.select %gt3A_2709, %select_n3A_2663, %select_n3A_2708 : vector<16xi1>, vector<16xi32>
      %gt3A_2714 = arith.cmpf ogt, %select_n3A_2711, %select_n3A_2666 : vector<16xf32>
      %select_n3A_2715 = arith.select %gt3A_2714, %select_n3A_2711, %select_n3A_2666 : vector<16xi1>, vector<16xf32>
      %select_n3A_2716 = arith.select %gt3A_2714, %select_n3A_2666, %select_n3A_2711 : vector<16xi1>, vector<16xf32>
      %select_n3A_2717 = arith.select %gt3A_2714, %select_n3A_2713, %select_n3A_2668 : vector<16xi1>, vector<16xi32>
      %select_n3A_2718 = arith.select %gt3A_2714, %select_n3A_2668, %select_n3A_2713 : vector<16xi1>, vector<16xi32>
      %gt3A_2719 = arith.cmpf ogt, %select_n3A_2716, %select_n3A_2671 : vector<16xf32>
      %select_n3A_2720 = arith.select %gt3A_2719, %select_n3A_2716, %select_n3A_2671 : vector<16xi1>, vector<16xf32>
      %select_n3A_2721 = arith.select %gt3A_2719, %select_n3A_2671, %select_n3A_2716 : vector<16xi1>, vector<16xf32>
      %select_n3A_2722 = arith.select %gt3A_2719, %select_n3A_2718, %select_n3A_2673 : vector<16xi1>, vector<16xi32>
      %select_n3A_2723 = arith.select %gt3A_2719, %select_n3A_2673, %select_n3A_2718 : vector<16xi1>, vector<16xi32>
      %gt3A_2724 = arith.cmpf ogt, %select_n3A_2721, %select_n3A_2676 : vector<16xf32>
      %select_n3A_2725 = arith.select %gt3A_2724, %select_n3A_2721, %select_n3A_2676 : vector<16xi1>, vector<16xf32>
      %select_n3A_2726 = arith.select %gt3A_2724, %select_n3A_2676, %select_n3A_2721 : vector<16xi1>, vector<16xf32>
      %select_n3A_2727 = arith.select %gt3A_2724, %select_n3A_2723, %select_n3A_2678 : vector<16xi1>, vector<16xi32>
      %select_n3A_2728 = arith.select %gt3A_2724, %select_n3A_2678, %select_n3A_2723 : vector<16xi1>, vector<16xi32>
      %gt3A_2729 = arith.cmpf ogt, %select_n3A_2726, %select_n3A_2681 : vector<16xf32>
      %select_n3A_2730 = arith.select %gt3A_2729, %select_n3A_2726, %select_n3A_2681 : vector<16xi1>, vector<16xf32>
      %select_n3A_2731 = arith.select %gt3A_2729, %select_n3A_2681, %select_n3A_2726 : vector<16xi1>, vector<16xf32>
      %select_n3A_2732 = arith.select %gt3A_2729, %select_n3A_2728, %select_n3A_2683 : vector<16xi1>, vector<16xi32>
      %select_n3A_2733 = arith.select %gt3A_2729, %select_n3A_2683, %select_n3A_2728 : vector<16xi1>, vector<16xi32>
      %gt3A_2734 = arith.cmpf ogt, %select_n3A_2731, %select_n3A_2686 : vector<16xf32>
      %select_n3A_2735 = arith.select %gt3A_2734, %select_n3A_2731, %select_n3A_2686 : vector<16xi1>, vector<16xf32>
      %select_n3A_2736 = arith.select %gt3A_2734, %select_n3A_2686, %select_n3A_2731 : vector<16xi1>, vector<16xf32>
      %select_n3A_2737 = arith.select %gt3A_2734, %select_n3A_2733, %select_n3A_2688 : vector<16xi1>, vector<16xi32>
      %select_n3A_2738 = arith.select %gt3A_2734, %select_n3A_2688, %select_n3A_2733 : vector<16xi1>, vector<16xi32>
      %mul3A_2739 = arith.constant 64 : i32
      %mul3A_2740 = vector.broadcast %mul3A_2739 : i32 to vector<16xi32>
      %mul3A_2741 = arith.muli %iota3A, %mul3A_2740 : vector<16xi32>
      %add3A_2742 = arith.constant 55 : i32
      %add3A_2743 = vector.broadcast %add3A_2742 : i32 to vector<16xi32>
      %add3A_2744 = arith.addi %mul3A_2741, %add3A_2743 : vector<16xi32>
      %gather3A_2745 = tpu.vector_load_idx %arg5[%add3A_2744] : memref<1024xf32, #tpu.memory_space<vmem>>[vector<16xi32>], vector<16xf32>,
      %broadcast_in_dim3A_2746 = arith.constant 55 : i32
      %broadcast_in_dim3A_2747 = vector.broadcast %broadcast_in_dim3A_2746 : i32 to vector<16xi32>
      %gt3A_2748 = arith.cmpf ogt, %gather3A_2745, %select_n3A_2700 : vector<16xf32>
      %select_n3A_2749 = arith.select %gt3A_2748, %gather3A_2745, %select_n3A_2700 : vector<16xi1>, vector<16xf32>
      %select_n3A_2750 = arith.select %gt3A_2748, %select_n3A_2700, %gather3A_2745 : vector<16xi1>, vector<16xf32>
      %select_n3A_2751 = arith.select %gt3A_2748, %broadcast_in_dim3A_2747, %select_n3A_2702 : vector<16xi1>, vector<16xi32>
      %select_n3A_2752 = arith.select %gt3A_2748, %select_n3A_2702, %broadcast_in_dim3A_2747 : vector<16xi1>, vector<16xi32>
      %gt3A_2753 = arith.cmpf ogt, %select_n3A_2750, %select_n3A_2705 : vector<16xf32>
      %select_n3A_2754 = arith.select %gt3A_2753, %select_n3A_2750, %select_n3A_2705 : vector<16xi1>, vector<16xf32>
      %select_n3A_2755 = arith.select %gt3A_2753, %select_n3A_2705, %select_n3A_2750 : vector<16xi1>, vector<16xf32>
      %select_n3A_2756 = arith.select %gt3A_2753, %select_n3A_2752, %select_n3A_2707 : vector<16xi1>, vector<16xi32>
      %select_n3A_2757 = arith.select %gt3A_2753, %select_n3A_2707, %select_n3A_2752 : vector<16xi1>, vector<16xi32>
      %gt3A_2758 = arith.cmpf ogt, %select_n3A_2755, %select_n3A_2710 : vector<16xf32>
      %select_n3A_2759 = arith.select %gt3A_2758, %select_n3A_2755, %select_n3A_2710 : vector<16xi1>, vector<16xf32>
      %select_n3A_2760 = arith.select %gt3A_2758, %select_n3A_2710, %select_n3A_2755 : vector<16xi1>, vector<16xf32>
      %select_n3A_2761 = arith.select %gt3A_2758, %select_n3A_2757, %select_n3A_2712 : vector<16xi1>, vector<16xi32>
      %select_n3A_2762 = arith.select %gt3A_2758, %select_n3A_2712, %select_n3A_2757 : vector<16xi1>, vector<16xi32>
      %gt3A_2763 = arith.cmpf ogt, %select_n3A_2760, %select_n3A_2715 : vector<16xf32>
      %select_n3A_2764 = arith.select %gt3A_2763, %select_n3A_2760, %select_n3A_2715 : vector<16xi1>, vector<16xf32>
      %select_n3A_2765 = arith.select %gt3A_2763, %select_n3A_2715, %select_n3A_2760 : vector<16xi1>, vector<16xf32>
      %select_n3A_2766 = arith.select %gt3A_2763, %select_n3A_2762, %select_n3A_2717 : vector<16xi1>, vector<16xi32>
      %select_n3A_2767 = arith.select %gt3A_2763, %select_n3A_2717, %select_n3A_2762 : vector<16xi1>, vector<16xi32>
      %gt3A_2768 = arith.cmpf ogt, %select_n3A_2765, %select_n3A_2720 : vector<16xf32>
      %select_n3A_2769 = arith.select %gt3A_2768, %select_n3A_2765, %select_n3A_2720 : vector<16xi1>, vector<16xf32>
      %select_n3A_2770 = arith.select %gt3A_2768, %select_n3A_2720, %select_n3A_2765 : vector<16xi1>, vector<16xf32>
      %select_n3A_2771 = arith.select %gt3A_2768, %select_n3A_2767, %select_n3A_2722 : vector<16xi1>, vector<16xi32>
      %select_n3A_2772 = arith.select %gt3A_2768, %select_n3A_2722, %select_n3A_2767 : vector<16xi1>, vector<16xi32>
      %gt3A_2773 = arith.cmpf ogt, %select_n3A_2770, %select_n3A_2725 : vector<16xf32>
      %select_n3A_2774 = arith.select %gt3A_2773, %select_n3A_2770, %select_n3A_2725 : vector<16xi1>, vector<16xf32>
      %select_n3A_2775 = arith.select %gt3A_2773, %select_n3A_2725, %select_n3A_2770 : vector<16xi1>, vector<16xf32>
      %select_n3A_2776 = arith.select %gt3A_2773, %select_n3A_2772, %select_n3A_2727 : vector<16xi1>, vector<16xi32>
      %select_n3A_2777 = arith.select %gt3A_2773, %select_n3A_2727, %select_n3A_2772 : vector<16xi1>, vector<16xi32>
      %gt3A_2778 = arith.cmpf ogt, %select_n3A_2775, %select_n3A_2730 : vector<16xf32>
      %select_n3A_2779 = arith.select %gt3A_2778, %select_n3A_2775, %select_n3A_2730 : vector<16xi1>, vector<16xf32>
      %select_n3A_2780 = arith.select %gt3A_2778, %select_n3A_2730, %select_n3A_2775 : vector<16xi1>, vector<16xf32>
      %select_n3A_2781 = arith.select %gt3A_2778, %select_n3A_2777, %select_n3A_2732 : vector<16xi1>, vector<16xi32>
      %select_n3A_2782 = arith.select %gt3A_2778, %select_n3A_2732, %select_n3A_2777 : vector<16xi1>, vector<16xi32>
      %gt3A_2783 = arith.cmpf ogt, %select_n3A_2780, %select_n3A_2735 : vector<16xf32>
      %select_n3A_2784 = arith.select %gt3A_2783, %select_n3A_2780, %select_n3A_2735 : vector<16xi1>, vector<16xf32>
      %select_n3A_2785 = arith.select %gt3A_2783, %select_n3A_2735, %select_n3A_2780 : vector<16xi1>, vector<16xf32>
      %select_n3A_2786 = arith.select %gt3A_2783, %select_n3A_2782, %select_n3A_2737 : vector<16xi1>, vector<16xi32>
      %select_n3A_2787 = arith.select %gt3A_2783, %select_n3A_2737, %select_n3A_2782 : vector<16xi1>, vector<16xi32>
      %mul3A_2788 = arith.constant 64 : i32
      %mul3A_2789 = vector.broadcast %mul3A_2788 : i32 to vector<16xi32>
      %mul3A_2790 = arith.muli %iota3A, %mul3A_2789 : vector<16xi32>
      %add3A_2791 = arith.constant 56 : i32
      %add3A_2792 = vector.broadcast %add3A_2791 : i32 to vector<16xi32>
      %add3A_2793 = arith.addi %mul3A_2790, %add3A_2792 : vector<16xi32>
      %gather3A_2794 = tpu.vector_load_idx %arg5[%add3A_2793] : memref<1024xf32, #tpu.memory_space<vmem>>[vector<16xi32>], vector<16xf32>,
      %broadcast_in_dim3A_2795 = arith.constant 56 : i32
      %broadcast_in_dim3A_2796 = vector.broadcast %broadcast_in_dim3A_2795 : i32 to vector<16xi32>
      %gt3A_2797 = arith.cmpf ogt, %gather3A_2794, %select_n3A_2749 : vector<16xf32>
      %select_n3A_2798 = arith.select %gt3A_2797, %gather3A_2794, %select_n3A_2749 : vector<16xi1>, vector<16xf32>
      %select_n3A_2799 = arith.select %gt3A_2797, %select_n3A_2749, %gather3A_2794 : vector<16xi1>, vector<16xf32>
      %select_n3A_2800 = arith.select %gt3A_2797, %broadcast_in_dim3A_2796, %select_n3A_2751 : vector<16xi1>, vector<16xi32>
      %select_n3A_2801 = arith.select %gt3A_2797, %select_n3A_2751, %broadcast_in_dim3A_2796 : vector<16xi1>, vector<16xi32>
      %gt3A_2802 = arith.cmpf ogt, %select_n3A_2799, %select_n3A_2754 : vector<16xf32>
      %select_n3A_2803 = arith.select %gt3A_2802, %select_n3A_2799, %select_n3A_2754 : vector<16xi1>, vector<16xf32>
      %select_n3A_2804 = arith.select %gt3A_2802, %select_n3A_2754, %select_n3A_2799 : vector<16xi1>, vector<16xf32>
      %select_n3A_2805 = arith.select %gt3A_2802, %select_n3A_2801, %select_n3A_2756 : vector<16xi1>, vector<16xi32>
      %select_n3A_2806 = arith.select %gt3A_2802, %select_n3A_2756, %select_n3A_2801 : vector<16xi1>, vector<16xi32>
      %gt3A_2807 = arith.cmpf ogt, %select_n3A_2804, %select_n3A_2759 : vector<16xf32>
      %select_n3A_2808 = arith.select %gt3A_2807, %select_n3A_2804, %select_n3A_2759 : vector<16xi1>, vector<16xf32>
      %select_n3A_2809 = arith.select %gt3A_2807, %select_n3A_2759, %select_n3A_2804 : vector<16xi1>, vector<16xf32>
      %select_n3A_2810 = arith.select %gt3A_2807, %select_n3A_2806, %select_n3A_2761 : vector<16xi1>, vector<16xi32>
      %select_n3A_2811 = arith.select %gt3A_2807, %select_n3A_2761, %select_n3A_2806 : vector<16xi1>, vector<16xi32>
      %gt3A_2812 = arith.cmpf ogt, %select_n3A_2809, %select_n3A_2764 : vector<16xf32>
      %select_n3A_2813 = arith.select %gt3A_2812, %select_n3A_2809, %select_n3A_2764 : vector<16xi1>, vector<16xf32>
      %select_n3A_2814 = arith.select %gt3A_2812, %select_n3A_2764, %select_n3A_2809 : vector<16xi1>, vector<16xf32>
      %select_n3A_2815 = arith.select %gt3A_2812, %select_n3A_2811, %select_n3A_2766 : vector<16xi1>, vector<16xi32>
      %select_n3A_2816 = arith.select %gt3A_2812, %select_n3A_2766, %select_n3A_2811 : vector<16xi1>, vector<16xi32>
      %gt3A_2817 = arith.cmpf ogt, %select_n3A_2814, %select_n3A_2769 : vector<16xf32>
      %select_n3A_2818 = arith.select %gt3A_2817, %select_n3A_2814, %select_n3A_2769 : vector<16xi1>, vector<16xf32>
      %select_n3A_2819 = arith.select %gt3A_2817, %select_n3A_2769, %select_n3A_2814 : vector<16xi1>, vector<16xf32>
      %select_n3A_2820 = arith.select %gt3A_2817, %select_n3A_2816, %select_n3A_2771 : vector<16xi1>, vector<16xi32>
      %select_n3A_2821 = arith.select %gt3A_2817, %select_n3A_2771, %select_n3A_2816 : vector<16xi1>, vector<16xi32>
      %gt3A_2822 = arith.cmpf ogt, %select_n3A_2819, %select_n3A_2774 : vector<16xf32>
      %select_n3A_2823 = arith.select %gt3A_2822, %select_n3A_2819, %select_n3A_2774 : vector<16xi1>, vector<16xf32>
      %select_n3A_2824 = arith.select %gt3A_2822, %select_n3A_2774, %select_n3A_2819 : vector<16xi1>, vector<16xf32>
      %select_n3A_2825 = arith.select %gt3A_2822, %select_n3A_2821, %select_n3A_2776 : vector<16xi1>, vector<16xi32>
      %select_n3A_2826 = arith.select %gt3A_2822, %select_n3A_2776, %select_n3A_2821 : vector<16xi1>, vector<16xi32>
      %gt3A_2827 = arith.cmpf ogt, %select_n3A_2824, %select_n3A_2779 : vector<16xf32>
      %select_n3A_2828 = arith.select %gt3A_2827, %select_n3A_2824, %select_n3A_2779 : vector<16xi1>, vector<16xf32>
      %select_n3A_2829 = arith.select %gt3A_2827, %select_n3A_2779, %select_n3A_2824 : vector<16xi1>, vector<16xf32>
      %select_n3A_2830 = arith.select %gt3A_2827, %select_n3A_2826, %select_n3A_2781 : vector<16xi1>, vector<16xi32>
      %select_n3A_2831 = arith.select %gt3A_2827, %select_n3A_2781, %select_n3A_2826 : vector<16xi1>, vector<16xi32>
      %gt3A_2832 = arith.cmpf ogt, %select_n3A_2829, %select_n3A_2784 : vector<16xf32>
      %select_n3A_2833 = arith.select %gt3A_2832, %select_n3A_2829, %select_n3A_2784 : vector<16xi1>, vector<16xf32>
      %select_n3A_2834 = arith.select %gt3A_2832, %select_n3A_2784, %select_n3A_2829 : vector<16xi1>, vector<16xf32>
      %select_n3A_2835 = arith.select %gt3A_2832, %select_n3A_2831, %select_n3A_2786 : vector<16xi1>, vector<16xi32>
      %select_n3A_2836 = arith.select %gt3A_2832, %select_n3A_2786, %select_n3A_2831 : vector<16xi1>, vector<16xi32>
      %mul3A_2837 = arith.constant 64 : i32
      %mul3A_2838 = vector.broadcast %mul3A_2837 : i32 to vector<16xi32>
      %mul3A_2839 = arith.muli %iota3A, %mul3A_2838 : vector<16xi32>
      %add3A_2840 = arith.constant 57 : i32
      %add3A_2841 = vector.broadcast %add3A_2840 : i32 to vector<16xi32>
      %add3A_2842 = arith.addi %mul3A_2839, %add3A_2841 : vector<16xi32>
      %gather3A_2843 = tpu.vector_load_idx %arg5[%add3A_2842] : memref<1024xf32, #tpu.memory_space<vmem>>[vector<16xi32>], vector<16xf32>,
      %broadcast_in_dim3A_2844 = arith.constant 57 : i32
      %broadcast_in_dim3A_2845 = vector.broadcast %broadcast_in_dim3A_2844 : i32 to vector<16xi32>
      %gt3A_2846 = arith.cmpf ogt, %gather3A_2843, %select_n3A_2798 : vector<16xf32>
      %select_n3A_2847 = arith.select %gt3A_2846, %gather3A_2843, %select_n3A_2798 : vector<16xi1>, vector<16xf32>
      %select_n3A_2848 = arith.select %gt3A_2846, %select_n3A_2798, %gather3A_2843 : vector<16xi1>, vector<16xf32>
      %select_n3A_2849 = arith.select %gt3A_2846, %broadcast_in_dim3A_2845, %select_n3A_2800 : vector<16xi1>, vector<16xi32>
      %select_n3A_2850 = arith.select %gt3A_2846, %select_n3A_2800, %broadcast_in_dim3A_2845 : vector<16xi1>, vector<16xi32>
      %gt3A_2851 = arith.cmpf ogt, %select_n3A_2848, %select_n3A_2803 : vector<16xf32>
      %select_n3A_2852 = arith.select %gt3A_2851, %select_n3A_2848, %select_n3A_2803 : vector<16xi1>, vector<16xf32>
      %select_n3A_2853 = arith.select %gt3A_2851, %select_n3A_2803, %select_n3A_2848 : vector<16xi1>, vector<16xf32>
      %select_n3A_2854 = arith.select %gt3A_2851, %select_n3A_2850, %select_n3A_2805 : vector<16xi1>, vector<16xi32>
      %select_n3A_2855 = arith.select %gt3A_2851, %select_n3A_2805, %select_n3A_2850 : vector<16xi1>, vector<16xi32>
      %gt3A_2856 = arith.cmpf ogt, %select_n3A_2853, %select_n3A_2808 : vector<16xf32>
      %select_n3A_2857 = arith.select %gt3A_2856, %select_n3A_2853, %select_n3A_2808 : vector<16xi1>, vector<16xf32>
      %select_n3A_2858 = arith.select %gt3A_2856, %select_n3A_2808, %select_n3A_2853 : vector<16xi1>, vector<16xf32>
      %select_n3A_2859 = arith.select %gt3A_2856, %select_n3A_2855, %select_n3A_2810 : vector<16xi1>, vector<16xi32>
      %select_n3A_2860 = arith.select %gt3A_2856, %select_n3A_2810, %select_n3A_2855 : vector<16xi1>, vector<16xi32>
      %gt3A_2861 = arith.cmpf ogt, %select_n3A_2858, %select_n3A_2813 : vector<16xf32>
      %select_n3A_2862 = arith.select %gt3A_2861, %select_n3A_2858, %select_n3A_2813 : vector<16xi1>, vector<16xf32>
      %select_n3A_2863 = arith.select %gt3A_2861, %select_n3A_2813, %select_n3A_2858 : vector<16xi1>, vector<16xf32>
      %select_n3A_2864 = arith.select %gt3A_2861, %select_n3A_2860, %select_n3A_2815 : vector<16xi1>, vector<16xi32>
      %select_n3A_2865 = arith.select %gt3A_2861, %select_n3A_2815, %select_n3A_2860 : vector<16xi1>, vector<16xi32>
      %gt3A_2866 = arith.cmpf ogt, %select_n3A_2863, %select_n3A_2818 : vector<16xf32>
      %select_n3A_2867 = arith.select %gt3A_2866, %select_n3A_2863, %select_n3A_2818 : vector<16xi1>, vector<16xf32>
      %select_n3A_2868 = arith.select %gt3A_2866, %select_n3A_2818, %select_n3A_2863 : vector<16xi1>, vector<16xf32>
      %select_n3A_2869 = arith.select %gt3A_2866, %select_n3A_2865, %select_n3A_2820 : vector<16xi1>, vector<16xi32>
      %select_n3A_2870 = arith.select %gt3A_2866, %select_n3A_2820, %select_n3A_2865 : vector<16xi1>, vector<16xi32>
      %gt3A_2871 = arith.cmpf ogt, %select_n3A_2868, %select_n3A_2823 : vector<16xf32>
      %select_n3A_2872 = arith.select %gt3A_2871, %select_n3A_2868, %select_n3A_2823 : vector<16xi1>, vector<16xf32>
      %select_n3A_2873 = arith.select %gt3A_2871, %select_n3A_2823, %select_n3A_2868 : vector<16xi1>, vector<16xf32>
      %select_n3A_2874 = arith.select %gt3A_2871, %select_n3A_2870, %select_n3A_2825 : vector<16xi1>, vector<16xi32>
      %select_n3A_2875 = arith.select %gt3A_2871, %select_n3A_2825, %select_n3A_2870 : vector<16xi1>, vector<16xi32>
      %gt3A_2876 = arith.cmpf ogt, %select_n3A_2873, %select_n3A_2828 : vector<16xf32>
      %select_n3A_2877 = arith.select %gt3A_2876, %select_n3A_2873, %select_n3A_2828 : vector<16xi1>, vector<16xf32>
      %select_n3A_2878 = arith.select %gt3A_2876, %select_n3A_2828, %select_n3A_2873 : vector<16xi1>, vector<16xf32>
      %select_n3A_2879 = arith.select %gt3A_2876, %select_n3A_2875, %select_n3A_2830 : vector<16xi1>, vector<16xi32>
      %select_n3A_2880 = arith.select %gt3A_2876, %select_n3A_2830, %select_n3A_2875 : vector<16xi1>, vector<16xi32>
      %gt3A_2881 = arith.cmpf ogt, %select_n3A_2878, %select_n3A_2833 : vector<16xf32>
      %select_n3A_2882 = arith.select %gt3A_2881, %select_n3A_2878, %select_n3A_2833 : vector<16xi1>, vector<16xf32>
      %select_n3A_2883 = arith.select %gt3A_2881, %select_n3A_2833, %select_n3A_2878 : vector<16xi1>, vector<16xf32>
      %select_n3A_2884 = arith.select %gt3A_2881, %select_n3A_2880, %select_n3A_2835 : vector<16xi1>, vector<16xi32>
      %select_n3A_2885 = arith.select %gt3A_2881, %select_n3A_2835, %select_n3A_2880 : vector<16xi1>, vector<16xi32>
      %mul3A_2886 = arith.constant 64 : i32
      %mul3A_2887 = vector.broadcast %mul3A_2886 : i32 to vector<16xi32>
      %mul3A_2888 = arith.muli %iota3A, %mul3A_2887 : vector<16xi32>
      %add3A_2889 = arith.constant 58 : i32
      %add3A_2890 = vector.broadcast %add3A_2889 : i32 to vector<16xi32>
      %add3A_2891 = arith.addi %mul3A_2888, %add3A_2890 : vector<16xi32>
      %gather3A_2892 = tpu.vector_load_idx %arg5[%add3A_2891] : memref<1024xf32, #tpu.memory_space<vmem>>[vector<16xi32>], vector<16xf32>,
      %broadcast_in_dim3A_2893 = arith.constant 58 : i32
      %broadcast_in_dim3A_2894 = vector.broadcast %broadcast_in_dim3A_2893 : i32 to vector<16xi32>
      %gt3A_2895 = arith.cmpf ogt, %gather3A_2892, %select_n3A_2847 : vector<16xf32>
      %select_n3A_2896 = arith.select %gt3A_2895, %gather3A_2892, %select_n3A_2847 : vector<16xi1>, vector<16xf32>
      %select_n3A_2897 = arith.select %gt3A_2895, %select_n3A_2847, %gather3A_2892 : vector<16xi1>, vector<16xf32>
      %select_n3A_2898 = arith.select %gt3A_2895, %broadcast_in_dim3A_2894, %select_n3A_2849 : vector<16xi1>, vector<16xi32>
      %select_n3A_2899 = arith.select %gt3A_2895, %select_n3A_2849, %broadcast_in_dim3A_2894 : vector<16xi1>, vector<16xi32>
      %gt3A_2900 = arith.cmpf ogt, %select_n3A_2897, %select_n3A_2852 : vector<16xf32>
      %select_n3A_2901 = arith.select %gt3A_2900, %select_n3A_2897, %select_n3A_2852 : vector<16xi1>, vector<16xf32>
      %select_n3A_2902 = arith.select %gt3A_2900, %select_n3A_2852, %select_n3A_2897 : vector<16xi1>, vector<16xf32>
      %select_n3A_2903 = arith.select %gt3A_2900, %select_n3A_2899, %select_n3A_2854 : vector<16xi1>, vector<16xi32>
      %select_n3A_2904 = arith.select %gt3A_2900, %select_n3A_2854, %select_n3A_2899 : vector<16xi1>, vector<16xi32>
      %gt3A_2905 = arith.cmpf ogt, %select_n3A_2902, %select_n3A_2857 : vector<16xf32>
      %select_n3A_2906 = arith.select %gt3A_2905, %select_n3A_2902, %select_n3A_2857 : vector<16xi1>, vector<16xf32>
      %select_n3A_2907 = arith.select %gt3A_2905, %select_n3A_2857, %select_n3A_2902 : vector<16xi1>, vector<16xf32>
      %select_n3A_2908 = arith.select %gt3A_2905, %select_n3A_2904, %select_n3A_2859 : vector<16xi1>, vector<16xi32>
      %select_n3A_2909 = arith.select %gt3A_2905, %select_n3A_2859, %select_n3A_2904 : vector<16xi1>, vector<16xi32>
      %gt3A_2910 = arith.cmpf ogt, %select_n3A_2907, %select_n3A_2862 : vector<16xf32>
      %select_n3A_2911 = arith.select %gt3A_2910, %select_n3A_2907, %select_n3A_2862 : vector<16xi1>, vector<16xf32>
      %select_n3A_2912 = arith.select %gt3A_2910, %select_n3A_2862, %select_n3A_2907 : vector<16xi1>, vector<16xf32>
      %select_n3A_2913 = arith.select %gt3A_2910, %select_n3A_2909, %select_n3A_2864 : vector<16xi1>, vector<16xi32>
      %select_n3A_2914 = arith.select %gt3A_2910, %select_n3A_2864, %select_n3A_2909 : vector<16xi1>, vector<16xi32>
      %gt3A_2915 = arith.cmpf ogt, %select_n3A_2912, %select_n3A_2867 : vector<16xf32>
      %select_n3A_2916 = arith.select %gt3A_2915, %select_n3A_2912, %select_n3A_2867 : vector<16xi1>, vector<16xf32>
      %select_n3A_2917 = arith.select %gt3A_2915, %select_n3A_2867, %select_n3A_2912 : vector<16xi1>, vector<16xf32>
      %select_n3A_2918 = arith.select %gt3A_2915, %select_n3A_2914, %select_n3A_2869 : vector<16xi1>, vector<16xi32>
      %select_n3A_2919 = arith.select %gt3A_2915, %select_n3A_2869, %select_n3A_2914 : vector<16xi1>, vector<16xi32>
      %gt3A_2920 = arith.cmpf ogt, %select_n3A_2917, %select_n3A_2872 : vector<16xf32>
      %select_n3A_2921 = arith.select %gt3A_2920, %select_n3A_2917, %select_n3A_2872 : vector<16xi1>, vector<16xf32>
      %select_n3A_2922 = arith.select %gt3A_2920, %select_n3A_2872, %select_n3A_2917 : vector<16xi1>, vector<16xf32>
      %select_n3A_2923 = arith.select %gt3A_2920, %select_n3A_2919, %select_n3A_2874 : vector<16xi1>, vector<16xi32>
      %select_n3A_2924 = arith.select %gt3A_2920, %select_n3A_2874, %select_n3A_2919 : vector<16xi1>, vector<16xi32>
      %gt3A_2925 = arith.cmpf ogt, %select_n3A_2922, %select_n3A_2877 : vector<16xf32>
      %select_n3A_2926 = arith.select %gt3A_2925, %select_n3A_2922, %select_n3A_2877 : vector<16xi1>, vector<16xf32>
      %select_n3A_2927 = arith.select %gt3A_2925, %select_n3A_2877, %select_n3A_2922 : vector<16xi1>, vector<16xf32>
      %select_n3A_2928 = arith.select %gt3A_2925, %select_n3A_2924, %select_n3A_2879 : vector<16xi1>, vector<16xi32>
      %select_n3A_2929 = arith.select %gt3A_2925, %select_n3A_2879, %select_n3A_2924 : vector<16xi1>, vector<16xi32>
      %gt3A_2930 = arith.cmpf ogt, %select_n3A_2927, %select_n3A_2882 : vector<16xf32>
      %select_n3A_2931 = arith.select %gt3A_2930, %select_n3A_2927, %select_n3A_2882 : vector<16xi1>, vector<16xf32>
      %select_n3A_2932 = arith.select %gt3A_2930, %select_n3A_2882, %select_n3A_2927 : vector<16xi1>, vector<16xf32>
      %select_n3A_2933 = arith.select %gt3A_2930, %select_n3A_2929, %select_n3A_2884 : vector<16xi1>, vector<16xi32>
      %select_n3A_2934 = arith.select %gt3A_2930, %select_n3A_2884, %select_n3A_2929 : vector<16xi1>, vector<16xi32>
      %mul3A_2935 = arith.constant 64 : i32
      %mul3A_2936 = vector.broadcast %mul3A_2935 : i32 to vector<16xi32>
      %mul3A_2937 = arith.muli %iota3A, %mul3A_2936 : vector<16xi32>
      %add3A_2938 = arith.constant 59 : i32
      %add3A_2939 = vector.broadcast %add3A_2938 : i32 to vector<16xi32>
      %add3A_2940 = arith.addi %mul3A_2937, %add3A_2939 : vector<16xi32>
      %gather3A_2941 = tpu.vector_load_idx %arg5[%add3A_2940] : memref<1024xf32, #tpu.memory_space<vmem>>[vector<16xi32>], vector<16xf32>,
      %broadcast_in_dim3A_2942 = arith.constant 59 : i32
      %broadcast_in_dim3A_2943 = vector.broadcast %broadcast_in_dim3A_2942 : i32 to vector<16xi32>
      %gt3A_2944 = arith.cmpf ogt, %gather3A_2941, %select_n3A_2896 : vector<16xf32>
      %select_n3A_2945 = arith.select %gt3A_2944, %gather3A_2941, %select_n3A_2896 : vector<16xi1>, vector<16xf32>
      %select_n3A_2946 = arith.select %gt3A_2944, %select_n3A_2896, %gather3A_2941 : vector<16xi1>, vector<16xf32>
      %select_n3A_2947 = arith.select %gt3A_2944, %broadcast_in_dim3A_2943, %select_n3A_2898 : vector<16xi1>, vector<16xi32>
      %select_n3A_2948 = arith.select %gt3A_2944, %select_n3A_2898, %broadcast_in_dim3A_2943 : vector<16xi1>, vector<16xi32>
      %gt3A_2949 = arith.cmpf ogt, %select_n3A_2946, %select_n3A_2901 : vector<16xf32>
      %select_n3A_2950 = arith.select %gt3A_2949, %select_n3A_2946, %select_n3A_2901 : vector<16xi1>, vector<16xf32>
      %select_n3A_2951 = arith.select %gt3A_2949, %select_n3A_2901, %select_n3A_2946 : vector<16xi1>, vector<16xf32>
      %select_n3A_2952 = arith.select %gt3A_2949, %select_n3A_2948, %select_n3A_2903 : vector<16xi1>, vector<16xi32>
      %select_n3A_2953 = arith.select %gt3A_2949, %select_n3A_2903, %select_n3A_2948 : vector<16xi1>, vector<16xi32>
      %gt3A_2954 = arith.cmpf ogt, %select_n3A_2951, %select_n3A_2906 : vector<16xf32>
      %select_n3A_2955 = arith.select %gt3A_2954, %select_n3A_2951, %select_n3A_2906 : vector<16xi1>, vector<16xf32>
      %select_n3A_2956 = arith.select %gt3A_2954, %select_n3A_2906, %select_n3A_2951 : vector<16xi1>, vector<16xf32>
      %select_n3A_2957 = arith.select %gt3A_2954, %select_n3A_2953, %select_n3A_2908 : vector<16xi1>, vector<16xi32>
      %select_n3A_2958 = arith.select %gt3A_2954, %select_n3A_2908, %select_n3A_2953 : vector<16xi1>, vector<16xi32>
      %gt3A_2959 = arith.cmpf ogt, %select_n3A_2956, %select_n3A_2911 : vector<16xf32>
      %select_n3A_2960 = arith.select %gt3A_2959, %select_n3A_2956, %select_n3A_2911 : vector<16xi1>, vector<16xf32>
      %select_n3A_2961 = arith.select %gt3A_2959, %select_n3A_2911, %select_n3A_2956 : vector<16xi1>, vector<16xf32>
      %select_n3A_2962 = arith.select %gt3A_2959, %select_n3A_2958, %select_n3A_2913 : vector<16xi1>, vector<16xi32>
      %select_n3A_2963 = arith.select %gt3A_2959, %select_n3A_2913, %select_n3A_2958 : vector<16xi1>, vector<16xi32>
      %gt3A_2964 = arith.cmpf ogt, %select_n3A_2961, %select_n3A_2916 : vector<16xf32>
      %select_n3A_2965 = arith.select %gt3A_2964, %select_n3A_2961, %select_n3A_2916 : vector<16xi1>, vector<16xf32>
      %select_n3A_2966 = arith.select %gt3A_2964, %select_n3A_2916, %select_n3A_2961 : vector<16xi1>, vector<16xf32>
      %select_n3A_2967 = arith.select %gt3A_2964, %select_n3A_2963, %select_n3A_2918 : vector<16xi1>, vector<16xi32>
      %select_n3A_2968 = arith.select %gt3A_2964, %select_n3A_2918, %select_n3A_2963 : vector<16xi1>, vector<16xi32>
      %gt3A_2969 = arith.cmpf ogt, %select_n3A_2966, %select_n3A_2921 : vector<16xf32>
      %select_n3A_2970 = arith.select %gt3A_2969, %select_n3A_2966, %select_n3A_2921 : vector<16xi1>, vector<16xf32>
      %select_n3A_2971 = arith.select %gt3A_2969, %select_n3A_2921, %select_n3A_2966 : vector<16xi1>, vector<16xf32>
      %select_n3A_2972 = arith.select %gt3A_2969, %select_n3A_2968, %select_n3A_2923 : vector<16xi1>, vector<16xi32>
      %select_n3A_2973 = arith.select %gt3A_2969, %select_n3A_2923, %select_n3A_2968 : vector<16xi1>, vector<16xi32>
      %gt3A_2974 = arith.cmpf ogt, %select_n3A_2971, %select_n3A_2926 : vector<16xf32>
      %select_n3A_2975 = arith.select %gt3A_2974, %select_n3A_2971, %select_n3A_2926 : vector<16xi1>, vector<16xf32>
      %select_n3A_2976 = arith.select %gt3A_2974, %select_n3A_2926, %select_n3A_2971 : vector<16xi1>, vector<16xf32>
      %select_n3A_2977 = arith.select %gt3A_2974, %select_n3A_2973, %select_n3A_2928 : vector<16xi1>, vector<16xi32>
      %select_n3A_2978 = arith.select %gt3A_2974, %select_n3A_2928, %select_n3A_2973 : vector<16xi1>, vector<16xi32>
      %gt3A_2979 = arith.cmpf ogt, %select_n3A_2976, %select_n3A_2931 : vector<16xf32>
      %select_n3A_2980 = arith.select %gt3A_2979, %select_n3A_2976, %select_n3A_2931 : vector<16xi1>, vector<16xf32>
      %select_n3A_2981 = arith.select %gt3A_2979, %select_n3A_2931, %select_n3A_2976 : vector<16xi1>, vector<16xf32>
      %select_n3A_2982 = arith.select %gt3A_2979, %select_n3A_2978, %select_n3A_2933 : vector<16xi1>, vector<16xi32>
      %select_n3A_2983 = arith.select %gt3A_2979, %select_n3A_2933, %select_n3A_2978 : vector<16xi1>, vector<16xi32>
      %mul3A_2984 = arith.constant 64 : i32
      %mul3A_2985 = vector.broadcast %mul3A_2984 : i32 to vector<16xi32>
      %mul3A_2986 = arith.muli %iota3A, %mul3A_2985 : vector<16xi32>
      %add3A_2987 = arith.constant 60 : i32
      %add3A_2988 = vector.broadcast %add3A_2987 : i32 to vector<16xi32>
      %add3A_2989 = arith.addi %mul3A_2986, %add3A_2988 : vector<16xi32>
      %gather3A_2990 = tpu.vector_load_idx %arg5[%add3A_2989] : memref<1024xf32, #tpu.memory_space<vmem>>[vector<16xi32>], vector<16xf32>,
      %broadcast_in_dim3A_2991 = arith.constant 60 : i32
      %broadcast_in_dim3A_2992 = vector.broadcast %broadcast_in_dim3A_2991 : i32 to vector<16xi32>
      %gt3A_2993 = arith.cmpf ogt, %gather3A_2990, %select_n3A_2945 : vector<16xf32>
      %select_n3A_2994 = arith.select %gt3A_2993, %gather3A_2990, %select_n3A_2945 : vector<16xi1>, vector<16xf32>
      %select_n3A_2995 = arith.select %gt3A_2993, %select_n3A_2945, %gather3A_2990 : vector<16xi1>, vector<16xf32>
      %select_n3A_2996 = arith.select %gt3A_2993, %broadcast_in_dim3A_2992, %select_n3A_2947 : vector<16xi1>, vector<16xi32>
      %select_n3A_2997 = arith.select %gt3A_2993, %select_n3A_2947, %broadcast_in_dim3A_2992 : vector<16xi1>, vector<16xi32>
      %gt3A_2998 = arith.cmpf ogt, %select_n3A_2995, %select_n3A_2950 : vector<16xf32>
      %select_n3A_2999 = arith.select %gt3A_2998, %select_n3A_2995, %select_n3A_2950 : vector<16xi1>, vector<16xf32>
      %select_n3A_3000 = arith.select %gt3A_2998, %select_n3A_2950, %select_n3A_2995 : vector<16xi1>, vector<16xf32>
      %select_n3A_3001 = arith.select %gt3A_2998, %select_n3A_2997, %select_n3A_2952 : vector<16xi1>, vector<16xi32>
      %select_n3A_3002 = arith.select %gt3A_2998, %select_n3A_2952, %select_n3A_2997 : vector<16xi1>, vector<16xi32>
      %gt3A_3003 = arith.cmpf ogt, %select_n3A_3000, %select_n3A_2955 : vector<16xf32>
      %select_n3A_3004 = arith.select %gt3A_3003, %select_n3A_3000, %select_n3A_2955 : vector<16xi1>, vector<16xf32>
      %select_n3A_3005 = arith.select %gt3A_3003, %select_n3A_2955, %select_n3A_3000 : vector<16xi1>, vector<16xf32>
      %select_n3A_3006 = arith.select %gt3A_3003, %select_n3A_3002, %select_n3A_2957 : vector<16xi1>, vector<16xi32>
      %select_n3A_3007 = arith.select %gt3A_3003, %select_n3A_2957, %select_n3A_3002 : vector<16xi1>, vector<16xi32>
      %gt3A_3008 = arith.cmpf ogt, %select_n3A_3005, %select_n3A_2960 : vector<16xf32>
      %select_n3A_3009 = arith.select %gt3A_3008, %select_n3A_3005, %select_n3A_2960 : vector<16xi1>, vector<16xf32>
      %select_n3A_3010 = arith.select %gt3A_3008, %select_n3A_2960, %select_n3A_3005 : vector<16xi1>, vector<16xf32>
      %select_n3A_3011 = arith.select %gt3A_3008, %select_n3A_3007, %select_n3A_2962 : vector<16xi1>, vector<16xi32>
      %select_n3A_3012 = arith.select %gt3A_3008, %select_n3A_2962, %select_n3A_3007 : vector<16xi1>, vector<16xi32>
      %gt3A_3013 = arith.cmpf ogt, %select_n3A_3010, %select_n3A_2965 : vector<16xf32>
      %select_n3A_3014 = arith.select %gt3A_3013, %select_n3A_3010, %select_n3A_2965 : vector<16xi1>, vector<16xf32>
      %select_n3A_3015 = arith.select %gt3A_3013, %select_n3A_2965, %select_n3A_3010 : vector<16xi1>, vector<16xf32>
      %select_n3A_3016 = arith.select %gt3A_3013, %select_n3A_3012, %select_n3A_2967 : vector<16xi1>, vector<16xi32>
      %select_n3A_3017 = arith.select %gt3A_3013, %select_n3A_2967, %select_n3A_3012 : vector<16xi1>, vector<16xi32>
      %gt3A_3018 = arith.cmpf ogt, %select_n3A_3015, %select_n3A_2970 : vector<16xf32>
      %select_n3A_3019 = arith.select %gt3A_3018, %select_n3A_3015, %select_n3A_2970 : vector<16xi1>, vector<16xf32>
      %select_n3A_3020 = arith.select %gt3A_3018, %select_n3A_2970, %select_n3A_3015 : vector<16xi1>, vector<16xf32>
      %select_n3A_3021 = arith.select %gt3A_3018, %select_n3A_3017, %select_n3A_2972 : vector<16xi1>, vector<16xi32>
      %select_n3A_3022 = arith.select %gt3A_3018, %select_n3A_2972, %select_n3A_3017 : vector<16xi1>, vector<16xi32>
      %gt3A_3023 = arith.cmpf ogt, %select_n3A_3020, %select_n3A_2975 : vector<16xf32>
      %select_n3A_3024 = arith.select %gt3A_3023, %select_n3A_3020, %select_n3A_2975 : vector<16xi1>, vector<16xf32>
      %select_n3A_3025 = arith.select %gt3A_3023, %select_n3A_2975, %select_n3A_3020 : vector<16xi1>, vector<16xf32>
      %select_n3A_3026 = arith.select %gt3A_3023, %select_n3A_3022, %select_n3A_2977 : vector<16xi1>, vector<16xi32>
      %select_n3A_3027 = arith.select %gt3A_3023, %select_n3A_2977, %select_n3A_3022 : vector<16xi1>, vector<16xi32>
      %gt3A_3028 = arith.cmpf ogt, %select_n3A_3025, %select_n3A_2980 : vector<16xf32>
      %select_n3A_3029 = arith.select %gt3A_3028, %select_n3A_3025, %select_n3A_2980 : vector<16xi1>, vector<16xf32>
      %select_n3A_3030 = arith.select %gt3A_3028, %select_n3A_2980, %select_n3A_3025 : vector<16xi1>, vector<16xf32>
      %select_n3A_3031 = arith.select %gt3A_3028, %select_n3A_3027, %select_n3A_2982 : vector<16xi1>, vector<16xi32>
      %select_n3A_3032 = arith.select %gt3A_3028, %select_n3A_2982, %select_n3A_3027 : vector<16xi1>, vector<16xi32>
      %mul3A_3033 = arith.constant 64 : i32
      %mul3A_3034 = vector.broadcast %mul3A_3033 : i32 to vector<16xi32>
      %mul3A_3035 = arith.muli %iota3A, %mul3A_3034 : vector<16xi32>
      %add3A_3036 = arith.constant 61 : i32
      %add3A_3037 = vector.broadcast %add3A_3036 : i32 to vector<16xi32>
      %add3A_3038 = arith.addi %mul3A_3035, %add3A_3037 : vector<16xi32>
      %gather3A_3039 = tpu.vector_load_idx %arg5[%add3A_3038] : memref<1024xf32, #tpu.memory_space<vmem>>[vector<16xi32>], vector<16xf32>,
      %broadcast_in_dim3A_3040 = arith.constant 61 : i32
      %broadcast_in_dim3A_3041 = vector.broadcast %broadcast_in_dim3A_3040 : i32 to vector<16xi32>
      %gt3A_3042 = arith.cmpf ogt, %gather3A_3039, %select_n3A_2994 : vector<16xf32>
      %select_n3A_3043 = arith.select %gt3A_3042, %gather3A_3039, %select_n3A_2994 : vector<16xi1>, vector<16xf32>
      %select_n3A_3044 = arith.select %gt3A_3042, %select_n3A_2994, %gather3A_3039 : vector<16xi1>, vector<16xf32>
      %select_n3A_3045 = arith.select %gt3A_3042, %broadcast_in_dim3A_3041, %select_n3A_2996 : vector<16xi1>, vector<16xi32>
      %select_n3A_3046 = arith.select %gt3A_3042, %select_n3A_2996, %broadcast_in_dim3A_3041 : vector<16xi1>, vector<16xi32>
      %gt3A_3047 = arith.cmpf ogt, %select_n3A_3044, %select_n3A_2999 : vector<16xf32>
      %select_n3A_3048 = arith.select %gt3A_3047, %select_n3A_3044, %select_n3A_2999 : vector<16xi1>, vector<16xf32>
      %select_n3A_3049 = arith.select %gt3A_3047, %select_n3A_2999, %select_n3A_3044 : vector<16xi1>, vector<16xf32>
      %select_n3A_3050 = arith.select %gt3A_3047, %select_n3A_3046, %select_n3A_3001 : vector<16xi1>, vector<16xi32>
      %select_n3A_3051 = arith.select %gt3A_3047, %select_n3A_3001, %select_n3A_3046 : vector<16xi1>, vector<16xi32>
      %gt3A_3052 = arith.cmpf ogt, %select_n3A_3049, %select_n3A_3004 : vector<16xf32>
      %select_n3A_3053 = arith.select %gt3A_3052, %select_n3A_3049, %select_n3A_3004 : vector<16xi1>, vector<16xf32>
      %select_n3A_3054 = arith.select %gt3A_3052, %select_n3A_3004, %select_n3A_3049 : vector<16xi1>, vector<16xf32>
      %select_n3A_3055 = arith.select %gt3A_3052, %select_n3A_3051, %select_n3A_3006 : vector<16xi1>, vector<16xi32>
      %select_n3A_3056 = arith.select %gt3A_3052, %select_n3A_3006, %select_n3A_3051 : vector<16xi1>, vector<16xi32>
      %gt3A_3057 = arith.cmpf ogt, %select_n3A_3054, %select_n3A_3009 : vector<16xf32>
      %select_n3A_3058 = arith.select %gt3A_3057, %select_n3A_3054, %select_n3A_3009 : vector<16xi1>, vector<16xf32>
      %select_n3A_3059 = arith.select %gt3A_3057, %select_n3A_3009, %select_n3A_3054 : vector<16xi1>, vector<16xf32>
      %select_n3A_3060 = arith.select %gt3A_3057, %select_n3A_3056, %select_n3A_3011 : vector<16xi1>, vector<16xi32>
      %select_n3A_3061 = arith.select %gt3A_3057, %select_n3A_3011, %select_n3A_3056 : vector<16xi1>, vector<16xi32>
      %gt3A_3062 = arith.cmpf ogt, %select_n3A_3059, %select_n3A_3014 : vector<16xf32>
      %select_n3A_3063 = arith.select %gt3A_3062, %select_n3A_3059, %select_n3A_3014 : vector<16xi1>, vector<16xf32>
      %select_n3A_3064 = arith.select %gt3A_3062, %select_n3A_3014, %select_n3A_3059 : vector<16xi1>, vector<16xf32>
      %select_n3A_3065 = arith.select %gt3A_3062, %select_n3A_3061, %select_n3A_3016 : vector<16xi1>, vector<16xi32>
      %select_n3A_3066 = arith.select %gt3A_3062, %select_n3A_3016, %select_n3A_3061 : vector<16xi1>, vector<16xi32>
      %gt3A_3067 = arith.cmpf ogt, %select_n3A_3064, %select_n3A_3019 : vector<16xf32>
      %select_n3A_3068 = arith.select %gt3A_3067, %select_n3A_3064, %select_n3A_3019 : vector<16xi1>, vector<16xf32>
      %select_n3A_3069 = arith.select %gt3A_3067, %select_n3A_3019, %select_n3A_3064 : vector<16xi1>, vector<16xf32>
      %select_n3A_3070 = arith.select %gt3A_3067, %select_n3A_3066, %select_n3A_3021 : vector<16xi1>, vector<16xi32>
      %select_n3A_3071 = arith.select %gt3A_3067, %select_n3A_3021, %select_n3A_3066 : vector<16xi1>, vector<16xi32>
      %gt3A_3072 = arith.cmpf ogt, %select_n3A_3069, %select_n3A_3024 : vector<16xf32>
      %select_n3A_3073 = arith.select %gt3A_3072, %select_n3A_3069, %select_n3A_3024 : vector<16xi1>, vector<16xf32>
      %select_n3A_3074 = arith.select %gt3A_3072, %select_n3A_3024, %select_n3A_3069 : vector<16xi1>, vector<16xf32>
      %select_n3A_3075 = arith.select %gt3A_3072, %select_n3A_3071, %select_n3A_3026 : vector<16xi1>, vector<16xi32>
      %select_n3A_3076 = arith.select %gt3A_3072, %select_n3A_3026, %select_n3A_3071 : vector<16xi1>, vector<16xi32>
      %gt3A_3077 = arith.cmpf ogt, %select_n3A_3074, %select_n3A_3029 : vector<16xf32>
      %select_n3A_3078 = arith.select %gt3A_3077, %select_n3A_3074, %select_n3A_3029 : vector<16xi1>, vector<16xf32>
      %select_n3A_3079 = arith.select %gt3A_3077, %select_n3A_3029, %select_n3A_3074 : vector<16xi1>, vector<16xf32>
      %select_n3A_3080 = arith.select %gt3A_3077, %select_n3A_3076, %select_n3A_3031 : vector<16xi1>, vector<16xi32>
      %select_n3A_3081 = arith.select %gt3A_3077, %select_n3A_3031, %select_n3A_3076 : vector<16xi1>, vector<16xi32>
      %mul3A_3082 = arith.constant 64 : i32
      %mul3A_3083 = vector.broadcast %mul3A_3082 : i32 to vector<16xi32>
      %mul3A_3084 = arith.muli %iota3A, %mul3A_3083 : vector<16xi32>
      %add3A_3085 = arith.constant 62 : i32
      %add3A_3086 = vector.broadcast %add3A_3085 : i32 to vector<16xi32>
      %add3A_3087 = arith.addi %mul3A_3084, %add3A_3086 : vector<16xi32>
      %gather3A_3088 = tpu.vector_load_idx %arg5[%add3A_3087] : memref<1024xf32, #tpu.memory_space<vmem>>[vector<16xi32>], vector<16xf32>,
      %broadcast_in_dim3A_3089 = arith.constant 62 : i32
      %broadcast_in_dim3A_3090 = vector.broadcast %broadcast_in_dim3A_3089 : i32 to vector<16xi32>
      %gt3A_3091 = arith.cmpf ogt, %gather3A_3088, %select_n3A_3043 : vector<16xf32>
      %select_n3A_3092 = arith.select %gt3A_3091, %gather3A_3088, %select_n3A_3043 : vector<16xi1>, vector<16xf32>
      %select_n3A_3093 = arith.select %gt3A_3091, %select_n3A_3043, %gather3A_3088 : vector<16xi1>, vector<16xf32>
      %select_n3A_3094 = arith.select %gt3A_3091, %broadcast_in_dim3A_3090, %select_n3A_3045 : vector<16xi1>, vector<16xi32>
      %select_n3A_3095 = arith.select %gt3A_3091, %select_n3A_3045, %broadcast_in_dim3A_3090 : vector<16xi1>, vector<16xi32>
      %gt3A_3096 = arith.cmpf ogt, %select_n3A_3093, %select_n3A_3048 : vector<16xf32>
      %select_n3A_3097 = arith.select %gt3A_3096, %select_n3A_3093, %select_n3A_3048 : vector<16xi1>, vector<16xf32>
      %select_n3A_3098 = arith.select %gt3A_3096, %select_n3A_3048, %select_n3A_3093 : vector<16xi1>, vector<16xf32>
      %select_n3A_3099 = arith.select %gt3A_3096, %select_n3A_3095, %select_n3A_3050 : vector<16xi1>, vector<16xi32>
      %select_n3A_3100 = arith.select %gt3A_3096, %select_n3A_3050, %select_n3A_3095 : vector<16xi1>, vector<16xi32>
      %gt3A_3101 = arith.cmpf ogt, %select_n3A_3098, %select_n3A_3053 : vector<16xf32>
      %select_n3A_3102 = arith.select %gt3A_3101, %select_n3A_3098, %select_n3A_3053 : vector<16xi1>, vector<16xf32>
      %select_n3A_3103 = arith.select %gt3A_3101, %select_n3A_3053, %select_n3A_3098 : vector<16xi1>, vector<16xf32>
      %select_n3A_3104 = arith.select %gt3A_3101, %select_n3A_3100, %select_n3A_3055 : vector<16xi1>, vector<16xi32>
      %select_n3A_3105 = arith.select %gt3A_3101, %select_n3A_3055, %select_n3A_3100 : vector<16xi1>, vector<16xi32>
      %gt3A_3106 = arith.cmpf ogt, %select_n3A_3103, %select_n3A_3058 : vector<16xf32>
      %select_n3A_3107 = arith.select %gt3A_3106, %select_n3A_3103, %select_n3A_3058 : vector<16xi1>, vector<16xf32>
      %select_n3A_3108 = arith.select %gt3A_3106, %select_n3A_3058, %select_n3A_3103 : vector<16xi1>, vector<16xf32>
      %select_n3A_3109 = arith.select %gt3A_3106, %select_n3A_3105, %select_n3A_3060 : vector<16xi1>, vector<16xi32>
      %select_n3A_3110 = arith.select %gt3A_3106, %select_n3A_3060, %select_n3A_3105 : vector<16xi1>, vector<16xi32>
      %gt3A_3111 = arith.cmpf ogt, %select_n3A_3108, %select_n3A_3063 : vector<16xf32>
      %select_n3A_3112 = arith.select %gt3A_3111, %select_n3A_3108, %select_n3A_3063 : vector<16xi1>, vector<16xf32>
      %select_n3A_3113 = arith.select %gt3A_3111, %select_n3A_3063, %select_n3A_3108 : vector<16xi1>, vector<16xf32>
      %select_n3A_3114 = arith.select %gt3A_3111, %select_n3A_3110, %select_n3A_3065 : vector<16xi1>, vector<16xi32>
      %select_n3A_3115 = arith.select %gt3A_3111, %select_n3A_3065, %select_n3A_3110 : vector<16xi1>, vector<16xi32>
      %gt3A_3116 = arith.cmpf ogt, %select_n3A_3113, %select_n3A_3068 : vector<16xf32>
      %select_n3A_3117 = arith.select %gt3A_3116, %select_n3A_3113, %select_n3A_3068 : vector<16xi1>, vector<16xf32>
      %select_n3A_3118 = arith.select %gt3A_3116, %select_n3A_3068, %select_n3A_3113 : vector<16xi1>, vector<16xf32>
      %select_n3A_3119 = arith.select %gt3A_3116, %select_n3A_3115, %select_n3A_3070 : vector<16xi1>, vector<16xi32>
      %select_n3A_3120 = arith.select %gt3A_3116, %select_n3A_3070, %select_n3A_3115 : vector<16xi1>, vector<16xi32>
      %gt3A_3121 = arith.cmpf ogt, %select_n3A_3118, %select_n3A_3073 : vector<16xf32>
      %select_n3A_3122 = arith.select %gt3A_3121, %select_n3A_3118, %select_n3A_3073 : vector<16xi1>, vector<16xf32>
      %select_n3A_3123 = arith.select %gt3A_3121, %select_n3A_3073, %select_n3A_3118 : vector<16xi1>, vector<16xf32>
      %select_n3A_3124 = arith.select %gt3A_3121, %select_n3A_3120, %select_n3A_3075 : vector<16xi1>, vector<16xi32>
      %select_n3A_3125 = arith.select %gt3A_3121, %select_n3A_3075, %select_n3A_3120 : vector<16xi1>, vector<16xi32>
      %gt3A_3126 = arith.cmpf ogt, %select_n3A_3123, %select_n3A_3078 : vector<16xf32>
      %select_n3A_3127 = arith.select %gt3A_3126, %select_n3A_3123, %select_n3A_3078 : vector<16xi1>, vector<16xf32>
      %select_n3A_3128 = arith.select %gt3A_3126, %select_n3A_3078, %select_n3A_3123 : vector<16xi1>, vector<16xf32>
      %select_n3A_3129 = arith.select %gt3A_3126, %select_n3A_3125, %select_n3A_3080 : vector<16xi1>, vector<16xi32>
      %select_n3A_3130 = arith.select %gt3A_3126, %select_n3A_3080, %select_n3A_3125 : vector<16xi1>, vector<16xi32>
      %mul3A_3131 = arith.constant 64 : i32
      %mul3A_3132 = vector.broadcast %mul3A_3131 : i32 to vector<16xi32>
      %mul3A_3133 = arith.muli %iota3A, %mul3A_3132 : vector<16xi32>
      %add3A_3134 = arith.constant 63 : i32
      %add3A_3135 = vector.broadcast %add3A_3134 : i32 to vector<16xi32>
      %add3A_3136 = arith.addi %mul3A_3133, %add3A_3135 : vector<16xi32>
      %gather3A_3137 = tpu.vector_load_idx %arg5[%add3A_3136] : memref<1024xf32, #tpu.memory_space<vmem>>[vector<16xi32>], vector<16xf32>,
      %broadcast_in_dim3A_3138 = arith.constant 63 : i32
      %broadcast_in_dim3A_3139 = vector.broadcast %broadcast_in_dim3A_3138 : i32 to vector<16xi32>
      %gt3A_3140 = arith.cmpf ogt, %gather3A_3137, %select_n3A_3092 : vector<16xf32>
      %select_n3A_3141 = arith.select %gt3A_3140, %gather3A_3137, %select_n3A_3092 : vector<16xi1>, vector<16xf32>
      %select_n3A_3142 = arith.select %gt3A_3140, %select_n3A_3092, %gather3A_3137 : vector<16xi1>, vector<16xf32>
      %select_n3A_3143 = arith.select %gt3A_3140, %broadcast_in_dim3A_3139, %select_n3A_3094 : vector<16xi1>, vector<16xi32>
      %select_n3A_3144 = arith.select %gt3A_3140, %select_n3A_3094, %broadcast_in_dim3A_3139 : vector<16xi1>, vector<16xi32>
      %gt3A_3145 = arith.cmpf ogt, %select_n3A_3142, %select_n3A_3097 : vector<16xf32>
      %select_n3A_3146 = arith.select %gt3A_3145, %select_n3A_3142, %select_n3A_3097 : vector<16xi1>, vector<16xf32>
      %select_n3A_3147 = arith.select %gt3A_3145, %select_n3A_3097, %select_n3A_3142 : vector<16xi1>, vector<16xf32>
      %select_n3A_3148 = arith.select %gt3A_3145, %select_n3A_3144, %select_n3A_3099 : vector<16xi1>, vector<16xi32>
      %select_n3A_3149 = arith.select %gt3A_3145, %select_n3A_3099, %select_n3A_3144 : vector<16xi1>, vector<16xi32>
      %gt3A_3150 = arith.cmpf ogt, %select_n3A_3147, %select_n3A_3102 : vector<16xf32>
      %select_n3A_3151 = arith.select %gt3A_3150, %select_n3A_3147, %select_n3A_3102 : vector<16xi1>, vector<16xf32>
      %select_n3A_3152 = arith.select %gt3A_3150, %select_n3A_3102, %select_n3A_3147 : vector<16xi1>, vector<16xf32>
      %select_n3A_3153 = arith.select %gt3A_3150, %select_n3A_3149, %select_n3A_3104 : vector<16xi1>, vector<16xi32>
      %select_n3A_3154 = arith.select %gt3A_3150, %select_n3A_3104, %select_n3A_3149 : vector<16xi1>, vector<16xi32>
      %gt3A_3155 = arith.cmpf ogt, %select_n3A_3152, %select_n3A_3107 : vector<16xf32>
      %select_n3A_3156 = arith.select %gt3A_3155, %select_n3A_3152, %select_n3A_3107 : vector<16xi1>, vector<16xf32>
      %select_n3A_3157 = arith.select %gt3A_3155, %select_n3A_3107, %select_n3A_3152 : vector<16xi1>, vector<16xf32>
      %select_n3A_3158 = arith.select %gt3A_3155, %select_n3A_3154, %select_n3A_3109 : vector<16xi1>, vector<16xi32>
      %select_n3A_3159 = arith.select %gt3A_3155, %select_n3A_3109, %select_n3A_3154 : vector<16xi1>, vector<16xi32>
      %gt3A_3160 = arith.cmpf ogt, %select_n3A_3157, %select_n3A_3112 : vector<16xf32>
      %select_n3A_3161 = arith.select %gt3A_3160, %select_n3A_3157, %select_n3A_3112 : vector<16xi1>, vector<16xf32>
      %select_n3A_3162 = arith.select %gt3A_3160, %select_n3A_3112, %select_n3A_3157 : vector<16xi1>, vector<16xf32>
      %select_n3A_3163 = arith.select %gt3A_3160, %select_n3A_3159, %select_n3A_3114 : vector<16xi1>, vector<16xi32>
      %select_n3A_3164 = arith.select %gt3A_3160, %select_n3A_3114, %select_n3A_3159 : vector<16xi1>, vector<16xi32>
      %gt3A_3165 = arith.cmpf ogt, %select_n3A_3162, %select_n3A_3117 : vector<16xf32>
      %select_n3A_3166 = arith.select %gt3A_3165, %select_n3A_3162, %select_n3A_3117 : vector<16xi1>, vector<16xf32>
      %select_n3A_3167 = arith.select %gt3A_3165, %select_n3A_3117, %select_n3A_3162 : vector<16xi1>, vector<16xf32>
      %select_n3A_3168 = arith.select %gt3A_3165, %select_n3A_3164, %select_n3A_3119 : vector<16xi1>, vector<16xi32>
      %select_n3A_3169 = arith.select %gt3A_3165, %select_n3A_3119, %select_n3A_3164 : vector<16xi1>, vector<16xi32>
      %gt3A_3170 = arith.cmpf ogt, %select_n3A_3167, %select_n3A_3122 : vector<16xf32>
      %select_n3A_3171 = arith.select %gt3A_3170, %select_n3A_3167, %select_n3A_3122 : vector<16xi1>, vector<16xf32>
      %select_n3A_3172 = arith.select %gt3A_3170, %select_n3A_3122, %select_n3A_3167 : vector<16xi1>, vector<16xf32>
      %select_n3A_3173 = arith.select %gt3A_3170, %select_n3A_3169, %select_n3A_3124 : vector<16xi1>, vector<16xi32>
      %select_n3A_3174 = arith.select %gt3A_3170, %select_n3A_3124, %select_n3A_3169 : vector<16xi1>, vector<16xi32>
      %gt3A_3175 = arith.cmpf ogt, %select_n3A_3172, %select_n3A_3127 : vector<16xf32>
      %select_n3A_3176 = arith.select %gt3A_3175, %select_n3A_3172, %select_n3A_3127 : vector<16xi1>, vector<16xf32>
      %select_n3A_3177 = arith.select %gt3A_3175, %select_n3A_3127, %select_n3A_3172 : vector<16xi1>, vector<16xf32>
      %select_n3A_3178 = arith.select %gt3A_3175, %select_n3A_3174, %select_n3A_3129 : vector<16xi1>, vector<16xi32>
      %select_n3A_3179 = arith.select %gt3A_3175, %select_n3A_3129, %select_n3A_3174 : vector<16xi1>, vector<16xi32>
      %mul3A_3180 = arith.constant 8 : i32
      %mul3A_3181 = vector.broadcast %mul3A_3180 : i32 to vector<16xi32>
      %mul3A_3182 = arith.muli %iota3A, %mul3A_3181 : vector<16xi32>
      %add3A_3183 = arith.constant 0 : i32
      %add3A_3184 = vector.broadcast %add3A_3183 : i32 to vector<16xi32>
      %add3A_3185 = arith.addi %mul3A_3182, %add3A_3184 : vector<16xi32>
      tpu.vector_store_idx %arg6[%add3A_3185], %select_n3A_3141 : memref<128xf32, #tpu.memory_space<vmem>>[vector<16xi32>], vector<16xf32>,
      tpu.vector_store_idx %arg7[%add3A_3185], %select_n3A_3143 : memref<128xi32, #tpu.memory_space<vmem>>[vector<16xi32>], vector<16xi32>,
      %mul3A_3186 = arith.constant 8 : i32
      %mul3A_3187 = vector.broadcast %mul3A_3186 : i32 to vector<16xi32>
      %mul3A_3188 = arith.muli %iota3A, %mul3A_3187 : vector<16xi32>
      %add3A_3189 = arith.constant 1 : i32
      %add3A_3190 = vector.broadcast %add3A_3189 : i32 to vector<16xi32>
      %add3A_3191 = arith.addi %mul3A_3188, %add3A_3190 : vector<16xi32>
      tpu.vector_store_idx %arg6[%add3A_3191], %select_n3A_3146 : memref<128xf32, #tpu.memory_space<vmem>>[vector<16xi32>], vector<16xf32>,
      tpu.vector_store_idx %arg7[%add3A_3191], %select_n3A_3148 : memref<128xi32, #tpu.memory_space<vmem>>[vector<16xi32>], vector<16xi32>,
      %mul3A_3192 = arith.constant 8 : i32
      %mul3A_3193 = vector.broadcast %mul3A_3192 : i32 to vector<16xi32>
      %mul3A_3194 = arith.muli %iota3A, %mul3A_3193 : vector<16xi32>
      %add3A_3195 = arith.constant 2 : i32
      %add3A_3196 = vector.broadcast %add3A_3195 : i32 to vector<16xi32>
      %add3A_3197 = arith.addi %mul3A_3194, %add3A_3196 : vector<16xi32>
      tpu.vector_store_idx %arg6[%add3A_3197], %select_n3A_3151 : memref<128xf32, #tpu.memory_space<vmem>>[vector<16xi32>], vector<16xf32>,
      tpu.vector_store_idx %arg7[%add3A_3197], %select_n3A_3153 : memref<128xi32, #tpu.memory_space<vmem>>[vector<16xi32>], vector<16xi32>,
      %mul3A_3198 = arith.constant 8 : i32
      %mul3A_3199 = vector.broadcast %mul3A_3198 : i32 to vector<16xi32>
      %mul3A_3200 = arith.muli %iota3A, %mul3A_3199 : vector<16xi32>
      %add3A_3201 = arith.constant 3 : i32
      %add3A_3202 = vector.broadcast %add3A_3201 : i32 to vector<16xi32>
      %add3A_3203 = arith.addi %mul3A_3200, %add3A_3202 : vector<16xi32>
      tpu.vector_store_idx %arg6[%add3A_3203], %select_n3A_3156 : memref<128xf32, #tpu.memory_space<vmem>>[vector<16xi32>], vector<16xf32>,
      tpu.vector_store_idx %arg7[%add3A_3203], %select_n3A_3158 : memref<128xi32, #tpu.memory_space<vmem>>[vector<16xi32>], vector<16xi32>,
      %mul3A_3204 = arith.constant 8 : i32
      %mul3A_3205 = vector.broadcast %mul3A_3204 : i32 to vector<16xi32>
      %mul3A_3206 = arith.muli %iota3A, %mul3A_3205 : vector<16xi32>
      %add3A_3207 = arith.constant 4 : i32
      %add3A_3208 = vector.broadcast %add3A_3207 : i32 to vector<16xi32>
      %add3A_3209 = arith.addi %mul3A_3206, %add3A_3208 : vector<16xi32>
      tpu.vector_store_idx %arg6[%add3A_3209], %select_n3A_3161 : memref<128xf32, #tpu.memory_space<vmem>>[vector<16xi32>], vector<16xf32>,
      tpu.vector_store_idx %arg7[%add3A_3209], %select_n3A_3163 : memref<128xi32, #tpu.memory_space<vmem>>[vector<16xi32>], vector<16xi32>,
      %mul3A_3210 = arith.constant 8 : i32
      %mul3A_3211 = vector.broadcast %mul3A_3210 : i32 to vector<16xi32>
      %mul3A_3212 = arith.muli %iota3A, %mul3A_3211 : vector<16xi32>
      %add3A_3213 = arith.constant 5 : i32
      %add3A_3214 = vector.broadcast %add3A_3213 : i32 to vector<16xi32>
      %add3A_3215 = arith.addi %mul3A_3212, %add3A_3214 : vector<16xi32>
      tpu.vector_store_idx %arg6[%add3A_3215], %select_n3A_3166 : memref<128xf32, #tpu.memory_space<vmem>>[vector<16xi32>], vector<16xf32>,
      tpu.vector_store_idx %arg7[%add3A_3215], %select_n3A_3168 : memref<128xi32, #tpu.memory_space<vmem>>[vector<16xi32>], vector<16xi32>,
      %mul3A_3216 = arith.constant 8 : i32
      %mul3A_3217 = vector.broadcast %mul3A_3216 : i32 to vector<16xi32>
      %mul3A_3218 = arith.muli %iota3A, %mul3A_3217 : vector<16xi32>
      %add3A_3219 = arith.constant 6 : i32
      %add3A_3220 = vector.broadcast %add3A_3219 : i32 to vector<16xi32>
      %add3A_3221 = arith.addi %mul3A_3218, %add3A_3220 : vector<16xi32>
      tpu.vector_store_idx %arg6[%add3A_3221], %select_n3A_3171 : memref<128xf32, #tpu.memory_space<vmem>>[vector<16xi32>], vector<16xf32>,
      tpu.vector_store_idx %arg7[%add3A_3221], %select_n3A_3173 : memref<128xi32, #tpu.memory_space<vmem>>[vector<16xi32>], vector<16xi32>,
      %mul3A_3222 = arith.constant 8 : i32
      %mul3A_3223 = vector.broadcast %mul3A_3222 : i32 to vector<16xi32>
      %mul3A_3224 = arith.muli %iota3A, %mul3A_3223 : vector<16xi32>
      %add3A_3225 = arith.constant 7 : i32
      %add3A_3226 = vector.broadcast %add3A_3225 : i32 to vector<16xi32>
      %add3A_3227 = arith.addi %mul3A_3224, %add3A_3226 : vector<16xi32>
      tpu.vector_store_idx %arg6[%add3A_3227], %select_n3A_3176 : memref<128xf32, #tpu.memory_space<vmem>>[vector<16xi32>], vector<16xf32>,
      tpu.vector_store_idx %arg7[%add3A_3227], %select_n3A_3178 : memref<128xi32, #tpu.memory_space<vmem>>[vector<16xi32>], vector<16xi32>,
      %mul3A_3228 = arith.constant 8 : i32
      %mul3A_3229 = arith.muli %add3A_13, %mul3A_3228 : i32
      "tpu.region"() ({
        %run_scoped3A = tpu.sem_alloc : memref<!tpu.dma_semaphore, #tpu.memory_space<semaphore_mem>>
        %dma_start3A = tpu.memref_slice %arg3[%mul3A_3229] : memref<131072xf32, #tpu.memory_space<hbm>> -> memref<128xf32, #tpu.memory_space<hbm>>
        %dma_start3A_3233 = tpu.memref_slice %arg3[%mul3A_3229] : memref<131072xf32, #tpu.memory_space<hbm>> -> memref<128xf32, #tpu.memory_space<hbm>>
        tpu.enqueue_dma source(%arg6 : memref<128xf32, #tpu.memory_space<vmem>>) target(%dma_start3A_3233 : memref<128xf32, #tpu.memory_space<hbm>>) target_semaphore(%run_scoped3A : memref<!tpu.dma_semaphore, #tpu.memory_space<semaphore_mem>>)
        %dma_wait3A = tpu.memref_slice %arg3[%mul3A_3229] : memref<131072xf32, #tpu.memory_space<hbm>> -> memref<128xf32, #tpu.memory_space<hbm>>
        %dma_wait3A_3234 = tpu.memref_slice %arg3[%mul3A_3229] : memref<131072xf32, #tpu.memory_space<hbm>> -> memref<128xf32, #tpu.memory_space<hbm>>
        tpu.wait_dma2 semaphore(%run_scoped3A : memref<!tpu.dma_semaphore, #tpu.memory_space<semaphore_mem>>) src(%arg6 : memref<128xf32, #tpu.memory_space<vmem>>) dst(%dma_wait3A_3234 : memref<128xf32, #tpu.memory_space<hbm>>)
        tpu.yield
      }) : () -> ()
      %mul3A_3230 = arith.constant 8 : i32
      %mul3A_3231 = arith.muli %add3A_13, %mul3A_3230 : i32
      "tpu.region"() ({
        %run_scoped3A = tpu.sem_alloc : memref<!tpu.dma_semaphore, #tpu.memory_space<semaphore_mem>>
        %dma_start3A = tpu.memref_slice %arg4[%mul3A_3231] : memref<131072xi32, #tpu.memory_space<hbm>> -> memref<128xi32, #tpu.memory_space<hbm>>
        %dma_start3A_3233 = tpu.memref_slice %arg4[%mul3A_3231] : memref<131072xi32, #tpu.memory_space<hbm>> -> memref<128xi32, #tpu.memory_space<hbm>>
        tpu.enqueue_dma source(%arg7 : memref<128xi32, #tpu.memory_space<vmem>>) target(%dma_start3A_3233 : memref<128xi32, #tpu.memory_space<hbm>>) target_semaphore(%run_scoped3A : memref<!tpu.dma_semaphore, #tpu.memory_space<semaphore_mem>>)
        %dma_wait3A = tpu.memref_slice %arg4[%mul3A_3231] : memref<131072xi32, #tpu.memory_space<hbm>> -> memref<128xi32, #tpu.memory_space<hbm>>
        %dma_wait3A_3234 = tpu.memref_slice %arg4[%mul3A_3231] : memref<131072xi32, #tpu.memory_space<hbm>> -> memref<128xi32, #tpu.memory_space<hbm>>
        tpu.wait_dma2 semaphore(%run_scoped3A : memref<!tpu.dma_semaphore, #tpu.memory_space<semaphore_mem>>) src(%arg7 : memref<128xi32, #tpu.memory_space<vmem>>) dst(%dma_wait3A_3234 : memref<128xi32, #tpu.memory_space<hbm>>)
        tpu.yield
      }) : () -> ()
      %scan3A_3232 = arith.constant 0 : i32
      scf.yield %scan3A_3232 : i32
    }
    %scan3A_8 = arith.constant 32 : i32
    return
  }
}

module attributes {stable_mosaic.version = 14 : i64} {
  func.func @_softmax_kernel(%arg0: i32, %arg1: memref<1024x4096xf32, #tpu.memory_space<vmem>>, %arg2: memref<64x4096xf32, #tpu.memory_space<vmem>>, %arg3: memref<1024x64xf32, #tpu.memory_space<vmem>>) attributes {dimension_semantics = [#tpu.dimension_semantics<arbitrary>], iteration_bounds = array<i64: 16>, scalar_prefetch = 0 : i64, scratch_operands = 0 : i64, tpu.core_type = #tpu.core_type<tc>, window_params = [{transform_indices = @transform_0, window_bounds = array<i64: 1024, 4096>}, {pipeline_mode = #tpu.pipeline_mode<synchronous>, transform_indices = @transform_1, window_bounds = array<i64: 64, 4096>}, {transform_indices = @transform_2, window_bounds = array<i64: 1024, 64>}]} {
    %get3A = arith.constant 0 : index
    %get3A_0 = arith.constant 0 : index
    %get3A_1 = vector.load %arg1[%get3A, %get3A_0] : memref<1024x4096xf32, #tpu.memory_space<vmem>>, vector<1024x4096xf32>
    %get3A_2 = arith.constant 0 : index
    %get3A_3 = arith.constant 0 : index
    %get3A_4 = vector.load %arg2[%get3A_2, %get3A_3] : memref<64x4096xf32, #tpu.memory_space<vmem>>, vector<64x4096xf32>
    %dot_general3A = arith.constant dense<0.000000e+00> : vector<64x1024xf32>
    %dot_general3A_5 = tpu.matmul %get3A_4, %get3A_1, %dot_general3A {dimension_numbers = #tpu.dot_dimension_numbers<[1], [1], [0], [0], [0, 0, 1, 0], [], []>, transpose_lhs_hint = false} : vector<64x4096xf32>, vector<1024x4096xf32>, vector<64x1024xf32> -> vector<64x1024xf32>
    %reduce_max3A = arith.constant dense<0xFF800000> : vector<1024xf32>
    %reduce_max3A_6 = vector.multi_reduction <maximumf>, %dot_general3A_5, %reduce_max3A [0] : vector<64x1024xf32> to vector<1024xf32>
    %broadcast_in_dim3A = vector.shape_cast %reduce_max3A_6 : vector<1024xf32> to vector<1x1024xf32>
    %sub3A = vector.broadcast %broadcast_in_dim3A : vector<1x1024xf32> to vector<64x1024xf32>
    %sub3A_7 = arith.subf %dot_general3A_5, %sub3A : vector<64x1024xf32>
    %exp3A = math.exp %sub3A_7 : vector<64x1024xf32>
    %reduce_sum3A = arith.constant dense<0.000000e+00> : vector<1024xf32>
    %reduce_sum3A_8 = vector.multi_reduction <add>, %exp3A, %reduce_sum3A [0] : vector<64x1024xf32> to vector<1024xf32>
    %broadcast_in_dim3A_9 = vector.shape_cast %reduce_sum3A_8 : vector<1024xf32> to vector<1x1024xf32>
    %div3A = vector.broadcast %broadcast_in_dim3A_9 : vector<1x1024xf32> to vector<64x1024xf32>
    %div3A_10 = arith.divf %exp3A, %div3A : vector<64x1024xf32>
    %transpose3A = tpu.transpose %div3A_10, [1, 0] : vector<64x1024xf32> -> vector<1024x64xf32>
    %swap3A = arith.constant 0 : index
    %swap3A_11 = arith.constant 0 : index
    %swap3A_12 = vector.load %arg3[%swap3A, %swap3A_11] : memref<1024x64xf32, #tpu.memory_space<vmem>>, vector<1024x64xf32>
    tpu.vector_store %arg3[%swap3A, %swap3A_11], %transpose3A {strides = array<i32>} : memref<1024x64xf32, #tpu.memory_space<vmem>>, vector<1024x64xf32>,
    return
  }
  func.func @transform_0(%arg0: i32) -> (i32, i32) {
    %c0_i32 = arith.constant 0 : i32
    %c0_i32_0 = arith.constant 0 : i32
    return %arg0, %c0_i32 : i32, i32
  }
  func.func @transform_1(%arg0: i32) -> (i32, i32) {
    %c0_i32 = arith.constant 0 : i32
    %c0_i32_0 = arith.constant 0 : i32
    %c0_i32_1 = arith.constant 0 : i32
    return %c0_i32, %c0_i32_0 : i32, i32
  }
  func.func @transform_2(%arg0: i32) -> (i32, i32) {
    %c0_i32 = arith.constant 0 : i32
    %c0_i32_0 = arith.constant 0 : i32
    return %arg0, %c0_i32 : i32, i32
  }
}

</mosaic_0001>

<sc_bundles>
// kernel: kernel.4.cloned.1.call-start
scs
__scs_entry_jumppad:
0x0: {  	(pc) =	sbr.rel $0x88, $3  }
0x1: {  	(tag) =	ssettag $0x0;
	lr =	simm.s32 $0x1  }
0x2: {  	[smem:$0x3F9F] =	sst lr;
	_ =	strace $0xD0000000  }
0x3: {  	_ = 	snop  }
0x4: {  	_ = 	snop  }
0x5: {  	_ = 	snop  }
0x6: {  	_ = 	snop  }
0x7: {  	_ = 	snop  }
__scs_overlays_trampoline_lowered:
0x8: {  	[smem:$0x3FAE] =	sst s0  }
0x9: {  	[smem:$0x3FAF] =	sst s1  }
0xa: {  	[smem:$0x3FB0] =	sst s2  }
0xb: {  	[smem:$0x3FB1] =	sst s3  }
0xc: {  	[smem:$0x3FB2] =	sst s4  }
0xd: {  	[smem:$0x3FB3] =	sst s5  }
0xe: {  	[smem:$0x3FB4] =	sst s6  }
0xf: {  	[smem:$0x3FB5] =	sst s7  }
0x10: {  	[smem:$0x3FB6] =	sst s8  }
0x11: {  	[smem:$0x3FB7] =	sst s9;
	s0 =	simm.s32 @!p0 $0x0  }
0x12: {  	s1 =	sld [smem:$0x3F9D];
	s0 =	simm.s32 @p0 $0x1  }
0x13: {  	[smem:$0x3FB8] =	sst s0;
	s0 =	simm.s32 @!p1 $0x0  }
0x14: {  	s2 =	sld [smem:$0x3F9C];
	s0 =	simm.s32 @p1 $0x1  }
0x15: {  	[smem:$0x3FB9] =	sst s0;
	s0 =	simm.s32 @!p2 $0x0  }
0x16: {  	s3 =	sld [smem:$0x3FDB];
	s0 =	simm.s32 @p2 $0x1  }
0x17: {  	s4 =	simm.s32 $0x1BF5;
	[smem:$0x3FBB] =	sst s0  }
0x18: {  	s0 =	sld [smem:$0x3F9E];
	_ =	swait.ge [sflag:s4], $0x0  }
0x19: {  	s7 =	sld [smem:$0x3F9F]  }
0x1a: {  	s8 =	sadd.s32 $0xFFFFE003, lr  }
0x1b: {  	s9 =	sadd.s32 $0xFFFFFEF7, lr;
	s5 =	simm.s32 $0xFFFFFFFF;
	p2 =	slt.u32 s8, $0xFFFFF086  }
0x1c: {  	p1 =	slt.u32 s9, $0xF7A;
	s5 =	simm.s32 @!p2 $0x0  }
0x1d: {  	s5 =	simm.s32 @p1 $0x1;
	p0 =	seq.s32 s7, s2  }
0x1e: {  	s7 =	smul.u32 @!p0 $0xF7A, s2;
	p2 =	seq.s32 @!p0 s5, $0x0  }
0x1f: {  	s9 =	smul.u32 $0xF7A, s1;
	s8 =	simm.s32 @!p0 $0x1BF5;
	p2 =	por !p2, p0  }
0x20: {  	[sflag:s8] =	ssyncset.s32 @!p0 $0xFFFFF086;
	s6 =	sadd.s32 @!p0 s3, s7;
	s7 =	simm.s32 @!p0 $0x108  }
0x21: {  	s3 =	sadd.s32 s3, s9;
	s6 =	sadd.s32 @!p0 $0x88, s6;
	s7 =	simm.s32 @p2 $0x1082  }
0x22: {  	[simem:s7], [sflag:s8] =	dma.local @!p0 [hbm:s6], $0xF7A  }
0x23: {  	s9 =	sor.u32 $0xD0000000, s2;
	s6 =	simm.s32 $0x108;
	_ =	swait.ge @!p0 [sflag:s8], $0x0  }
0x24: {  	s3 =	sadd.s32 $0x88, s3;
	s6 =	simm.s32 @!p1 $0x1082;
	[sflag:s4] =	ssyncset.s32 $0xFFFFF086  }
0x25: {  	[simem:s6], [sflag:s4] =	dma.local [hbm:s3], $0xF7A  }
0x26: {  	[smem:$0x3F9F] =	sst s1;
	(tag) =	ssettag s2;
	_ =	strace s9  }
0x27: {  	s1 =	sld [smem:$0x3FAF]  }
0x28: {  	s2 =	sld [smem:$0x3FB0]  }
0x29: {  	s4 =	sld [smem:$0x3FB2]  }
0x2a: {  	p0 =	seq.s32 s5, $0x0;
	s5 =	sld [smem:$0x3FB3]  }
0x2b: {  	s6 =	sld [smem:$0x3FB4]  }
0x2c: {  	s7 =	sld [smem:$0x3FB5]  }
0x2d: {  	s3 =	simm.s32 $0x108;
	s8 =	sld [smem:$0x3FB6]  }
0x2e: {  	s3 =	simm.s32 @!p0 $0x1082;
	s9 =	sld [smem:$0x3FB7]  }
0x2f: {  	lr =	sadd.s32 s0, s3;
	s0 =	sld [smem:$0x3FAE]  }
0x30: {  	s3 =	sld [smem:$0x3FB1]  }
0x31: {  	[smem:$0x3FBA] =	sst s10  }
0x32: {  	s10 =	sld [smem:$0x3FB8];
	_ =	sdelay $0x3  }
0x33: {  	p0 =	seq.s32 s10, $0x1;
	s10 =	sld [smem:$0x3FBA];
	_ =	sdelay $0x3  }
0x34: {  	[smem:$0x3FBA] =	sst s10  }
0x35: {  	s10 =	sld [smem:$0x3FB9];
	_ =	sdelay $0x3  }
0x36: {  	p1 =	seq.s32 s10, $0x1;
	s10 =	sld [smem:$0x3FBA];
	_ =	sdelay $0x3  }
0x37: {  	[smem:$0x3FBA] =	sst s10  }
0x38: {  	s10 =	sld [smem:$0x3FBB]  }
0x39: {  	_ = 	snop;
	(pc) =	sbr.ind lr, $3  }
0x3a: {  	_ = 	snop  }
0x3b: {  	_ = 	snop  }
0x3c: {  	p2 =	seq.s32 s10, $0x1;
	s10 =	sld [smem:$0x3FBA]  }
0x3d: {  	_ =	shalt  }
0x3e: {  	_ =	shalt  }
0x3f: {  	_ =	shalt  }
0x40: {  	_ =	shalt  }
0x41: {  	_ =	shalt  }
0x42: {  	_ =	shalt  }
0x43: {  	_ =	shalt  }
0x44: {  	_ =	shalt  }
0x45: {  	_ =	shalt  }
0x46: {  	_ =	shalt  }
0x47: {  	_ =	shalt  }
0x48: {  	_ =	shalt  }
0x49: {  	_ =	shalt  }
0x4a: {  	_ =	shalt  }
0x4b: {  	_ =	shalt  }
0x4c: {  	_ =	shalt  }
0x4d: {  	_ =	shalt  }
0x4e: {  	_ =	shalt  }
0x4f: {  	_ =	shalt  }
0x50: {  	_ =	shalt  }
0x51: {  	_ =	shalt  }
0x52: {  	_ =	shalt  }
0x53: {  	_ =	shalt  }
0x54: {  	_ =	shalt  }
0x55: {  	_ =	shalt  }
0x56: {  	_ =	shalt  }
0x57: {  	_ =	shalt  }
0x58: {  	_ =	shalt  }
0x59: {  	_ =	shalt  }
0x5a: {  	_ =	shalt  }
0x5b: {  	_ =	shalt  }
0x5c: {  	_ =	shalt  }
0x5d: {  	_ =	shalt  }
0x5e: {  	_ =	shalt  }
0x5f: {  	_ =	shalt  }
0x60: {  	_ =	shalt  }
0x61: {  	_ =	shalt  }
0x62: {  	_ =	shalt  }
0x63: {  	_ =	shalt  }
0x64: {  	_ =	shalt  }
0x65: {  	_ =	shalt  }
0x66: {  	_ =	shalt  }
0x67: {  	_ =	shalt  }
0x68: {  	_ =	shalt  }
0x69: {  	_ =	shalt  }
0x6a: {  	_ =	shalt  }
0x6b: {  	_ =	shalt  }
0x6c: {  	_ =	shalt  }
0x6d: {  	_ =	shalt  }
0x6e: {  	_ =	shalt  }
0x6f: {  	_ =	shalt  }
0x70: {  	_ =	shalt  }
0x71: {  	_ =	shalt  }
0x72: {  	_ =	shalt  }
0x73: {  	_ =	shalt  }
0x74: {  	_ =	shalt  }
0x75: {  	_ =	shalt  }
0x76: {  	_ =	shalt  }
0x77: {  	_ =	shalt  }
0x78: {  	_ =	shalt  }
0x79: {  	_ =	shalt  }
0x7a: {  	_ =	shalt  }
0x7b: {  	_ =	shalt  }
0x7c: {  	_ =	shalt  }
0x7d: {  	_ =	shalt  }
0x7e: {  	_ =	shalt  }
0x7f: {  	_ =	shalt  }
0x80: {  	_ =	shalt  }
0x81: {  	_ =	shalt  }
0x82: {  	_ =	shalt  }
0x83: {  	_ =	shalt  }
0x84: {  	_ =	shalt  }
0x85: {  	_ =	shalt  }
0x86: {  	_ =	shalt  }
0x87: {  	_ =	shalt  }
.Lfunc_end0:
.L_simem_size_0:
called_computation_lowered:
.L_overlay_start_0:
0x88: {  	s2 =	sld [smem:$0x3FD9]  }
0x89: {  	s3 =	sld [smem:$0x3FFE];
	_ =	sdelay $0x1  }
0x8a: {  	s1 =	srdreg.scid  }
0x8b: {  	s0 =	sand.u32 $0x1, s1  }
0x8c: {  	s14 =	sshll.u32 s0, $0xA;
	s2 =	sadd.s32 s3, s2  }
0x8d: {  	s2 =	sadd.s32 s2, s14  }
0x8e: {  	[smem:$0x3FC6] =	sst s2  }
0x8f: {  	_ = 	snop  }
0x90: {  	s2 =	sld [smem:$0x3FD0];
	_ =	sdelay $0x2  }
0x91: {  	s15 =	simm.s32 $0xA;
	s4 =	simm.s32 $0x10  }
0x92: {  	[smem:s4], [sflag:s15] =	dma.local [hbm:s2], $0x1  }
0x93: {  	_ =	swait.eq [sflag:s15], $0x1  }
0x94: {  	[sflag:s15] =	ssyncset.done $0x0  }
0x95: {  	[sflag:s15] =	ssyncadd.s32 $0xFFFFFFFF  }
0x96: {  	s16 =	sld [smem:$0x12];
	(tm) =	ssettm $0x1  }
0x97: {  	s17 =	sld [smem:$0x3FFB];
	_ =	sdelay $0x3  }
0x98: {  	_ =	strace s17  }
0x99: {  	s3 =	sld [smem:$0x3FFC];
	_ =	sdelay $0x3  }
0x9a: {  	_ =	strace s3  }
0x9b: {  	s3 =	sld [smem:$0x3FFD];
	_ =	sdelay $0x3  }
0x9c: {  	_ =	strace s3  }
0x9d: {  	_ =	strace $0x8FFFFFFF  }
0x9e: {  	s18 =	sld [smem:$0x3FDB];
	_ =	sdelay $0x1  }
0x9f: {  	s19 =	simm.s32 $_scs_section_size  }
0xa0: {  	s5 =	simm.s32 $_size__tile_overlayer_lowered;
	s6 =	simm.s32 $_tile_overlayer_lowered  }
0xa1: {  	s22 =	simm.s32 $0x1BFF;
	s21 =	sshll.u32 s6, $0x1;
	s3 =	sadd.s32 s19, s18  }
0xa2: {  	s7 =	simm.s32 $0x0;
	s20 =	sshll.u32 s5, $0x1;
	s5 =	sadd.s32 s21, s3  }
0xa3: {  	[timem:s7], [sflag:s22] =	dma.local [hbm:s5], s20  }
0xa4: {  	_ =	swait.ge [sflag:s22], s20  }
0xa5: {  	s4 =	ssub.s32 $0x0, s20;
	[sflag:s22] =	ssyncset.done $0x0  }
0xa6: {  	[sflag:s22] =	ssyncadd.s32 s4;
	_ =	sdelay $0x1  }
0xa7: {  	s23 =	simm.s32 $0x1B8B  }
0xa8: {  	_ =	swait.ge [sflag:s23], $0x1  }
0xa9: {  	[sflag:s23] =	ssyncset.done $0x0  }
0xaa: {  	s25 =	simm.s32 $0x1B8E;
	s24 =	sld [smem:$0x3FFE];
	[sflag:s23] =	ssyncadd.s32 $0xFFFFFFFF  }
0xab: {  	s26 =	simm.s32 $execute0_lowered;
	[smem:$0x3FD2] =	sst s25  }
0xac: {  	s5 =	sshll.u32 s26, $0x1;
	_ =	strace $0x80000046;
	[dreg:$0x1] =	wrdreg $0xFFFFFFFF  }
0xad: {  	s28 =	simm.s32 $_size_execute0_lowered;
	s3 =	sadd.s32 s3, s5;
	[dreg:$0x0] =	wrdreg $0x0  }
0xae: {  	s5 =	sshll.u32 s28, $0x1;
	[dreg:$0x2] =	wrdreg s3  }
0xaf: {  	[dreg:$0x3] =	wrdreg s5  }
0xb0: {  	[dreg:$0x4] =	wrdreg $0xC0  }
0xb1: {  	_ =	task [dreg:s7], $0x5FFFF  }
0xb2: {  	[dreg:$0x1] =	wrdreg $0xFFFFFFFF  }
0xb3: {  	[dreg:$0x0] =	wrdreg $0x60  }
0xb4: {  	[dreg:$0x2] =	wrdreg s24  }
0xb5: {  	[dreg:$0x3] =	wrdreg s16  }
0xb6: {  	[dreg:$0x4] =	wrdreg $0x9  }
0xb7: {  	_ =	task.clear_ibuf [dreg:s7], $0x5FFFF;
	_ =	strace $0x90000046  }
0xb8: {  	s29 =	simm.s32 $0x9;
	_ =	strace $0x80000048  }
0xb9: {  	_ =	swait.ge [sflag:s29], $0x1  }
0xba: {  	[sflag:s29] =	ssyncadd.s32 $0xFFFFFFFF  }
0xbb: {  	_ =	strace $0x90000048  }
0xbc: {  	_ =	sfence  }
0xbd: {  	s30 =	sld [smem:$0x0];
	_ =	sdelay $0x2  }
0xbe: {  	s31 =	sshll.u32 s1, $0xD;
	s1 =	sshrl.u32 s1, $0x2  }
0xbf: {  	s3 =	sand.u32 $0x4000, s31;
	s1 =	sadd.s32 s1, s30  }
0xc0: {  	s0 =	sor.u32 s3, s0;
	s1 =	sshll.u32 s1, $0x11  }
0xc1: {  	s0 =	sor.u32 s1, s0  }
0xc2: {  	s0 =	sadd.s32 $0x8F2B, s0  }
0xc3: {  	[sflag:s0] =	ssyncadd.remote.s32 $0x1  }
0xc4: {  	_ =	sfence.sel $0xFFFF  }
0xc5: {  	[dreg:$0x0] =	wrdreg $0xFFFFFFFF;
	(pc) =	sbr.abs _section_cstart, $3  }
0xc6: {  	[dreg:$0x1] =	wrdreg $0xFFFFFFFF  }
0xc7: {  	_ =	task.clear_ibuf [dreg:s7], $0x2FFFF;
	_ =	strace $0x9FFFFFFF  }
0xc8: {  	(tm) =	ssettm $0x7FFFFFFF  }
0xc9: {  	_ =	shalt  }
tec
execute0_lowered:
.L_overlay_start_1:
0x0: {  	(tag) =	ssettag $0x1  }
0x1: {  	v0 =	vlaneseq.u32  }
0x2: {  	s3 =	rddreg [dreg:$0x0];
	v26 =	vmul.u32 $0x40, v0  }
0x3: {  	s5 =	rddreg [dreg:$0x1];
	s1 =	simm.s32 $0x0  }
0x4: {  	[smem:$0x7FF] =	sst s1;
	v0 =	vor.u32 $0x33, v26  }
0x5: {  	s0 =	rddreg [dreg:$0x2];
	_ =	strace $0x80000047;
	v2 =	vor.u32 $0x1, v26;
	[tilespmem:$0x1FE20] =	vst v0  }
0x6: {  	v3 =	vor.u32 $0x2, v26;
	[tilespmem:$0x1FED0] =	vst v2  }
0x7: {  	v6 =	vor.u32 $0x3, v26;
	[tilespmem:$0x1FEE0] =	vst v3  }
0x8: {  	v9 =	vor.u32 $0x4, v26;
	[tilespmem:$0x1FEF0] =	vst v6  }
0x9: {  	v14 =	vor.u32 $0x6, v26;
	[tilespmem:$0x1FF00] =	vst v9  }
0xa: {  	v32 =	vor.u32 $0x2B, v26;
	[tilespmem:$0x1FF10] =	vst v14  }
0xb: {  	v24 =	vor.u32 $0x2A, v26;
	[tilespmem:$0x1FF20] =	vst v32  }
0xc: {  	v29 =	vor.u32 $0x29, v26;
	[tilespmem:$0x1FF30] =	vst v24  }
0xd: {  	v1 =	vor.u32 $0x5, v26;
	[tilespmem:$0x1FF40] =	vst v29  }
0xe: {  	v25 =	vor.u32 $0x28, v26;
	[tilespmem:$0x1FF50] =	vst v1  }
0xf: {  	v17 =	vor.u32 $0x7, v26;
	[tilespmem:$0x1FF60] =	vst v25  }
0x10: {  	v19 =	vor.u32 $0x8, v26;
	[tilespmem:$0x1FF70] =	vst v17  }
0x11: {  	v12 =	vor.u32 $0x27, v26;
	[tilespmem:$0x1FF80] =	vst v19  }
0x12: {  	v21 =	vor.u32 $0x9, v26;
	[tilespmem:$0x1FF90] =	vst v12  }
0x13: {  	v5 =	vimm.s32 $0x0;
	v36 =	vor.u32 $0xA, v26;
	[tilespmem:$0x1FFA0] =	vst v21  }
0x14: {  	v37 =	vor.u32 $0xB, v26;
	v38 =	vor.u32 $0xC, v26;
	v39 =	vor.u32 $0xD, v26;
	[tilespmem:$0x1FFB0] =	vst v36  }
0x15: {  	v31 =	vor.u32 $0xE, v26;
	v41 =	vor.u32 $0xF, v26;
	v42 =	vor.u32 $0x10, v26;
	[tilespmem:$0x1FFC0] =	vst v37  }
0x16: {  	v43 =	vor.u32 $0x11, v26;
	v44 =	vor.u32 $0x12, v26;
	v45 =	vor.u32 $0x13, v26;
	[tilespmem:$0x1FFD0] =	vst v38  }
0x17: {  	v46 =	vor.u32 $0x14, v26;
	v47 =	vor.u32 $0x15, v26;
	v48 =	vor.u32 $0x16, v26;
	[tilespmem:$0x1FFE0] =	vst v39  }
0x18: {  	v49 =	vor.u32 $0x17, v26;
	v50 =	vor.u32 $0x18, v26;
	v0 =	vor.u32 $0x34, v26;
	[tilespmem:$0x1FFF0] =	vst v31  }
0x19: {  	v51 =	vor.u32 $0x19, v26;
	v52 =	vor.u32 $0x1A, v26;
	[tilespmem:$0x1FE30] =	vst v0;
	v0 =	vor.u32 $0x35, v26  }
0x1a: {  	v53 =	vor.u32 $0x1B, v26;
	v54 =	vor.u32 $0x1C, v26;
	[tilespmem:$0x1FE40] =	vst v0;
	v0 =	vor.u32 $0x36, v26  }
0x1b: {  	s4 =	srdreg.scid;
	s2 =	stileid.u32;
	v55 =	vor.u32 $0x1D, v26;
	v56 =	vor.u32 $0x1E, v26;
	[tilespmem:$0x1FE50] =	vst v0;
	v0 =	vor.u32 $0x37, v26  }
0x1c: {  	s4 =	sand.u32 $0x1, s4;
	s6 =	sshll.u32 s2, $0xD;
	s8 =	sshll.u32 s2, $0xA;
	v57 =	vor.u32 $0x1F, v26;
	v58 =	vor.u32 $0x20, v26;
	[tilespmem:$0x1FE60] =	vst v0;
	v0 =	vor.u32 $0x38, v26  }
0x1d: {  	s7 =	ssub.s32 $0x2, s4;
	s6 =	sadd.s32 s6, s3;
	s10 =	sadd.s32 s8, s3;
	v59 =	vor.u32 $0x21, v26;
	v60 =	vor.u32 $0x22, v26;
	[tilespmem:$0x1FE70] =	vst v0;
	v0 =	vor.u32 $0x39, v26  }
0x1e: {  	s28 =	sshll.u32 s4, $0xC;
	s29 =	sshll.u32 s4, $0x9;
	s5 =	sadd.s32 s8, s5;
	v61 =	vor.u32 $0x23, v26;
	v62 =	vor.u32 $0x24, v26;
	[tilespmem:$0x1FE80] =	vst v0;
	v0 =	vor.u32 $0x3A, v26  }
0x1f: {  	s8 =	simm.s32 $0x400;
	v63 =	vor.u32 $0x25, v26;
	v22 =	vor.u32 $0x26, v26;
	s9 =	sshrl.u32 s7, $0x1;
	s30 =	sadd.s32 s28, s6;
	[tilespmem:$0x1FE90] =	vst v0;
	v0 =	vor.u32 $0x3B, v26  }
0x20: {  	v40 =	vor.u32 $0x2C, v26;
	v28 =	vor.u32 $0x2D, v26;
	s31 =	sadd.s32 s29, s10;
	s5 =	sadd.s32 s29, s5;
	s10 =	simm.s32 $0x0;
	[tilespmem:$0x1FEA0] =	vst v0;
	v0 =	vor.u32 $0x3C, v26  }
0x21: {  	v23 =	vor.u32 $0x2E, v26;
	v27 =	vor.u32 $0x2F, v26;
	s26 =	ssub.s32 s7, s9;
	s4 =	sadd.s32 $0xC00, s30;
	s6 =	sadd.s32 $0x20C00, s31;
	[tilespmem:$0x1FEB0] =	vst v0;
	v0 =	vor.u32 $0x3D, v26  }
0x22: {  	v30 =	vor.u32 $0x30, v26;
	v33 =	vor.u32 $0x31, v26;
	v34 =	vor.u32 $0x32, v26;
	s7 =	simm.s32 $0x1;
	s9 =	simm.s32 $0x480;
	s3 =	smax.u32 s26, $0x1;
	[tilespmem:$0x1FEC0] =	vst v0  }
.LBB2_1:
0x23: {  	s11 =	smov.u32 s4;
	s12 =	simm.s32 $0x0  }
.LBB2_2:
0x24: {  	[tilespmem:s1], [sflag:$0x1] =	stream.linear.gather [hbm4b:s11+s1], $0x400, $0x38;
	[tilespmem:$0x500] =	vst v63  }
0x25: {  	_ =	swait.ge [sflag:s7], $0x400  }
0x26: {  	v2 =	vld [tilespmem:$0x1FED0];
	_ =	sdelay $0x2  }
0x27: {  	v3 =	vld [tilespmem:$0x1FEE0]  }
0x28: {  	[sflag:s7] =	ssyncset.done $0x0  }
0x29: {  	[sflag:s7] =	ssyncadd.s32 $0xFFFFFC00  }
0x2a: {  	v0 =	vld.idx.msk [tilespmem:v26+s1+$0x0], $0xffff;
	_ =	sdelay $0x1  }
0x2b: {  	v2 =	vld.idx.msk [tilespmem:v2+s1+$0x0], $0xffff;
	_ =	sdelay $0x2  }
0x2c: {  	vm0 =	vgt.f32 v0, $-1.000000000e+00;
	v3 =	vld.idx.msk [tilespmem:v3+s1+$0x0], $0xffff  }
0x2d: {  	v0 =	vnsel vm0, $0xBF800000, v0  }
0x2e: {  	vm0 =	vgt.f32 v2, v0  }
0x2f: {  	vm1 =	vmneg vm0;
	v4 =	vsel vm0, v0, v2;
	v0 =	vsel vm0, v2, v0  }
0x30: {  	v2 =	vsel vm0, $0x1, v5;
	v5 =	vld.idx.msk [tilespmem:v6+s1+$0x0], $0xffff;
	v6 =	vimm.s32 $0x0;
	vm6 =	vgt.f32 v4, $-1.000000000e+00  }
0x31: {  	vm7 =	vgt.f32 v3, v0;
	v4 =	vnsel vm6, $0xBF800000, v4;
	vm0 =	vmand vm6, vm1  }
0x32: {  	v7 =	vsel vm7, v3, v0;
	v0 =	vsel vm7, v0, v3;
	v3 =	vsel vm7, $0x2, v2  }
0x33: {  	v2 =	vnsel vm7, $0x2, v2;
	v6 =	vsel vm0, $0x1, v6;
	vm8 =	vgt.f32 v0, v4  }
0x34: {  	v8 =	vsel vm8, v0, v4;
	v0 =	vsel vm8, v4, v0;
	v4 =	vsel vm8, v2, v6  }
0x35: {  	v2 =	vsel vm8, v6, v2;
	v6 =	vld.idx.msk [tilespmem:v9+s1+$0x0], $0xffff;
	vm9 =	vgt.f32 v0, $-1.000000000e+00;
	vm10 =	vgt.f32 v5, v7  }
0x36: {  	v0 =	vnsel vm9, $0xBF800000, v0;
	v2 =	vnsel vm9, $0x0, v2;
	v9 =	vsel vm10, v7, v5  }
0x37: {  	v5 =	vsel vm10, v5, v7;
	v7 =	vsel vm10, $0x3, v3;
	vm11 =	vgt.f32 v9, v8  }
0x38: {  	v3 =	vnsel vm10, $0x3, v3;
	v10 =	vsel vm11, v9, v8;
	v8 =	vsel vm11, v8, v9  }
0x39: {  	v9 =	vsel vm11, v3, v4;
	v3 =	vsel vm11, v4, v3;
	vm12 =	vgt.f32 v8, v0  }
0x3a: {  	vm13 =	vgt.f32 v6, v5;
	v4 =	vsel vm12, v8, v0;
	v0 =	vsel vm12, v0, v8  }
0x3b: {  	v8 =	vsel vm12, v3, v2;
	v11 =	vsel vm13, v5, v6;
	v2 =	vsel vm12, v2, v3  }
0x3c: {  	v35 =	vmovc v12;
	v3 =	vsel vm13, v6, v5;
	v6 =	vld.idx.msk [tilespmem:v1+s1+$0x0], $0xffff;
	v12 =	vsel vm13, $0x4, v7;
	vm2 =	vgt.f32 v0, $-1.000000000e+00  }
0x3d: {  	v7 =	vnsel vm13, $0x4, v7;
	vm14 =	vgt.f32 v11, v10;
	v0 =	vnsel vm2, $0xBF800000, v0  }
0x3e: {  	v2 =	vnsel vm2, $0x0, v2;
	v5 =	vsel vm14, v10, v11;
	v10 =	vsel vm14, v11, v10  }
0x3f: {  	v11 =	vsel vm14, v7, v9;
	v7 =	vsel vm14, v9, v7;
	vm15 =	vgt.f32 v5, v4  }
0x40: {  	v13 =	vsel vm15, v4, v5;
	v4 =	vsel vm15, v5, v4;
	v5 =	vsel vm15, v7, v8  }
0x41: {  	v7 =	vsel vm15, v8, v7;
	vm4 =	vgt.f32 v13, v0;
	vm5 =	vgt.f32 v6, v3  }
0x42: {  	v8 =	vsel vm4, v13, v0;
	v0 =	vsel vm4, v0, v13;
	v9 =	vsel vm4, v7, v2  }
0x43: {  	v2 =	vsel vm4, v2, v7;
	v7 =	vsel vm5, v3, v6;
	v3 =	vsel vm5, v6, v3  }
0x44: {  	v6 =	vsel vm5, $0x5, v12;
	vm6 =	vgt.f32 v0, $-1.000000000e+00;
	vm7 =	vgt.f32 v7, v10  }
0x45: {  	v12 =	vnsel vm5, $0x5, v12;
	v0 =	vnsel vm6, $0xBF800000, v0;
	v13 =	vsel vm7, v10, v7  }
0x46: {  	v2 =	vnsel vm6, $0x0, v2;
	v7 =	vsel vm7, v7, v10;
	v10 =	vld.idx.msk [tilespmem:v14+s1+$0x0], $0xffff;
	vm8 =	vgt.f32 v13, v4  }
0x47: {  	v14 =	vsel vm7, v12, v11;
	v11 =	vsel vm7, v11, v12;
	v12 =	vsel vm8, v4, v13  }
0x48: {  	v4 =	vsel vm8, v13, v4;
	v13 =	vsel vm8, v11, v5;
	vm9 =	vgt.f32 v12, v8  }
0x49: {  	v5 =	vsel vm8, v5, v11;
	v11 =	vsel vm9, v12, v8;
	v8 =	vsel vm9, v8, v12  }
0x4a: {  	v12 =	vsel vm9, v5, v9;
	v5 =	vsel vm9, v9, v5;
	vm10 =	vgt.f32 v8, v0  }
0x4b: {  	vm11 =	vgt.f32 v10, v3;
	v9 =	vsel vm10, v8, v0;
	v0 =	vsel vm10, v0, v8  }
0x4c: {  	v8 =	vsel vm10, v5, v2;
	v15 =	vsel vm11, v3, v10;
	v2 =	vsel vm10, v2, v5  }
0x4d: {  	v3 =	vsel vm11, v10, v3;
	v10 =	vsel vm11, $0x6, v6;
	vm13 =	vgt.f32 v15, v7  }
0x4e: {  	v6 =	vnsel vm11, $0x6, v6;
	vm12 =	vgt.f32 v0, $-1.000000000e+00;
	v5 =	vsel vm13, v7, v15  }
0x4f: {  	v0 =	vnsel vm12, $0xBF800000, v0;
	v2 =	vnsel vm12, $0x0, v2;
	vm14 =	vgt.f32 v5, v4  }
0x50: {  	v7 =	vsel vm13, v15, v7;
	v15 =	vsel vm13, v6, v14;
	v16 =	vsel vm14, v4, v5  }
0x51: {  	v6 =	vsel vm13, v14, v6;
	v4 =	vsel vm14, v5, v4;
	v5 =	vld.idx.msk [tilespmem:v17+s1+$0x0], $0xffff;
	vm15 =	vgt.f32 v16, v11  }
0x52: {  	v14 =	vsel vm14, v6, v13;
	v6 =	vsel vm14, v13, v6;
	v13 =	vsel vm15, v11, v16  }
0x53: {  	v11 =	vsel vm15, v16, v11;
	v16 =	vsel vm15, v6, v12;
	vm4 =	vgt.f32 v13, v9  }
0x54: {  	v6 =	vsel vm15, v12, v6;
	v12 =	vsel vm4, v13, v9;
	v9 =	vsel vm4, v9, v13  }
0x55: {  	v13 =	vsel vm4, v6, v8;
	v6 =	vsel vm4, v8, v6;
	vm5 =	vgt.f32 v9, v0  }
0x56: {  	vm6 =	vgt.f32 v5, v3;
	v8 =	vsel vm5, v9, v0;
	v0 =	vsel vm5, v0, v9  }
0x57: {  	v9 =	vsel vm5, v6, v2;
	v17 =	vsel vm6, v3, v5;
	v2 =	vsel vm5, v2, v6  }
0x58: {  	v3 =	vsel vm6, v5, v3;
	v6 =	vsel vm6, $0x7, v10;
	vm8 =	vgt.f32 v17, v7  }
0x59: {  	v10 =	vnsel vm6, $0x7, v10;
	vm7 =	vgt.f32 v0, $-1.000000000e+00;
	v5 =	vsel vm8, v7, v17  }
0x5a: {  	v0 =	vnsel vm7, $0xBF800000, v0;
	v7 =	vsel vm8, v17, v7;
	vm9 =	vgt.f32 v5, v4  }
0x5b: {  	v17 =	vsel vm8, v10, v15;
	v10 =	vsel vm8, v15, v10;
	v15 =	vld.idx.msk [tilespmem:v19+s1+$0x0], $0xffff;
	v18 =	vsel vm9, v4, v5  }
0x5c: {  	v2 =	vnsel vm7, $0x0, v2;
	v4 =	vsel vm9, v5, v4;
	vm10 =	vgt.f32 v18, v11  }
0x5d: {  	v5 =	vsel vm9, v10, v14;
	v10 =	vsel vm9, v14, v10;
	v14 =	vsel vm10, v11, v18  }
0x5e: {  	v11 =	vsel vm10, v18, v11;
	v18 =	vsel vm10, v10, v16;
	vm11 =	vgt.f32 v14, v12  }
0x5f: {  	v10 =	vsel vm10, v16, v10;
	v16 =	vsel vm11, v14, v12;
	v12 =	vsel vm11, v12, v14  }
0x60: {  	vm14 =	vgt.f32 v15, v3;
	v14 =	vsel vm11, v10, v13;
	vm12 =	vgt.f32 v12, v8  }
0x61: {  	v10 =	vsel vm11, v13, v10;
	v13 =	vsel vm12, v12, v8;
	v8 =	vsel vm12, v8, v12  }
0x62: {  	v12 =	vsel vm12, v10, v9;
	v9 =	vsel vm12, v9, v10;
	vm13 =	vgt.f32 v8, v0  }
0x63: {  	v10 =	vsel vm13, v8, v0;
	v0 =	vsel vm13, v0, v8;
	v8 =	vsel vm14, v3, v15  }
0x64: {  	v19 =	vsel vm13, v9, v2;
	v2 =	vsel vm13, v2, v9;
	v3 =	vsel vm14, v15, v3  }
0x65: {  	v15 =	vsel vm14, $0x8, v6;
	v6 =	vnsel vm14, $0x8, v6;
	vm3 =	vgt.f32 v8, v7  }
0x66: {  	vm15 =	vgt.f32 v0, $-1.000000000e+00;
	v9 =	vsel vm3, v7, v8;
	v7 =	vsel vm3, v8, v7  }
0x67: {  	v8 =	vsel vm3, v6, v17;
	v6 =	vsel vm3, v17, v6;
	vm4 =	vgt.f32 v9, v4  }
0x68: {  	v20 =	vsel vm4, v4, v9;
	v17 =	vsel vm4, v6, v5;
	v5 =	vsel vm4, v5, v6;
	v6 =	vld.idx.msk [tilespmem:v21+s1+$0x0], $0xffff  }
0x69: {  	v0 =	vnsel vm15, $0xBF800000, v0;
	v2 =	vnsel vm15, $0x0, v2;
	vm5 =	vgt.f32 v20, v11  }
0x6a: {  	v4 =	vsel vm4, v9, v4;
	v9 =	vsel vm5, v11, v20;
	v11 =	vsel vm5, v20, v11  }
0x6b: {  	v20 =	vsel vm5, v5, v18;
	v5 =	vsel vm5, v18, v5;
	vm6 =	vgt.f32 v9, v16  }
0x6c: {  	v21 =	vsel vm6, v16, v9;
	v9 =	vsel vm6, v9, v16;
	v16 =	vsel vm6, v5, v14  }
0x6d: {  	v5 =	vsel vm6, v14, v5;
	vm7 =	vgt.f32 v21, v13;
	vm9 =	vgt.f32 v6, v3  }
0x6e: {  	v14 =	vsel vm7, v13, v21;
	v13 =	vsel vm7, v21, v13;
	v18 =	vsel vm7, v5, v12  }
0x6f: {  	v5 =	vsel vm7, v12, v5;
	v21 =	vsel vm9, v3, v6;
	vm8 =	vgt.f32 v14, v10  }
0x70: {  	vm11 =	vgt.f32 v21, v7;
	v12 =	vsel vm8, v14, v10;
	v10 =	vsel vm8, v10, v14  }
0x71: {  	v14 =	vsel vm8, v5, v19;
	v5 =	vsel vm8, v19, v5;
	vm10 =	vgt.f32 v10, v0  }
0x72: {  	v2 =	vsel vm10, v5, v2;
	v5 =	vsel vm11, v7, v21  }
0x73: {  	v3 =	vsel vm9, v6, v3;
	v6 =	vsel vm9, $0x9, v15;
	vm12 =	vgt.f32 v5, v4  }
0x74: {  	v0 =	vsel vm10, v10, v0;
	v10 =	vnsel vm9, $0x9, v15;
	v15 =	vsel vm12, v4, v5  }
0x75: {  	v19 =	vsel vm11, v10, v8;
	v8 =	vsel vm11, v8, v10;
	vm13 =	vgt.f32 v15, v11  }
0x76: {  	v4 =	vsel vm12, v5, v4;
	v5 =	vsel vm12, v8, v17;
	v10 =	vsel vm13, v11, v15  }
0x77: {  	v8 =	vsel vm12, v17, v8;
	v11 =	vsel vm13, v15, v11;
	v15 =	vld.idx.msk [tilespmem:v36+s1+$0x0], $0xffff;
	vm14 =	vgt.f32 v10, v9  }
0x78: {  	v17 =	vsel vm13, v8, v20;
	v8 =	vsel vm13, v20, v8;
	v20 =	vsel vm14, v9, v10  }
0x79: {  	v9 =	vsel vm14, v10, v9;
	v10 =	vsel vm14, v8, v16;
	vm15 =	vgt.f32 v20, v13  }
0x7a: {  	v8 =	vsel vm14, v16, v8;
	v16 =	vsel vm15, v20, v13;
	v13 =	vsel vm15, v13, v20  }
0x7b: {  	v7 =	vsel vm11, v21, v7;
	v20 =	vsel vm15, v8, v18;
	vm4 =	vgt.f32 v13, v12  }
0x7c: {  	v8 =	vsel vm15, v18, v8;
	vm5 =	vgt.f32 v15, v3;
	v18 =	vsel vm4, v13, v12  }
0x7d: {  	v12 =	vsel vm4, v12, v13;
	v13 =	vsel vm4, v8, v14;
	v21 =	vsel vm5, v3, v15  }
0x7e: {  	v8 =	vsel vm4, v14, v8;
	vm6 =	vgt.f32 v12, v0;
	vm7 =	vgt.f32 v21, v7  }
0x7f: {  	v0 =	vsel vm6, v12, v0;
	v2 =	vsel vm6, v8, v2;
	v8 =	vsel vm7, v7, v21  }
0x80: {  	v12 =	vsel vm5, $0xA, v6;
	v6 =	vnsel vm5, $0xA, v6;
	vm8 =	vgt.f32 v8, v4  }
0x81: {  	v3 =	vsel vm5, v15, v3;
	v14 =	vsel vm7, v6, v19;
	v15 =	vsel vm8, v4, v8  }
0x82: {  	v6 =	vsel vm7, v19, v6;
	v4 =	vsel vm8, v8, v4;
	vm9 =	vgt.f32 v15, v11  }
0x83: {  	v19 =	vld.idx.msk [tilespmem:v37+s1+$0x0], $0xffff;
	v8 =	vsel vm8, v6, v5;
	v5 =	vsel vm8, v5, v6;
	v6 =	vsel vm9, v11, v15  }
0x84: {  	v11 =	vsel vm9, v15, v11;
	v15 =	vsel vm9, v5, v17;
	vm10 =	vgt.f32 v6, v9  }
0x85: {  	v5 =	vsel vm9, v17, v5;
	v17 =	vsel vm10, v6, v9;
	v6 =	vsel vm10, v9, v6  }
0x86: {  	v9 =	vsel vm10, v5, v10;
	vm11 =	vgt.f32 v6, v16  }
0x87: {  	v5 =	vsel vm10, v10, v5;
	v10 =	vsel vm11, v6, v16;
	v6 =	vsel vm11, v16, v6  }
0x88: {  	v7 =	vsel vm7, v21, v7;
	vm13 =	vgt.f32 v19, v3;
	vm12 =	vgt.f32 v6, v18  }
0x89: {  	v16 =	vsel vm11, v5, v20;
	v5 =	vsel vm11, v20, v5;
	v20 =	vsel vm12, v6, v18  }
0x8a: {  	v6 =	vsel vm12, v18, v6;
	v18 =	vsel vm13, v3, v19;
	v21 =	vsel vm12, v5, v13  }
0x8b: {  	v5 =	vsel vm12, v13, v5;
	vm14 =	vgt.f32 v6, v0;
	vm15 =	vgt.f32 v18, v7  }
0x8c: {  	v0 =	vsel vm14, v6, v0;
	v6 =	vsel vm15, v7, v18;
	v2 =	vsel vm14, v5, v2  }
0x8d: {  	v5 =	vsel vm13, $0xB, v12;
	v12 =	vnsel vm13, $0xB, v12;
	vm4 =	vgt.f32 v6, v4  }
0x8e: {  	v7 =	vsel vm15, v18, v7;
	v18 =	vsel vm15, v12, v14;
	v13 =	vsel vm4, v4, v6  }
0x8f: {  	v12 =	vsel vm15, v14, v12;
	v4 =	vsel vm4, v6, v4;
	vm5 =	vgt.f32 v13, v11  }
0x90: {  	v14 =	vsel vm4, v12, v8;
	v8 =	vsel vm4, v8, v12;
	v12 =	vld.idx.msk [tilespmem:v38+s1+$0x0], $0xffff;
	v6 =	vsel vm5, v11, v13  }
0x91: {  	v3 =	vsel vm13, v19, v3;
	vm6 =	vgt.f32 v6, v17  }
0x92: {  	v11 =	vsel vm5, v13, v11;
	v13 =	vsel vm5, v8, v15;
	v19 =	vsel vm6, v17, v6  }
0x93: {  	v8 =	vsel vm5, v15, v8;
	v6 =	vsel vm6, v6, v17;
	vm7 =	vgt.f32 v19, v10  }
0x94: {  	v15 =	vsel vm6, v8, v9;
	v8 =	vsel vm6, v9, v8;
	v9 =	vsel vm7, v10, v19  }
0x95: {  	vm9 =	vgt.f32 v12, v3;
	v10 =	vsel vm7, v19, v10;
	vm8 =	vgt.f32 v9, v20  }
0x96: {  	v17 =	vsel vm7, v8, v16;
	v8 =	vsel vm7, v16, v8;
	v16 =	vsel vm8, v9, v20  }
0x97: {  	v9 =	vsel vm8, v20, v9;
	v19 =	vsel vm8, v8, v21;
	v20 =	vsel vm9, v3, v12  }
0x98: {  	v8 =	vsel vm8, v21, v8;
	vm10 =	vgt.f32 v9, v0;
	vm11 =	vgt.f32 v20, v7  }
0x99: {  	v3 =	vsel vm9, v12, v3;
	v2 =	vsel vm10, v8, v2;
	v8 =	vsel vm11, v7, v20  }
0x9a: {  	v0 =	vsel vm10, v9, v0;
	v9 =	vsel vm9, $0xC, v5;
	vm12 =	vgt.f32 v8, v4  }
0x9b: {  	v5 =	vnsel vm9, $0xC, v5;
	v7 =	vsel vm11, v20, v7;
	v12 =	vsel vm12, v4, v8  }
0x9c: {  	v20 =	vsel vm11, v5, v18;
	v5 =	vsel vm11, v18, v5;
	vm13 =	vgt.f32 v12, v11  }
0x9d: {  	v4 =	vsel vm12, v8, v4;
	v8 =	vsel vm12, v5, v14;
	v18 =	vsel vm13, v11, v12  }
0x9e: {  	v5 =	vsel vm12, v14, v5;
	v11 =	vsel vm13, v12, v11;
	v12 =	vld.idx.msk [tilespmem:v39+s1+$0x0], $0xffff;
	vm14 =	vgt.f32 v18, v6  }
0x9f: {  	v14 =	vsel vm13, v5, v13;
	v5 =	vsel vm13, v13, v5;
	v13 =	vsel vm14, v6, v18  }
0xa0: {  	v6 =	vsel vm14, v18, v6;
	v18 =	vsel vm14, v5, v15;
	vm15 =	vgt.f32 v13, v10  }
0xa1: {  	v5 =	vsel vm14, v15, v5;
	v15 =	vsel vm15, v13, v10;
	v10 =	vsel vm15, v10, v13  }
0xa2: {  	v13 =	vsel vm15, v5, v17;
	vm4 =	vgt.f32 v10, v16  }
0xa3: {  	v5 =	vsel vm15, v17, v5;
	vm5 =	vgt.f32 v12, v3;
	v17 =	vsel vm4, v10, v16  }
0xa4: {  	v10 =	vsel vm4, v16, v10;
	v16 =	vsel vm4, v5, v19;
	v21 =	vsel vm5, v3, v12  }
0xa5: {  	v5 =	vsel vm4, v19, v5;
	vm6 =	vgt.f32 v10, v0;
	vm7 =	vgt.f32 v21, v7  }
0xa6: {  	v0 =	vsel vm6, v10, v0;
	v2 =	vsel vm6, v5, v2;
	v5 =	vsel vm7, v7, v21  }
0xa7: {  	v10 =	vsel vm5, $0xD, v9;
	v9 =	vnsel vm5, $0xD, v9;
	vm8 =	vgt.f32 v5, v4  }
0xa8: {  	v3 =	vsel vm5, v12, v3;
	v12 =	vsel vm7, v9, v20;
	v19 =	vsel vm8, v4, v5  }
0xa9: {  	v9 =	vsel vm7, v20, v9;
	v4 =	vsel vm8, v5, v4;
	vm9 =	vgt.f32 v19, v11  }
0xaa: {  	v20 =	vld.idx.msk [tilespmem:v31+s1+$0x0], $0xffff;
	v5 =	vsel vm8, v9, v8;
	v8 =	vsel vm8, v8, v9;
	v9 =	vsel vm9, v11, v19  }
0xab: {  	v11 =	vsel vm9, v19, v11;
	v19 =	vsel vm9, v8, v14;
	vm10 =	vgt.f32 v9, v6  }
0xac: {  	v8 =	vsel vm9, v14, v8;
	v14 =	vsel vm10, v9, v6;
	v6 =	vsel vm10, v6, v9  }
0xad: {  	v9 =	vsel vm10, v8, v18;
	vm11 =	vgt.f32 v6, v15  }
0xae: {  	v8 =	vsel vm10, v18, v8;
	v18 =	vsel vm11, v6, v15;
	v6 =	vsel vm11, v15, v6  }
0xaf: {  	v7 =	vsel vm7, v21, v7;
	vm13 =	vgt.f32 v20, v3;
	vm12 =	vgt.f32 v6, v17  }
0xb0: {  	v15 =	vsel vm11, v8, v13;
	v8 =	vsel vm11, v13, v8;
	v13 =	vsel vm12, v6, v17  }
0xb1: {  	v6 =	vsel vm12, v17, v6;
	v17 =	vsel vm13, v3, v20;
	v21 =	vsel vm12, v8, v16  }
0xb2: {  	v8 =	vsel vm12, v16, v8;
	vm14 =	vgt.f32 v6, v0;
	vm15 =	vgt.f32 v17, v7  }
0xb3: {  	v0 =	vsel vm14, v6, v0;
	v6 =	vsel vm15, v7, v17;
	v2 =	vsel vm14, v8, v2  }
0xb4: {  	v8 =	vsel vm13, $0xE, v10;
	v10 =	vnsel vm13, $0xE, v10;
	v7 =	vsel vm15, v17, v7  }
0xb5: {  	vm4 =	vgt.f32 v6, v4;
	v17 =	vsel vm15, v10, v12;
	v10 =	vsel vm15, v12, v10  }
0xb6: {  	v16 =	vsel vm4, v4, v6;
	v12 =	vsel vm4, v10, v5;
	v5 =	vsel vm4, v5, v10;
	v10 =	vld.idx.msk [tilespmem:v41+s1+$0x0], $0xffff  }
0xb7: {  	v3 =	vsel vm13, v20, v3;
	vm5 =	vgt.f32 v16, v11  }
0xb8: {  	v4 =	vsel vm4, v6, v4;
	v6 =	vsel vm5, v11, v16;
	v11 =	vsel vm5, v16, v11  }
0xb9: {  	v16 =	vsel vm5, v5, v19;
	v5 =	vsel vm5, v19, v5;
	vm6 =	vgt.f32 v6, v14  }
0xba: {  	v20 =	vsel vm6, v14, v6;
	v6 =	vsel vm6, v6, v14;
	v14 =	vsel vm6, v5, v9  }
0xbb: {  	v5 =	vsel vm6, v9, v5;
	vm7 =	vgt.f32 v20, v18;
	vm9 =	vgt.f32 v10, v3  }
0xbc: {  	v9 =	vsel vm7, v18, v20;
	v18 =	vsel vm7, v20, v18;
	v19 =	vsel vm7, v5, v15  }
0xbd: {  	v5 =	vsel vm7, v15, v5;
	v20 =	vsel vm9, v3, v10;
	vm8 =	vgt.f32 v9, v13  }
0xbe: {  	vm11 =	vgt.f32 v20, v7;
	v15 =	vsel vm8, v9, v13;
	v9 =	vsel vm8, v13, v9  }
0xbf: {  	v13 =	vsel vm8, v5, v21;
	v5 =	vsel vm8, v21, v5;
	vm10 =	vgt.f32 v9, v0  }
0xc0: {  	v3 =	vsel vm9, v10, v3;
	v2 =	vsel vm10, v5, v2;
	v5 =	vsel vm11, v7, v20  }
0xc1: {  	v0 =	vsel vm10, v9, v0;
	v9 =	vsel vm9, $0xF, v8;
	vm12 =	vgt.f32 v5, v4  }
0xc2: {  	v8 =	vnsel vm9, $0xF, v8;
	v7 =	vsel vm11, v20, v7;
	v10 =	vsel vm12, v4, v5  }
0xc3: {  	v20 =	vsel vm11, v8, v17;
	v8 =	vsel vm11, v17, v8;
	vm13 =	vgt.f32 v10, v11  }
0xc4: {  	v4 =	vsel vm12, v5, v4;
	v5 =	vsel vm12, v8, v12;
	v17 =	vsel vm13, v11, v10  }
0xc5: {  	v8 =	vsel vm12, v12, v8;
	v10 =	vsel vm13, v10, v11;
	v11 =	vld.idx.msk [tilespmem:v42+s1+$0x0], $0xffff;
	vm14 =	vgt.f32 v17, v6  }
0xc6: {  	v12 =	vsel vm13, v8, v16;
	v8 =	vsel vm13, v16, v8;
	v16 =	vsel vm14, v6, v17  }
0xc7: {  	v6 =	vsel vm14, v17, v6;
	v17 =	vsel vm14, v8, v14;
	vm15 =	vgt.f32 v16, v18  }
0xc8: {  	v8 =	vsel vm14, v14, v8;
	v14 =	vsel vm15, v16, v18;
	v16 =	vsel vm15, v18, v16  }
0xc9: {  	v18 =	vsel vm15, v8, v19;
	vm4 =	vgt.f32 v16, v15  }
0xca: {  	v8 =	vsel vm15, v19, v8;
	vm5 =	vgt.f32 v11, v3;
	v19 =	vsel vm4, v16, v15  }
0xcb: {  	v15 =	vsel vm4, v15, v16;
	v16 =	vsel vm4, v8, v13;
	v21 =	vsel vm5, v3, v11  }
0xcc: {  	v8 =	vsel vm4, v13, v8;
	vm6 =	vgt.f32 v15, v0;
	vm7 =	vgt.f32 v21, v7  }
0xcd: {  	v3 =	vsel vm5, v11, v3;
	v2 =	vsel vm6, v8, v2;
	v8 =	vsel vm7, v7, v21  }
0xce: {  	v11 =	vsel vm5, $0x10, v9;
	v9 =	vnsel vm5, $0x10, v9;
	vm8 =	vgt.f32 v8, v4  }
0xcf: {  	v0 =	vsel vm6, v15, v0;
	v13 =	vsel vm7, v9, v20;
	v15 =	vsel vm8, v4, v8  }
0xd0: {  	v9 =	vsel vm7, v20, v9;
	v4 =	vsel vm8, v8, v4;
	vm9 =	vgt.f32 v15, v10  }
0xd1: {  	v20 =	vld.idx.msk [tilespmem:v43+s1+$0x0], $0xffff;
	v8 =	vsel vm8, v9, v5;
	v5 =	vsel vm8, v5, v9;
	v9 =	vsel vm9, v10, v15  }
0xd2: {  	v10 =	vsel vm9, v15, v10;
	v15 =	vsel vm9, v5, v12;
	vm10 =	vgt.f32 v9, v6  }
0xd3: {  	v5 =	vsel vm9, v12, v5;
	v12 =	vsel vm10, v9, v6;
	v6 =	vsel vm10, v6, v9  }
0xd4: {  	v9 =	vsel vm10, v5, v17;
	vm11 =	vgt.f32 v6, v14  }
0xd5: {  	v5 =	vsel vm10, v17, v5;
	v17 =	vsel vm11, v6, v14;
	v6 =	vsel vm11, v14, v6  }
0xd6: {  	v7 =	vsel vm7, v21, v7;
	vm13 =	vgt.f32 v20, v3;
	vm12 =	vgt.f32 v6, v19  }
0xd7: {  	v14 =	vsel vm11, v5, v18;
	v5 =	vsel vm11, v18, v5;
	v18 =	vsel vm12, v6, v19  }
0xd8: {  	v6 =	vsel vm12, v19, v6;
	v19 =	vsel vm13, v3, v20;
	v21 =	vsel vm12, v5, v16  }
0xd9: {  	v5 =	vsel vm12, v16, v5;
	vm14 =	vgt.f32 v6, v0;
	vm15 =	vgt.f32 v19, v7  }
0xda: {  	v0 =	vsel vm14, v6, v0;
	v6 =	vsel vm15, v7, v19;
	v2 =	vsel vm14, v5, v2  }
0xdb: {  	v5 =	vsel vm13, $0x11, v11;
	v11 =	vnsel vm13, $0x11, v11;
	v7 =	vsel vm15, v19, v7  }
0xdc: {  	vm4 =	vgt.f32 v6, v4;
	v19 =	vsel vm15, v11, v13;
	v11 =	vsel vm15, v13, v11  }
0xdd: {  	v16 =	vsel vm4, v4, v6;
	v13 =	vsel vm4, v11, v8;
	v8 =	vsel vm4, v8, v11;
	v11 =	vld.idx.msk [tilespmem:v44+s1+$0x0], $0xffff  }
0xde: {  	v3 =	vsel vm13, v20, v3;
	vm5 =	vgt.f32 v16, v10  }
0xdf: {  	v4 =	vsel vm4, v6, v4;
	v6 =	vsel vm5, v10, v16;
	v10 =	vsel vm5, v16, v10  }
0xe0: {  	v16 =	vsel vm5, v8, v15;
	v8 =	vsel vm5, v15, v8;
	vm6 =	vgt.f32 v6, v12  }
0xe1: {  	v20 =	vsel vm6, v12, v6;
	v6 =	vsel vm6, v6, v12;
	v12 =	vsel vm6, v8, v9  }
0xe2: {  	v8 =	vsel vm6, v9, v8;
	vm7 =	vgt.f32 v20, v17;
	vm9 =	vgt.f32 v11, v3  }
0xe3: {  	v9 =	vsel vm7, v17, v20;
	v15 =	vsel vm7, v20, v17;
	v17 =	vsel vm7, v8, v14  }
0xe4: {  	v8 =	vsel vm7, v14, v8;
	v20 =	vsel vm9, v3, v11;
	vm8 =	vgt.f32 v9, v18  }
0xe5: {  	vm11 =	vgt.f32 v20, v7;
	v14 =	vsel vm8, v9, v18;
	v9 =	vsel vm8, v18, v9  }
0xe6: {  	v18 =	vsel vm8, v8, v21;
	v8 =	vsel vm8, v21, v8;
	vm10 =	vgt.f32 v9, v0  }
0xe7: {  	v3 =	vsel vm9, v11, v3;
	v2 =	vsel vm10, v8, v2;
	v8 =	vsel vm11, v7, v20  }
0xe8: {  	v0 =	vsel vm10, v9, v0;
	v9 =	vsel vm9, $0x12, v5;
	vm12 =	vgt.f32 v8, v4  }
0xe9: {  	v5 =	vnsel vm9, $0x12, v5;
	v7 =	vsel vm11, v20, v7;
	v11 =	vsel vm12, v4, v8  }
0xea: {  	v20 =	vsel vm11, v5, v19;
	v5 =	vsel vm11, v19, v5;
	vm13 =	vgt.f32 v11, v10  }
0xeb: {  	v4 =	vsel vm12, v8, v4;
	v8 =	vsel vm12, v5, v13;
	v19 =	vsel vm13, v10, v11  }
0xec: {  	v5 =	vsel vm12, v13, v5;
	v10 =	vsel vm13, v11, v10;
	v11 =	vld.idx.msk [tilespmem:v45+s1+$0x0], $0xffff;
	vm14 =	vgt.f32 v19, v6  }
0xed: {  	v13 =	vsel vm13, v5, v16;
	v5 =	vsel vm13, v16, v5;
	v16 =	vsel vm14, v6, v19  }
0xee: {  	v6 =	vsel vm14, v19, v6;
	v19 =	vsel vm14, v5, v12;
	vm15 =	vgt.f32 v16, v15  }
0xef: {  	v5 =	vsel vm14, v12, v5;
	v12 =	vsel vm15, v16, v15;
	v15 =	vsel vm15, v15, v16  }
0xf0: {  	v16 =	vsel vm15, v5, v17;
	vm4 =	vgt.f32 v15, v14  }
0xf1: {  	v5 =	vsel vm15, v17, v5;
	vm5 =	vgt.f32 v11, v3;
	v17 =	vsel vm4, v15, v14  }
0xf2: {  	v14 =	vsel vm4, v14, v15;
	v15 =	vsel vm4, v5, v18;
	v21 =	vsel vm5, v3, v11  }
0xf3: {  	v5 =	vsel vm4, v18, v5;
	vm6 =	vgt.f32 v14, v0;
	vm7 =	vgt.f32 v21, v7  }
0xf4: {  	v3 =	vsel vm5, v11, v3;
	v2 =	vsel vm6, v5, v2;
	v5 =	vsel vm7, v7, v21  }
0xf5: {  	v11 =	vsel vm5, $0x13, v9;
	v9 =	vnsel vm5, $0x13, v9;
	vm8 =	vgt.f32 v5, v4  }
0xf6: {  	v0 =	vsel vm6, v14, v0;
	v14 =	vsel vm7, v9, v20;
	v18 =	vsel vm8, v4, v5  }
0xf7: {  	v9 =	vsel vm7, v20, v9;
	v4 =	vsel vm8, v5, v4;
	vm9 =	vgt.f32 v18, v10  }
0xf8: {  	v20 =	vld.idx.msk [tilespmem:v46+s1+$0x0], $0xffff;
	v5 =	vsel vm8, v9, v8;
	v8 =	vsel vm8, v8, v9;
	v9 =	vsel vm9, v10, v18  }
0xf9: {  	v10 =	vsel vm9, v18, v10;
	v18 =	vsel vm9, v8, v13;
	vm10 =	vgt.f32 v9, v6  }
0xfa: {  	v8 =	vsel vm9, v13, v8;
	v13 =	vsel vm10, v9, v6;
	v6 =	vsel vm10, v6, v9  }
0xfb: {  	v9 =	vsel vm10, v8, v19;
	vm11 =	vgt.f32 v6, v12  }
0xfc: {  	v8 =	vsel vm10, v19, v8;
	v19 =	vsel vm11, v6, v12;
	v6 =	vsel vm11, v12, v6  }
0xfd: {  	v7 =	vsel vm7, v21, v7;
	vm13 =	vgt.f32 v20, v3;
	vm12 =	vgt.f32 v6, v17  }
0xfe: {  	v12 =	vsel vm11, v8, v16;
	v8 =	vsel vm11, v16, v8;
	v16 =	vsel vm12, v6, v17  }
0xff: {  	v6 =	vsel vm12, v17, v6;
	v17 =	vsel vm13, v3, v20;
	v21 =	vsel vm12, v8, v15  }
0x100: {  	v8 =	vsel vm12, v15, v8;
	vm14 =	vgt.f32 v6, v0;
	vm15 =	vgt.f32 v17, v7  }
0x101: {  	v0 =	vsel vm14, v6, v0;
	v6 =	vsel vm15, v7, v17;
	v2 =	vsel vm14, v8, v2  }
0x102: {  	v8 =	vsel vm13, $0x14, v11;
	v11 =	vnsel vm13, $0x14, v11;
	v7 =	vsel vm15, v17, v7  }
0x103: {  	vm4 =	vgt.f32 v6, v4;
	v17 =	vsel vm15, v11, v14;
	v11 =	vsel vm15, v14, v11  }
0x104: {  	v15 =	vsel vm4, v4, v6;
	v14 =	vsel vm4, v11, v5;
	v5 =	vsel vm4, v5, v11;
	v11 =	vld.idx.msk [tilespmem:v47+s1+$0x0], $0xffff  }
0x105: {  	v3 =	vsel vm13, v20, v3;
	vm5 =	vgt.f32 v15, v10  }
0x106: {  	v4 =	vsel vm4, v6, v4;
	v6 =	vsel vm5, v10, v15;
	v10 =	vsel vm5, v15, v10  }
0x107: {  	v15 =	vsel vm5, v5, v18;
	v5 =	vsel vm5, v18, v5;
	vm6 =	vgt.f32 v6, v13  }
0x108: {  	v20 =	vsel vm6, v13, v6;
	v6 =	vsel vm6, v6, v13;
	v13 =	vsel vm6, v5, v9  }
0x109: {  	v5 =	vsel vm6, v9, v5;
	vm7 =	vgt.f32 v20, v19;
	vm9 =	vgt.f32 v11, v3  }
0x10a: {  	v9 =	vsel vm7, v19, v20;
	v18 =	vsel vm7, v20, v19;
	v19 =	vsel vm7, v5, v12  }
0x10b: {  	v5 =	vsel vm7, v12, v5;
	v20 =	vsel vm9, v3, v11;
	vm8 =	vgt.f32 v9, v16  }
0x10c: {  	vm11 =	vgt.f32 v20, v7;
	v12 =	vsel vm8, v9, v16;
	v9 =	vsel vm8, v16, v9  }
0x10d: {  	v16 =	vsel vm8, v5, v21;
	v5 =	vsel vm8, v21, v5;
	vm10 =	vgt.f32 v9, v0  }
0x10e: {  	v3 =	vsel vm9, v11, v3;
	v2 =	vsel vm10, v5, v2;
	v5 =	vsel vm11, v7, v20  }
0x10f: {  	v0 =	vsel vm10, v9, v0;
	v9 =	vsel vm9, $0x15, v8;
	vm12 =	vgt.f32 v5, v4  }
0x110: {  	v8 =	vnsel vm9, $0x15, v8;
	v7 =	vsel vm11, v20, v7;
	v11 =	vsel vm12, v4, v5  }
0x111: {  	v20 =	vsel vm11, v8, v17;
	v8 =	vsel vm11, v17, v8;
	vm13 =	vgt.f32 v11, v10  }
0x112: {  	v4 =	vsel vm12, v5, v4;
	v5 =	vsel vm12, v8, v14;
	v17 =	vsel vm13, v10, v11  }
0x113: {  	v8 =	vsel vm12, v14, v8;
	v10 =	vsel vm13, v11, v10;
	v11 =	vld.idx.msk [tilespmem:v48+s1+$0x0], $0xffff;
	vm14 =	vgt.f32 v17, v6  }
0x114: {  	v14 =	vsel vm13, v8, v15;
	v8 =	vsel vm13, v15, v8;
	v15 =	vsel vm14, v6, v17  }
0x115: {  	v6 =	vsel vm14, v17, v6;
	v17 =	vsel vm14, v8, v13;
	vm15 =	vgt.f32 v15, v18  }
0x116: {  	v8 =	vsel vm14, v13, v8;
	v13 =	vsel vm15, v15, v18;
	v15 =	vsel vm15, v18, v15  }
0x117: {  	v18 =	vsel vm15, v8, v19;
	vm4 =	vgt.f32 v15, v12  }
0x118: {  	v8 =	vsel vm15, v19, v8;
	vm5 =	vgt.f32 v11, v3;
	v19 =	vsel vm4, v15, v12  }
0x119: {  	v12 =	vsel vm4, v12, v15;
	v15 =	vsel vm4, v8, v16;
	v21 =	vsel vm5, v3, v11  }
0x11a: {  	v8 =	vsel vm4, v16, v8;
	vm6 =	vgt.f32 v12, v0;
	vm7 =	vgt.f32 v21, v7  }
0x11b: {  	v3 =	vsel vm5, v11, v3;
	v2 =	vsel vm6, v8, v2;
	v8 =	vsel vm7, v7, v21  }
0x11c: {  	v11 =	vsel vm5, $0x16, v9;
	v9 =	vnsel vm5, $0x16, v9;
	vm8 =	vgt.f32 v8, v4  }
0x11d: {  	v0 =	vsel vm6, v12, v0;
	v12 =	vsel vm7, v9, v20;
	v16 =	vsel vm8, v4, v8  }
0x11e: {  	v9 =	vsel vm7, v20, v9;
	v4 =	vsel vm8, v8, v4;
	vm9 =	vgt.f32 v16, v10  }
0x11f: {  	v20 =	vld.idx.msk [tilespmem:v49+s1+$0x0], $0xffff;
	v8 =	vsel vm8, v9, v5;
	v5 =	vsel vm8, v5, v9;
	v9 =	vsel vm9, v10, v16  }
0x120: {  	v10 =	vsel vm9, v16, v10;
	v16 =	vsel vm9, v5, v14;
	vm10 =	vgt.f32 v9, v6  }
0x121: {  	v5 =	vsel vm9, v14, v5;
	v14 =	vsel vm10, v9, v6;
	v6 =	vsel vm10, v6, v9  }
0x122: {  	v9 =	vsel vm10, v5, v17;
	vm11 =	vgt.f32 v6, v13  }
0x123: {  	v5 =	vsel vm10, v17, v5;
	v17 =	vsel vm11, v6, v13;
	v6 =	vsel vm11, v13, v6  }
0x124: {  	v7 =	vsel vm7, v21, v7;
	vm13 =	vgt.f32 v20, v3;
	vm12 =	vgt.f32 v6, v19  }
0x125: {  	v13 =	vsel vm11, v5, v18;
	v5 =	vsel vm11, v18, v5;
	v18 =	vsel vm12, v6, v19  }
0x126: {  	v6 =	vsel vm12, v19, v6;
	v19 =	vsel vm13, v3, v20;
	v21 =	vsel vm12, v5, v15  }
0x127: {  	v5 =	vsel vm12, v15, v5;
	vm14 =	vgt.f32 v6, v0;
	vm15 =	vgt.f32 v19, v7  }
0x128: {  	v0 =	vsel vm14, v6, v0;
	v6 =	vsel vm15, v7, v19;
	v2 =	vsel vm14, v5, v2  }
0x129: {  	v5 =	vsel vm13, $0x17, v11;
	v11 =	vnsel vm13, $0x17, v11;
	v7 =	vsel vm15, v19, v7  }
0x12a: {  	vm4 =	vgt.f32 v6, v4;
	v19 =	vsel vm15, v11, v12;
	v11 =	vsel vm15, v12, v11  }
0x12b: {  	v15 =	vsel vm4, v4, v6;
	v12 =	vsel vm4, v11, v8;
	v8 =	vsel vm4, v8, v11;
	v11 =	vld.idx.msk [tilespmem:v50+s1+$0x0], $0xffff  }
0x12c: {  	v3 =	vsel vm13, v20, v3;
	vm5 =	vgt.f32 v15, v10  }
0x12d: {  	v4 =	vsel vm4, v6, v4;
	v6 =	vsel vm5, v10, v15;
	v10 =	vsel vm5, v15, v10  }
0x12e: {  	v15 =	vsel vm5, v8, v16;
	v8 =	vsel vm5, v16, v8;
	vm6 =	vgt.f32 v6, v14  }
0x12f: {  	v20 =	vsel vm6, v14, v6;
	v6 =	vsel vm6, v6, v14;
	v14 =	vsel vm6, v8, v9  }
0x130: {  	v8 =	vsel vm6, v9, v8;
	vm7 =	vgt.f32 v20, v17;
	vm9 =	vgt.f32 v11, v3  }
0x131: {  	v9 =	vsel vm7, v17, v20;
	v16 =	vsel vm7, v20, v17;
	v17 =	vsel vm7, v8, v13  }
0x132: {  	v8 =	vsel vm7, v13, v8;
	v20 =	vsel vm9, v3, v11;
	vm8 =	vgt.f32 v9, v18  }
0x133: {  	vm11 =	vgt.f32 v20, v7;
	v13 =	vsel vm8, v9, v18;
	v9 =	vsel vm8, v18, v9  }
0x134: {  	v18 =	vsel vm8, v8, v21;
	v8 =	vsel vm8, v21, v8;
	vm10 =	vgt.f32 v9, v0  }
0x135: {  	v3 =	vsel vm9, v11, v3;
	v2 =	vsel vm10, v8, v2;
	v8 =	vsel vm11, v7, v20  }
0x136: {  	v0 =	vsel vm10, v9, v0;
	v9 =	vsel vm9, $0x18, v5;
	vm12 =	vgt.f32 v8, v4  }
0x137: {  	v5 =	vnsel vm9, $0x18, v5;
	v7 =	vsel vm11, v20, v7;
	v11 =	vsel vm12, v4, v8  }
0x138: {  	v20 =	vsel vm11, v5, v19;
	v5 =	vsel vm11, v19, v5;
	vm13 =	vgt.f32 v11, v10  }
0x139: {  	v4 =	vsel vm12, v8, v4;
	v8 =	vsel vm12, v5, v12;
	v19 =	vsel vm13, v10, v11  }
0x13a: {  	v5 =	vsel vm12, v12, v5;
	v10 =	vsel vm13, v11, v10;
	v11 =	vld.idx.msk [tilespmem:v51+s1+$0x0], $0xffff;
	vm14 =	vgt.f32 v19, v6  }
0x13b: {  	v12 =	vsel vm13, v5, v15;
	v5 =	vsel vm13, v15, v5;
	v15 =	vsel vm14, v6, v19  }
0x13c: {  	v6 =	vsel vm14, v19, v6;
	v19 =	vsel vm14, v5, v14;
	vm15 =	vgt.f32 v15, v16  }
0x13d: {  	v5 =	vsel vm14, v14, v5;
	v14 =	vsel vm15, v15, v16;
	v15 =	vsel vm15, v16, v15  }
0x13e: {  	v16 =	vsel vm15, v5, v17;
	vm4 =	vgt.f32 v15, v13  }
0x13f: {  	v5 =	vsel vm15, v17, v5;
	vm5 =	vgt.f32 v11, v3;
	v17 =	vsel vm4, v15, v13  }
0x140: {  	v13 =	vsel vm4, v13, v15;
	v15 =	vsel vm4, v5, v18;
	v21 =	vsel vm5, v3, v11  }
0x141: {  	v5 =	vsel vm4, v18, v5;
	vm6 =	vgt.f32 v13, v0;
	vm7 =	vgt.f32 v21, v7  }
0x142: {  	v3 =	vsel vm5, v11, v3;
	v2 =	vsel vm6, v5, v2;
	v5 =	vsel vm7, v7, v21  }
0x143: {  	v11 =	vsel vm5, $0x19, v9;
	v9 =	vnsel vm5, $0x19, v9;
	vm8 =	vgt.f32 v5, v4  }
0x144: {  	v0 =	vsel vm6, v13, v0;
	v13 =	vsel vm7, v9, v20;
	v18 =	vsel vm8, v4, v5  }
0x145: {  	v9 =	vsel vm7, v20, v9;
	v4 =	vsel vm8, v5, v4;
	vm9 =	vgt.f32 v18, v10  }
0x146: {  	v20 =	vld.idx.msk [tilespmem:v52+s1+$0x0], $0xffff;
	v5 =	vsel vm8, v9, v8;
	v8 =	vsel vm8, v8, v9;
	v9 =	vsel vm9, v10, v18  }
0x147: {  	v10 =	vsel vm9, v18, v10;
	v18 =	vsel vm9, v8, v12;
	vm10 =	vgt.f32 v9, v6  }
0x148: {  	v8 =	vsel vm9, v12, v8;
	v12 =	vsel vm10, v9, v6;
	v6 =	vsel vm10, v6, v9  }
0x149: {  	v9 =	vsel vm10, v8, v19;
	vm11 =	vgt.f32 v6, v14  }
0x14a: {  	v8 =	vsel vm10, v19, v8;
	v19 =	vsel vm11, v6, v14;
	v6 =	vsel vm11, v14, v6  }
0x14b: {  	v7 =	vsel vm7, v21, v7;
	vm13 =	vgt.f32 v20, v3;
	vm12 =	vgt.f32 v6, v17  }
0x14c: {  	v14 =	vsel vm11, v8, v16;
	v8 =	vsel vm11, v16, v8;
	v16 =	vsel vm12, v6, v17  }
0x14d: {  	v6 =	vsel vm12, v17, v6;
	v17 =	vsel vm13, v3, v20;
	v21 =	vsel vm12, v8, v15  }
0x14e: {  	v8 =	vsel vm12, v15, v8;
	vm14 =	vgt.f32 v6, v0;
	vm15 =	vgt.f32 v17, v7  }
0x14f: {  	v0 =	vsel vm14, v6, v0;
	v6 =	vsel vm15, v7, v17;
	v2 =	vsel vm14, v8, v2  }
0x150: {  	v8 =	vsel vm13, $0x1A, v11;
	v11 =	vnsel vm13, $0x1A, v11;
	v7 =	vsel vm15, v17, v7  }
0x151: {  	vm4 =	vgt.f32 v6, v4;
	v17 =	vsel vm15, v11, v13;
	v11 =	vsel vm15, v13, v11  }
0x152: {  	v15 =	vsel vm4, v4, v6;
	v13 =	vsel vm4, v11, v5;
	v5 =	vsel vm4, v5, v11;
	v11 =	vld.idx.msk [tilespmem:v53+s1+$0x0], $0xffff  }
0x153: {  	v3 =	vsel vm13, v20, v3;
	vm5 =	vgt.f32 v15, v10  }
0x154: {  	v4 =	vsel vm4, v6, v4;
	v6 =	vsel vm5, v10, v15;
	v10 =	vsel vm5, v15, v10  }
0x155: {  	v15 =	vsel vm5, v5, v18;
	v5 =	vsel vm5, v18, v5;
	vm6 =	vgt.f32 v6, v12  }
0x156: {  	v20 =	vsel vm6, v12, v6;
	v6 =	vsel vm6, v6, v12;
	v12 =	vsel vm6, v5, v9  }
0x157: {  	v5 =	vsel vm6, v9, v5;
	vm7 =	vgt.f32 v20, v19;
	vm9 =	vgt.f32 v11, v3  }
0x158: {  	v9 =	vsel vm7, v19, v20;
	v18 =	vsel vm7, v20, v19;
	v19 =	vsel vm7, v5, v14  }
0x159: {  	v5 =	vsel vm7, v14, v5;
	v20 =	vsel vm9, v3, v11;
	vm8 =	vgt.f32 v9, v16  }
0x15a: {  	vm11 =	vgt.f32 v20, v7;
	v14 =	vsel vm8, v9, v16;
	v9 =	vsel vm8, v16, v9  }
0x15b: {  	v16 =	vsel vm8, v5, v21;
	v5 =	vsel vm8, v21, v5;
	vm10 =	vgt.f32 v9, v0  }
0x15c: {  	v3 =	vsel vm9, v11, v3;
	v2 =	vsel vm10, v5, v2;
	v5 =	vsel vm11, v7, v20  }
0x15d: {  	v0 =	vsel vm10, v9, v0;
	v9 =	vsel vm9, $0x1B, v8;
	vm12 =	vgt.f32 v5, v4  }
0x15e: {  	v8 =	vnsel vm9, $0x1B, v8;
	v7 =	vsel vm11, v20, v7;
	v11 =	vsel vm12, v4, v5  }
0x15f: {  	v20 =	vsel vm11, v8, v17;
	v8 =	vsel vm11, v17, v8;
	vm13 =	vgt.f32 v11, v10  }
0x160: {  	v4 =	vsel vm12, v5, v4;
	v5 =	vsel vm12, v8, v13;
	v17 =	vsel vm13, v10, v11  }
0x161: {  	v8 =	vsel vm12, v13, v8;
	v10 =	vsel vm13, v11, v10;
	v11 =	vld.idx.msk [tilespmem:v54+s1+$0x0], $0xffff;
	vm14 =	vgt.f32 v17, v6  }
0x162: {  	v13 =	vsel vm13, v8, v15;
	v8 =	vsel vm13, v15, v8;
	v15 =	vsel vm14, v6, v17  }
0x163: {  	v6 =	vsel vm14, v17, v6;
	v17 =	vsel vm14, v8, v12;
	vm15 =	vgt.f32 v15, v18  }
0x164: {  	v8 =	vsel vm14, v12, v8;
	v12 =	vsel vm15, v15, v18;
	v15 =	vsel vm15, v18, v15  }
0x165: {  	v18 =	vsel vm15, v8, v19;
	vm4 =	vgt.f32 v15, v14  }
0x166: {  	v8 =	vsel vm15, v19, v8;
	vm5 =	vgt.f32 v11, v3;
	v19 =	vsel vm4, v15, v14  }
0x167: {  	v14 =	vsel vm4, v14, v15;
	v15 =	vsel vm4, v8, v16;
	v21 =	vsel vm5, v3, v11  }
0x168: {  	v8 =	vsel vm4, v16, v8;
	vm6 =	vgt.f32 v14, v0;
	vm7 =	vgt.f32 v21, v7  }
0x169: {  	v3 =	vsel vm5, v11, v3;
	v2 =	vsel vm6, v8, v2;
	v8 =	vsel vm7, v7, v21  }
0x16a: {  	v11 =	vsel vm5, $0x1C, v9;
	v9 =	vnsel vm5, $0x1C, v9;
	vm8 =	vgt.f32 v8, v4  }
0x16b: {  	v0 =	vsel vm6, v14, v0;
	v14 =	vsel vm7, v9, v20;
	v16 =	vsel vm8, v4, v8  }
0x16c: {  	v9 =	vsel vm7, v20, v9;
	v4 =	vsel vm8, v8, v4;
	vm9 =	vgt.f32 v16, v10  }
0x16d: {  	v20 =	vld.idx.msk [tilespmem:v55+s1+$0x0], $0xffff;
	v8 =	vsel vm8, v9, v5;
	v5 =	vsel vm8, v5, v9;
	v9 =	vsel vm9, v10, v16  }
0x16e: {  	v10 =	vsel vm9, v16, v10;
	v16 =	vsel vm9, v5, v13;
	vm10 =	vgt.f32 v9, v6  }
0x16f: {  	v5 =	vsel vm9, v13, v5;
	v13 =	vsel vm10, v9, v6;
	v6 =	vsel vm10, v6, v9  }
0x170: {  	v9 =	vsel vm10, v5, v17;
	vm11 =	vgt.f32 v6, v12  }
0x171: {  	v5 =	vsel vm10, v17, v5;
	v17 =	vsel vm11, v6, v12;
	v6 =	vsel vm11, v12, v6  }
0x172: {  	v7 =	vsel vm7, v21, v7;
	vm13 =	vgt.f32 v20, v3;
	vm12 =	vgt.f32 v6, v19  }
0x173: {  	v12 =	vsel vm11, v5, v18;
	v5 =	vsel vm11, v18, v5;
	v18 =	vsel vm12, v6, v19  }
0x174: {  	v6 =	vsel vm12, v19, v6;
	v19 =	vsel vm13, v3, v20;
	v21 =	vsel vm12, v5, v15  }
0x175: {  	v5 =	vsel vm12, v15, v5;
	vm14 =	vgt.f32 v6, v0;
	vm15 =	vgt.f32 v19, v7  }
0x176: {  	v0 =	vsel vm14, v6, v0;
	v6 =	vsel vm15, v7, v19;
	v2 =	vsel vm14, v5, v2  }
0x177: {  	v5 =	vsel vm13, $0x1D, v11;
	v11 =	vnsel vm13, $0x1D, v11;
	v7 =	vsel vm15, v19, v7  }
0x178: {  	vm4 =	vgt.f32 v6, v4;
	v19 =	vsel vm15, v11, v14;
	v11 =	vsel vm15, v14, v11  }
0x179: {  	v15 =	vsel vm4, v4, v6;
	v14 =	vsel vm4, v11, v8;
	v8 =	vsel vm4, v8, v11;
	v11 =	vld.idx.msk [tilespmem:v56+s1+$0x0], $0xffff  }
0x17a: {  	v3 =	vsel vm13, v20, v3;
	vm5 =	vgt.f32 v15, v10  }
0x17b: {  	v4 =	vsel vm4, v6, v4;
	v6 =	vsel vm5, v10, v15;
	v10 =	vsel vm5, v15, v10  }
0x17c: {  	v15 =	vsel vm5, v8, v16;
	v8 =	vsel vm5, v16, v8;
	vm6 =	vgt.f32 v6, v13  }
0x17d: {  	v20 =	vsel vm6, v13, v6;
	v6 =	vsel vm6, v6, v13;
	v13 =	vsel vm6, v8, v9  }
0x17e: {  	v8 =	vsel vm6, v9, v8;
	vm7 =	vgt.f32 v20, v17;
	vm9 =	vgt.f32 v11, v3  }
0x17f: {  	v9 =	vsel vm7, v17, v20;
	v16 =	vsel vm7, v20, v17;
	v17 =	vsel vm7, v8, v12  }
0x180: {  	v8 =	vsel vm7, v12, v8;
	v20 =	vsel vm9, v3, v11;
	vm8 =	vgt.f32 v9, v18  }
0x181: {  	vm11 =	vgt.f32 v20, v7;
	v12 =	vsel vm8, v9, v18;
	v9 =	vsel vm8, v18, v9  }
0x182: {  	v18 =	vsel vm8, v8, v21;
	v8 =	vsel vm8, v21, v8;
	vm10 =	vgt.f32 v9, v0  }
0x183: {  	v3 =	vsel vm9, v11, v3;
	v2 =	vsel vm10, v8, v2;
	v8 =	vsel vm11, v7, v20  }
0x184: {  	v0 =	vsel vm10, v9, v0;
	v9 =	vsel vm9, $0x1E, v5;
	vm12 =	vgt.f32 v8, v4  }
0x185: {  	v5 =	vnsel vm9, $0x1E, v5;
	v7 =	vsel vm11, v20, v7;
	v11 =	vsel vm12, v4, v8  }
0x186: {  	v20 =	vsel vm11, v5, v19;
	v5 =	vsel vm11, v19, v5;
	vm13 =	vgt.f32 v11, v10  }
0x187: {  	v4 =	vsel vm12, v8, v4;
	v8 =	vsel vm12, v5, v14;
	v19 =	vsel vm13, v10, v11  }
0x188: {  	v5 =	vsel vm12, v14, v5;
	v10 =	vsel vm13, v11, v10;
	v11 =	vld.idx.msk [tilespmem:v57+s1+$0x0], $0xffff;
	vm14 =	vgt.f32 v19, v6  }
0x189: {  	v14 =	vsel vm13, v5, v15;
	v5 =	vsel vm13, v15, v5;
	v15 =	vsel vm14, v6, v19  }
0x18a: {  	v6 =	vsel vm14, v19, v6;
	v19 =	vsel vm14, v5, v13;
	vm15 =	vgt.f32 v15, v16  }
0x18b: {  	v5 =	vsel vm14, v13, v5;
	v13 =	vsel vm15, v15, v16;
	v15 =	vsel vm15, v16, v15  }
0x18c: {  	v16 =	vsel vm15, v5, v17;
	vm4 =	vgt.f32 v15, v12  }
0x18d: {  	v5 =	vsel vm15, v17, v5;
	vm5 =	vgt.f32 v11, v3;
	v17 =	vsel vm4, v15, v12  }
0x18e: {  	v12 =	vsel vm4, v12, v15;
	v15 =	vsel vm4, v5, v18;
	v21 =	vsel vm5, v3, v11  }
0x18f: {  	v5 =	vsel vm4, v18, v5;
	vm6 =	vgt.f32 v12, v0;
	vm7 =	vgt.f32 v21, v7  }
0x190: {  	v3 =	vsel vm5, v11, v3;
	v2 =	vsel vm6, v5, v2;
	v5 =	vsel vm7, v7, v21  }
0x191: {  	v11 =	vsel vm5, $0x1F, v9;
	v9 =	vnsel vm5, $0x1F, v9;
	vm8 =	vgt.f32 v5, v4  }
0x192: {  	v0 =	vsel vm6, v12, v0;
	v12 =	vsel vm7, v9, v20;
	v18 =	vsel vm8, v4, v5  }
0x193: {  	v9 =	vsel vm7, v20, v9;
	v4 =	vsel vm8, v5, v4;
	vm9 =	vgt.f32 v18, v10  }
0x194: {  	v20 =	vld.idx.msk [tilespmem:v58+s1+$0x0], $0xffff;
	v5 =	vsel vm8, v9, v8;
	v8 =	vsel vm8, v8, v9;
	v9 =	vsel vm9, v10, v18  }
0x195: {  	v10 =	vsel vm9, v18, v10;
	v18 =	vsel vm9, v8, v14;
	vm10 =	vgt.f32 v9, v6  }
0x196: {  	v8 =	vsel vm9, v14, v8;
	v14 =	vsel vm10, v9, v6;
	v6 =	vsel vm10, v6, v9  }
0x197: {  	v9 =	vsel vm10, v8, v19;
	vm11 =	vgt.f32 v6, v13  }
0x198: {  	v8 =	vsel vm10, v19, v8;
	v19 =	vsel vm11, v6, v13;
	v6 =	vsel vm11, v13, v6  }
0x199: {  	v7 =	vsel vm7, v21, v7;
	vm13 =	vgt.f32 v20, v3;
	vm12 =	vgt.f32 v6, v17  }
0x19a: {  	v13 =	vsel vm11, v8, v16;
	v8 =	vsel vm11, v16, v8;
	v16 =	vsel vm12, v6, v17  }
0x19b: {  	v6 =	vsel vm12, v17, v6;
	v17 =	vsel vm13, v3, v20;
	v21 =	vsel vm12, v8, v15  }
0x19c: {  	v8 =	vsel vm12, v15, v8;
	vm14 =	vgt.f32 v6, v0;
	vm15 =	vgt.f32 v17, v7  }
0x19d: {  	v0 =	vsel vm14, v6, v0;
	v6 =	vsel vm15, v7, v17;
	v2 =	vsel vm14, v8, v2  }
0x19e: {  	v8 =	vsel vm13, $0x20, v11;
	v11 =	vnsel vm13, $0x20, v11;
	v7 =	vsel vm15, v17, v7  }
0x19f: {  	vm4 =	vgt.f32 v6, v4;
	v17 =	vsel vm15, v11, v12;
	v11 =	vsel vm15, v12, v11  }
0x1a0: {  	v15 =	vsel vm4, v4, v6;
	v12 =	vsel vm4, v11, v5;
	v5 =	vsel vm4, v5, v11;
	v11 =	vld.idx.msk [tilespmem:v59+s1+$0x0], $0xffff  }
0x1a1: {  	v3 =	vsel vm13, v20, v3;
	vm5 =	vgt.f32 v15, v10  }
0x1a2: {  	v4 =	vsel vm4, v6, v4;
	v6 =	vsel vm5, v10, v15;
	v10 =	vsel vm5, v15, v10  }
0x1a3: {  	v15 =	vsel vm5, v5, v18;
	v5 =	vsel vm5, v18, v5;
	vm6 =	vgt.f32 v6, v14  }
0x1a4: {  	v20 =	vsel vm6, v14, v6;
	v6 =	vsel vm6, v6, v14;
	v14 =	vsel vm6, v5, v9  }
0x1a5: {  	v5 =	vsel vm6, v9, v5;
	vm7 =	vgt.f32 v20, v19;
	vm9 =	vgt.f32 v11, v3  }
0x1a6: {  	v9 =	vsel vm7, v19, v20;
	v18 =	vsel vm7, v20, v19;
	v19 =	vsel vm7, v5, v13  }
0x1a7: {  	v5 =	vsel vm7, v13, v5;
	v20 =	vsel vm9, v3, v11;
	vm8 =	vgt.f32 v9, v16  }
0x1a8: {  	vm11 =	vgt.f32 v20, v7;
	v13 =	vsel vm8, v9, v16;
	v9 =	vsel vm8, v16, v9  }
0x1a9: {  	v16 =	vsel vm8, v5, v21;
	v5 =	vsel vm8, v21, v5;
	vm10 =	vgt.f32 v9, v0  }
0x1aa: {  	v3 =	vsel vm9, v11, v3;
	v2 =	vsel vm10, v5, v2;
	v5 =	vsel vm11, v7, v20  }
0x1ab: {  	v0 =	vsel vm10, v9, v0;
	v9 =	vsel vm9, $0x21, v8;
	vm12 =	vgt.f32 v5, v4  }
0x1ac: {  	v8 =	vnsel vm9, $0x21, v8;
	v7 =	vsel vm11, v20, v7;
	v11 =	vsel vm12, v4, v5  }
0x1ad: {  	v20 =	vsel vm11, v8, v17;
	v8 =	vsel vm11, v17, v8;
	vm13 =	vgt.f32 v11, v10  }
0x1ae: {  	v4 =	vsel vm12, v5, v4;
	v5 =	vsel vm12, v8, v12;
	v17 =	vsel vm13, v10, v11  }
0x1af: {  	v8 =	vsel vm12, v12, v8;
	v10 =	vsel vm13, v11, v10;
	v11 =	vld.idx.msk [tilespmem:v60+s1+$0x0], $0xffff;
	vm14 =	vgt.f32 v17, v6  }
0x1b0: {  	v12 =	vsel vm13, v8, v15;
	v8 =	vsel vm13, v15, v8;
	v15 =	vsel vm14, v6, v17  }
0x1b1: {  	v6 =	vsel vm14, v17, v6;
	v17 =	vsel vm14, v8, v14;
	vm15 =	vgt.f32 v15, v18  }
0x1b2: {  	v8 =	vsel vm14, v14, v8;
	v14 =	vsel vm15, v15, v18;
	v15 =	vsel vm15, v18, v15  }
0x1b3: {  	v18 =	vsel vm15, v8, v19;
	vm4 =	vgt.f32 v15, v13  }
0x1b4: {  	v8 =	vsel vm15, v19, v8;
	vm5 =	vgt.f32 v11, v3;
	v19 =	vsel vm4, v15, v13  }
0x1b5: {  	v13 =	vsel vm4, v13, v15;
	v15 =	vsel vm4, v8, v16;
	v21 =	vsel vm5, v3, v11  }
0x1b6: {  	v8 =	vsel vm4, v16, v8;
	vm6 =	vgt.f32 v13, v0;
	vm7 =	vgt.f32 v21, v7  }
0x1b7: {  	v3 =	vsel vm5, v11, v3;
	v2 =	vsel vm6, v8, v2;
	v8 =	vsel vm7, v7, v21  }
0x1b8: {  	v11 =	vsel vm5, $0x22, v9;
	v9 =	vnsel vm5, $0x22, v9;
	vm8 =	vgt.f32 v8, v4  }
0x1b9: {  	v0 =	vsel vm6, v13, v0;
	v13 =	vsel vm7, v9, v20;
	v16 =	vsel vm8, v4, v8  }
0x1ba: {  	v9 =	vsel vm7, v20, v9;
	v4 =	vsel vm8, v8, v4;
	vm9 =	vgt.f32 v16, v10  }
0x1bb: {  	v20 =	vld.idx.msk [tilespmem:v61+s1+$0x0], $0xffff;
	v8 =	vsel vm8, v9, v5;
	v5 =	vsel vm8, v5, v9;
	v9 =	vsel vm9, v10, v16  }
0x1bc: {  	v10 =	vsel vm9, v16, v10;
	v16 =	vsel vm9, v5, v12;
	vm10 =	vgt.f32 v9, v6  }
0x1bd: {  	v5 =	vsel vm9, v12, v5;
	v12 =	vsel vm10, v9, v6;
	v6 =	vsel vm10, v6, v9  }
0x1be: {  	v9 =	vsel vm10, v5, v17;
	vm11 =	vgt.f32 v6, v14  }
0x1bf: {  	v5 =	vsel vm10, v17, v5;
	v17 =	vsel vm11, v6, v14;
	v6 =	vsel vm11, v14, v6  }
0x1c0: {  	v7 =	vsel vm7, v21, v7;
	vm13 =	vgt.f32 v20, v3;
	vm12 =	vgt.f32 v6, v19  }
0x1c1: {  	v14 =	vsel vm11, v5, v18;
	v5 =	vsel vm11, v18, v5;
	v18 =	vsel vm12, v6, v19  }
0x1c2: {  	v6 =	vsel vm12, v19, v6;
	v19 =	vsel vm13, v3, v20;
	v21 =	vsel vm12, v5, v15  }
0x1c3: {  	v5 =	vsel vm12, v15, v5;
	vm14 =	vgt.f32 v6, v0;
	vm15 =	vgt.f32 v19, v7  }
0x1c4: {  	v0 =	vsel vm14, v6, v0;
	v6 =	vsel vm15, v7, v19;
	v2 =	vsel vm14, v5, v2  }
0x1c5: {  	v5 =	vsel vm13, $0x23, v11;
	v11 =	vnsel vm13, $0x23, v11;
	v7 =	vsel vm15, v19, v7  }
0x1c6: {  	vm4 =	vgt.f32 v6, v4;
	v19 =	vsel vm15, v11, v13;
	v11 =	vsel vm15, v13, v11  }
0x1c7: {  	v15 =	vsel vm4, v4, v6;
	v13 =	vsel vm4, v11, v8;
	v8 =	vsel vm4, v8, v11;
	v11 =	vld.idx.msk [tilespmem:v62+s1+$0x0], $0xffff  }
0x1c8: {  	v3 =	vsel vm13, v20, v3;
	vm5 =	vgt.f32 v15, v10  }
0x1c9: {  	v4 =	vsel vm4, v6, v4;
	v6 =	vsel vm5, v10, v15;
	v10 =	vsel vm5, v15, v10  }
0x1ca: {  	v15 =	vsel vm5, v8, v16;
	v8 =	vsel vm5, v16, v8;
	vm6 =	vgt.f32 v6, v12  }
0x1cb: {  	v20 =	vsel vm6, v12, v6;
	v6 =	vsel vm6, v6, v12;
	v12 =	vsel vm6, v8, v9  }
0x1cc: {  	v8 =	vsel vm6, v9, v8;
	vm7 =	vgt.f32 v20, v17;
	vm9 =	vgt.f32 v11, v3  }
0x1cd: {  	v9 =	vsel vm7, v17, v20;
	v16 =	vsel vm7, v20, v17;
	v17 =	vsel vm7, v8, v14  }
0x1ce: {  	v8 =	vsel vm7, v14, v8;
	v20 =	vsel vm9, v3, v11;
	vm8 =	vgt.f32 v9, v18  }
0x1cf: {  	vm11 =	vgt.f32 v20, v7;
	v14 =	vsel vm8, v9, v18;
	v9 =	vsel vm8, v18, v9  }
0x1d0: {  	v18 =	vsel vm8, v8, v21;
	v8 =	vsel vm8, v21, v8;
	vm10 =	vgt.f32 v9, v0  }
0x1d1: {  	v3 =	vsel vm9, v11, v3;
	v2 =	vsel vm10, v8, v2;
	v8 =	vsel vm11, v7, v20  }
0x1d2: {  	v0 =	vsel vm10, v9, v0;
	v9 =	vsel vm9, $0x24, v5;
	vm12 =	vgt.f32 v8, v4  }
0x1d3: {  	v5 =	vnsel vm9, $0x24, v5;
	v7 =	vsel vm11, v20, v7;
	v11 =	vsel vm12, v4, v8  }
0x1d4: {  	v20 =	vsel vm11, v5, v19;
	v5 =	vsel vm11, v19, v5;
	vm13 =	vgt.f32 v11, v10  }
0x1d5: {  	v4 =	vsel vm12, v8, v4;
	v8 =	vsel vm12, v5, v13;
	v19 =	vsel vm13, v10, v11  }
0x1d6: {  	v5 =	vsel vm12, v13, v5;
	v10 =	vsel vm13, v11, v10;
	v11 =	vld.idx.msk [tilespmem:v63+s1+$0x0], $0xffff;
	vm14 =	vgt.f32 v19, v6  }
0x1d7: {  	v13 =	vsel vm13, v5, v15;
	v5 =	vsel vm13, v15, v5;
	v15 =	vsel vm14, v6, v19  }
0x1d8: {  	v6 =	vsel vm14, v19, v6;
	v19 =	vsel vm14, v5, v12;
	vm15 =	vgt.f32 v15, v16  }
0x1d9: {  	v5 =	vsel vm14, v12, v5;
	v12 =	vsel vm15, v15, v16;
	v15 =	vsel vm15, v16, v15  }
0x1da: {  	v16 =	vsel vm15, v5, v17;
	vm4 =	vgt.f32 v15, v14  }
0x1db: {  	v5 =	vsel vm15, v17, v5;
	vm5 =	vgt.f32 v11, v3;
	v17 =	vsel vm4, v15, v14  }
0x1dc: {  	v14 =	vsel vm4, v14, v15;
	v15 =	vsel vm4, v5, v18;
	v21 =	vsel vm5, v3, v11  }
0x1dd: {  	v5 =	vsel vm4, v18, v5;
	vm6 =	vgt.f32 v14, v0;
	vm7 =	vgt.f32 v21, v7  }
0x1de: {  	v3 =	vsel vm5, v11, v3;
	v2 =	vsel vm6, v5, v2;
	v5 =	vsel vm7, v7, v21  }
0x1df: {  	v11 =	vsel vm5, $0x25, v9;
	v9 =	vnsel vm5, $0x25, v9;
	vm8 =	vgt.f32 v5, v4  }
0x1e0: {  	v0 =	vsel vm6, v14, v0;
	v14 =	vsel vm7, v9, v20;
	v18 =	vsel vm8, v4, v5  }
0x1e1: {  	v9 =	vsel vm7, v20, v9;
	v4 =	vsel vm8, v5, v4;
	vm9 =	vgt.f32 v18, v10  }
0x1e2: {  	v20 =	vld.idx.msk [tilespmem:v22+s1+$0x0], $0xffff;
	v5 =	vsel vm8, v9, v8;
	v8 =	vsel vm8, v8, v9;
	v9 =	vsel vm9, v10, v18  }
0x1e3: {  	v10 =	vsel vm9, v18, v10;
	v18 =	vsel vm9, v8, v13;
	vm10 =	vgt.f32 v9, v6  }
0x1e4: {  	v8 =	vsel vm9, v13, v8;
	v13 =	vsel vm10, v9, v6;
	v6 =	vsel vm10, v6, v9  }
0x1e5: {  	v9 =	vsel vm10, v8, v19;
	vm11 =	vgt.f32 v6, v12  }
0x1e6: {  	v8 =	vsel vm10, v19, v8;
	v19 =	vsel vm11, v6, v12;
	v6 =	vsel vm11, v12, v6  }
0x1e7: {  	v7 =	vsel vm7, v21, v7;
	vm13 =	vgt.f32 v20, v3;
	vm12 =	vgt.f32 v6, v17  }
0x1e8: {  	v12 =	vsel vm11, v8, v16;
	v8 =	vsel vm11, v16, v8;
	v16 =	vsel vm12, v6, v17  }
0x1e9: {  	v6 =	vsel vm12, v17, v6;
	v17 =	vsel vm13, v3, v20;
	v21 =	vsel vm12, v8, v15  }
0x1ea: {  	v8 =	vsel vm12, v15, v8;
	vm14 =	vgt.f32 v6, v0;
	vm15 =	vgt.f32 v17, v7  }
0x1eb: {  	v0 =	vsel vm14, v6, v0;
	v6 =	vsel vm15, v7, v17;
	v2 =	vsel vm14, v8, v2  }
0x1ec: {  	v8 =	vsel vm13, $0x26, v11;
	v11 =	vnsel vm13, $0x26, v11;
	v7 =	vsel vm15, v17, v7  }
0x1ed: {  	vm4 =	vgt.f32 v6, v4;
	v17 =	vsel vm15, v11, v14;
	v11 =	vsel vm15, v14, v11  }
0x1ee: {  	v15 =	vsel vm4, v4, v6;
	v14 =	vsel vm4, v11, v5;
	v5 =	vsel vm4, v5, v11;
	v11 =	vld.idx.msk [tilespmem:v35+s1+$0x0], $0xffff  }
0x1ef: {  	v3 =	vsel vm13, v20, v3;
	vm5 =	vgt.f32 v15, v10  }
0x1f0: {  	v4 =	vsel vm4, v6, v4;
	v6 =	vsel vm5, v10, v15;
	v10 =	vsel vm5, v15, v10  }
0x1f1: {  	v15 =	vsel vm5, v5, v18;
	v5 =	vsel vm5, v18, v5;
	vm6 =	vgt.f32 v6, v13  }
0x1f2: {  	v20 =	vsel vm6, v13, v6;
	v6 =	vsel vm6, v6, v13;
	v13 =	vsel vm6, v5, v9  }
0x1f3: {  	v5 =	vsel vm6, v9, v5;
	vm7 =	vgt.f32 v20, v19;
	vm9 =	vgt.f32 v11, v3  }
0x1f4: {  	v9 =	vsel vm7, v19, v20;
	v18 =	vsel vm7, v20, v19;
	v19 =	vsel vm7, v5, v12  }
0x1f5: {  	v5 =	vsel vm7, v12, v5;
	v20 =	vsel vm9, v3, v11;
	vm8 =	vgt.f32 v9, v16  }
0x1f6: {  	vm11 =	vgt.f32 v20, v7;
	v12 =	vsel vm8, v9, v16;
	v9 =	vsel vm8, v16, v9  }
0x1f7: {  	v16 =	vsel vm8, v5, v21;
	v5 =	vsel vm8, v21, v5;
	vm10 =	vgt.f32 v9, v0  }
0x1f8: {  	v3 =	vsel vm9, v11, v3;
	v2 =	vsel vm10, v5, v2;
	v5 =	vsel vm11, v7, v20  }
0x1f9: {  	v0 =	vsel vm10, v9, v0;
	v9 =	vsel vm9, $0x27, v8;
	vm12 =	vgt.f32 v5, v4  }
0x1fa: {  	v8 =	vnsel vm9, $0x27, v8;
	v7 =	vsel vm11, v20, v7;
	v11 =	vsel vm12, v4, v5  }
0x1fb: {  	v20 =	vsel vm11, v8, v17;
	v8 =	vsel vm11, v17, v8;
	vm13 =	vgt.f32 v11, v10  }
0x1fc: {  	v4 =	vsel vm12, v5, v4;
	v5 =	vsel vm12, v8, v14;
	v17 =	vsel vm13, v10, v11  }
0x1fd: {  	v8 =	vsel vm12, v14, v8;
	v10 =	vsel vm13, v11, v10;
	v11 =	vld.idx.msk [tilespmem:v25+s1+$0x0], $0xffff;
	vm14 =	vgt.f32 v17, v6  }
0x1fe: {  	v14 =	vsel vm13, v8, v15;
	v8 =	vsel vm13, v15, v8;
	v15 =	vsel vm14, v6, v17  }
0x1ff: {  	v6 =	vsel vm14, v17, v6;
	v17 =	vsel vm14, v8, v13;
	vm15 =	vgt.f32 v15, v18  }
0x200: {  	v8 =	vsel vm14, v13, v8;
	v13 =	vsel vm15, v15, v18;
	v15 =	vsel vm15, v18, v15  }
0x201: {  	v18 =	vsel vm15, v8, v19;
	vm4 =	vgt.f32 v15, v12  }
0x202: {  	v8 =	vsel vm15, v19, v8;
	vm5 =	vgt.f32 v11, v3;
	v19 =	vsel vm4, v15, v12  }
0x203: {  	v12 =	vsel vm4, v12, v15;
	v15 =	vsel vm4, v8, v16;
	v21 =	vsel vm5, v3, v11  }
0x204: {  	v8 =	vsel vm4, v16, v8;
	vm6 =	vgt.f32 v12, v0;
	vm7 =	vgt.f32 v21, v7  }
0x205: {  	v3 =	vsel vm5, v11, v3;
	v2 =	vsel vm6, v8, v2;
	v8 =	vsel vm7, v7, v21  }
0x206: {  	v11 =	vsel vm5, $0x28, v9;
	v9 =	vnsel vm5, $0x28, v9;
	vm8 =	vgt.f32 v8, v4  }
0x207: {  	v0 =	vsel vm6, v12, v0;
	v12 =	vsel vm7, v9, v20;
	v16 =	vsel vm8, v4, v8  }
0x208: {  	v9 =	vsel vm7, v20, v9;
	v4 =	vsel vm8, v8, v4;
	vm9 =	vgt.f32 v16, v10  }
0x209: {  	v20 =	vld.idx.msk [tilespmem:v29+s1+$0x0], $0xffff;
	v8 =	vsel vm8, v9, v5;
	v5 =	vsel vm8, v5, v9;
	v9 =	vsel vm9, v10, v16  }
0x20a: {  	v10 =	vsel vm9, v16, v10;
	v16 =	vsel vm9, v5, v14;
	vm10 =	vgt.f32 v9, v6  }
0x20b: {  	v5 =	vsel vm9, v14, v5;
	v14 =	vsel vm10, v9, v6;
	v6 =	vsel vm10, v6, v9  }
0x20c: {  	v9 =	vsel vm10, v5, v17;
	vm11 =	vgt.f32 v6, v13  }
0x20d: {  	v5 =	vsel vm10, v17, v5;
	v17 =	vsel vm11, v6, v13;
	v6 =	vsel vm11, v13, v6  }
0x20e: {  	v7 =	vsel vm7, v21, v7;
	vm13 =	vgt.f32 v20, v3;
	vm12 =	vgt.f32 v6, v19  }
0x20f: {  	v13 =	vsel vm11, v5, v18;
	v5 =	vsel vm11, v18, v5;
	v18 =	vsel vm12, v6, v19  }
0x210: {  	v6 =	vsel vm12, v19, v6;
	v19 =	vsel vm13, v3, v20;
	v21 =	vsel vm12, v5, v15  }
0x211: {  	v5 =	vsel vm12, v15, v5;
	vm14 =	vgt.f32 v6, v0;
	vm15 =	vgt.f32 v19, v7  }
0x212: {  	v0 =	vsel vm14, v6, v0;
	v6 =	vsel vm15, v7, v19;
	v2 =	vsel vm14, v5, v2  }
0x213: {  	v5 =	vsel vm13, $0x29, v11;
	v11 =	vnsel vm13, $0x29, v11;
	v7 =	vsel vm15, v19, v7  }
0x214: {  	vm4 =	vgt.f32 v6, v4;
	v19 =	vsel vm15, v11, v12;
	v11 =	vsel vm15, v12, v11  }
0x215: {  	v15 =	vsel vm4, v4, v6;
	v12 =	vsel vm4, v11, v8;
	v8 =	vsel vm4, v8, v11;
	v11 =	vld.idx.msk [tilespmem:v24+s1+$0x0], $0xffff  }
0x216: {  	v3 =	vsel vm13, v20, v3;
	vm5 =	vgt.f32 v15, v10  }
0x217: {  	v4 =	vsel vm4, v6, v4;
	v6 =	vsel vm5, v10, v15;
	v10 =	vsel vm5, v15, v10  }
0x218: {  	v15 =	vsel vm5, v8, v16;
	v8 =	vsel vm5, v16, v8;
	vm6 =	vgt.f32 v6, v14  }
0x219: {  	v20 =	vsel vm6, v14, v6;
	v6 =	vsel vm6, v6, v14;
	v14 =	vsel vm6, v8, v9  }
0x21a: {  	v8 =	vsel vm6, v9, v8;
	vm7 =	vgt.f32 v20, v17;
	vm9 =	vgt.f32 v11, v3  }
0x21b: {  	v9 =	vsel vm7, v17, v20;
	v16 =	vsel vm7, v20, v17;
	v17 =	vsel vm7, v8, v13  }
0x21c: {  	v8 =	vsel vm7, v13, v8;
	v20 =	vsel vm9, v3, v11;
	vm8 =	vgt.f32 v9, v18  }
0x21d: {  	vm11 =	vgt.f32 v20, v7;
	v13 =	vsel vm8, v9, v18;
	v9 =	vsel vm8, v18, v9  }
0x21e: {  	v18 =	vsel vm8, v8, v21;
	v8 =	vsel vm8, v21, v8;
	vm10 =	vgt.f32 v9, v0  }
0x21f: {  	v3 =	vsel vm9, v11, v3;
	v2 =	vsel vm10, v8, v2;
	v8 =	vsel vm11, v7, v20  }
0x220: {  	v0 =	vsel vm10, v9, v0;
	v9 =	vsel vm9, $0x2A, v5;
	vm12 =	vgt.f32 v8, v4  }
0x221: {  	v5 =	vnsel vm9, $0x2A, v5;
	v7 =	vsel vm11, v20, v7;
	v11 =	vsel vm12, v4, v8  }
0x222: {  	v20 =	vsel vm11, v5, v19;
	v5 =	vsel vm11, v19, v5;
	vm13 =	vgt.f32 v11, v10  }
0x223: {  	v4 =	vsel vm12, v8, v4;
	v8 =	vsel vm12, v5, v12;
	v19 =	vsel vm13, v10, v11  }
0x224: {  	v5 =	vsel vm12, v12, v5;
	v10 =	vsel vm13, v11, v10;
	v11 =	vld.idx.msk [tilespmem:v32+s1+$0x0], $0xffff;
	vm14 =	vgt.f32 v19, v6  }
0x225: {  	v12 =	vsel vm13, v5, v15;
	v5 =	vsel vm13, v15, v5;
	v15 =	vsel vm14, v6, v19  }
0x226: {  	v6 =	vsel vm14, v19, v6;
	v19 =	vsel vm14, v5, v14;
	vm15 =	vgt.f32 v15, v16  }
0x227: {  	v5 =	vsel vm14, v14, v5;
	v14 =	vsel vm15, v15, v16;
	v15 =	vsel vm15, v16, v15  }
0x228: {  	v16 =	vsel vm15, v5, v17;
	vm4 =	vgt.f32 v15, v13  }
0x229: {  	v5 =	vsel vm15, v17, v5;
	vm5 =	vgt.f32 v11, v3;
	v17 =	vsel vm4, v15, v13  }
0x22a: {  	v13 =	vsel vm4, v13, v15;
	v15 =	vsel vm4, v5, v18;
	v21 =	vsel vm5, v3, v11  }
0x22b: {  	v5 =	vsel vm4, v18, v5;
	vm6 =	vgt.f32 v13, v0;
	vm7 =	vgt.f32 v21, v7  }
0x22c: {  	v3 =	vsel vm5, v11, v3;
	v2 =	vsel vm6, v5, v2;
	v5 =	vsel vm7, v7, v21  }
0x22d: {  	v11 =	vsel vm5, $0x2B, v9;
	v9 =	vnsel vm5, $0x2B, v9;
	vm8 =	vgt.f32 v5, v4  }
0x22e: {  	v0 =	vsel vm6, v13, v0;
	v13 =	vsel vm7, v9, v20;
	v18 =	vsel vm8, v4, v5  }
0x22f: {  	v9 =	vsel vm7, v20, v9;
	v4 =	vsel vm8, v5, v4;
	vm9 =	vgt.f32 v18, v10  }
0x230: {  	v20 =	vld.idx.msk [tilespmem:v40+s1+$0x0], $0xffff;
	v5 =	vsel vm8, v9, v8;
	v8 =	vsel vm8, v8, v9;
	v9 =	vsel vm9, v10, v18  }
0x231: {  	v10 =	vsel vm9, v18, v10;
	v18 =	vsel vm9, v8, v12;
	vm10 =	vgt.f32 v9, v6  }
0x232: {  	v8 =	vsel vm9, v12, v8;
	v12 =	vsel vm10, v9, v6;
	v6 =	vsel vm10, v6, v9  }
0x233: {  	v9 =	vsel vm10, v8, v19;
	vm11 =	vgt.f32 v6, v14  }
0x234: {  	v8 =	vsel vm10, v19, v8;
	v19 =	vsel vm11, v6, v14;
	v6 =	vsel vm11, v14, v6  }
0x235: {  	v7 =	vsel vm7, v21, v7;
	vm13 =	vgt.f32 v20, v3;
	vm12 =	vgt.f32 v6, v17  }
0x236: {  	v14 =	vsel vm11, v8, v16;
	v8 =	vsel vm11, v16, v8;
	v16 =	vsel vm12, v6, v17  }
0x237: {  	v6 =	vsel vm12, v17, v6;
	v17 =	vsel vm13, v3, v20;
	v21 =	vsel vm12, v8, v15  }
0x238: {  	v8 =	vsel vm12, v15, v8;
	vm14 =	vgt.f32 v6, v0;
	vm15 =	vgt.f32 v17, v7  }
0x239: {  	v0 =	vsel vm14, v6, v0;
	v6 =	vsel vm15, v7, v17;
	v2 =	vsel vm14, v8, v2  }
0x23a: {  	v8 =	vsel vm13, $0x2C, v11;
	v11 =	vnsel vm13, $0x2C, v11;
	v7 =	vsel vm15, v17, v7  }
0x23b: {  	vm4 =	vgt.f32 v6, v4;
	v17 =	vsel vm15, v11, v13;
	v11 =	vsel vm15, v13, v11  }
0x23c: {  	v15 =	vsel vm4, v4, v6;
	v13 =	vsel vm4, v11, v5;
	v5 =	vsel vm4, v5, v11;
	v11 =	vld.idx.msk [tilespmem:v28+s1+$0x0], $0xffff  }
0x23d: {  	v3 =	vsel vm13, v20, v3;
	vm5 =	vgt.f32 v15, v10  }
0x23e: {  	v4 =	vsel vm4, v6, v4;
	v6 =	vsel vm5, v10, v15;
	v10 =	vsel vm5, v15, v10  }
0x23f: {  	v15 =	vsel vm5, v5, v18;
	v5 =	vsel vm5, v18, v5;
	vm6 =	vgt.f32 v6, v12  }
0x240: {  	v20 =	vsel vm6, v12, v6;
	v6 =	vsel vm6, v6, v12;
	v12 =	vsel vm6, v5, v9  }
0x241: {  	v5 =	vsel vm6, v9, v5;
	vm7 =	vgt.f32 v20, v19;
	vm9 =	vgt.f32 v11, v3  }
0x242: {  	v9 =	vsel vm7, v19, v20;
	v18 =	vsel vm7, v20, v19;
	v19 =	vsel vm7, v5, v14  }
0x243: {  	v5 =	vsel vm7, v14, v5;
	v20 =	vsel vm9, v3, v11;
	vm8 =	vgt.f32 v9, v16  }
0x244: {  	vm11 =	vgt.f32 v20, v7;
	v14 =	vsel vm8, v9, v16;
	v9 =	vsel vm8, v16, v9  }
0x245: {  	v16 =	vsel vm8, v5, v21;
	v5 =	vsel vm8, v21, v5;
	vm10 =	vgt.f32 v9, v0  }
0x246: {  	v3 =	vsel vm9, v11, v3;
	v2 =	vsel vm10, v5, v2;
	v5 =	vsel vm11, v7, v20  }
0x247: {  	v0 =	vsel vm10, v9, v0;
	v9 =	vsel vm9, $0x2D, v8;
	vm12 =	vgt.f32 v5, v4  }
0x248: {  	v8 =	vnsel vm9, $0x2D, v8;
	v7 =	vsel vm11, v20, v7;
	v11 =	vsel vm12, v4, v5  }
0x249: {  	v20 =	vsel vm11, v8, v17;
	v8 =	vsel vm11, v17, v8;
	vm13 =	vgt.f32 v11, v10  }
0x24a: {  	v4 =	vsel vm12, v5, v4;
	v5 =	vsel vm12, v8, v13;
	v17 =	vsel vm13, v10, v11  }
0x24b: {  	v8 =	vsel vm12, v13, v8;
	v10 =	vsel vm13, v11, v10;
	v11 =	vld.idx.msk [tilespmem:v23+s1+$0x0], $0xffff;
	vm14 =	vgt.f32 v17, v6  }
0x24c: {  	v13 =	vsel vm13, v8, v15;
	v8 =	vsel vm13, v15, v8;
	v15 =	vsel vm14, v6, v17  }
0x24d: {  	v6 =	vsel vm14, v17, v6;
	v17 =	vsel vm14, v8, v12;
	vm15 =	vgt.f32 v15, v18  }
0x24e: {  	v8 =	vsel vm14, v12, v8;
	v12 =	vsel vm15, v15, v18;
	v15 =	vsel vm15, v18, v15  }
0x24f: {  	v18 =	vsel vm15, v8, v19;
	vm4 =	vgt.f32 v15, v14  }
0x250: {  	v8 =	vsel vm15, v19, v8;
	vm5 =	vgt.f32 v11, v3;
	v19 =	vsel vm4, v15, v14  }
0x251: {  	v14 =	vsel vm4, v14, v15;
	v15 =	vsel vm4, v8, v16;
	v21 =	vsel vm5, v3, v11  }
0x252: {  	v8 =	vsel vm4, v16, v8;
	vm6 =	vgt.f32 v14, v0;
	vm7 =	vgt.f32 v21, v7  }
0x253: {  	v3 =	vsel vm5, v11, v3;
	v2 =	vsel vm6, v8, v2;
	v8 =	vsel vm7, v7, v21  }
0x254: {  	v11 =	vsel vm5, $0x2E, v9;
	v9 =	vnsel vm5, $0x2E, v9;
	vm8 =	vgt.f32 v8, v4  }
0x255: {  	v0 =	vsel vm6, v14, v0;
	v14 =	vsel vm7, v9, v20;
	v16 =	vsel vm8, v4, v8  }
0x256: {  	v9 =	vsel vm7, v20, v9;
	v4 =	vsel vm8, v8, v4;
	vm9 =	vgt.f32 v16, v10  }
0x257: {  	v20 =	vld.idx.msk [tilespmem:v27+s1+$0x0], $0xffff;
	v8 =	vsel vm8, v9, v5;
	v5 =	vsel vm8, v5, v9;
	v9 =	vsel vm9, v10, v16  }
0x258: {  	v10 =	vsel vm9, v16, v10;
	v16 =	vsel vm9, v5, v13;
	vm10 =	vgt.f32 v9, v6  }
0x259: {  	v5 =	vsel vm9, v13, v5;
	v13 =	vsel vm10, v9, v6;
	v6 =	vsel vm10, v6, v9  }
0x25a: {  	v9 =	vsel vm10, v5, v17;
	vm11 =	vgt.f32 v6, v12  }
0x25b: {  	v5 =	vsel vm10, v17, v5;
	v17 =	vsel vm11, v6, v12;
	v6 =	vsel vm11, v12, v6  }
0x25c: {  	v7 =	vsel vm7, v21, v7;
	vm13 =	vgt.f32 v20, v3;
	vm12 =	vgt.f32 v6, v19  }
0x25d: {  	v12 =	vsel vm11, v5, v18;
	v5 =	vsel vm11, v18, v5;
	v18 =	vsel vm12, v6, v19  }
0x25e: {  	v6 =	vsel vm12, v19, v6;
	v19 =	vsel vm13, v3, v20;
	v21 =	vsel vm12, v5, v15  }
0x25f: {  	v5 =	vsel vm12, v15, v5;
	vm14 =	vgt.f32 v6, v0;
	vm15 =	vgt.f32 v19, v7  }
0x260: {  	v0 =	vsel vm14, v6, v0;
	v6 =	vsel vm15, v7, v19;
	v2 =	vsel vm14, v5, v2  }
0x261: {  	v5 =	vsel vm13, $0x2F, v11;
	v11 =	vnsel vm13, $0x2F, v11;
	v7 =	vsel vm15, v19, v7  }
0x262: {  	vm4 =	vgt.f32 v6, v4;
	v19 =	vsel vm15, v11, v14;
	v11 =	vsel vm15, v14, v11  }
0x263: {  	v15 =	vsel vm4, v4, v6;
	v14 =	vsel vm4, v11, v8;
	v8 =	vsel vm4, v8, v11;
	v11 =	vld.idx.msk [tilespmem:v30+s1+$0x0], $0xffff  }
0x264: {  	v3 =	vsel vm13, v20, v3;
	vm5 =	vgt.f32 v15, v10  }
0x265: {  	v4 =	vsel vm4, v6, v4;
	v6 =	vsel vm5, v10, v15;
	v10 =	vsel vm5, v15, v10  }
0x266: {  	v15 =	vsel vm5, v8, v16;
	v8 =	vsel vm5, v16, v8;
	vm6 =	vgt.f32 v6, v13  }
0x267: {  	v20 =	vsel vm6, v13, v6;
	v6 =	vsel vm6, v6, v13;
	v13 =	vsel vm6, v8, v9  }
0x268: {  	v8 =	vsel vm6, v9, v8;
	vm7 =	vgt.f32 v20, v17;
	vm9 =	vgt.f32 v11, v3  }
0x269: {  	v9 =	vsel vm7, v17, v20;
	v16 =	vsel vm7, v20, v17;
	v17 =	vsel vm7, v8, v12  }
0x26a: {  	v8 =	vsel vm7, v12, v8;
	v20 =	vsel vm9, v3, v11;
	vm8 =	vgt.f32 v9, v18  }
0x26b: {  	vm11 =	vgt.f32 v20, v7;
	v12 =	vsel vm8, v9, v18;
	v9 =	vsel vm8, v18, v9  }
0x26c: {  	v18 =	vsel vm8, v8, v21;
	v8 =	vsel vm8, v21, v8;
	vm10 =	vgt.f32 v9, v0  }
0x26d: {  	v3 =	vsel vm9, v11, v3;
	v2 =	vsel vm10, v8, v2;
	v8 =	vsel vm11, v7, v20  }
0x26e: {  	v0 =	vsel vm10, v9, v0;
	v9 =	vsel vm9, $0x30, v5;
	vm12 =	vgt.f32 v8, v4  }
0x26f: {  	v5 =	vnsel vm9, $0x30, v5;
	v7 =	vsel vm11, v20, v7;
	v11 =	vsel vm12, v4, v8  }
0x270: {  	v20 =	vsel vm11, v5, v19;
	v5 =	vsel vm11, v19, v5;
	vm13 =	vgt.f32 v11, v10  }
0x271: {  	v4 =	vsel vm12, v8, v4;
	v8 =	vsel vm12, v5, v14;
	v19 =	vsel vm13, v10, v11  }
0x272: {  	v5 =	vsel vm12, v14, v5;
	v10 =	vsel vm13, v11, v10;
	v11 =	vld.idx.msk [tilespmem:v33+s1+$0x0], $0xffff;
	vm14 =	vgt.f32 v19, v6  }
0x273: {  	v14 =	vsel vm13, v5, v15;
	v5 =	vsel vm13, v15, v5;
	v15 =	vsel vm14, v6, v19  }
0x274: {  	v6 =	vsel vm14, v19, v6;
	v19 =	vsel vm14, v5, v13;
	vm15 =	vgt.f32 v15, v16  }
0x275: {  	v5 =	vsel vm14, v13, v5;
	v13 =	vsel vm15, v15, v16;
	v15 =	vsel vm15, v16, v15  }
0x276: {  	v16 =	vsel vm15, v5, v17;
	vm4 =	vgt.f32 v15, v12  }
0x277: {  	v5 =	vsel vm15, v17, v5;
	vm5 =	vgt.f32 v11, v3;
	v17 =	vsel vm4, v15, v12  }
0x278: {  	v12 =	vsel vm4, v12, v15;
	v15 =	vsel vm4, v5, v18;
	v21 =	vsel vm5, v3, v11  }
0x279: {  	v5 =	vsel vm4, v18, v5;
	vm6 =	vgt.f32 v12, v0;
	vm7 =	vgt.f32 v21, v7  }
0x27a: {  	v3 =	vsel vm5, v11, v3;
	v2 =	vsel vm6, v5, v2;
	v5 =	vsel vm7, v7, v21  }
0x27b: {  	v11 =	vsel vm5, $0x31, v9;
	v9 =	vnsel vm5, $0x31, v9;
	vm8 =	vgt.f32 v5, v4  }
0x27c: {  	v0 =	vsel vm6, v12, v0;
	v12 =	vsel vm7, v9, v20;
	v18 =	vsel vm8, v4, v5  }
0x27d: {  	v9 =	vsel vm7, v20, v9;
	v4 =	vsel vm8, v5, v4;
	vm9 =	vgt.f32 v18, v10  }
0x27e: {  	v20 =	vld.idx.msk [tilespmem:v34+s1+$0x0], $0xffff;
	v5 =	vsel vm8, v9, v8;
	v8 =	vsel vm8, v8, v9;
	v9 =	vsel vm9, v10, v18  }
0x27f: {  	v10 =	vsel vm9, v18, v10;
	v18 =	vsel vm9, v8, v14;
	vm10 =	vgt.f32 v9, v6  }
0x280: {  	v8 =	vsel vm9, v14, v8;
	v14 =	vsel vm10, v9, v6;
	v6 =	vsel vm10, v6, v9  }
0x281: {  	v9 =	vsel vm10, v8, v19;
	vm11 =	vgt.f32 v6, v13  }
0x282: {  	v8 =	vsel vm10, v19, v8;
	v19 =	vsel vm11, v6, v13;
	v6 =	vsel vm11, v13, v6  }
0x283: {  	v7 =	vsel vm7, v21, v7;
	vm13 =	vgt.f32 v20, v3;
	vm12 =	vgt.f32 v6, v17  }
0x284: {  	v13 =	vsel vm11, v8, v16;
	v8 =	vsel vm11, v16, v8;
	v16 =	vsel vm12, v6, v17  }
0x285: {  	v6 =	vsel vm12, v17, v6;
	v17 =	vsel vm13, v3, v20;
	v21 =	vsel vm12, v8, v15  }
0x286: {  	v8 =	vsel vm12, v15, v8;
	vm14 =	vgt.f32 v6, v0;
	vm15 =	vgt.f32 v17, v7  }
0x287: {  	v0 =	vsel vm14, v6, v0;
	v6 =	vsel vm15, v7, v17;
	v2 =	vsel vm14, v8, v2  }
0x288: {  	v8 =	vsel vm13, $0x32, v11;
	v11 =	vnsel vm13, $0x32, v11;
	v7 =	vsel vm15, v17, v7  }
0x289: {  	vm4 =	vgt.f32 v6, v4;
	v17 =	vsel vm15, v11, v12;
	v11 =	vsel vm15, v12, v11  }
0x28a: {  	v12 =	vsel vm4, v11, v5;
	v5 =	vsel vm4, v5, v11;
	v11 =	vld [tilespmem:$0x1FE20];
	_ =	sdelay $0x4  }
0x28b: {  	v15 =	vsel vm4, v4, v6  }
0x28c: {  	vm5 =	vgt.f32 v15, v10  }
0x28d: {  	v4 =	vsel vm4, v6, v4;
	v6 =	vsel vm5, v10, v15  }
0x28e: {  	v3 =	vsel vm13, v20, v3;
	vm6 =	vgt.f32 v6, v14;
	v11 =	vld.idx.msk [tilespmem:v11+s1+$0x0], $0xffff  }
0x28f: {  	v10 =	vsel vm5, v15, v10;
	v15 =	vsel vm5, v5, v18;
	v20 =	vsel vm6, v14, v6  }
0x290: {  	v5 =	vsel vm5, v18, v5;
	v6 =	vsel vm6, v6, v14;
	vm7 =	vgt.f32 v20, v19  }
0x291: {  	v14 =	vsel vm6, v5, v9;
	v5 =	vsel vm6, v9, v5;
	v9 =	vsel vm7, v19, v20  }
0x292: {  	v18 =	vsel vm7, v20, v19;
	v19 =	vsel vm7, v5, v13;
	vm8 =	vgt.f32 v9, v16  }
0x293: {  	v5 =	vsel vm7, v13, v5;
	v13 =	vsel vm8, v9, v16;
	vm9 =	vgt.f32 v11, v3  }
0x294: {  	v9 =	vsel vm8, v16, v9;
	v16 =	vsel vm8, v5, v21;
	v20 =	vsel vm9, v3, v11  }
0x295: {  	v5 =	vsel vm8, v21, v5;
	vm10 =	vgt.f32 v9, v0;
	vm11 =	vgt.f32 v20, v7  }
0x296: {  	v2 =	vsel vm10, v5, v2;
	v5 =	vsel vm11, v7, v20  }
0x297: {  	v0 =	vsel vm10, v9, v0;
	v3 =	vsel vm9, v11, v3;
	vm12 =	vgt.f32 v5, v4  }
0x298: {  	v9 =	vsel vm9, $0x33, v8;
	v8 =	vnsel vm9, $0x33, v8;
	v11 =	vsel vm12, v4, v5  }
0x299: {  	v7 =	vsel vm11, v20, v7;
	v20 =	vsel vm11, v8, v17;
	vm13 =	vgt.f32 v11, v10  }
0x29a: {  	v8 =	vsel vm11, v17, v8;
	v17 =	vsel vm13, v10, v11;
	v10 =	vsel vm13, v11, v10;
	v11 =	vld [tilespmem:$0x1FE30];
	_ =	sdelay $0x6  }
0x29b: {  	v4 =	vsel vm12, v5, v4  }
0x29c: {  	v5 =	vsel vm12, v8, v12;
	v8 =	vsel vm12, v12, v8;
	vm14 =	vgt.f32 v17, v6;
	v11 =	vld.idx.msk [tilespmem:v11+s1+$0x0], $0xffff  }
0x29d: {  	v12 =	vsel vm13, v8, v15;
	v8 =	vsel vm13, v15, v8;
	v15 =	vsel vm14, v6, v17  }
0x29e: {  	v6 =	vsel vm14, v17, v6;
	v17 =	vsel vm14, v8, v14;
	vm15 =	vgt.f32 v15, v18  }
0x29f: {  	v8 =	vsel vm14, v14, v8;
	v14 =	vsel vm15, v15, v18;
	v15 =	vsel vm15, v18, v15  }
0x2a0: {  	v18 =	vsel vm15, v8, v19;
	v8 =	vsel vm15, v19, v8;
	vm4 =	vgt.f32 v15, v13  }
0x2a1: {  	v19 =	vsel vm4, v15, v13;
	v13 =	vsel vm4, v13, v15;
	vm5 =	vgt.f32 v11, v3  }
0x2a2: {  	vm6 =	vgt.f32 v13, v0;
	v21 =	vsel vm5, v3, v11;
	v3 =	vsel vm5, v11, v3  }
0x2a3: {  	v11 =	vsel vm5, $0x34, v9;
	v9 =	vnsel vm5, $0x34, v9;
	vm7 =	vgt.f32 v21, v7  }
0x2a4: {  	v0 =	vsel vm6, v13, v0;
	v13 =	vsel vm7, v9, v20;
	v9 =	vsel vm7, v20, v9;
	v20 =	vld [tilespmem:$0x1FE40]  }
0x2a5: {  	v15 =	vsel vm4, v8, v16;
	v8 =	vsel vm4, v16, v8  }
0x2a6: {  	v2 =	vsel vm6, v8, v2;
	v8 =	vsel vm7, v7, v21  }
0x2a7: {  	vm8 =	vgt.f32 v8, v4  }
0x2a8: {  	v16 =	vsel vm8, v4, v8  }
0x2a9: {  	v4 =	vsel vm8, v8, v4;
	vm9 =	vgt.f32 v16, v10  }
0x2aa: {  	v8 =	vsel vm8, v9, v5;
	v5 =	vsel vm8, v5, v9;
	v9 =	vsel vm9, v10, v16  }
0x2ab: {  	v10 =	vsel vm9, v16, v10;
	v16 =	vsel vm9, v5, v12;
	vm10 =	vgt.f32 v9, v6  }
0x2ac: {  	v5 =	vsel vm9, v12, v5;
	v12 =	vsel vm10, v9, v6;
	v6 =	vsel vm10, v6, v9;
	v20 =	vld.idx.msk [tilespmem:v20+s1+$0x0], $0xffff  }
0x2ad: {  	v9 =	vsel vm10, v5, v17;
	vm11 =	vgt.f32 v6, v14  }
0x2ae: {  	v5 =	vsel vm10, v17, v5;
	v17 =	vsel vm11, v6, v14;
	v6 =	vsel vm11, v14, v6  }
0x2af: {  	v7 =	vsel vm7, v21, v7;
	v14 =	vsel vm11, v5, v18;
	vm12 =	vgt.f32 v6, v19  }
0x2b0: {  	v5 =	vsel vm11, v18, v5;
	v18 =	vsel vm12, v6, v19;
	v6 =	vsel vm12, v19, v6  }
0x2b1: {  	v21 =	vsel vm12, v5, v15;
	vm14 =	vgt.f32 v6, v0;
	vm13 =	vgt.f32 v20, v3  }
0x2b2: {  	v5 =	vsel vm12, v15, v5;
	v0 =	vsel vm14, v6, v0;
	v19 =	vsel vm13, v3, v20  }
0x2b3: {  	v2 =	vsel vm14, v5, v2;
	v5 =	vsel vm13, $0x35, v11;
	vm15 =	vgt.f32 v19, v7  }
0x2b4: {  	v11 =	vnsel vm13, $0x35, v11;
	v6 =	vsel vm15, v7, v19;
	v7 =	vsel vm15, v19, v7  }
0x2b5: {  	v19 =	vsel vm15, v11, v13;
	v11 =	vsel vm15, v13, v11;
	vm4 =	vgt.f32 v6, v4  }
0x2b6: {  	v13 =	vsel vm4, v11, v8;
	v8 =	vsel vm4, v8, v11;
	v11 =	vld [tilespmem:$0x1FE50];
	_ =	sdelay $0x4  }
0x2b7: {  	v15 =	vsel vm4, v4, v6  }
0x2b8: {  	vm5 =	vgt.f32 v15, v10  }
0x2b9: {  	v4 =	vsel vm4, v6, v4;
	v6 =	vsel vm5, v10, v15  }
0x2ba: {  	v3 =	vsel vm13, v20, v3;
	vm6 =	vgt.f32 v6, v12;
	v11 =	vld.idx.msk [tilespmem:v11+s1+$0x0], $0xffff  }
0x2bb: {  	v10 =	vsel vm5, v15, v10;
	v15 =	vsel vm5, v8, v16;
	v20 =	vsel vm6, v12, v6  }
0x2bc: {  	v8 =	vsel vm5, v16, v8;
	v6 =	vsel vm6, v6, v12;
	vm7 =	vgt.f32 v20, v17  }
0x2bd: {  	v12 =	vsel vm6, v8, v9;
	v8 =	vsel vm6, v9, v8;
	v9 =	vsel vm7, v17, v20  }
0x2be: {  	v16 =	vsel vm7, v20, v17;
	v17 =	vsel vm7, v8, v14;
	vm8 =	vgt.f32 v9, v18  }
0x2bf: {  	v8 =	vsel vm7, v14, v8;
	v14 =	vsel vm8, v9, v18;
	vm9 =	vgt.f32 v11, v3  }
0x2c0: {  	v9 =	vsel vm8, v18, v9;
	v18 =	vsel vm8, v8, v21;
	v20 =	vsel vm9, v3, v11  }
0x2c1: {  	v8 =	vsel vm8, v21, v8;
	vm10 =	vgt.f32 v9, v0;
	vm11 =	vgt.f32 v20, v7  }
0x2c2: {  	v2 =	vsel vm10, v8, v2;
	v8 =	vsel vm11, v7, v20  }
0x2c3: {  	v0 =	vsel vm10, v9, v0;
	v3 =	vsel vm9, v11, v3;
	vm12 =	vgt.f32 v8, v4  }
0x2c4: {  	v9 =	vsel vm9, $0x36, v5;
	v5 =	vnsel vm9, $0x36, v5;
	v11 =	vsel vm12, v4, v8  }
0x2c5: {  	v7 =	vsel vm11, v20, v7;
	v20 =	vsel vm11, v5, v19;
	vm13 =	vgt.f32 v11, v10  }
0x2c6: {  	v5 =	vsel vm11, v19, v5;
	v19 =	vsel vm13, v10, v11;
	v10 =	vsel vm13, v11, v10;
	v11 =	vld [tilespmem:$0x1FE60];
	_ =	sdelay $0x6  }
0x2c7: {  	v4 =	vsel vm12, v8, v4  }
0x2c8: {  	v8 =	vsel vm12, v5, v13;
	v5 =	vsel vm12, v13, v5;
	vm14 =	vgt.f32 v19, v6;
	v11 =	vld.idx.msk [tilespmem:v11+s1+$0x0], $0xffff  }
0x2c9: {  	v13 =	vsel vm13, v5, v15;
	v5 =	vsel vm13, v15, v5;
	v15 =	vsel vm14, v6, v19  }
0x2ca: {  	v6 =	vsel vm14, v19, v6;
	v19 =	vsel vm14, v5, v12;
	vm15 =	vgt.f32 v15, v16  }
0x2cb: {  	v5 =	vsel vm14, v12, v5;
	v12 =	vsel vm15, v15, v16;
	v15 =	vsel vm15, v16, v15  }
0x2cc: {  	v16 =	vsel vm15, v5, v17;
	v5 =	vsel vm15, v17, v5;
	vm4 =	vgt.f32 v15, v14  }
0x2cd: {  	v17 =	vsel vm4, v15, v14;
	v14 =	vsel vm4, v14, v15;
	vm5 =	vgt.f32 v11, v3  }
0x2ce: {  	vm6 =	vgt.f32 v14, v0;
	v21 =	vsel vm5, v3, v11;
	v3 =	vsel vm5, v11, v3  }
0x2cf: {  	v11 =	vsel vm5, $0x37, v9;
	v9 =	vnsel vm5, $0x37, v9;
	vm7 =	vgt.f32 v21, v7  }
0x2d0: {  	v0 =	vsel vm6, v14, v0;
	v14 =	vsel vm7, v9, v20;
	v9 =	vsel vm7, v20, v9;
	v20 =	vld [tilespmem:$0x1FE70]  }
0x2d1: {  	v15 =	vsel vm4, v5, v18;
	v5 =	vsel vm4, v18, v5  }
0x2d2: {  	v2 =	vsel vm6, v5, v2;
	v5 =	vsel vm7, v7, v21  }
0x2d3: {  	vm8 =	vgt.f32 v5, v4  }
0x2d4: {  	v18 =	vsel vm8, v4, v5  }
0x2d5: {  	v4 =	vsel vm8, v5, v4;
	vm9 =	vgt.f32 v18, v10  }
0x2d6: {  	v5 =	vsel vm8, v9, v8;
	v8 =	vsel vm8, v8, v9;
	v9 =	vsel vm9, v10, v18  }
0x2d7: {  	v10 =	vsel vm9, v18, v10;
	v18 =	vsel vm9, v8, v13;
	vm10 =	vgt.f32 v9, v6  }
0x2d8: {  	v8 =	vsel vm9, v13, v8;
	v13 =	vsel vm10, v9, v6;
	v6 =	vsel vm10, v6, v9;
	v20 =	vld.idx.msk [tilespmem:v20+s1+$0x0], $0xffff  }
0x2d9: {  	v9 =	vsel vm10, v8, v19;
	vm11 =	vgt.f32 v6, v12  }
0x2da: {  	v8 =	vsel vm10, v19, v8;
	v19 =	vsel vm11, v6, v12;
	v6 =	vsel vm11, v12, v6  }
0x2db: {  	v7 =	vsel vm7, v21, v7;
	v12 =	vsel vm11, v8, v16;
	vm12 =	vgt.f32 v6, v17  }
0x2dc: {  	v8 =	vsel vm11, v16, v8;
	v16 =	vsel vm12, v6, v17;
	v6 =	vsel vm12, v17, v6  }
0x2dd: {  	v21 =	vsel vm12, v8, v15;
	vm14 =	vgt.f32 v6, v0;
	vm13 =	vgt.f32 v20, v3  }
0x2de: {  	v8 =	vsel vm12, v15, v8;
	v0 =	vsel vm14, v6, v0;
	v17 =	vsel vm13, v3, v20  }
0x2df: {  	v2 =	vsel vm14, v8, v2;
	v8 =	vsel vm13, $0x38, v11;
	vm15 =	vgt.f32 v17, v7  }
0x2e0: {  	v11 =	vnsel vm13, $0x38, v11;
	v6 =	vsel vm15, v7, v17;
	v7 =	vsel vm15, v17, v7  }
0x2e1: {  	v17 =	vsel vm15, v11, v14;
	v11 =	vsel vm15, v14, v11;
	vm4 =	vgt.f32 v6, v4  }
0x2e2: {  	v14 =	vsel vm4, v11, v5;
	v5 =	vsel vm4, v5, v11;
	v11 =	vld [tilespmem:$0x1FE80];
	_ =	sdelay $0x4  }
0x2e3: {  	v15 =	vsel vm4, v4, v6  }
0x2e4: {  	vm5 =	vgt.f32 v15, v10  }
0x2e5: {  	v4 =	vsel vm4, v6, v4;
	v6 =	vsel vm5, v10, v15  }
0x2e6: {  	v3 =	vsel vm13, v20, v3;
	vm6 =	vgt.f32 v6, v13;
	v11 =	vld.idx.msk [tilespmem:v11+s1+$0x0], $0xffff  }
0x2e7: {  	v10 =	vsel vm5, v15, v10;
	v15 =	vsel vm5, v5, v18;
	v20 =	vsel vm6, v13, v6  }
0x2e8: {  	v5 =	vsel vm5, v18, v5;
	v6 =	vsel vm6, v6, v13;
	vm7 =	vgt.f32 v20, v19  }
0x2e9: {  	v13 =	vsel vm6, v5, v9;
	v5 =	vsel vm6, v9, v5;
	v9 =	vsel vm7, v19, v20  }
0x2ea: {  	v18 =	vsel vm7, v20, v19;
	v19 =	vsel vm7, v5, v12;
	vm8 =	vgt.f32 v9, v16  }
0x2eb: {  	v5 =	vsel vm7, v12, v5;
	v12 =	vsel vm8, v9, v16;
	vm9 =	vgt.f32 v11, v3  }
0x2ec: {  	v9 =	vsel vm8, v16, v9;
	v16 =	vsel vm8, v5, v21;
	v20 =	vsel vm9, v3, v11  }
0x2ed: {  	v5 =	vsel vm8, v21, v5;
	vm10 =	vgt.f32 v9, v0;
	vm11 =	vgt.f32 v20, v7  }
0x2ee: {  	v2 =	vsel vm10, v5, v2;
	v5 =	vsel vm11, v7, v20  }
0x2ef: {  	v0 =	vsel vm10, v9, v0;
	v3 =	vsel vm9, v11, v3;
	vm12 =	vgt.f32 v5, v4  }
0x2f0: {  	v9 =	vsel vm9, $0x39, v8;
	v8 =	vnsel vm9, $0x39, v8;
	v11 =	vsel vm12, v4, v5  }
0x2f1: {  	v7 =	vsel vm11, v20, v7;
	v20 =	vsel vm11, v8, v17;
	vm13 =	vgt.f32 v11, v10  }
0x2f2: {  	v8 =	vsel vm11, v17, v8;
	v17 =	vsel vm13, v10, v11;
	v10 =	vsel vm13, v11, v10;
	v11 =	vld [tilespmem:$0x1FE90];
	_ =	sdelay $0x6  }
0x2f3: {  	v4 =	vsel vm12, v5, v4  }
0x2f4: {  	v5 =	vsel vm12, v8, v14;
	v8 =	vsel vm12, v14, v8;
	vm14 =	vgt.f32 v17, v6;
	v11 =	vld.idx.msk [tilespmem:v11+s1+$0x0], $0xffff  }
0x2f5: {  	v14 =	vsel vm13, v8, v15;
	v8 =	vsel vm13, v15, v8;
	v15 =	vsel vm14, v6, v17  }
0x2f6: {  	v6 =	vsel vm14, v17, v6;
	v17 =	vsel vm14, v8, v13;
	vm15 =	vgt.f32 v15, v18  }
0x2f7: {  	v8 =	vsel vm14, v13, v8;
	v13 =	vsel vm15, v15, v18;
	v15 =	vsel vm15, v18, v15  }
0x2f8: {  	v18 =	vsel vm15, v8, v19;
	v8 =	vsel vm15, v19, v8;
	vm4 =	vgt.f32 v15, v12  }
0x2f9: {  	v19 =	vsel vm4, v15, v12;
	v12 =	vsel vm4, v12, v15;
	vm5 =	vgt.f32 v11, v3  }
0x2fa: {  	vm6 =	vgt.f32 v12, v0;
	v21 =	vsel vm5, v3, v11;
	v3 =	vsel vm5, v11, v3  }
0x2fb: {  	v11 =	vsel vm5, $0x3A, v9;
	v9 =	vnsel vm5, $0x3A, v9;
	vm7 =	vgt.f32 v21, v7  }
0x2fc: {  	v0 =	vsel vm6, v12, v0;
	v12 =	vsel vm7, v9, v20;
	v9 =	vsel vm7, v20, v9;
	v20 =	vld [tilespmem:$0x1FEA0]  }
0x2fd: {  	v15 =	vsel vm4, v8, v16;
	v8 =	vsel vm4, v16, v8  }
0x2fe: {  	v2 =	vsel vm6, v8, v2;
	v8 =	vsel vm7, v7, v21  }
0x2ff: {  	vm8 =	vgt.f32 v8, v4  }
0x300: {  	v16 =	vsel vm8, v4, v8  }
0x301: {  	v4 =	vsel vm8, v8, v4;
	vm9 =	vgt.f32 v16, v10  }
0x302: {  	v8 =	vsel vm8, v9, v5;
	v5 =	vsel vm8, v5, v9;
	v9 =	vsel vm9, v10, v16  }
0x303: {  	v10 =	vsel vm9, v16, v10;
	v16 =	vsel vm9, v5, v14;
	vm10 =	vgt.f32 v9, v6  }
0x304: {  	v5 =	vsel vm9, v14, v5;
	v14 =	vsel vm10, v9, v6;
	v6 =	vsel vm10, v6, v9;
	v20 =	vld.idx.msk [tilespmem:v20+s1+$0x0], $0xffff  }
0x305: {  	v9 =	vsel vm10, v5, v17;
	vm11 =	vgt.f32 v6, v13  }
0x306: {  	v5 =	vsel vm10, v17, v5;
	v17 =	vsel vm11, v6, v13;
	v6 =	vsel vm11, v13, v6  }
0x307: {  	v7 =	vsel vm7, v21, v7;
	v13 =	vsel vm11, v5, v18;
	vm12 =	vgt.f32 v6, v19  }
0x308: {  	v5 =	vsel vm11, v18, v5;
	v18 =	vsel vm12, v6, v19;
	v6 =	vsel vm12, v19, v6  }
0x309: {  	v21 =	vsel vm12, v5, v15;
	vm14 =	vgt.f32 v6, v0;
	vm13 =	vgt.f32 v20, v3  }
0x30a: {  	v5 =	vsel vm12, v15, v5;
	v0 =	vsel vm14, v6, v0;
	v19 =	vsel vm13, v3, v20  }
0x30b: {  	v2 =	vsel vm14, v5, v2;
	v5 =	vsel vm13, $0x3B, v11;
	vm15 =	vgt.f32 v19, v7  }
0x30c: {  	v11 =	vnsel vm13, $0x3B, v11;
	v6 =	vsel vm15, v7, v19;
	v7 =	vsel vm15, v19, v7  }
0x30d: {  	v19 =	vsel vm15, v11, v12;
	v11 =	vsel vm15, v12, v11;
	vm4 =	vgt.f32 v6, v4  }
0x30e: {  	v12 =	vsel vm4, v11, v8;
	v8 =	vsel vm4, v8, v11;
	v11 =	vld [tilespmem:$0x1FEB0];
	_ =	sdelay $0x2  }
0x30f: {  	v15 =	vsel vm4, v4, v6  }
0x310: {  	vm5 =	vgt.f32 v15, v10  }
0x311: {  	v4 =	vsel vm4, v6, v4;
	v6 =	vsel vm5, v10, v15  }
0x312: {  	v3 =	vsel vm13, v20, v3;
	vm6 =	vgt.f32 v6, v14  }
0x313: {  	v10 =	vsel vm5, v15, v10;
	v15 =	vsel vm5, v8, v16;
	v20 =	vsel vm6, v14, v6  }
0x314: {  	v8 =	vsel vm5, v16, v8;
	v6 =	vsel vm6, v6, v14;
	vm7 =	vgt.f32 v20, v17;
	v11 =	vld.idx.msk [tilespmem:v11+s1+$0x0], $0xffff  }
0x315: {  	v14 =	vsel vm6, v8, v9;
	v8 =	vsel vm6, v9, v8;
	v9 =	vsel vm7, v17, v20  }
0x316: {  	v16 =	vsel vm7, v20, v17;
	v17 =	vsel vm7, v8, v13;
	vm8 =	vgt.f32 v9, v18  }
0x317: {  	v8 =	vsel vm7, v13, v8;
	v13 =	vsel vm8, v9, v18;
	v9 =	vsel vm8, v18, v9  }
0x318: {  	vm10 =	vgt.f32 v9, v0  }
0x319: {  	v9 =	vsel vm10, v9, v0;
	v0 =	vld [tilespmem:$0x1FEC0];
	vm9 =	vgt.f32 v11, v3  }
0x31a: {  	v20 =	vsel vm9, v3, v11  }
0x31b: {  	v18 =	vsel vm8, v8, v21;
	v8 =	vsel vm8, v21, v8;
	vm11 =	vgt.f32 v20, v7  }
0x31c: {  	v25 =	vlaneseq.u32;
	v32 =	vsel vm10, v8, v2;
	v2 =	vsel vm11, v7, v20  }
0x31d: {  	v8 =	vsel vm9, v11, v3;
	v11 =	vsel vm9, $0x3C, v5;
	vm12 =	vgt.f32 v2, v4  }
0x31e: {  	v3 =	vnsel vm9, $0x3C, v5;
	v5 =	vsel vm11, v20, v7;
	v7 =	vsel vm12, v4, v2  }
0x31f: {  	v20 =	vsel vm11, v3, v19;
	v3 =	vsel vm11, v19, v3;
	vm13 =	vgt.f32 v7, v10  }
0x320: {  	v4 =	vsel vm12, v2, v4;
	v19 =	vsel vm12, v3, v12;
	v2 =	vsel vm13, v10, v7  }
0x321: {  	v3 =	vsel vm12, v12, v3;
	v7 =	vsel vm13, v7, v10;
	v10 =	vld.idx.msk [tilespmem:v0+s1+$0x0], $0xffff;
	vm14 =	vgt.f32 v2, v6  }
0x322: {  	v12 =	vsel vm13, v3, v15;
	v3 =	vsel vm13, v15, v3;
	v15 =	vsel vm14, v6, v2  }
0x323: {  	v25 =	vmul.u32 $0x8, v25;
	v6 =	vsel vm14, v2, v6;
	vm15 =	vgt.f32 v15, v16  }
0x324: {  	v21 =	vsel vm14, v3, v14;
	v2 =	vsel vm14, v14, v3;
	v14 =	vsel vm15, v15, v16  }
0x325: {  	v35 =	vmovc v34;
	v3 =	vsel vm15, v16, v15;
	v15 =	vsel vm15, v2, v17;
	v2 =	vsel vm15, v17, v2  }
0x326: {  	v34 =	vmovc v33;
	v33 =	vmovc v30;
	v17 =	vor.u32 $0x3E, v26;
	vm4 =	vgt.f32 v3, v13;
	vm5 =	vgt.f32 v10, v8  }
0x327: {  	v30 =	vmovc v27;
	v16 =	vsel vm4, v3, v13;
	v13 =	vsel vm4, v13, v3;
	v27 =	vsel vm4, v2, v18  }
0x328: {  	v38 =	vmovc v22;
	v22 =	vsel vm5, v8, v10;
	v29 =	vsel vm4, v18, v2;
	vm0 =	vgt.f32 v13, v9  }
0x329: {  	v8 =	vsel vm5, v10, v8;
	vm6 =	vgt.f32 v22, v5;
	v9 =	vsel vm0, v13, v9  }
0x32a: {  	v10 =	vsel vm6, v5, v22;
	v13 =	vsel vm5, $0x3D, v11;
	v11 =	vnsel vm5, $0x3D, v11  }
0x32b: {  	v5 =	vsel vm6, v22, v5;
	v0 =	vsel vm0, v29, v32;
	vm7 =	vgt.f32 v10, v4  }
0x32c: {  	v18 =	vsel vm6, v11, v20;
	v17 =	vld.idx.msk [tilespmem:v17+s1+$0x0], $0xffff;
	v11 =	vsel vm6, v20, v11;
	v22 =	vsel vm7, v4, v10  }
0x32d: {  	v4 =	vsel vm7, v10, v4;
	v10 =	vsel vm7, v11, v19;
	vm8 =	vgt.f32 v22, v7  }
0x32e: {  	v11 =	vsel vm7, v19, v11;
	v19 =	vsel vm8, v7, v22;
	v7 =	vsel vm8, v22, v7  }
0x32f: {  	v20 =	vsel vm8, v11, v12;
	v11 =	vsel vm8, v12, v11;
	vm9 =	vgt.f32 v19, v6  }
0x330: {  	v12 =	vsel vm9, v19, v6;
	v6 =	vsel vm9, v6, v19;
	v19 =	vsel vm9, v11, v21  }
0x331: {  	vm11 =	vgt.f32 v17, v8;
	v11 =	vsel vm9, v21, v11;
	vm10 =	vgt.f32 v6, v14  }
0x332: {  	v22 =	vsel vm11, v8, v17;
	v8 =	vsel vm11, v17, v8;
	v21 =	vsel vm10, v6, v14  }
0x333: {  	v6 =	vsel vm10, v14, v6;
	vm12 =	vgt.f32 v22, v5;
	v14 =	vor.u32 $0x3F, v26  }
0x334: {  	v1 =	vmovc v23;
	v23 =	vsel vm10, v11, v15;
	v11 =	vsel vm10, v15, v11;
	v15 =	vsel vm12, v5, v22  }
0x335: {  	v17 =	vsel vm11, $0x3E, v13;
	v13 =	vnsel vm11, $0x3E, v13;
	vm13 =	vgt.f32 v15, v4  }
0x336: {  	v5 =	vsel vm12, v22, v5;
	v24 =	vsel vm12, v13, v18;
	v22 =	vsel vm13, v4, v15  }
0x337: {  	v13 =	vsel vm12, v18, v13;
	vm8 =	vgt.f32 v6, v16;
	vm14 =	vgt.f32 v22, v7  }
0x338: {  	v4 =	vsel vm13, v15, v4;
	v15 =	vsel vm13, v13, v10;
	v18 =	vsel vm14, v7, v22;
	v14 =	vld.idx.msk [tilespmem:v14+s1+$0x0], $0xffff  }
0x339: {  	v10 =	vsel vm13, v10, v13;
	v7 =	vsel vm14, v22, v7;
	vm15 =	vgt.f32 v18, v12  }
0x33a: {  	v13 =	vsel vm14, v10, v20;
	v10 =	vsel vm14, v20, v10;
	v22 =	vsel vm15, v12, v18  }
0x33b: {  	v12 =	vsel vm15, v18, v12;
	v18 =	vsel vm15, v10, v19;
	vm4 =	vgt.f32 v22, v21  }
0x33c: {  	v10 =	vsel vm15, v19, v10;
	v19 =	vsel vm4, v22, v21;
	v20 =	vsel vm4, v21, v22  }
0x33d: {  	v21 =	vor.u32 $0x1, v25;
	v22 =	vsel vm4, v10, v23;
	vm5 =	vgt.f32 v14, v8  }
0x33e: {  	v10 =	vsel vm4, v23, v10;
	v23 =	vsel vm5, v8, v14;
	v8 =	vsel vm5, v14, v8  }
0x33f: {  	v3 =	vmovc v26;
	v14 =	vor.u32 $0x2, v25;
	v26 =	vsel vm5, $0x3F, v17;
	vm6 =	vgt.f32 v23, v5  }
0x340: {  	v17 =	vnsel vm5, $0x3F, v17;
	[tilespmem:v25+s8+$0x0] =	vst.idx.msk $0xffff, v8;
	v8 =	vsel vm6, v23, v5;
	v5 =	vsel vm6, v5, v23  }
0x341: {  	[tilespmem:v25+s9+$0x0] =	vst.idx.msk $0xffff, v26;
	v23 =	vsel vm6, v17, v24;
	vm7 =	vgt.f32 v5, v4  }
0x342: {  	v36 =	vmov v49;
	v17 =	vsel vm6, v24, v17;
	[tilespmem:v21+s8+$0x0] =	vst.idx.msk $0xffff, v8;
	v8 =	vsel vm7, v5, v4  }
0x343: {  	v4 =	vsel vm7, v4, v5;
	[tilespmem:v21+s9+$0x0] =	vst.idx.msk $0xffff, v23;
	v5 =	vor.u32 $0x3, v25;
	v21 =	vsel vm7, v17, v15  }
0x344: {  	v37 =	vmov v54;
	v15 =	vsel vm7, v15, v17;
	[tilespmem:v14+s8+$0x0] =	vst.idx.msk $0xffff, v8;
	vm9 =	vgt.f32 v4, v7  }
0x345: {  	v8 =	vor.u32 $0x4, v25;
	[tilespmem:v14+s9+$0x0] =	vst.idx.msk $0xffff, v21;
	v14 =	vsel vm8, v6, v16;
	v6 =	vsel vm8, v16, v6  }
0x346: {  	v39 =	vmovc v44;
	v16 =	vsel vm9, v4, v7;
	v4 =	vsel vm9, v7, v4;
	v7 =	vsel vm9, v15, v13  }
0x347: {  	v31 =	vld [tilespmem:$0x1FFF0];
	v44 =	vmovc v39;
	v13 =	vsel vm9, v13, v15;
	vm10 =	vgt.f32 v6, v9;
	vm11 =	vgt.f32 v4, v12  }
0x348: {  	v39 =	vld [tilespmem:$0x1FFE0];
	v49 =	vmov v36;
	vm4 =	vgt.f32 v20, v14;
	v6 =	vsel vm10, v6, v9;
	[tilespmem:v5+s8+$0x0] =	vst.idx.msk $0xffff, v16  }
0x349: {  	v36 =	vld [tilespmem:$0x1FFB0];
	v54 =	vmov v37;
	v9 =	vsel vm11, v18, v13;
	[tilespmem:v5+s9+$0x0] =	vst.idx.msk $0xffff, v7;
	v5 =	vsel vm11, v4, v12  }
0x34a: {  	v37 =	vld [tilespmem:$0x1FFC0];
	v7 =	vor.u32 $0x5, v25;
	v4 =	vsel vm11, v12, v4;
	[tilespmem:v8+s8+$0x0] =	vst.idx.msk $0xffff, v5;
	v5 =	vsel vm11, v13, v18  }
0x34b: {  	v2 =	vmovc v38;
	v38 =	vld [tilespmem:$0x1FFD0];
	vm12 =	vgt.f32 v4, v19;
	v13 =	vsel vm4, v20, v14;
	v14 =	vsel vm4, v14, v20  }
0x34c: {  	v29 =	vld [tilespmem:$0x1FF40];
	[tilespmem:v8+s9+$0x0] =	vst.idx.msk $0xffff, v5;
	v5 =	vor.u32 $0x6, v25;
	v8 =	vsel vm12, v4, v19;
	v4 =	vsel vm12, v19, v4  }
0x34d: {  	v32 =	vld [tilespmem:$0x1FF20];
	v26 =	vmovc v3;
	v12 =	vsel vm12, v9, v22;
	v9 =	vsel vm12, v22, v9;
	vm14 =	vgt.f32 v14, v6  }
0x34e: {  	v24 =	vld [tilespmem:$0x1FF30];
	v22 =	vmovc v2;
	v2 =	vsel vm8, v27, v11;
	vm13 =	vgt.f32 v4, v13;
	v3 =	vsel vm14, v14, v6  }
0x34f: {  	v17 =	vld [tilespmem:$0x1FF70];
	v15 =	vor.u32 $0x7, v25;
	v0 =	vsel vm10, v2, v0;
	[tilespmem:v7+s8+$0x0] =	vst.idx.msk $0xffff, v8;
	v8 =	vsel vm8, v11, v27  }
0x350: {  	v23 =	vmov v1;
	v1 =	vld [tilespmem:$0x1FF50];
	[tilespmem:v7+s9+$0x0] =	vst.idx.msk $0xffff, v12;
	v7 =	vsel vm4, v10, v8;
	v12 =	vsel vm13, v4, v13  }
0x351: {  	v21 =	vld [tilespmem:$0x1FFA0];
	v4 =	vsel vm13, v13, v4;
	v2 =	vsel vm4, v8, v10;
	[tilespmem:v5+s8+$0x0] =	vst.idx.msk $0xffff, v12  }
0x352: {  	v19 =	vld [tilespmem:$0x1FF80];
	v12 =	vsel vm13, v9, v7;
	vm15 =	vgt.f32 v4, v3;
	v0 =	vsel vm14, v2, v0  }
0x353: {  	v25 =	vld [tilespmem:$0x1FF60];
	v2 =	vsel vm13, v7, v9;
	[tilespmem:v5+s9+$0x0] =	vst.idx.msk $0xffff, v12;
	v3 =	vsel vm15, v4, v3  }
0x354: {  	v14 =	vld [tilespmem:$0x1FF10];
	v0 =	vsel vm15, v2, v0;
	[tilespmem:v15+s8+$0x0] =	vst.idx.msk $0xffff, v3  }
0x355: {  	s13 =	sadd.s32 s12, s5;
	v6 =	vld [tilespmem:$0x1FEF0];
	[tilespmem:v15+s9+$0x0] =	vst.idx.msk $0xffff, v0  }
0x356: {  	v9 =	vld [tilespmem:$0x1FF00];
	[hbm4b:s13+s1] =	stream.linear.scatter [tilespmem:s8], [sflag:$0x1], $0x80, $0x38  }
0x357: {  	v12 =	vld [tilespmem:$0x1FF90];
	_ =	swait.ge [sflag:s7], $0x80  }
0x358: {  	p0 =	sne.s32 s12, $0x1F0;
	[sflag:s7] =	ssyncset.done $0x0  }
.Ltmp0:
0x359: {  	s31 =	sadd.s32 s12, s6;
	[sflag:s7] =	ssyncadd.s32 $0xFFFFFF80;
	(pc) =	sbr.rel @p0 .LBB2_2-.Ltmp0, $4  }
0x35a: {  	[hbm4b:s31+s1] =	stream.linear.scatter [tilespmem:s9], [sflag:$0x1], $0x80, $0x38;
	[tilespmem:$0x500] =	vst v63  }
0x35b: {  	_ =	swait.ge [sflag:s7], $0x80  }
0x35c: {  	[sflag:s7] =	ssyncset.done $0x0  }
0x35d: {  	s11 =	sadd.s32 $0x80, s11;
	s12 =	sadd.s32 $0x10, s12;
	v27 =	vmovc v30;
	v30 =	vmovc v33;
	v33 =	vmov v34;
	v34 =	vmov v35;
	v5 =	vimm.s32 $0x0;
	[sflag:s7] =	ssyncadd.s32 $0xFFFFFF80  }
0x35e: {  	s10 =	sadd.s32 $0x1, s10  }
0x35f: {  	p0 =	sne.s32 s10, s3  }
.Ltmp1:
0x360: {  	_ = 	snop;
	(pc) =	sbr.rel @p0 .LBB2_1-.Ltmp1, $1  }
0x361: {  	_ =	sdelay $0x3  }
0x362: {  	_ =	sfence.sel $0x180000  }
0x363: {  	[bflag:$0x0] =	sbarrier.arrive $0xFFFF  }
0x364: {  	p0 =	sne.s32 s2, $0x0;
	_ =	strace $0x90000047  }
0x365: {  	s0 =	sadd.s32 @!p0 $0x100000, s0;
	[bflag:$0x2] =	sbarrier.arrive $0xFFFF  }
0x366: {  	[sflag:s0] =	ssyncadd.tile.s32 @!p0 $0x1;
	_ =	shalt  }
.Lfunc_end2:
_tile_overlayer_lowered:
.L_overlay_start_2:
0x367: {  	(tag) =	ssettag $0x2  }
0x368: {  	s0 =	rddreg [dreg:$0x0];
	s2 =	stileid.u32  }
0x369: {  	s1 =	rddreg [dreg:$0x1];
	p0 =	sne.s32 s2, $0x0  }
0x36a: {  	s3 =	rddreg [dreg:$0x2];
	[bflag:$0x3] =	sbarrier.arrive $0xFFFF;
	s2 =	simm.s32 @!p0 $0x1C01  }
0x36b: {  	[timem:s3], [sflag:s2] =	dma.local @!p0 [hbm:s0], s1  }
0x36c: {  	s0 =	simm.s32 @!p0 $0x1  }
0x36d: {  	_ =	swait.ge @!p0 [sflag:s0], s1  }
0x36e: {  	s1 =	ssub.s32 @!p0 $0x0, s1;
	[sflag:s0] =	ssyncset.done @!p0 $0x0  }
0x36f: {  	[sflag:s0] =	ssyncadd.s32 @!p0 s1  }
0x370: {  	[bflag:$0x3] =	sbarrier.arrive $0xFFFF  }
0x371: {  	_ =	shalt  }

</sc_bundles>
